<compile_context>
chip_gen: v7x
topology: tpu7x:2x2x1
jax: 0.10.2.dev20260603
libtpu: 0.0.44.dev20260713+nightly
codegen_flags: <defaults>
</compile_context>

<pallas_src>
import functools

import jax
import jax.numpy as jnp
from jax import lax
from jax.experimental import pallas as pl
from jax.experimental.pallas import tpu as pltpu
from jax.experimental.pallas import tpu_sc as plsc

NC = 2
NS = 16
LB = 128
NPH = 3
D = 128


def _sc_mesh():
    return plsc.VectorSubcoreMesh(core_axis_name="c", subcore_axis_name="s")


def _sc_degree(dstb, ones_blk, zeros_blk, np_, kph):
    rows_per_tile = np_ // NS
    chunks = rows_per_tile // LB

    @functools.partial(
        pl.kernel,
        mesh=_sc_mesh(),
        out_type=jax.ShapeDtypeStruct((NC, np_), jnp.float32),
        scratch_types=[
            pltpu.VMEM((kph, LB), jnp.int32),
            pltpu.VMEM((LB,), jnp.float32),
            pltpu.VMEM((LB,), jnp.float32),
            pltpu.VMEM_SHARED((np_,), jnp.float32),
        ],
    )
    def deg_kernel(dst_h, ones_h, z_h, out_h, dstv, onesv, vbuf, acc):
        cid = lax.axis_index("c")
        sid = lax.axis_index("s")
        base = sid * rows_per_tile
        pltpu.sync_copy(ones_h, onesv)
        pltpu.sync_copy(z_h, vbuf)
        for k in range(chunks):
            pltpu.sync_copy(vbuf, acc.at[pl.ds(base + k * LB, LB)])
        plsc.subcore_barrier()

        for q in range(NPH):
            pltpu.sync_copy(dst_h.at[cid, sid, q], dstv)

            def body(j, carry):
                pltpu.sync_copy(onesv, acc.at[dstv.at[j]], add=True)
                return carry

            lax.fori_loop(0, kph, body, 0)
        plsc.subcore_barrier()
        for k in range(chunks):
            pltpu.sync_copy(acc.at[pl.ds(base + k * LB, LB)], vbuf)
            pltpu.sync_copy(vbuf, out_h.at[cid, pl.ds(base + k * LB, LB)])

    return deg_kernel(dstb, ones_blk, zeros_blk)


def _sc_aggregate(table, srcb, dstb, zeros_blk, np_, kph):
    rows_per_tile = np_ // NS
    chunks = rows_per_tile // LB

    @functools.partial(
        pl.kernel,
        mesh=_sc_mesh(),
        out_type=jax.ShapeDtypeStruct((NC, np_, D), jnp.float32),
        scratch_types=[
            pltpu.VMEM((kph, LB), jnp.int32),
            pltpu.VMEM((kph, LB), jnp.int32),
            pltpu.VMEM((LB, D), jnp.float32),
            pltpu.VMEM((LB, D), jnp.float32),
            pltpu.VMEM_SHARED((np_, D), jnp.float32),
            pltpu.SemaphoreType.DMA,
            pltpu.SemaphoreType.DMA,
        ],
    )
    def agg_kernel(table_h, src_h, dst_h, z_h, out_h,
                   srcv, dstv, gbuf0, gbuf1, acc, sem0, sem1):
        cid = lax.axis_index("c")
        sid = lax.axis_index("s")
        base = sid * rows_per_tile
        pltpu.sync_copy(z_h, gbuf0)
        for k in range(chunks):
            pltpu.sync_copy(gbuf0, acc.at[pl.ds(base + k * LB, LB)])
        plsc.subcore_barrier()

        for q in range(NPH):
            pltpu.sync_copy(src_h.at[cid, sid, q], srcv)
            pltpu.sync_copy(dst_h.at[cid, sid, q], dstv)
            pltpu.async_copy(table_h.at[srcv.at[0]], gbuf0, sem0)

            def pair(j2, carry):
                j = j2 * 2
                pltpu.make_async_copy(table_h.at[srcv.at[j]],
                                      gbuf0, sem0).wait()
                pltpu.async_copy(table_h.at[srcv.at[j + 1]], gbuf1, sem1)
                pltpu.sync_copy(gbuf0, acc.at[dstv.at[j]], add=True)
                pltpu.make_async_copy(table_h.at[srcv.at[j + 1]],
                                      gbuf1, sem1).wait()

                @pl.when(j2 + 1 < kph // 2)
                def _():
                    pltpu.async_copy(table_h.at[srcv.at[j + 2]],
                                     gbuf0, sem0)
                pltpu.sync_copy(gbuf1, acc.at[dstv.at[j + 1]], add=True)
                return carry

            lax.fori_loop(0, kph // 2, pair, 0)
        plsc.subcore_barrier()
        for k in range(chunks):
            pltpu.sync_copy(acc.at[pl.ds(base + k * LB, LB)], gbuf0)
            pltpu.sync_copy(gbuf0, out_h.at[cid, pl.ds(base + k * LB, LB)])

    return agg_kernel(table, srcb, dstb, zeros_blk)


def _dinv_of(d0, d1):
    deg = d0 + d1
    return jnp.where(deg > 0.0, lax.rsqrt(deg), 0.0)


_BLK = 1024


def _tc_prescale(x, d0, d1, np_):
    def f(x_ref, d0_ref, d1_ref, o_ref):
        o_ref[...] = x_ref[...] * _dinv_of(d0_ref[...], d1_ref[...])

    return pl.pallas_call(
        f,
        grid=(np_ // _BLK,),
        in_specs=[
            pl.BlockSpec((_BLK, D), lambda i: (i, 0)),
            pl.BlockSpec((_BLK, 1), lambda i: (i, 0)),
            pl.BlockSpec((_BLK, 1), lambda i: (i, 0)),
        ],
        out_specs=pl.BlockSpec((_BLK, D), lambda i: (i, 0)),
        out_shape=jax.ShapeDtypeStruct((np_, D), jnp.float32),
    )(x, d0, d1)


def _tc_layer(p0, p1, d0, d1, w, b, np_):

    def f(p0_ref, p1_ref, d0_ref, d1_ref, w_ref, b_ref, o_ref):
        dinv = _dinv_of(d0_ref[...], d1_ref[...])
        agg = (p0_ref[...] + p1_ref[...]) * dinv
        h = jnp.dot(agg, w_ref[...], preferred_element_type=jnp.float32)
        h = jnp.maximum(h + b_ref[...], 0.0)
        o_ref[...] = h * dinv

    return pl.pallas_call(
        f,
        grid=(np_ // _BLK,),
        in_specs=[
            pl.BlockSpec((_BLK, D), lambda i: (i, 0)),
            pl.BlockSpec((_BLK, D), lambda i: (i, 0)),
            pl.BlockSpec((_BLK, 1), lambda i: (i, 0)),
            pl.BlockSpec((_BLK, 1), lambda i: (i, 0)),
            pl.BlockSpec((D, D), lambda i: (0, 0)),
            pl.BlockSpec((1, D), lambda i: (0, 0)),
        ],
        out_specs=pl.BlockSpec((_BLK, D), lambda i: (i, 0)),
        out_shape=jax.ShapeDtypeStruct((np_, D), jnp.float32),
    )(p0, p1, d0, d1, w, b)


def _tc_final(p0, p1, d0, d1, wm, bm, eps, rad, np_, z, max_clamp, tiny):

    def f(p0_ref, p1_ref, d0_ref, d1_ref, wm_ref, bm_ref, eps_ref, rad_ref,
          z0s_ref, mhs_ref, std_ref, vs_ref, us_ref, ex_ref):
        radius = rad_ref[0, 0]
        dinv = _dinv_of(d0_ref[...], d1_ref[...])
        agg = (p0_ref[...] + p1_ref[...]) * dinv
        t = jnp.dot(agg, wm_ref[...], preferred_element_type=jnp.float32)
        t = t + bm_ref[...]
        mu = jnp.clip(t[:, :z], -max_clamp, max_clamp)
        logvar = t[:, z:]
        mn = jnp.sqrt(jnp.sum(mu * mu, axis=1, keepdims=True))
        mn = jnp.maximum(mn, tiny)
        r = mn / radius
        er = jnp.exp(r)
        ch = 0.5 * (er + 1.0 / er)
        sh = 0.5 * (er - 1.0 / er)
        mht = radius * ch
        mhs = (radius * sh / mn) * mu
        std = jnp.maximum(logvar, 0.0) + jnp.log1p(jnp.exp(-jnp.abs(logvar)))
        std = std + 1e-5
        vt = eps_ref[...] * std
        coef = jnp.sum(mhs * vt, axis=1, keepdims=True) / (radius * (radius + mht))
        ut = coef * (radius + mht)
        us = vt + coef * mhs
        lp = jnp.sum(us * us, axis=1, keepdims=True) - ut * ut
        un = jnp.sqrt(jnp.maximum(lp, tiny))
        rr = un / radius
        er2 = jnp.exp(rr)
        ch2 = 0.5 * (er2 + 1.0 / er2)
        sh2 = 0.5 * (er2 - 1.0 / er2)
        s_un = sh2 * radius / un
        z0t = ch2 * mht + s_un * ut
        z0s = ch2 * mhs + s_un * us
        lane = lax.broadcasted_iota(jnp.int32, (t.shape[0], D), 1)
        ex = (jnp.where(lane == 0, mht, 0.0)
              + jnp.where(lane == 1, ut, 0.0)
              + jnp.where(lane == 2, z0t, 0.0))
        z0s_ref[...] = z0s
        mhs_ref[...] = mhs
        std_ref[...] = std
        vs_ref[...] = vt
        us_ref[...] = us
        ex_ref[...] = ex

    row = lambda i: (i, 0)
    full = lambda i: (0, 0)
    sds = jax.ShapeDtypeStruct
    return pl.pallas_call(
        f,
        grid=(np_ // _BLK,),
        in_specs=[
            pl.BlockSpec((_BLK, D), row),
            pl.BlockSpec((_BLK, D), row),
            pl.BlockSpec((_BLK, 1), row),
            pl.BlockSpec((_BLK, 1), row),
            pl.BlockSpec((D, 2 * z), full),
            pl.BlockSpec((1, 2 * z), full),
            pl.BlockSpec((_BLK, z), row),
            pl.BlockSpec((1, 1), full),
        ],
        out_specs=[
            pl.BlockSpec((_BLK, z), row),
            pl.BlockSpec((_BLK, z), row),
            pl.BlockSpec((_BLK, z), row),
            pl.BlockSpec((_BLK, z), row),
            pl.BlockSpec((_BLK, z), row),
            pl.BlockSpec((_BLK, D), row),
        ],
        out_shape=[
            sds((np_, z), jnp.float32),
            sds((np_, z), jnp.float32),
            sds((np_, z), jnp.float32),
            sds((np_, z), jnp.float32),
            sds((np_, z), jnp.float32),
            sds((np_, D), jnp.float32),
        ],
    )(p0, p1, d0, d1, wm, bm, eps, rad)


def kernel(x, edge_index, W1, b1, W2, b2, W_mu, b_mu, W_lv, b_lv, radius):
    n = x.shape[0]
    e = edge_index.shape[1]
    z = W_mu.shape[1]
    np_ = -(-n // (NS * LB)) * (NS * LB)
    et = e + n
    kblk = -(-et // (NC * NS * LB))
    kblk = -(-kblk // (2 * NPH)) * (2 * NPH)
    kph = kblk // NPH
    ep = kblk * NC * NS * LB

    loop = jnp.arange(n, dtype=edge_index.dtype)
    padi = (n + jnp.arange(ep - et, dtype=edge_index.dtype) % (np_ - n))
    src = jnp.concatenate([edge_index[0], loop, padi]).reshape(
        NC, NS, NPH, kph, LB)
    dst = jnp.concatenate([edge_index[1], loop, padi]).reshape(
        NC, NS, NPH, kph, LB)

    z2d = jnp.zeros((LB, D), jnp.float32)
    z1d = jnp.zeros((LB,), jnp.float32)
    o1d = jnp.ones((LB,), jnp.float32)
    xp = jnp.pad(x, ((0, np_ - n), (0, 0)))

    degp = _sc_degree(dst, o1d, z1d, np_, kph)
    d0 = degp[0][:, None]
    d1 = degp[1][:, None]

    xs = _tc_prescale(xp, d0, d1, np_)
    p = _sc_aggregate(xs, src, dst, z2d, np_, kph)
    h1s = _tc_layer(p[0], p[1], d0, d1, W1, b1[None, :], np_)
    p = _sc_aggregate(h1s, src, dst, z2d, np_, kph)
    h2s = _tc_layer(p[0], p[1], d0, d1, W2, b2[None, :], np_)
    p = _sc_aggregate(h2s, src, dst, z2d, np_, kph)

    wm = jnp.concatenate([W_mu, W_lv], axis=1)
    bm = jnp.concatenate([b_mu, b_lv])[None, :]
    eps = jax.random.normal(jax.random.key(7), (n, z), dtype=x.dtype)
    epsp = jnp.pad(eps, ((0, np_ - n), (0, 0)))
    rad = radius.reshape(1, 1)

    z0s, mhs, stdf, vs, us, ex = _tc_final(
        p[0], p[1], d0, d1, wm, bm, epsp, rad, np_, z, 40.0, 1e-8)

    z0 = jnp.concatenate([ex[:n, 2:3], z0s[:n]], axis=1)
    mu_h = jnp.concatenate([ex[:n, 0:1], mhs[:n]], axis=1)
    v = jnp.concatenate([jnp.zeros((n, 1), x.dtype), vs[:n]], axis=1)
    u = jnp.concatenate([ex[:n, 1:2], us[:n]], axis=1)
    return z0, mu_h, stdf[:n], v, u

# --- scband reference (transcript-rebuilt; emitter-appended) ---
"""Pipeline reference for scband-hyperboloid-encoder-32487132627145 (READ-ONLY COPY).

The authoritative reference and input builder live on the scoring server;
editing this copy changes nothing except your own understanding.
"""

import jax, jax.numpy as jnp
import numpy as np

N = 10000
E = 320000
D_IN = 128
D_HID = 128
Z_DIM = 64
MAX_CLAMP = 40.0
EPS = 1e-8


def setup_inputs(seed: int = 0):
    key = jax.random.key(seed)
    ks = jax.random.split(key, 8)
    x = jax.random.normal(ks[0], (N, D_IN), dtype=jnp.float32)
    edge_index = jax.random.randint(ks[1], (2, E), 0, N, dtype=jnp.int32)

    def gl(k, fi, fo):
        return jax.random.normal(k, (fi, fo), dtype=jnp.float32) * (1.0 / np.sqrt(fi))

    W1 = gl(ks[2], D_IN, D_HID); b1 = jnp.zeros((D_HID,), jnp.float32)
    W2 = gl(ks[3], D_HID, D_HID); b2 = jnp.zeros((D_HID,), jnp.float32)
    W_mu = gl(ks[4], D_HID, Z_DIM); b_mu = jnp.zeros((Z_DIM,), jnp.float32)
    W_lv = gl(ks[5], D_HID, Z_DIM); b_lv = jnp.zeros((Z_DIM,), jnp.float32)
    radius = jnp.array(1.0, dtype=jnp.float32)
    return {"x": x, "edge_index": edge_index, "W1": W1, "b1": b1, "W2": W2, "b2": b2,
            "W_mu": W_mu, "b_mu": b_mu, "W_lv": W_lv, "b_lv": b_lv, "radius": radius}


def _gcn(h, W, b, src, dst, n):
    # GCNConv: D^{-1/2} (A + I) D^{-1/2} X W + b  (self-loops already in src/dst)
    h = h @ W
    deg = jax.ops.segment_sum(jnp.ones_like(dst, dtype=h.dtype), dst, num_segments=n)
    dinv = jnp.where(deg > 0, deg ** -0.5, 0.0)
    norm = dinv[src] * dinv[dst]
    out = jax.ops.segment_sum(h[src] * norm[:, None], dst, num_segments=n)
    return out + b


def reference(x, edge_index, W1, b1, W2, b2, W_mu, b_mu, W_lv, b_lv, radius):
    n = x.shape[0]
    loop = jnp.arange(n, dtype=edge_index.dtype)
    src = jnp.concatenate([edge_index[0], loop])
    dst = jnp.concatenate([edge_index[1], loop])
    # conv1 = GCN -> ReLU -> GCN (n_blocks=1), then outer F.relu
    h = jax.nn.relu(_gcn(x, W1, b1, src, dst, n))
    h = jax.nn.relu(_gcn(h, W2, b2, src, dst, n))
    mu = _gcn(h, W_mu, b_mu, src, dst, n)
    logvar = _gcn(h, W_lv, b_lv, src, dst, n)
    mu = jnp.clip(mu, -MAX_CLAMP, MAX_CLAMP)
    # exp_map_mu0: lift tangent (0, mu) at mu0=(R,0,...) onto hyperboloid
    mu_norm = jnp.clip(jnp.linalg.norm(mu, axis=-1, keepdims=True), EPS, None)
    r = mu_norm / radius
    mu_h = jnp.concatenate([radius * jnp.cosh(r), radius * jnp.sinh(r) * mu / mu_norm], axis=-1)
    std = jax.nn.softplus(logvar) + 1e-5
    # HyperboloidWrappedNormal.rsample_with_parts (reparametrized)
    eps = jax.random.normal(jax.random.key(7), std.shape, dtype=std.dtype)
    v_t = eps * std
    v = jnp.concatenate([jnp.zeros_like(v_t[..., :1]), v_t], axis=-1)
    # parallel transport mu0 -> mu_h
    denom = radius * (radius + mu_h[..., :1])
    coef = jnp.sum(mu_h[..., 1:] * v_t, axis=-1, keepdims=True) / denom
    mu0 = jnp.concatenate([radius * jnp.ones_like(mu_h[..., :1]), jnp.zeros_like(mu_h[..., 1:])], axis=-1)
    u = v + coef * (mu0 + mu_h)
    # exp map at mu_h (Lorentz norm of tangent u)
    lp = -u[..., :1] * u[..., :1] + jnp.sum(u[..., 1:] * u[..., 1:], axis=-1, keepdims=True)
    un = jnp.sqrt(jnp.clip(lp, EPS, None))
    rr = un / radius
    z0 = jnp.cosh(rr) * mu_h + jnp.sinh(rr) * radius * u / un
    return z0, mu_h, std, v, u

if __name__ == "__main__":
    import jax
    _d = setup_inputs()
    print(jax.jit(kernel)(*tuple(_d.values())))

</pallas_src>

<mosaic_0001>
#map = affine_map<(d0, d1) -> (0, 0)>
#map1 = affine_map<(d0, d1) -> (0, 0, 0, 0, 0)>
#map2 = affine_map<(d0, d1) -> (0, 0, 0)>
module attributes {stable_mosaic.version = 14 : i64} {
  func.func @agg_kernel(%arg0: i32, %arg1: i32, %arg2: memref<10240x128xf32, #tpu.memory_space<hbm>>, %arg3: memref<2x16x3x28x128xi32, #tpu.memory_space<hbm>>, %arg4: memref<2x16x3x28x128xi32, #tpu.memory_space<hbm>>, %arg5: memref<128x128xf32, #tpu.memory_space<hbm>>, %arg6: memref<2x10240x128xf32, #tpu.memory_space<hbm>>, %arg7: memref<28x128xi32, #tpu.memory_space<vmem>>, %arg8: memref<28x128xi32, #tpu.memory_space<vmem>>, %arg9: memref<128x128xf32, #tpu.memory_space<vmem>>, %arg10: memref<128x128xf32, #tpu.memory_space<vmem>>, %arg11: memref<10240x128xf32, #tpu.memory_space<vmem_shared>>, %arg12: memref<!tpu.dma_semaphore, #tpu.memory_space<semaphore_mem>>, %arg13: memref<!tpu.dma_semaphore, #tpu.memory_space<semaphore_mem>>) attributes {dimension_semantics = [#tpu.dimension_semantics<core_parallel>, #tpu.dimension_semantics<subcore_parallel>], iteration_bounds = array<i64: 2, 16>, scalar_prefetch = 0 : i64, scratch_operands = 7 : i64, tpu.core_type = #tpu.core_type<sc_vector_subcore>, window_params = [{transform_indices = #map}, {transform_indices = #map1}, {transform_indices = #map1}, {transform_indices = #map}, {transform_indices = #map2}]} {
    %mul3A = arith.constant 640 : i32
    %mul3A_0 = arith.muli %arg1, %mul3A : i32
    "tpu.region"() ({
      %run_scoped3A_73 = tpu.sem_alloc : memref<!tpu.dma_semaphore, #tpu.memory_space<semaphore_mem>>
      tpu.enqueue_dma source(%arg5 : memref<128x128xf32, #tpu.memory_space<hbm>>) target(%arg9 : memref<128x128xf32, #tpu.memory_space<vmem>>) target_semaphore(%run_scoped3A_73 : memref<!tpu.dma_semaphore, #tpu.memory_space<semaphore_mem>>)
      tpu.wait_dma2 semaphore(%run_scoped3A_73 : memref<!tpu.dma_semaphore, #tpu.memory_space<semaphore_mem>>) src(%arg5 : memref<128x128xf32, #tpu.memory_space<hbm>>) dst(%arg9 : memref<128x128xf32, #tpu.memory_space<vmem>>)
      tpu.yield
    }) : () -> ()
    %add3A = arith.constant 0 : i32
    %add3A_1 = arith.addi %mul3A_0, %add3A : i32
    "tpu.region"() ({
      %run_scoped3A_73 = tpu.sem_alloc : memref<!tpu.dma_semaphore, #tpu.memory_space<semaphore_mem>>
      %dma_start3A_74 = arith.constant 0 : i32
      %dma_start3A_75 = tpu.memref_slice %arg11[%add3A_1, %dma_start3A_74] : memref<10240x128xf32, #tpu.memory_space<vmem_shared>> -> memref<128x128xf32, #tpu.memory_space<vmem_shared>>
      %dma_start3A_76 = arith.constant 0 : i32
      %dma_start3A_77 = tpu.memref_slice %arg11[%add3A_1, %dma_start3A_76] : memref<10240x128xf32, #tpu.memory_space<vmem_shared>> -> memref<128x128xf32, #tpu.memory_space<vmem_shared>>
      tpu.enqueue_dma source(%arg9 : memref<128x128xf32, #tpu.memory_space<vmem>>) target(%dma_start3A_77 : memref<128x128xf32, #tpu.memory_space<vmem_shared>>) target_semaphore(%run_scoped3A_73 : memref<!tpu.dma_semaphore, #tpu.memory_space<semaphore_mem>>)
      %dma_wait3A = arith.constant 0 : i32
      %dma_wait3A_78 = tpu.memref_slice %arg11[%add3A_1, %dma_wait3A] : memref<10240x128xf32, #tpu.memory_space<vmem_shared>> -> memref<128x128xf32, #tpu.memory_space<vmem_shared>>
      %dma_wait3A_79 = arith.constant 0 : i32
      %dma_wait3A_80 = tpu.memref_slice %arg11[%add3A_1, %dma_wait3A_79] : memref<10240x128xf32, #tpu.memory_space<vmem_shared>> -> memref<128x128xf32, #tpu.memory_space<vmem_shared>>
      tpu.wait_dma2 semaphore(%run_scoped3A_73 : memref<!tpu.dma_semaphore, #tpu.memory_space<semaphore_mem>>) src(%arg9 : memref<128x128xf32, #tpu.memory_space<vmem>>) dst(%dma_wait3A_80 : memref<128x128xf32, #tpu.memory_space<vmem_shared>>)
      tpu.yield
    }) : () -> ()
    %add3A_2 = arith.constant 128 : i32
    %add3A_3 = arith.addi %mul3A_0, %add3A_2 : i32
    "tpu.region"() ({
      %run_scoped3A_73 = tpu.sem_alloc : memref<!tpu.dma_semaphore, #tpu.memory_space<semaphore_mem>>
      %dma_start3A_74 = arith.constant 0 : i32
      %dma_start3A_75 = tpu.memref_slice %arg11[%add3A_3, %dma_start3A_74] : memref<10240x128xf32, #tpu.memory_space<vmem_shared>> -> memref<128x128xf32, #tpu.memory_space<vmem_shared>>
      %dma_start3A_76 = arith.constant 0 : i32
      %dma_start3A_77 = tpu.memref_slice %arg11[%add3A_3, %dma_start3A_76] : memref<10240x128xf32, #tpu.memory_space<vmem_shared>> -> memref<128x128xf32, #tpu.memory_space<vmem_shared>>
      tpu.enqueue_dma source(%arg9 : memref<128x128xf32, #tpu.memory_space<vmem>>) target(%dma_start3A_77 : memref<128x128xf32, #tpu.memory_space<vmem_shared>>) target_semaphore(%run_scoped3A_73 : memref<!tpu.dma_semaphore, #tpu.memory_space<semaphore_mem>>)
      %dma_wait3A = arith.constant 0 : i32
      %dma_wait3A_78 = tpu.memref_slice %arg11[%add3A_3, %dma_wait3A] : memref<10240x128xf32, #tpu.memory_space<vmem_shared>> -> memref<128x128xf32, #tpu.memory_space<vmem_shared>>
      %dma_wait3A_79 = arith.constant 0 : i32
      %dma_wait3A_80 = tpu.memref_slice %arg11[%add3A_3, %dma_wait3A_79] : memref<10240x128xf32, #tpu.memory_space<vmem_shared>> -> memref<128x128xf32, #tpu.memory_space<vmem_shared>>
      tpu.wait_dma2 semaphore(%run_scoped3A_73 : memref<!tpu.dma_semaphore, #tpu.memory_space<semaphore_mem>>) src(%arg9 : memref<128x128xf32, #tpu.memory_space<vmem>>) dst(%dma_wait3A_80 : memref<128x128xf32, #tpu.memory_space<vmem_shared>>)
      tpu.yield
    }) : () -> ()
    %add3A_4 = arith.constant 256 : i32
    %add3A_5 = arith.addi %mul3A_0, %add3A_4 : i32
    "tpu.region"() ({
      %run_scoped3A_73 = tpu.sem_alloc : memref<!tpu.dma_semaphore, #tpu.memory_space<semaphore_mem>>
      %dma_start3A_74 = arith.constant 0 : i32
      %dma_start3A_75 = tpu.memref_slice %arg11[%add3A_5, %dma_start3A_74] : memref<10240x128xf32, #tpu.memory_space<vmem_shared>> -> memref<128x128xf32, #tpu.memory_space<vmem_shared>>
      %dma_start3A_76 = arith.constant 0 : i32
      %dma_start3A_77 = tpu.memref_slice %arg11[%add3A_5, %dma_start3A_76] : memref<10240x128xf32, #tpu.memory_space<vmem_shared>> -> memref<128x128xf32, #tpu.memory_space<vmem_shared>>
      tpu.enqueue_dma source(%arg9 : memref<128x128xf32, #tpu.memory_space<vmem>>) target(%dma_start3A_77 : memref<128x128xf32, #tpu.memory_space<vmem_shared>>) target_semaphore(%run_scoped3A_73 : memref<!tpu.dma_semaphore, #tpu.memory_space<semaphore_mem>>)
      %dma_wait3A = arith.constant 0 : i32
      %dma_wait3A_78 = tpu.memref_slice %arg11[%add3A_5, %dma_wait3A] : memref<10240x128xf32, #tpu.memory_space<vmem_shared>> -> memref<128x128xf32, #tpu.memory_space<vmem_shared>>
      %dma_wait3A_79 = arith.constant 0 : i32
      %dma_wait3A_80 = tpu.memref_slice %arg11[%add3A_5, %dma_wait3A_79] : memref<10240x128xf32, #tpu.memory_space<vmem_shared>> -> memref<128x128xf32, #tpu.memory_space<vmem_shared>>
      tpu.wait_dma2 semaphore(%run_scoped3A_73 : memref<!tpu.dma_semaphore, #tpu.memory_space<semaphore_mem>>) src(%arg9 : memref<128x128xf32, #tpu.memory_space<vmem>>) dst(%dma_wait3A_80 : memref<128x128xf32, #tpu.memory_space<vmem_shared>>)
      tpu.yield
    }) : () -> ()
    %add3A_6 = arith.constant 384 : i32
    %add3A_7 = arith.addi %mul3A_0, %add3A_6 : i32
    "tpu.region"() ({
      %run_scoped3A_73 = tpu.sem_alloc : memref<!tpu.dma_semaphore, #tpu.memory_space<semaphore_mem>>
      %dma_start3A_74 = arith.constant 0 : i32
      %dma_start3A_75 = tpu.memref_slice %arg11[%add3A_7, %dma_start3A_74] : memref<10240x128xf32, #tpu.memory_space<vmem_shared>> -> memref<128x128xf32, #tpu.memory_space<vmem_shared>>
      %dma_start3A_76 = arith.constant 0 : i32
      %dma_start3A_77 = tpu.memref_slice %arg11[%add3A_7, %dma_start3A_76] : memref<10240x128xf32, #tpu.memory_space<vmem_shared>> -> memref<128x128xf32, #tpu.memory_space<vmem_shared>>
      tpu.enqueue_dma source(%arg9 : memref<128x128xf32, #tpu.memory_space<vmem>>) target(%dma_start3A_77 : memref<128x128xf32, #tpu.memory_space<vmem_shared>>) target_semaphore(%run_scoped3A_73 : memref<!tpu.dma_semaphore, #tpu.memory_space<semaphore_mem>>)
      %dma_wait3A = arith.constant 0 : i32
      %dma_wait3A_78 = tpu.memref_slice %arg11[%add3A_7, %dma_wait3A] : memref<10240x128xf32, #tpu.memory_space<vmem_shared>> -> memref<128x128xf32, #tpu.memory_space<vmem_shared>>
      %dma_wait3A_79 = arith.constant 0 : i32
      %dma_wait3A_80 = tpu.memref_slice %arg11[%add3A_7, %dma_wait3A_79] : memref<10240x128xf32, #tpu.memory_space<vmem_shared>> -> memref<128x128xf32, #tpu.memory_space<vmem_shared>>
      tpu.wait_dma2 semaphore(%run_scoped3A_73 : memref<!tpu.dma_semaphore, #tpu.memory_space<semaphore_mem>>) src(%arg9 : memref<128x128xf32, #tpu.memory_space<vmem>>) dst(%dma_wait3A_80 : memref<128x128xf32, #tpu.memory_space<vmem_shared>>)
      tpu.yield
    }) : () -> ()
    %add3A_8 = arith.constant 512 : i32
    %add3A_9 = arith.addi %mul3A_0, %add3A_8 : i32
    "tpu.region"() ({
      %run_scoped3A_73 = tpu.sem_alloc : memref<!tpu.dma_semaphore, #tpu.memory_space<semaphore_mem>>
      %dma_start3A_74 = arith.constant 0 : i32
      %dma_start3A_75 = tpu.memref_slice %arg11[%add3A_9, %dma_start3A_74] : memref<10240x128xf32, #tpu.memory_space<vmem_shared>> -> memref<128x128xf32, #tpu.memory_space<vmem_shared>>
      %dma_start3A_76 = arith.constant 0 : i32
      %dma_start3A_77 = tpu.memref_slice %arg11[%add3A_9, %dma_start3A_76] : memref<10240x128xf32, #tpu.memory_space<vmem_shared>> -> memref<128x128xf32, #tpu.memory_space<vmem_shared>>
      tpu.enqueue_dma source(%arg9 : memref<128x128xf32, #tpu.memory_space<vmem>>) target(%dma_start3A_77 : memref<128x128xf32, #tpu.memory_space<vmem_shared>>) target_semaphore(%run_scoped3A_73 : memref<!tpu.dma_semaphore, #tpu.memory_space<semaphore_mem>>)
      %dma_wait3A = arith.constant 0 : i32
      %dma_wait3A_78 = tpu.memref_slice %arg11[%add3A_9, %dma_wait3A] : memref<10240x128xf32, #tpu.memory_space<vmem_shared>> -> memref<128x128xf32, #tpu.memory_space<vmem_shared>>
      %dma_wait3A_79 = arith.constant 0 : i32
      %dma_wait3A_80 = tpu.memref_slice %arg11[%add3A_9, %dma_wait3A_79] : memref<10240x128xf32, #tpu.memory_space<vmem_shared>> -> memref<128x128xf32, #tpu.memory_space<vmem_shared>>
      tpu.wait_dma2 semaphore(%run_scoped3A_73 : memref<!tpu.dma_semaphore, #tpu.memory_space<semaphore_mem>>) src(%arg9 : memref<128x128xf32, #tpu.memory_space<vmem>>) dst(%dma_wait3A_80 : memref<128x128xf32, #tpu.memory_space<vmem_shared>>)
      tpu.yield
    }) : () -> ()
    %barrier3A = arith.constant 0 : index
    tpu.barrier barrier_id(%barrier3A)
    %run_scoped3A = arith.constant 0 : i32
    "tpu.region"() ({
      %run_scoped3A_73 = tpu.sem_alloc : memref<!tpu.dma_semaphore, #tpu.memory_space<semaphore_mem>>
      %dma_start3A_74 = arith.constant 0 : i32
      %dma_start3A_75 = arith.constant 0 : i32
      %dma_start3A_76 = tpu.memref_slice %arg3[%arg0, %arg1, %run_scoped3A, %dma_start3A_74, %dma_start3A_75] : memref<2x16x3x28x128xi32, #tpu.memory_space<hbm>> -> memref<1x1x1x28x128xi32, #tpu.memory_space<hbm>>
      %dma_start3A_77 = tpu.memref_squeeze %dma_start3A_76 : memref<1x1x1x28x128xi32, #tpu.memory_space<hbm>> -> memref<28x128xi32, #tpu.memory_space<hbm>>
      %dma_start3A_78 = arith.constant 0 : i32
      %dma_start3A_79 = arith.constant 0 : i32
      %dma_start3A_80 = tpu.memref_slice %arg3[%arg0, %arg1, %run_scoped3A, %dma_start3A_78, %dma_start3A_79] : memref<2x16x3x28x128xi32, #tpu.memory_space<hbm>> -> memref<1x1x1x28x128xi32, #tpu.memory_space<hbm>>
      %dma_start3A_81 = tpu.memref_squeeze %dma_start3A_80 : memref<1x1x1x28x128xi32, #tpu.memory_space<hbm>> -> memref<28x128xi32, #tpu.memory_space<hbm>>
      tpu.enqueue_dma source(%dma_start3A_81 : memref<28x128xi32, #tpu.memory_space<hbm>>) target(%arg7 : memref<28x128xi32, #tpu.memory_space<vmem>>) target_semaphore(%run_scoped3A_73 : memref<!tpu.dma_semaphore, #tpu.memory_space<semaphore_mem>>)
      %dma_wait3A = arith.constant 0 : i32
      %dma_wait3A_82 = arith.constant 0 : i32
      %dma_wait3A_83 = tpu.memref_slice %arg3[%arg0, %arg1, %run_scoped3A, %dma_wait3A, %dma_wait3A_82] : memref<2x16x3x28x128xi32, #tpu.memory_space<hbm>> -> memref<1x1x1x28x128xi32, #tpu.memory_space<hbm>>
      %dma_wait3A_84 = tpu.memref_squeeze %dma_wait3A_83 : memref<1x1x1x28x128xi32, #tpu.memory_space<hbm>> -> memref<28x128xi32, #tpu.memory_space<hbm>>
      %dma_wait3A_85 = arith.constant 0 : i32
      %dma_wait3A_86 = arith.constant 0 : i32
      %dma_wait3A_87 = tpu.memref_slice %arg3[%arg0, %arg1, %run_scoped3A, %dma_wait3A_85, %dma_wait3A_86] : memref<2x16x3x28x128xi32, #tpu.memory_space<hbm>> -> memref<1x1x1x28x128xi32, #tpu.memory_space<hbm>>
      %dma_wait3A_88 = tpu.memref_squeeze %dma_wait3A_87 : memref<1x1x1x28x128xi32, #tpu.memory_space<hbm>> -> memref<28x128xi32, #tpu.memory_space<hbm>>
      tpu.wait_dma2 semaphore(%run_scoped3A_73 : memref<!tpu.dma_semaphore, #tpu.memory_space<semaphore_mem>>) src(%dma_wait3A_88 : memref<28x128xi32, #tpu.memory_space<hbm>>) dst(%arg7 : memref<28x128xi32, #tpu.memory_space<vmem>>)
      tpu.yield
    }) : () -> ()
    %run_scoped3A_10 = arith.constant 0 : i32
    "tpu.region"() ({
      %run_scoped3A_73 = tpu.sem_alloc : memref<!tpu.dma_semaphore, #tpu.memory_space<semaphore_mem>>
      %dma_start3A_74 = arith.constant 0 : i32
      %dma_start3A_75 = arith.constant 0 : i32
      %dma_start3A_76 = tpu.memref_slice %arg4[%arg0, %arg1, %run_scoped3A_10, %dma_start3A_74, %dma_start3A_75] : memref<2x16x3x28x128xi32, #tpu.memory_space<hbm>> -> memref<1x1x1x28x128xi32, #tpu.memory_space<hbm>>
      %dma_start3A_77 = tpu.memref_squeeze %dma_start3A_76 : memref<1x1x1x28x128xi32, #tpu.memory_space<hbm>> -> memref<28x128xi32, #tpu.memory_space<hbm>>
      %dma_start3A_78 = arith.constant 0 : i32
      %dma_start3A_79 = arith.constant 0 : i32
      %dma_start3A_80 = tpu.memref_slice %arg4[%arg0, %arg1, %run_scoped3A_10, %dma_start3A_78, %dma_start3A_79] : memref<2x16x3x28x128xi32, #tpu.memory_space<hbm>> -> memref<1x1x1x28x128xi32, #tpu.memory_space<hbm>>
      %dma_start3A_81 = tpu.memref_squeeze %dma_start3A_80 : memref<1x1x1x28x128xi32, #tpu.memory_space<hbm>> -> memref<28x128xi32, #tpu.memory_space<hbm>>
      tpu.enqueue_dma source(%dma_start3A_81 : memref<28x128xi32, #tpu.memory_space<hbm>>) target(%arg8 : memref<28x128xi32, #tpu.memory_space<vmem>>) target_semaphore(%run_scoped3A_73 : memref<!tpu.dma_semaphore, #tpu.memory_space<semaphore_mem>>)
      %dma_wait3A = arith.constant 0 : i32
      %dma_wait3A_82 = arith.constant 0 : i32
      %dma_wait3A_83 = tpu.memref_slice %arg4[%arg0, %arg1, %run_scoped3A_10, %dma_wait3A, %dma_wait3A_82] : memref<2x16x3x28x128xi32, #tpu.memory_space<hbm>> -> memref<1x1x1x28x128xi32, #tpu.memory_space<hbm>>
      %dma_wait3A_84 = tpu.memref_squeeze %dma_wait3A_83 : memref<1x1x1x28x128xi32, #tpu.memory_space<hbm>> -> memref<28x128xi32, #tpu.memory_space<hbm>>
      %dma_wait3A_85 = arith.constant 0 : i32
      %dma_wait3A_86 = arith.constant 0 : i32
      %dma_wait3A_87 = tpu.memref_slice %arg4[%arg0, %arg1, %run_scoped3A_10, %dma_wait3A_85, %dma_wait3A_86] : memref<2x16x3x28x128xi32, #tpu.memory_space<hbm>> -> memref<1x1x1x28x128xi32, #tpu.memory_space<hbm>>
      %dma_wait3A_88 = tpu.memref_squeeze %dma_wait3A_87 : memref<1x1x1x28x128xi32, #tpu.memory_space<hbm>> -> memref<28x128xi32, #tpu.memory_space<hbm>>
      tpu.wait_dma2 semaphore(%run_scoped3A_73 : memref<!tpu.dma_semaphore, #tpu.memory_space<semaphore_mem>>) src(%dma_wait3A_88 : memref<28x128xi32, #tpu.memory_space<hbm>>) dst(%arg8 : memref<28x128xi32, #tpu.memory_space<vmem>>)
      tpu.yield
    }) : () -> ()
    %dma_start3A = arith.constant 0 : i32
    %dma_start3A_11 = arith.constant 0 : i32
    %dma_start3A_12 = tpu.memref_slice %arg7[%dma_start3A, %dma_start3A_11] : memref<28x128xi32, #tpu.memory_space<vmem>> -> memref<1x128xi32, #tpu.memory_space<vmem>>
    %dma_start3A_13 = tpu.memref_squeeze %dma_start3A_12 : memref<1x128xi32, #tpu.memory_space<vmem>> -> memref<128xi32, #tpu.memory_space<vmem>>
    %dma_start3A_14 = arith.constant 0 : i32
    %dma_start3A_15 = arith.constant 0 : i32
    %dma_start3A_16 = tpu.memref_slice %arg2[%dma_start3A_14, %dma_start3A_15] : memref<10240x128xf32, #tpu.memory_space<hbm>> -> memref<10240x128xf32, #tpu.memory_space<hbm>>
    tpu.enqueue_indirect_dma source(%dma_start3A_16 : memref<10240x128xf32, #tpu.memory_space<hbm>>) target(%arg9 : memref<128x128xf32, #tpu.memory_space<vmem>>) offsets(%dma_start3A_13 : memref<128xi32, #tpu.memory_space<vmem>>) semaphore(%arg12 : memref<!tpu.dma_semaphore, #tpu.memory_space<semaphore_mem>>)
    %scan3A = arith.constant 0 : i32
    %scan3A_17 = arith.constant 0 : i32
    %scan3A_18 = arith.constant 14 : i32
    %scan3A_19 = arith.addi %scan3A_17, %scan3A_18 : i32
    %scan3A_20 = arith.constant 1 : i32
    scf.for %scan3A_73 = %scan3A_17 to %scan3A_19 step %scan3A_20  : i32 {
      %mul3A_74 = arith.constant 2 : i32
      %mul3A_75 = arith.muli %scan3A_73, %mul3A_74 : i32
      %dma_wait3A = arith.constant 0 : i32
      %dma_wait3A_76 = tpu.memref_slice %arg7[%mul3A_75, %dma_wait3A] : memref<28x128xi32, #tpu.memory_space<vmem>> -> memref<1x128xi32, #tpu.memory_space<vmem>>
      %dma_wait3A_77 = tpu.memref_squeeze %dma_wait3A_76 : memref<1x128xi32, #tpu.memory_space<vmem>> -> memref<128xi32, #tpu.memory_space<vmem>>
      %dma_wait3A_78 = arith.constant 0 : i32
      %dma_wait3A_79 = arith.constant 0 : i32
      %dma_wait3A_80 = tpu.memref_slice %arg2[%dma_wait3A_78, %dma_wait3A_79] : memref<10240x128xf32, #tpu.memory_space<hbm>> -> memref<10240x128xf32, #tpu.memory_space<hbm>>
      tpu.wait_indirect_dma semaphore(%arg12 : memref<!tpu.dma_semaphore, #tpu.memory_space<semaphore_mem>>) src(%dma_wait3A_80 : memref<10240x128xf32, #tpu.memory_space<hbm>>) dst(%arg9 : memref<128x128xf32, #tpu.memory_space<vmem>>)
      %add3A_81 = arith.constant 1 : i32
      %add3A_82 = arith.addi %mul3A_75, %add3A_81 : i32
      %dma_start3A_83 = arith.constant 0 : i32
      %dma_start3A_84 = tpu.memref_slice %arg7[%add3A_82, %dma_start3A_83] : memref<28x128xi32, #tpu.memory_space<vmem>> -> memref<1x128xi32, #tpu.memory_space<vmem>>
      %dma_start3A_85 = tpu.memref_squeeze %dma_start3A_84 : memref<1x128xi32, #tpu.memory_space<vmem>> -> memref<128xi32, #tpu.memory_space<vmem>>
      %dma_start3A_86 = arith.constant 0 : i32
      %dma_start3A_87 = arith.constant 0 : i32
      %dma_start3A_88 = tpu.memref_slice %arg2[%dma_start3A_86, %dma_start3A_87] : memref<10240x128xf32, #tpu.memory_space<hbm>> -> memref<10240x128xf32, #tpu.memory_space<hbm>>
      tpu.enqueue_indirect_dma source(%dma_start3A_88 : memref<10240x128xf32, #tpu.memory_space<hbm>>) target(%arg10 : memref<128x128xf32, #tpu.memory_space<vmem>>) offsets(%dma_start3A_85 : memref<128xi32, #tpu.memory_space<vmem>>) semaphore(%arg13 : memref<!tpu.dma_semaphore, #tpu.memory_space<semaphore_mem>>)
      "tpu.region"() ({
        %run_scoped3A_103 = tpu.sem_alloc : memref<!tpu.dma_semaphore, #tpu.memory_space<semaphore_mem>>
        %dma_start3A_104 = arith.constant 0 : i32
        %dma_start3A_105 = tpu.memref_slice %arg8[%mul3A_75, %dma_start3A_104] : memref<28x128xi32, #tpu.memory_space<vmem>> -> memref<1x128xi32, #tpu.memory_space<vmem>>
        %dma_start3A_106 = tpu.memref_squeeze %dma_start3A_105 : memref<1x128xi32, #tpu.memory_space<vmem>> -> memref<128xi32, #tpu.memory_space<vmem>>
        %dma_start3A_107 = arith.constant 0 : i32
        %dma_start3A_108 = arith.constant 0 : i32
        %dma_start3A_109 = tpu.memref_slice %arg11[%dma_start3A_107, %dma_start3A_108] : memref<10240x128xf32, #tpu.memory_space<vmem_shared>> -> memref<10240x128xf32, #tpu.memory_space<vmem_shared>>
        tpu.enqueue_indirect_dma source(%arg9 : memref<128x128xf32, #tpu.memory_space<vmem>>) target(%dma_start3A_109 : memref<10240x128xf32, #tpu.memory_space<vmem_shared>>) offsets(%dma_start3A_106 : memref<128xi32, #tpu.memory_space<vmem>>) semaphore(%run_scoped3A_103 : memref<!tpu.dma_semaphore, #tpu.memory_space<semaphore_mem>>) {add = true}
        %dma_wait3A_110 = arith.constant 0 : i32
        %dma_wait3A_111 = tpu.memref_slice %arg8[%mul3A_75, %dma_wait3A_110] : memref<28x128xi32, #tpu.memory_space<vmem>> -> memref<1x128xi32, #tpu.memory_space<vmem>>
        %dma_wait3A_112 = tpu.memref_squeeze %dma_wait3A_111 : memref<1x128xi32, #tpu.memory_space<vmem>> -> memref<128xi32, #tpu.memory_space<vmem>>
        %dma_wait3A_113 = arith.constant 0 : i32
        %dma_wait3A_114 = arith.constant 0 : i32
        %dma_wait3A_115 = tpu.memref_slice %arg11[%dma_wait3A_113, %dma_wait3A_114] : memref<10240x128xf32, #tpu.memory_space<vmem_shared>> -> memref<10240x128xf32, #tpu.memory_space<vmem_shared>>
        tpu.wait_indirect_dma semaphore(%run_scoped3A_103 : memref<!tpu.dma_semaphore, #tpu.memory_space<semaphore_mem>>) src(%arg9 : memref<128x128xf32, #tpu.memory_space<vmem>>) dst(%dma_wait3A_115 : memref<10240x128xf32, #tpu.memory_space<vmem_shared>>)
        tpu.yield
      }) : () -> ()
      %add3A_89 = arith.constant 1 : i32
      %add3A_90 = arith.addi %mul3A_75, %add3A_89 : i32
      %dma_wait3A_91 = arith.constant 0 : i32
      %dma_wait3A_92 = tpu.memref_slice %arg7[%add3A_90, %dma_wait3A_91] : memref<28x128xi32, #tpu.memory_space<vmem>> -> memref<1x128xi32, #tpu.memory_space<vmem>>
      %dma_wait3A_93 = tpu.memref_squeeze %dma_wait3A_92 : memref<1x128xi32, #tpu.memory_space<vmem>> -> memref<128xi32, #tpu.memory_space<vmem>>
      %dma_wait3A_94 = arith.constant 0 : i32
      %dma_wait3A_95 = arith.constant 0 : i32
      %dma_wait3A_96 = tpu.memref_slice %arg2[%dma_wait3A_94, %dma_wait3A_95] : memref<10240x128xf32, #tpu.memory_space<hbm>> -> memref<10240x128xf32, #tpu.memory_space<hbm>>
      tpu.wait_indirect_dma semaphore(%arg13 : memref<!tpu.dma_semaphore, #tpu.memory_space<semaphore_mem>>) src(%dma_wait3A_96 : memref<10240x128xf32, #tpu.memory_space<hbm>>) dst(%arg10 : memref<128x128xf32, #tpu.memory_space<vmem>>)
      %add3A_97 = arith.constant 1 : i32
      %add3A_98 = arith.addi %scan3A_73, %add3A_97 : i32
      %lt3A = arith.constant 14 : i32
      %lt3A_99 = arith.cmpi slt, %add3A_98, %lt3A : i32
      %convert_element_type3A = arith.extui %lt3A_99 : i1 to i32
      %cond3A = arith.constant 0 : i32
      %cond3A_100 = arith.cmpi ne, %convert_element_type3A, %cond3A : i32
      scf.if %cond3A_100 {
        %add3A_103 = arith.constant 2 : i32
        %add3A_104 = arith.addi %mul3A_75, %add3A_103 : i32
        %dma_start3A_105 = arith.constant 0 : i32
        %dma_start3A_106 = tpu.memref_slice %arg7[%add3A_104, %dma_start3A_105] : memref<28x128xi32, #tpu.memory_space<vmem>> -> memref<1x128xi32, #tpu.memory_space<vmem>>
        %dma_start3A_107 = tpu.memref_squeeze %dma_start3A_106 : memref<1x128xi32, #tpu.memory_space<vmem>> -> memref<128xi32, #tpu.memory_space<vmem>>
        %dma_start3A_108 = arith.constant 0 : i32
        %dma_start3A_109 = arith.constant 0 : i32
        %dma_start3A_110 = tpu.memref_slice %arg2[%dma_start3A_108, %dma_start3A_109] : memref<10240x128xf32, #tpu.memory_space<hbm>> -> memref<10240x128xf32, #tpu.memory_space<hbm>>
        tpu.enqueue_indirect_dma source(%dma_start3A_110 : memref<10240x128xf32, #tpu.memory_space<hbm>>) target(%arg9 : memref<128x128xf32, #tpu.memory_space<vmem>>) offsets(%dma_start3A_107 : memref<128xi32, #tpu.memory_space<vmem>>) semaphore(%arg12 : memref<!tpu.dma_semaphore, #tpu.memory_space<semaphore_mem>>)
      } else {
      }
      %add3A_101 = arith.constant 1 : i32
      %add3A_102 = arith.addi %mul3A_75, %add3A_101 : i32
      "tpu.region"() ({
        %run_scoped3A_103 = tpu.sem_alloc : memref<!tpu.dma_semaphore, #tpu.memory_space<semaphore_mem>>
        %dma_start3A_104 = arith.constant 0 : i32
        %dma_start3A_105 = tpu.memref_slice %arg8[%add3A_102, %dma_start3A_104] : memref<28x128xi32, #tpu.memory_space<vmem>> -> memref<1x128xi32, #tpu.memory_space<vmem>>
        %dma_start3A_106 = tpu.memref_squeeze %dma_start3A_105 : memref<1x128xi32, #tpu.memory_space<vmem>> -> memref<128xi32, #tpu.memory_space<vmem>>
        %dma_start3A_107 = arith.constant 0 : i32
        %dma_start3A_108 = arith.constant 0 : i32
        %dma_start3A_109 = tpu.memref_slice %arg11[%dma_start3A_107, %dma_start3A_108] : memref<10240x128xf32, #tpu.memory_space<vmem_shared>> -> memref<10240x128xf32, #tpu.memory_space<vmem_shared>>
        tpu.enqueue_indirect_dma source(%arg10 : memref<128x128xf32, #tpu.memory_space<vmem>>) target(%dma_start3A_109 : memref<10240x128xf32, #tpu.memory_space<vmem_shared>>) offsets(%dma_start3A_106 : memref<128xi32, #tpu.memory_space<vmem>>) semaphore(%run_scoped3A_103 : memref<!tpu.dma_semaphore, #tpu.memory_space<semaphore_mem>>) {add = true}
        %dma_wait3A_110 = arith.constant 0 : i32
        %dma_wait3A_111 = tpu.memref_slice %arg8[%add3A_102, %dma_wait3A_110] : memref<28x128xi32, #tpu.memory_space<vmem>> -> memref<1x128xi32, #tpu.memory_space<vmem>>
        %dma_wait3A_112 = tpu.memref_squeeze %dma_wait3A_111 : memref<1x128xi32, #tpu.memory_space<vmem>> -> memref<128xi32, #tpu.memory_space<vmem>>
        %dma_wait3A_113 = arith.constant 0 : i32
        %dma_wait3A_114 = arith.constant 0 : i32
        %dma_wait3A_115 = tpu.memref_slice %arg11[%dma_wait3A_113, %dma_wait3A_114] : memref<10240x128xf32, #tpu.memory_space<vmem_shared>> -> memref<10240x128xf32, #tpu.memory_space<vmem_shared>>
        tpu.wait_indirect_dma semaphore(%run_scoped3A_103 : memref<!tpu.dma_semaphore, #tpu.memory_space<semaphore_mem>>) src(%arg10 : memref<128x128xf32, #tpu.memory_space<vmem>>) dst(%dma_wait3A_115 : memref<10240x128xf32, #tpu.memory_space<vmem_shared>>)
        tpu.yield
      }) : () -> ()
    }
    %scan3A_21 = arith.constant 14 : i32
    %run_scoped3A_22 = arith.constant 1 : i32
    "tpu.region"() ({
      %run_scoped3A_73 = tpu.sem_alloc : memref<!tpu.dma_semaphore, #tpu.memory_space<semaphore_mem>>
      %dma_start3A_74 = arith.constant 0 : i32
      %dma_start3A_75 = arith.constant 0 : i32
      %dma_start3A_76 = tpu.memref_slice %arg3[%arg0, %arg1, %run_scoped3A_22, %dma_start3A_74, %dma_start3A_75] : memref<2x16x3x28x128xi32, #tpu.memory_space<hbm>> -> memref<1x1x1x28x128xi32, #tpu.memory_space<hbm>>
      %dma_start3A_77 = tpu.memref_squeeze %dma_start3A_76 : memref<1x1x1x28x128xi32, #tpu.memory_space<hbm>> -> memref<28x128xi32, #tpu.memory_space<hbm>>
      %dma_start3A_78 = arith.constant 0 : i32
      %dma_start3A_79 = arith.constant 0 : i32
      %dma_start3A_80 = tpu.memref_slice %arg3[%arg0, %arg1, %run_scoped3A_22, %dma_start3A_78, %dma_start3A_79] : memref<2x16x3x28x128xi32, #tpu.memory_space<hbm>> -> memref<1x1x1x28x128xi32, #tpu.memory_space<hbm>>
      %dma_start3A_81 = tpu.memref_squeeze %dma_start3A_80 : memref<1x1x1x28x128xi32, #tpu.memory_space<hbm>> -> memref<28x128xi32, #tpu.memory_space<hbm>>
      tpu.enqueue_dma source(%dma_start3A_81 : memref<28x128xi32, #tpu.memory_space<hbm>>) target(%arg7 : memref<28x128xi32, #tpu.memory_space<vmem>>) target_semaphore(%run_scoped3A_73 : memref<!tpu.dma_semaphore, #tpu.memory_space<semaphore_mem>>)
      %dma_wait3A = arith.constant 0 : i32
      %dma_wait3A_82 = arith.constant 0 : i32
      %dma_wait3A_83 = tpu.memref_slice %arg3[%arg0, %arg1, %run_scoped3A_22, %dma_wait3A, %dma_wait3A_82] : memref<2x16x3x28x128xi32, #tpu.memory_space<hbm>> -> memref<1x1x1x28x128xi32, #tpu.memory_space<hbm>>
      %dma_wait3A_84 = tpu.memref_squeeze %dma_wait3A_83 : memref<1x1x1x28x128xi32, #tpu.memory_space<hbm>> -> memref<28x128xi32, #tpu.memory_space<hbm>>
      %dma_wait3A_85 = arith.constant 0 : i32
      %dma_wait3A_86 = arith.constant 0 : i32
      %dma_wait3A_87 = tpu.memref_slice %arg3[%arg0, %arg1, %run_scoped3A_22, %dma_wait3A_85, %dma_wait3A_86] : memref<2x16x3x28x128xi32, #tpu.memory_space<hbm>> -> memref<1x1x1x28x128xi32, #tpu.memory_space<hbm>>
      %dma_wait3A_88 = tpu.memref_squeeze %dma_wait3A_87 : memref<1x1x1x28x128xi32, #tpu.memory_space<hbm>> -> memref<28x128xi32, #tpu.memory_space<hbm>>
      tpu.wait_dma2 semaphore(%run_scoped3A_73 : memref<!tpu.dma_semaphore, #tpu.memory_space<semaphore_mem>>) src(%dma_wait3A_88 : memref<28x128xi32, #tpu.memory_space<hbm>>) dst(%arg7 : memref<28x128xi32, #tpu.memory_space<vmem>>)
      tpu.yield
    }) : () -> ()
    %run_scoped3A_23 = arith.constant 1 : i32
    "tpu.region"() ({
      %run_scoped3A_73 = tpu.sem_alloc : memref<!tpu.dma_semaphore, #tpu.memory_space<semaphore_mem>>
      %dma_start3A_74 = arith.constant 0 : i32
      %dma_start3A_75 = arith.constant 0 : i32
      %dma_start3A_76 = tpu.memref_slice %arg4[%arg0, %arg1, %run_scoped3A_23, %dma_start3A_74, %dma_start3A_75] : memref<2x16x3x28x128xi32, #tpu.memory_space<hbm>> -> memref<1x1x1x28x128xi32, #tpu.memory_space<hbm>>
      %dma_start3A_77 = tpu.memref_squeeze %dma_start3A_76 : memref<1x1x1x28x128xi32, #tpu.memory_space<hbm>> -> memref<28x128xi32, #tpu.memory_space<hbm>>
      %dma_start3A_78 = arith.constant 0 : i32
      %dma_start3A_79 = arith.constant 0 : i32
      %dma_start3A_80 = tpu.memref_slice %arg4[%arg0, %arg1, %run_scoped3A_23, %dma_start3A_78, %dma_start3A_79] : memref<2x16x3x28x128xi32, #tpu.memory_space<hbm>> -> memref<1x1x1x28x128xi32, #tpu.memory_space<hbm>>
      %dma_start3A_81 = tpu.memref_squeeze %dma_start3A_80 : memref<1x1x1x28x128xi32, #tpu.memory_space<hbm>> -> memref<28x128xi32, #tpu.memory_space<hbm>>
      tpu.enqueue_dma source(%dma_start3A_81 : memref<28x128xi32, #tpu.memory_space<hbm>>) target(%arg8 : memref<28x128xi32, #tpu.memory_space<vmem>>) target_semaphore(%run_scoped3A_73 : memref<!tpu.dma_semaphore, #tpu.memory_space<semaphore_mem>>)
      %dma_wait3A = arith.constant 0 : i32
      %dma_wait3A_82 = arith.constant 0 : i32
      %dma_wait3A_83 = tpu.memref_slice %arg4[%arg0, %arg1, %run_scoped3A_23, %dma_wait3A, %dma_wait3A_82] : memref<2x16x3x28x128xi32, #tpu.memory_space<hbm>> -> memref<1x1x1x28x128xi32, #tpu.memory_space<hbm>>
      %dma_wait3A_84 = tpu.memref_squeeze %dma_wait3A_83 : memref<1x1x1x28x128xi32, #tpu.memory_space<hbm>> -> memref<28x128xi32, #tpu.memory_space<hbm>>
      %dma_wait3A_85 = arith.constant 0 : i32
      %dma_wait3A_86 = arith.constant 0 : i32
      %dma_wait3A_87 = tpu.memref_slice %arg4[%arg0, %arg1, %run_scoped3A_23, %dma_wait3A_85, %dma_wait3A_86] : memref<2x16x3x28x128xi32, #tpu.memory_space<hbm>> -> memref<1x1x1x28x128xi32, #tpu.memory_space<hbm>>
      %dma_wait3A_88 = tpu.memref_squeeze %dma_wait3A_87 : memref<1x1x1x28x128xi32, #tpu.memory_space<hbm>> -> memref<28x128xi32, #tpu.memory_space<hbm>>
      tpu.wait_dma2 semaphore(%run_scoped3A_73 : memref<!tpu.dma_semaphore, #tpu.memory_space<semaphore_mem>>) src(%dma_wait3A_88 : memref<28x128xi32, #tpu.memory_space<hbm>>) dst(%arg8 : memref<28x128xi32, #tpu.memory_space<vmem>>)
      tpu.yield
    }) : () -> ()
    %dma_start3A_24 = arith.constant 0 : i32
    %dma_start3A_25 = arith.constant 0 : i32
    %dma_start3A_26 = tpu.memref_slice %arg7[%dma_start3A_24, %dma_start3A_25] : memref<28x128xi32, #tpu.memory_space<vmem>> -> memref<1x128xi32, #tpu.memory_space<vmem>>
    %dma_start3A_27 = tpu.memref_squeeze %dma_start3A_26 : memref<1x128xi32, #tpu.memory_space<vmem>> -> memref<128xi32, #tpu.memory_space<vmem>>
    %dma_start3A_28 = arith.constant 0 : i32
    %dma_start3A_29 = arith.constant 0 : i32
    %dma_start3A_30 = tpu.memref_slice %arg2[%dma_start3A_28, %dma_start3A_29] : memref<10240x128xf32, #tpu.memory_space<hbm>> -> memref<10240x128xf32, #tpu.memory_space<hbm>>
    tpu.enqueue_indirect_dma source(%dma_start3A_30 : memref<10240x128xf32, #tpu.memory_space<hbm>>) target(%arg9 : memref<128x128xf32, #tpu.memory_space<vmem>>) offsets(%dma_start3A_27 : memref<128xi32, #tpu.memory_space<vmem>>) semaphore(%arg12 : memref<!tpu.dma_semaphore, #tpu.memory_space<semaphore_mem>>)
    %scan3A_31 = arith.constant 0 : i32
    %scan3A_32 = arith.constant 0 : i32
    %scan3A_33 = arith.constant 14 : i32
    %scan3A_34 = arith.addi %scan3A_32, %scan3A_33 : i32
    %scan3A_35 = arith.constant 1 : i32
    scf.for %scan3A_73 = %scan3A_32 to %scan3A_34 step %scan3A_35  : i32 {
      %mul3A_74 = arith.constant 2 : i32
      %mul3A_75 = arith.muli %scan3A_73, %mul3A_74 : i32
      %dma_wait3A = arith.constant 0 : i32
      %dma_wait3A_76 = tpu.memref_slice %arg7[%mul3A_75, %dma_wait3A] : memref<28x128xi32, #tpu.memory_space<vmem>> -> memref<1x128xi32, #tpu.memory_space<vmem>>
      %dma_wait3A_77 = tpu.memref_squeeze %dma_wait3A_76 : memref<1x128xi32, #tpu.memory_space<vmem>> -> memref<128xi32, #tpu.memory_space<vmem>>
      %dma_wait3A_78 = arith.constant 0 : i32
      %dma_wait3A_79 = arith.constant 0 : i32
      %dma_wait3A_80 = tpu.memref_slice %arg2[%dma_wait3A_78, %dma_wait3A_79] : memref<10240x128xf32, #tpu.memory_space<hbm>> -> memref<10240x128xf32, #tpu.memory_space<hbm>>
      tpu.wait_indirect_dma semaphore(%arg12 : memref<!tpu.dma_semaphore, #tpu.memory_space<semaphore_mem>>) src(%dma_wait3A_80 : memref<10240x128xf32, #tpu.memory_space<hbm>>) dst(%arg9 : memref<128x128xf32, #tpu.memory_space<vmem>>)
      %add3A_81 = arith.constant 1 : i32
      %add3A_82 = arith.addi %mul3A_75, %add3A_81 : i32
      %dma_start3A_83 = arith.constant 0 : i32
      %dma_start3A_84 = tpu.memref_slice %arg7[%add3A_82, %dma_start3A_83] : memref<28x128xi32, #tpu.memory_space<vmem>> -> memref<1x128xi32, #tpu.memory_space<vmem>>
      %dma_start3A_85 = tpu.memref_squeeze %dma_start3A_84 : memref<1x128xi32, #tpu.memory_space<vmem>> -> memref<128xi32, #tpu.memory_space<vmem>>
      %dma_start3A_86 = arith.constant 0 : i32
      %dma_start3A_87 = arith.constant 0 : i32
      %dma_start3A_88 = tpu.memref_slice %arg2[%dma_start3A_86, %dma_start3A_87] : memref<10240x128xf32, #tpu.memory_space<hbm>> -> memref<10240x128xf32, #tpu.memory_space<hbm>>
      tpu.enqueue_indirect_dma source(%dma_start3A_88 : memref<10240x128xf32, #tpu.memory_space<hbm>>) target(%arg10 : memref<128x128xf32, #tpu.memory_space<vmem>>) offsets(%dma_start3A_85 : memref<128xi32, #tpu.memory_space<vmem>>) semaphore(%arg13 : memref<!tpu.dma_semaphore, #tpu.memory_space<semaphore_mem>>)
      "tpu.region"() ({
        %run_scoped3A_103 = tpu.sem_alloc : memref<!tpu.dma_semaphore, #tpu.memory_space<semaphore_mem>>
        %dma_start3A_104 = arith.constant 0 : i32
        %dma_start3A_105 = tpu.memref_slice %arg8[%mul3A_75, %dma_start3A_104] : memref<28x128xi32, #tpu.memory_space<vmem>> -> memref<1x128xi32, #tpu.memory_space<vmem>>
        %dma_start3A_106 = tpu.memref_squeeze %dma_start3A_105 : memref<1x128xi32, #tpu.memory_space<vmem>> -> memref<128xi32, #tpu.memory_space<vmem>>
        %dma_start3A_107 = arith.constant 0 : i32
        %dma_start3A_108 = arith.constant 0 : i32
        %dma_start3A_109 = tpu.memref_slice %arg11[%dma_start3A_107, %dma_start3A_108] : memref<10240x128xf32, #tpu.memory_space<vmem_shared>> -> memref<10240x128xf32, #tpu.memory_space<vmem_shared>>
        tpu.enqueue_indirect_dma source(%arg9 : memref<128x128xf32, #tpu.memory_space<vmem>>) target(%dma_start3A_109 : memref<10240x128xf32, #tpu.memory_space<vmem_shared>>) offsets(%dma_start3A_106 : memref<128xi32, #tpu.memory_space<vmem>>) semaphore(%run_scoped3A_103 : memref<!tpu.dma_semaphore, #tpu.memory_space<semaphore_mem>>) {add = true}
        %dma_wait3A_110 = arith.constant 0 : i32
        %dma_wait3A_111 = tpu.memref_slice %arg8[%mul3A_75, %dma_wait3A_110] : memref<28x128xi32, #tpu.memory_space<vmem>> -> memref<1x128xi32, #tpu.memory_space<vmem>>
        %dma_wait3A_112 = tpu.memref_squeeze %dma_wait3A_111 : memref<1x128xi32, #tpu.memory_space<vmem>> -> memref<128xi32, #tpu.memory_space<vmem>>
        %dma_wait3A_113 = arith.constant 0 : i32
        %dma_wait3A_114 = arith.constant 0 : i32
        %dma_wait3A_115 = tpu.memref_slice %arg11[%dma_wait3A_113, %dma_wait3A_114] : memref<10240x128xf32, #tpu.memory_space<vmem_shared>> -> memref<10240x128xf32, #tpu.memory_space<vmem_shared>>
        tpu.wait_indirect_dma semaphore(%run_scoped3A_103 : memref<!tpu.dma_semaphore, #tpu.memory_space<semaphore_mem>>) src(%arg9 : memref<128x128xf32, #tpu.memory_space<vmem>>) dst(%dma_wait3A_115 : memref<10240x128xf32, #tpu.memory_space<vmem_shared>>)
        tpu.yield
      }) : () -> ()
      %add3A_89 = arith.constant 1 : i32
      %add3A_90 = arith.addi %mul3A_75, %add3A_89 : i32
      %dma_wait3A_91 = arith.constant 0 : i32
      %dma_wait3A_92 = tpu.memref_slice %arg7[%add3A_90, %dma_wait3A_91] : memref<28x128xi32, #tpu.memory_space<vmem>> -> memref<1x128xi32, #tpu.memory_space<vmem>>
      %dma_wait3A_93 = tpu.memref_squeeze %dma_wait3A_92 : memref<1x128xi32, #tpu.memory_space<vmem>> -> memref<128xi32, #tpu.memory_space<vmem>>
      %dma_wait3A_94 = arith.constant 0 : i32
      %dma_wait3A_95 = arith.constant 0 : i32
      %dma_wait3A_96 = tpu.memref_slice %arg2[%dma_wait3A_94, %dma_wait3A_95] : memref<10240x128xf32, #tpu.memory_space<hbm>> -> memref<10240x128xf32, #tpu.memory_space<hbm>>
      tpu.wait_indirect_dma semaphore(%arg13 : memref<!tpu.dma_semaphore, #tpu.memory_space<semaphore_mem>>) src(%dma_wait3A_96 : memref<10240x128xf32, #tpu.memory_space<hbm>>) dst(%arg10 : memref<128x128xf32, #tpu.memory_space<vmem>>)
      %add3A_97 = arith.constant 1 : i32
      %add3A_98 = arith.addi %scan3A_73, %add3A_97 : i32
      %lt3A = arith.constant 14 : i32
      %lt3A_99 = arith.cmpi slt, %add3A_98, %lt3A : i32
      %convert_element_type3A = arith.extui %lt3A_99 : i1 to i32
      %cond3A = arith.constant 0 : i32
      %cond3A_100 = arith.cmpi ne, %convert_element_type3A, %cond3A : i32
      scf.if %cond3A_100 {
        %add3A_103 = arith.constant 2 : i32
        %add3A_104 = arith.addi %mul3A_75, %add3A_103 : i32
        %dma_start3A_105 = arith.constant 0 : i32
        %dma_start3A_106 = tpu.memref_slice %arg7[%add3A_104, %dma_start3A_105] : memref<28x128xi32, #tpu.memory_space<vmem>> -> memref<1x128xi32, #tpu.memory_space<vmem>>
        %dma_start3A_107 = tpu.memref_squeeze %dma_start3A_106 : memref<1x128xi32, #tpu.memory_space<vmem>> -> memref<128xi32, #tpu.memory_space<vmem>>
        %dma_start3A_108 = arith.constant 0 : i32
        %dma_start3A_109 = arith.constant 0 : i32
        %dma_start3A_110 = tpu.memref_slice %arg2[%dma_start3A_108, %dma_start3A_109] : memref<10240x128xf32, #tpu.memory_space<hbm>> -> memref<10240x128xf32, #tpu.memory_space<hbm>>
        tpu.enqueue_indirect_dma source(%dma_start3A_110 : memref<10240x128xf32, #tpu.memory_space<hbm>>) target(%arg9 : memref<128x128xf32, #tpu.memory_space<vmem>>) offsets(%dma_start3A_107 : memref<128xi32, #tpu.memory_space<vmem>>) semaphore(%arg12 : memref<!tpu.dma_semaphore, #tpu.memory_space<semaphore_mem>>)
      } else {
      }
      %add3A_101 = arith.constant 1 : i32
      %add3A_102 = arith.addi %mul3A_75, %add3A_101 : i32
      "tpu.region"() ({
        %run_scoped3A_103 = tpu.sem_alloc : memref<!tpu.dma_semaphore, #tpu.memory_space<semaphore_mem>>
        %dma_start3A_104 = arith.constant 0 : i32
        %dma_start3A_105 = tpu.memref_slice %arg8[%add3A_102, %dma_start3A_104] : memref<28x128xi32, #tpu.memory_space<vmem>> -> memref<1x128xi32, #tpu.memory_space<vmem>>
        %dma_start3A_106 = tpu.memref_squeeze %dma_start3A_105 : memref<1x128xi32, #tpu.memory_space<vmem>> -> memref<128xi32, #tpu.memory_space<vmem>>
        %dma_start3A_107 = arith.constant 0 : i32
        %dma_start3A_108 = arith.constant 0 : i32
        %dma_start3A_109 = tpu.memref_slice %arg11[%dma_start3A_107, %dma_start3A_108] : memref<10240x128xf32, #tpu.memory_space<vmem_shared>> -> memref<10240x128xf32, #tpu.memory_space<vmem_shared>>
        tpu.enqueue_indirect_dma source(%arg10 : memref<128x128xf32, #tpu.memory_space<vmem>>) target(%dma_start3A_109 : memref<10240x128xf32, #tpu.memory_space<vmem_shared>>) offsets(%dma_start3A_106 : memref<128xi32, #tpu.memory_space<vmem>>) semaphore(%run_scoped3A_103 : memref<!tpu.dma_semaphore, #tpu.memory_space<semaphore_mem>>) {add = true}
        %dma_wait3A_110 = arith.constant 0 : i32
        %dma_wait3A_111 = tpu.memref_slice %arg8[%add3A_102, %dma_wait3A_110] : memref<28x128xi32, #tpu.memory_space<vmem>> -> memref<1x128xi32, #tpu.memory_space<vmem>>
        %dma_wait3A_112 = tpu.memref_squeeze %dma_wait3A_111 : memref<1x128xi32, #tpu.memory_space<vmem>> -> memref<128xi32, #tpu.memory_space<vmem>>
        %dma_wait3A_113 = arith.constant 0 : i32
        %dma_wait3A_114 = arith.constant 0 : i32
        %dma_wait3A_115 = tpu.memref_slice %arg11[%dma_wait3A_113, %dma_wait3A_114] : memref<10240x128xf32, #tpu.memory_space<vmem_shared>> -> memref<10240x128xf32, #tpu.memory_space<vmem_shared>>
        tpu.wait_indirect_dma semaphore(%run_scoped3A_103 : memref<!tpu.dma_semaphore, #tpu.memory_space<semaphore_mem>>) src(%arg10 : memref<128x128xf32, #tpu.memory_space<vmem>>) dst(%dma_wait3A_115 : memref<10240x128xf32, #tpu.memory_space<vmem_shared>>)
        tpu.yield
      }) : () -> ()
    }
    %scan3A_36 = arith.constant 14 : i32
    %run_scoped3A_37 = arith.constant 2 : i32
    "tpu.region"() ({
      %run_scoped3A_73 = tpu.sem_alloc : memref<!tpu.dma_semaphore, #tpu.memory_space<semaphore_mem>>
      %dma_start3A_74 = arith.constant 0 : i32
      %dma_start3A_75 = arith.constant 0 : i32
      %dma_start3A_76 = tpu.memref_slice %arg3[%arg0, %arg1, %run_scoped3A_37, %dma_start3A_74, %dma_start3A_75] : memref<2x16x3x28x128xi32, #tpu.memory_space<hbm>> -> memref<1x1x1x28x128xi32, #tpu.memory_space<hbm>>
      %dma_start3A_77 = tpu.memref_squeeze %dma_start3A_76 : memref<1x1x1x28x128xi32, #tpu.memory_space<hbm>> -> memref<28x128xi32, #tpu.memory_space<hbm>>
      %dma_start3A_78 = arith.constant 0 : i32
      %dma_start3A_79 = arith.constant 0 : i32
      %dma_start3A_80 = tpu.memref_slice %arg3[%arg0, %arg1, %run_scoped3A_37, %dma_start3A_78, %dma_start3A_79] : memref<2x16x3x28x128xi32, #tpu.memory_space<hbm>> -> memref<1x1x1x28x128xi32, #tpu.memory_space<hbm>>
      %dma_start3A_81 = tpu.memref_squeeze %dma_start3A_80 : memref<1x1x1x28x128xi32, #tpu.memory_space<hbm>> -> memref<28x128xi32, #tpu.memory_space<hbm>>
      tpu.enqueue_dma source(%dma_start3A_81 : memref<28x128xi32, #tpu.memory_space<hbm>>) target(%arg7 : memref<28x128xi32, #tpu.memory_space<vmem>>) target_semaphore(%run_scoped3A_73 : memref<!tpu.dma_semaphore, #tpu.memory_space<semaphore_mem>>)
      %dma_wait3A = arith.constant 0 : i32
      %dma_wait3A_82 = arith.constant 0 : i32
      %dma_wait3A_83 = tpu.memref_slice %arg3[%arg0, %arg1, %run_scoped3A_37, %dma_wait3A, %dma_wait3A_82] : memref<2x16x3x28x128xi32, #tpu.memory_space<hbm>> -> memref<1x1x1x28x128xi32, #tpu.memory_space<hbm>>
      %dma_wait3A_84 = tpu.memref_squeeze %dma_wait3A_83 : memref<1x1x1x28x128xi32, #tpu.memory_space<hbm>> -> memref<28x128xi32, #tpu.memory_space<hbm>>
      %dma_wait3A_85 = arith.constant 0 : i32
      %dma_wait3A_86 = arith.constant 0 : i32
      %dma_wait3A_87 = tpu.memref_slice %arg3[%arg0, %arg1, %run_scoped3A_37, %dma_wait3A_85, %dma_wait3A_86] : memref<2x16x3x28x128xi32, #tpu.memory_space<hbm>> -> memref<1x1x1x28x128xi32, #tpu.memory_space<hbm>>
      %dma_wait3A_88 = tpu.memref_squeeze %dma_wait3A_87 : memref<1x1x1x28x128xi32, #tpu.memory_space<hbm>> -> memref<28x128xi32, #tpu.memory_space<hbm>>
      tpu.wait_dma2 semaphore(%run_scoped3A_73 : memref<!tpu.dma_semaphore, #tpu.memory_space<semaphore_mem>>) src(%dma_wait3A_88 : memref<28x128xi32, #tpu.memory_space<hbm>>) dst(%arg7 : memref<28x128xi32, #tpu.memory_space<vmem>>)
      tpu.yield
    }) : () -> ()
    %run_scoped3A_38 = arith.constant 2 : i32
    "tpu.region"() ({
      %run_scoped3A_73 = tpu.sem_alloc : memref<!tpu.dma_semaphore, #tpu.memory_space<semaphore_mem>>
      %dma_start3A_74 = arith.constant 0 : i32
      %dma_start3A_75 = arith.constant 0 : i32
      %dma_start3A_76 = tpu.memref_slice %arg4[%arg0, %arg1, %run_scoped3A_38, %dma_start3A_74, %dma_start3A_75] : memref<2x16x3x28x128xi32, #tpu.memory_space<hbm>> -> memref<1x1x1x28x128xi32, #tpu.memory_space<hbm>>
      %dma_start3A_77 = tpu.memref_squeeze %dma_start3A_76 : memref<1x1x1x28x128xi32, #tpu.memory_space<hbm>> -> memref<28x128xi32, #tpu.memory_space<hbm>>
      %dma_start3A_78 = arith.constant 0 : i32
      %dma_start3A_79 = arith.constant 0 : i32
      %dma_start3A_80 = tpu.memref_slice %arg4[%arg0, %arg1, %run_scoped3A_38, %dma_start3A_78, %dma_start3A_79] : memref<2x16x3x28x128xi32, #tpu.memory_space<hbm>> -> memref<1x1x1x28x128xi32, #tpu.memory_space<hbm>>
      %dma_start3A_81 = tpu.memref_squeeze %dma_start3A_80 : memref<1x1x1x28x128xi32, #tpu.memory_space<hbm>> -> memref<28x128xi32, #tpu.memory_space<hbm>>
      tpu.enqueue_dma source(%dma_start3A_81 : memref<28x128xi32, #tpu.memory_space<hbm>>) target(%arg8 : memref<28x128xi32, #tpu.memory_space<vmem>>) target_semaphore(%run_scoped3A_73 : memref<!tpu.dma_semaphore, #tpu.memory_space<semaphore_mem>>)
      %dma_wait3A = arith.constant 0 : i32
      %dma_wait3A_82 = arith.constant 0 : i32
      %dma_wait3A_83 = tpu.memref_slice %arg4[%arg0, %arg1, %run_scoped3A_38, %dma_wait3A, %dma_wait3A_82] : memref<2x16x3x28x128xi32, #tpu.memory_space<hbm>> -> memref<1x1x1x28x128xi32, #tpu.memory_space<hbm>>
      %dma_wait3A_84 = tpu.memref_squeeze %dma_wait3A_83 : memref<1x1x1x28x128xi32, #tpu.memory_space<hbm>> -> memref<28x128xi32, #tpu.memory_space<hbm>>
      %dma_wait3A_85 = arith.constant 0 : i32
      %dma_wait3A_86 = arith.constant 0 : i32
      %dma_wait3A_87 = tpu.memref_slice %arg4[%arg0, %arg1, %run_scoped3A_38, %dma_wait3A_85, %dma_wait3A_86] : memref<2x16x3x28x128xi32, #tpu.memory_space<hbm>> -> memref<1x1x1x28x128xi32, #tpu.memory_space<hbm>>
      %dma_wait3A_88 = tpu.memref_squeeze %dma_wait3A_87 : memref<1x1x1x28x128xi32, #tpu.memory_space<hbm>> -> memref<28x128xi32, #tpu.memory_space<hbm>>
      tpu.wait_dma2 semaphore(%run_scoped3A_73 : memref<!tpu.dma_semaphore, #tpu.memory_space<semaphore_mem>>) src(%dma_wait3A_88 : memref<28x128xi32, #tpu.memory_space<hbm>>) dst(%arg8 : memref<28x128xi32, #tpu.memory_space<vmem>>)
      tpu.yield
    }) : () -> ()
    %dma_start3A_39 = arith.constant 0 : i32
    %dma_start3A_40 = arith.constant 0 : i32
    %dma_start3A_41 = tpu.memref_slice %arg7[%dma_start3A_39, %dma_start3A_40] : memref<28x128xi32, #tpu.memory_space<vmem>> -> memref<1x128xi32, #tpu.memory_space<vmem>>
    %dma_start3A_42 = tpu.memref_squeeze %dma_start3A_41 : memref<1x128xi32, #tpu.memory_space<vmem>> -> memref<128xi32, #tpu.memory_space<vmem>>
    %dma_start3A_43 = arith.constant 0 : i32
    %dma_start3A_44 = arith.constant 0 : i32
    %dma_start3A_45 = tpu.memref_slice %arg2[%dma_start3A_43, %dma_start3A_44] : memref<10240x128xf32, #tpu.memory_space<hbm>> -> memref<10240x128xf32, #tpu.memory_space<hbm>>
    tpu.enqueue_indirect_dma source(%dma_start3A_45 : memref<10240x128xf32, #tpu.memory_space<hbm>>) target(%arg9 : memref<128x128xf32, #tpu.memory_space<vmem>>) offsets(%dma_start3A_42 : memref<128xi32, #tpu.memory_space<vmem>>) semaphore(%arg12 : memref<!tpu.dma_semaphore, #tpu.memory_space<semaphore_mem>>)
    %scan3A_46 = arith.constant 0 : i32
    %scan3A_47 = arith.constant 0 : i32
    %scan3A_48 = arith.constant 14 : i32
    %scan3A_49 = arith.addi %scan3A_47, %scan3A_48 : i32
    %scan3A_50 = arith.constant 1 : i32
    scf.for %scan3A_73 = %scan3A_47 to %scan3A_49 step %scan3A_50  : i32 {
      %mul3A_74 = arith.constant 2 : i32
      %mul3A_75 = arith.muli %scan3A_73, %mul3A_74 : i32
      %dma_wait3A = arith.constant 0 : i32
      %dma_wait3A_76 = tpu.memref_slice %arg7[%mul3A_75, %dma_wait3A] : memref<28x128xi32, #tpu.memory_space<vmem>> -> memref<1x128xi32, #tpu.memory_space<vmem>>
      %dma_wait3A_77 = tpu.memref_squeeze %dma_wait3A_76 : memref<1x128xi32, #tpu.memory_space<vmem>> -> memref<128xi32, #tpu.memory_space<vmem>>
      %dma_wait3A_78 = arith.constant 0 : i32
      %dma_wait3A_79 = arith.constant 0 : i32
      %dma_wait3A_80 = tpu.memref_slice %arg2[%dma_wait3A_78, %dma_wait3A_79] : memref<10240x128xf32, #tpu.memory_space<hbm>> -> memref<10240x128xf32, #tpu.memory_space<hbm>>
      tpu.wait_indirect_dma semaphore(%arg12 : memref<!tpu.dma_semaphore, #tpu.memory_space<semaphore_mem>>) src(%dma_wait3A_80 : memref<10240x128xf32, #tpu.memory_space<hbm>>) dst(%arg9 : memref<128x128xf32, #tpu.memory_space<vmem>>)
      %add3A_81 = arith.constant 1 : i32
      %add3A_82 = arith.addi %mul3A_75, %add3A_81 : i32
      %dma_start3A_83 = arith.constant 0 : i32
      %dma_start3A_84 = tpu.memref_slice %arg7[%add3A_82, %dma_start3A_83] : memref<28x128xi32, #tpu.memory_space<vmem>> -> memref<1x128xi32, #tpu.memory_space<vmem>>
      %dma_start3A_85 = tpu.memref_squeeze %dma_start3A_84 : memref<1x128xi32, #tpu.memory_space<vmem>> -> memref<128xi32, #tpu.memory_space<vmem>>
      %dma_start3A_86 = arith.constant 0 : i32
      %dma_start3A_87 = arith.constant 0 : i32
      %dma_start3A_88 = tpu.memref_slice %arg2[%dma_start3A_86, %dma_start3A_87] : memref<10240x128xf32, #tpu.memory_space<hbm>> -> memref<10240x128xf32, #tpu.memory_space<hbm>>
      tpu.enqueue_indirect_dma source(%dma_start3A_88 : memref<10240x128xf32, #tpu.memory_space<hbm>>) target(%arg10 : memref<128x128xf32, #tpu.memory_space<vmem>>) offsets(%dma_start3A_85 : memref<128xi32, #tpu.memory_space<vmem>>) semaphore(%arg13 : memref<!tpu.dma_semaphore, #tpu.memory_space<semaphore_mem>>)
      "tpu.region"() ({
        %run_scoped3A_103 = tpu.sem_alloc : memref<!tpu.dma_semaphore, #tpu.memory_space<semaphore_mem>>
        %dma_start3A_104 = arith.constant 0 : i32
        %dma_start3A_105 = tpu.memref_slice %arg8[%mul3A_75, %dma_start3A_104] : memref<28x128xi32, #tpu.memory_space<vmem>> -> memref<1x128xi32, #tpu.memory_space<vmem>>
        %dma_start3A_106 = tpu.memref_squeeze %dma_start3A_105 : memref<1x128xi32, #tpu.memory_space<vmem>> -> memref<128xi32, #tpu.memory_space<vmem>>
        %dma_start3A_107 = arith.constant 0 : i32
        %dma_start3A_108 = arith.constant 0 : i32
        %dma_start3A_109 = tpu.memref_slice %arg11[%dma_start3A_107, %dma_start3A_108] : memref<10240x128xf32, #tpu.memory_space<vmem_shared>> -> memref<10240x128xf32, #tpu.memory_space<vmem_shared>>
        tpu.enqueue_indirect_dma source(%arg9 : memref<128x128xf32, #tpu.memory_space<vmem>>) target(%dma_start3A_109 : memref<10240x128xf32, #tpu.memory_space<vmem_shared>>) offsets(%dma_start3A_106 : memref<128xi32, #tpu.memory_space<vmem>>) semaphore(%run_scoped3A_103 : memref<!tpu.dma_semaphore, #tpu.memory_space<semaphore_mem>>) {add = true}
        %dma_wait3A_110 = arith.constant 0 : i32
        %dma_wait3A_111 = tpu.memref_slice %arg8[%mul3A_75, %dma_wait3A_110] : memref<28x128xi32, #tpu.memory_space<vmem>> -> memref<1x128xi32, #tpu.memory_space<vmem>>
        %dma_wait3A_112 = tpu.memref_squeeze %dma_wait3A_111 : memref<1x128xi32, #tpu.memory_space<vmem>> -> memref<128xi32, #tpu.memory_space<vmem>>
        %dma_wait3A_113 = arith.constant 0 : i32
        %dma_wait3A_114 = arith.constant 0 : i32
        %dma_wait3A_115 = tpu.memref_slice %arg11[%dma_wait3A_113, %dma_wait3A_114] : memref<10240x128xf32, #tpu.memory_space<vmem_shared>> -> memref<10240x128xf32, #tpu.memory_space<vmem_shared>>
        tpu.wait_indirect_dma semaphore(%run_scoped3A_103 : memref<!tpu.dma_semaphore, #tpu.memory_space<semaphore_mem>>) src(%arg9 : memref<128x128xf32, #tpu.memory_space<vmem>>) dst(%dma_wait3A_115 : memref<10240x128xf32, #tpu.memory_space<vmem_shared>>)
        tpu.yield
      }) : () -> ()
      %add3A_89 = arith.constant 1 : i32
      %add3A_90 = arith.addi %mul3A_75, %add3A_89 : i32
      %dma_wait3A_91 = arith.constant 0 : i32
      %dma_wait3A_92 = tpu.memref_slice %arg7[%add3A_90, %dma_wait3A_91] : memref<28x128xi32, #tpu.memory_space<vmem>> -> memref<1x128xi32, #tpu.memory_space<vmem>>
      %dma_wait3A_93 = tpu.memref_squeeze %dma_wait3A_92 : memref<1x128xi32, #tpu.memory_space<vmem>> -> memref<128xi32, #tpu.memory_space<vmem>>
      %dma_wait3A_94 = arith.constant 0 : i32
      %dma_wait3A_95 = arith.constant 0 : i32
      %dma_wait3A_96 = tpu.memref_slice %arg2[%dma_wait3A_94, %dma_wait3A_95] : memref<10240x128xf32, #tpu.memory_space<hbm>> -> memref<10240x128xf32, #tpu.memory_space<hbm>>
      tpu.wait_indirect_dma semaphore(%arg13 : memref<!tpu.dma_semaphore, #tpu.memory_space<semaphore_mem>>) src(%dma_wait3A_96 : memref<10240x128xf32, #tpu.memory_space<hbm>>) dst(%arg10 : memref<128x128xf32, #tpu.memory_space<vmem>>)
      %add3A_97 = arith.constant 1 : i32
      %add3A_98 = arith.addi %scan3A_73, %add3A_97 : i32
      %lt3A = arith.constant 14 : i32
      %lt3A_99 = arith.cmpi slt, %add3A_98, %lt3A : i32
      %convert_element_type3A = arith.extui %lt3A_99 : i1 to i32
      %cond3A = arith.constant 0 : i32
      %cond3A_100 = arith.cmpi ne, %convert_element_type3A, %cond3A : i32
      scf.if %cond3A_100 {
        %add3A_103 = arith.constant 2 : i32
        %add3A_104 = arith.addi %mul3A_75, %add3A_103 : i32
        %dma_start3A_105 = arith.constant 0 : i32
        %dma_start3A_106 = tpu.memref_slice %arg7[%add3A_104, %dma_start3A_105] : memref<28x128xi32, #tpu.memory_space<vmem>> -> memref<1x128xi32, #tpu.memory_space<vmem>>
        %dma_start3A_107 = tpu.memref_squeeze %dma_start3A_106 : memref<1x128xi32, #tpu.memory_space<vmem>> -> memref<128xi32, #tpu.memory_space<vmem>>
        %dma_start3A_108 = arith.constant 0 : i32
        %dma_start3A_109 = arith.constant 0 : i32
        %dma_start3A_110 = tpu.memref_slice %arg2[%dma_start3A_108, %dma_start3A_109] : memref<10240x128xf32, #tpu.memory_space<hbm>> -> memref<10240x128xf32, #tpu.memory_space<hbm>>
        tpu.enqueue_indirect_dma source(%dma_start3A_110 : memref<10240x128xf32, #tpu.memory_space<hbm>>) target(%arg9 : memref<128x128xf32, #tpu.memory_space<vmem>>) offsets(%dma_start3A_107 : memref<128xi32, #tpu.memory_space<vmem>>) semaphore(%arg12 : memref<!tpu.dma_semaphore, #tpu.memory_space<semaphore_mem>>)
      } else {
      }
      %add3A_101 = arith.constant 1 : i32
      %add3A_102 = arith.addi %mul3A_75, %add3A_101 : i32
      "tpu.region"() ({
        %run_scoped3A_103 = tpu.sem_alloc : memref<!tpu.dma_semaphore, #tpu.memory_space<semaphore_mem>>
        %dma_start3A_104 = arith.constant 0 : i32
        %dma_start3A_105 = tpu.memref_slice %arg8[%add3A_102, %dma_start3A_104] : memref<28x128xi32, #tpu.memory_space<vmem>> -> memref<1x128xi32, #tpu.memory_space<vmem>>
        %dma_start3A_106 = tpu.memref_squeeze %dma_start3A_105 : memref<1x128xi32, #tpu.memory_space<vmem>> -> memref<128xi32, #tpu.memory_space<vmem>>
        %dma_start3A_107 = arith.constant 0 : i32
        %dma_start3A_108 = arith.constant 0 : i32
        %dma_start3A_109 = tpu.memref_slice %arg11[%dma_start3A_107, %dma_start3A_108] : memref<10240x128xf32, #tpu.memory_space<vmem_shared>> -> memref<10240x128xf32, #tpu.memory_space<vmem_shared>>
        tpu.enqueue_indirect_dma source(%arg10 : memref<128x128xf32, #tpu.memory_space<vmem>>) target(%dma_start3A_109 : memref<10240x128xf32, #tpu.memory_space<vmem_shared>>) offsets(%dma_start3A_106 : memref<128xi32, #tpu.memory_space<vmem>>) semaphore(%run_scoped3A_103 : memref<!tpu.dma_semaphore, #tpu.memory_space<semaphore_mem>>) {add = true}
        %dma_wait3A_110 = arith.constant 0 : i32
        %dma_wait3A_111 = tpu.memref_slice %arg8[%add3A_102, %dma_wait3A_110] : memref<28x128xi32, #tpu.memory_space<vmem>> -> memref<1x128xi32, #tpu.memory_space<vmem>>
        %dma_wait3A_112 = tpu.memref_squeeze %dma_wait3A_111 : memref<1x128xi32, #tpu.memory_space<vmem>> -> memref<128xi32, #tpu.memory_space<vmem>>
        %dma_wait3A_113 = arith.constant 0 : i32
        %dma_wait3A_114 = arith.constant 0 : i32
        %dma_wait3A_115 = tpu.memref_slice %arg11[%dma_wait3A_113, %dma_wait3A_114] : memref<10240x128xf32, #tpu.memory_space<vmem_shared>> -> memref<10240x128xf32, #tpu.memory_space<vmem_shared>>
        tpu.wait_indirect_dma semaphore(%run_scoped3A_103 : memref<!tpu.dma_semaphore, #tpu.memory_space<semaphore_mem>>) src(%arg10 : memref<128x128xf32, #tpu.memory_space<vmem>>) dst(%dma_wait3A_115 : memref<10240x128xf32, #tpu.memory_space<vmem_shared>>)
        tpu.yield
      }) : () -> ()
    }
    %scan3A_51 = arith.constant 14 : i32
    %barrier3A_52 = arith.constant 0 : index
    tpu.barrier barrier_id(%barrier3A_52)
    %add3A_53 = arith.constant 0 : i32
    %add3A_54 = arith.addi %mul3A_0, %add3A_53 : i32
    "tpu.region"() ({
      %run_scoped3A_73 = tpu.sem_alloc : memref<!tpu.dma_semaphore, #tpu.memory_space<semaphore_mem>>
      %dma_start3A_74 = arith.constant 0 : i32
      %dma_start3A_75 = tpu.memref_slice %arg11[%add3A_54, %dma_start3A_74] : memref<10240x128xf32, #tpu.memory_space<vmem_shared>> -> memref<128x128xf32, #tpu.memory_space<vmem_shared>>
      %dma_start3A_76 = arith.constant 0 : i32
      %dma_start3A_77 = tpu.memref_slice %arg11[%add3A_54, %dma_start3A_76] : memref<10240x128xf32, #tpu.memory_space<vmem_shared>> -> memref<128x128xf32, #tpu.memory_space<vmem_shared>>
      tpu.enqueue_dma source(%dma_start3A_77 : memref<128x128xf32, #tpu.memory_space<vmem_shared>>) target(%arg9 : memref<128x128xf32, #tpu.memory_space<vmem>>) target_semaphore(%run_scoped3A_73 : memref<!tpu.dma_semaphore, #tpu.memory_space<semaphore_mem>>)
      %dma_wait3A = arith.constant 0 : i32
      %dma_wait3A_78 = tpu.memref_slice %arg11[%add3A_54, %dma_wait3A] : memref<10240x128xf32, #tpu.memory_space<vmem_shared>> -> memref<128x128xf32, #tpu.memory_space<vmem_shared>>
      %dma_wait3A_79 = arith.constant 0 : i32
      %dma_wait3A_80 = tpu.memref_slice %arg11[%add3A_54, %dma_wait3A_79] : memref<10240x128xf32, #tpu.memory_space<vmem_shared>> -> memref<128x128xf32, #tpu.memory_space<vmem_shared>>
      tpu.wait_dma2 semaphore(%run_scoped3A_73 : memref<!tpu.dma_semaphore, #tpu.memory_space<semaphore_mem>>) src(%dma_wait3A_80 : memref<128x128xf32, #tpu.memory_space<vmem_shared>>) dst(%arg9 : memref<128x128xf32, #tpu.memory_space<vmem>>)
      tpu.yield
    }) : () -> ()
    %add3A_55 = arith.constant 0 : i32
    %add3A_56 = arith.addi %mul3A_0, %add3A_55 : i32
    "tpu.region"() ({
      %run_scoped3A_73 = tpu.sem_alloc : memref<!tpu.dma_semaphore, #tpu.memory_space<semaphore_mem>>
      %dma_start3A_74 = arith.constant 0 : i32
      %dma_start3A_75 = tpu.memref_slice %arg6[%arg0, %add3A_56, %dma_start3A_74] : memref<2x10240x128xf32, #tpu.memory_space<hbm>> -> memref<1x128x128xf32, #tpu.memory_space<hbm>>
      %dma_start3A_76 = tpu.memref_squeeze %dma_start3A_75 : memref<1x128x128xf32, #tpu.memory_space<hbm>> -> memref<128x128xf32, #tpu.memory_space<hbm>>
      %dma_start3A_77 = arith.constant 0 : i32
      %dma_start3A_78 = tpu.memref_slice %arg6[%arg0, %add3A_56, %dma_start3A_77] : memref<2x10240x128xf32, #tpu.memory_space<hbm>> -> memref<1x128x128xf32, #tpu.memory_space<hbm>>
      %dma_start3A_79 = tpu.memref_squeeze %dma_start3A_78 : memref<1x128x128xf32, #tpu.memory_space<hbm>> -> memref<128x128xf32, #tpu.memory_space<hbm>>
      tpu.enqueue_dma source(%arg9 : memref<128x128xf32, #tpu.memory_space<vmem>>) target(%dma_start3A_79 : memref<128x128xf32, #tpu.memory_space<hbm>>) target_semaphore(%run_scoped3A_73 : memref<!tpu.dma_semaphore, #tpu.memory_space<semaphore_mem>>)
      %dma_wait3A = arith.constant 0 : i32
      %dma_wait3A_80 = tpu.memref_slice %arg6[%arg0, %add3A_56, %dma_wait3A] : memref<2x10240x128xf32, #tpu.memory_space<hbm>> -> memref<1x128x128xf32, #tpu.memory_space<hbm>>
      %dma_wait3A_81 = tpu.memref_squeeze %dma_wait3A_80 : memref<1x128x128xf32, #tpu.memory_space<hbm>> -> memref<128x128xf32, #tpu.memory_space<hbm>>
      %dma_wait3A_82 = arith.constant 0 : i32
      %dma_wait3A_83 = tpu.memref_slice %arg6[%arg0, %add3A_56, %dma_wait3A_82] : memref<2x10240x128xf32, #tpu.memory_space<hbm>> -> memref<1x128x128xf32, #tpu.memory_space<hbm>>
      %dma_wait3A_84 = tpu.memref_squeeze %dma_wait3A_83 : memref<1x128x128xf32, #tpu.memory_space<hbm>> -> memref<128x128xf32, #tpu.memory_space<hbm>>
      tpu.wait_dma2 semaphore(%run_scoped3A_73 : memref<!tpu.dma_semaphore, #tpu.memory_space<semaphore_mem>>) src(%arg9 : memref<128x128xf32, #tpu.memory_space<vmem>>) dst(%dma_wait3A_84 : memref<128x128xf32, #tpu.memory_space<hbm>>)
      tpu.yield
    }) : () -> ()
    %add3A_57 = arith.constant 128 : i32
    %add3A_58 = arith.addi %mul3A_0, %add3A_57 : i32
    "tpu.region"() ({
      %run_scoped3A_73 = tpu.sem_alloc : memref<!tpu.dma_semaphore, #tpu.memory_space<semaphore_mem>>
      %dma_start3A_74 = arith.constant 0 : i32
      %dma_start3A_75 = tpu.memref_slice %arg11[%add3A_58, %dma_start3A_74] : memref<10240x128xf32, #tpu.memory_space<vmem_shared>> -> memref<128x128xf32, #tpu.memory_space<vmem_shared>>
      %dma_start3A_76 = arith.constant 0 : i32
      %dma_start3A_77 = tpu.memref_slice %arg11[%add3A_58, %dma_start3A_76] : memref<10240x128xf32, #tpu.memory_space<vmem_shared>> -> memref<128x128xf32, #tpu.memory_space<vmem_shared>>
      tpu.enqueue_dma source(%dma_start3A_77 : memref<128x128xf32, #tpu.memory_space<vmem_shared>>) target(%arg9 : memref<128x128xf32, #tpu.memory_space<vmem>>) target_semaphore(%run_scoped3A_73 : memref<!tpu.dma_semaphore, #tpu.memory_space<semaphore_mem>>)
      %dma_wait3A = arith.constant 0 : i32
      %dma_wait3A_78 = tpu.memref_slice %arg11[%add3A_58, %dma_wait3A] : memref<10240x128xf32, #tpu.memory_space<vmem_shared>> -> memref<128x128xf32, #tpu.memory_space<vmem_shared>>
      %dma_wait3A_79 = arith.constant 0 : i32
      %dma_wait3A_80 = tpu.memref_slice %arg11[%add3A_58, %dma_wait3A_79] : memref<10240x128xf32, #tpu.memory_space<vmem_shared>> -> memref<128x128xf32, #tpu.memory_space<vmem_shared>>
      tpu.wait_dma2 semaphore(%run_scoped3A_73 : memref<!tpu.dma_semaphore, #tpu.memory_space<semaphore_mem>>) src(%dma_wait3A_80 : memref<128x128xf32, #tpu.memory_space<vmem_shared>>) dst(%arg9 : memref<128x128xf32, #tpu.memory_space<vmem>>)
      tpu.yield
    }) : () -> ()
    %add3A_59 = arith.constant 128 : i32
    %add3A_60 = arith.addi %mul3A_0, %add3A_59 : i32
    "tpu.region"() ({
      %run_scoped3A_73 = tpu.sem_alloc : memref<!tpu.dma_semaphore, #tpu.memory_space<semaphore_mem>>
      %dma_start3A_74 = arith.constant 0 : i32
      %dma_start3A_75 = tpu.memref_slice %arg6[%arg0, %add3A_60, %dma_start3A_74] : memref<2x10240x128xf32, #tpu.memory_space<hbm>> -> memref<1x128x128xf32, #tpu.memory_space<hbm>>
      %dma_start3A_76 = tpu.memref_squeeze %dma_start3A_75 : memref<1x128x128xf32, #tpu.memory_space<hbm>> -> memref<128x128xf32, #tpu.memory_space<hbm>>
      %dma_start3A_77 = arith.constant 0 : i32
      %dma_start3A_78 = tpu.memref_slice %arg6[%arg0, %add3A_60, %dma_start3A_77] : memref<2x10240x128xf32, #tpu.memory_space<hbm>> -> memref<1x128x128xf32, #tpu.memory_space<hbm>>
      %dma_start3A_79 = tpu.memref_squeeze %dma_start3A_78 : memref<1x128x128xf32, #tpu.memory_space<hbm>> -> memref<128x128xf32, #tpu.memory_space<hbm>>
      tpu.enqueue_dma source(%arg9 : memref<128x128xf32, #tpu.memory_space<vmem>>) target(%dma_start3A_79 : memref<128x128xf32, #tpu.memory_space<hbm>>) target_semaphore(%run_scoped3A_73 : memref<!tpu.dma_semaphore, #tpu.memory_space<semaphore_mem>>)
      %dma_wait3A = arith.constant 0 : i32
      %dma_wait3A_80 = tpu.memref_slice %arg6[%arg0, %add3A_60, %dma_wait3A] : memref<2x10240x128xf32, #tpu.memory_space<hbm>> -> memref<1x128x128xf32, #tpu.memory_space<hbm>>
      %dma_wait3A_81 = tpu.memref_squeeze %dma_wait3A_80 : memref<1x128x128xf32, #tpu.memory_space<hbm>> -> memref<128x128xf32, #tpu.memory_space<hbm>>
      %dma_wait3A_82 = arith.constant 0 : i32
      %dma_wait3A_83 = tpu.memref_slice %arg6[%arg0, %add3A_60, %dma_wait3A_82] : memref<2x10240x128xf32, #tpu.memory_space<hbm>> -> memref<1x128x128xf32, #tpu.memory_space<hbm>>
      %dma_wait3A_84 = tpu.memref_squeeze %dma_wait3A_83 : memref<1x128x128xf32, #tpu.memory_space<hbm>> -> memref<128x128xf32, #tpu.memory_space<hbm>>
      tpu.wait_dma2 semaphore(%run_scoped3A_73 : memref<!tpu.dma_semaphore, #tpu.memory_space<semaphore_mem>>) src(%arg9 : memref<128x128xf32, #tpu.memory_space<vmem>>) dst(%dma_wait3A_84 : memref<128x128xf32, #tpu.memory_space<hbm>>)
      tpu.yield
    }) : () -> ()
    %add3A_61 = arith.constant 256 : i32
    %add3A_62 = arith.addi %mul3A_0, %add3A_61 : i32
    "tpu.region"() ({
      %run_scoped3A_73 = tpu.sem_alloc : memref<!tpu.dma_semaphore, #tpu.memory_space<semaphore_mem>>
      %dma_start3A_74 = arith.constant 0 : i32
      %dma_start3A_75 = tpu.memref_slice %arg11[%add3A_62, %dma_start3A_74] : memref<10240x128xf32, #tpu.memory_space<vmem_shared>> -> memref<128x128xf32, #tpu.memory_space<vmem_shared>>
      %dma_start3A_76 = arith.constant 0 : i32
      %dma_start3A_77 = tpu.memref_slice %arg11[%add3A_62, %dma_start3A_76] : memref<10240x128xf32, #tpu.memory_space<vmem_shared>> -> memref<128x128xf32, #tpu.memory_space<vmem_shared>>
      tpu.enqueue_dma source(%dma_start3A_77 : memref<128x128xf32, #tpu.memory_space<vmem_shared>>) target(%arg9 : memref<128x128xf32, #tpu.memory_space<vmem>>) target_semaphore(%run_scoped3A_73 : memref<!tpu.dma_semaphore, #tpu.memory_space<semaphore_mem>>)
      %dma_wait3A = arith.constant 0 : i32
      %dma_wait3A_78 = tpu.memref_slice %arg11[%add3A_62, %dma_wait3A] : memref<10240x128xf32, #tpu.memory_space<vmem_shared>> -> memref<128x128xf32, #tpu.memory_space<vmem_shared>>
      %dma_wait3A_79 = arith.constant 0 : i32
      %dma_wait3A_80 = tpu.memref_slice %arg11[%add3A_62, %dma_wait3A_79] : memref<10240x128xf32, #tpu.memory_space<vmem_shared>> -> memref<128x128xf32, #tpu.memory_space<vmem_shared>>
      tpu.wait_dma2 semaphore(%run_scoped3A_73 : memref<!tpu.dma_semaphore, #tpu.memory_space<semaphore_mem>>) src(%dma_wait3A_80 : memref<128x128xf32, #tpu.memory_space<vmem_shared>>) dst(%arg9 : memref<128x128xf32, #tpu.memory_space<vmem>>)
      tpu.yield
    }) : () -> ()
    %add3A_63 = arith.constant 256 : i32
    %add3A_64 = arith.addi %mul3A_0, %add3A_63 : i32
    "tpu.region"() ({
      %run_scoped3A_73 = tpu.sem_alloc : memref<!tpu.dma_semaphore, #tpu.memory_space<semaphore_mem>>
      %dma_start3A_74 = arith.constant 0 : i32
      %dma_start3A_75 = tpu.memref_slice %arg6[%arg0, %add3A_64, %dma_start3A_74] : memref<2x10240x128xf32, #tpu.memory_space<hbm>> -> memref<1x128x128xf32, #tpu.memory_space<hbm>>
      %dma_start3A_76 = tpu.memref_squeeze %dma_start3A_75 : memref<1x128x128xf32, #tpu.memory_space<hbm>> -> memref<128x128xf32, #tpu.memory_space<hbm>>
      %dma_start3A_77 = arith.constant 0 : i32
      %dma_start3A_78 = tpu.memref_slice %arg6[%arg0, %add3A_64, %dma_start3A_77] : memref<2x10240x128xf32, #tpu.memory_space<hbm>> -> memref<1x128x128xf32, #tpu.memory_space<hbm>>
      %dma_start3A_79 = tpu.memref_squeeze %dma_start3A_78 : memref<1x128x128xf32, #tpu.memory_space<hbm>> -> memref<128x128xf32, #tpu.memory_space<hbm>>
      tpu.enqueue_dma source(%arg9 : memref<128x128xf32, #tpu.memory_space<vmem>>) target(%dma_start3A_79 : memref<128x128xf32, #tpu.memory_space<hbm>>) target_semaphore(%run_scoped3A_73 : memref<!tpu.dma_semaphore, #tpu.memory_space<semaphore_mem>>)
      %dma_wait3A = arith.constant 0 : i32
      %dma_wait3A_80 = tpu.memref_slice %arg6[%arg0, %add3A_64, %dma_wait3A] : memref<2x10240x128xf32, #tpu.memory_space<hbm>> -> memref<1x128x128xf32, #tpu.memory_space<hbm>>
      %dma_wait3A_81 = tpu.memref_squeeze %dma_wait3A_80 : memref<1x128x128xf32, #tpu.memory_space<hbm>> -> memref<128x128xf32, #tpu.memory_space<hbm>>
      %dma_wait3A_82 = arith.constant 0 : i32
      %dma_wait3A_83 = tpu.memref_slice %arg6[%arg0, %add3A_64, %dma_wait3A_82] : memref<2x10240x128xf32, #tpu.memory_space<hbm>> -> memref<1x128x128xf32, #tpu.memory_space<hbm>>
      %dma_wait3A_84 = tpu.memref_squeeze %dma_wait3A_83 : memref<1x128x128xf32, #tpu.memory_space<hbm>> -> memref<128x128xf32, #tpu.memory_space<hbm>>
      tpu.wait_dma2 semaphore(%run_scoped3A_73 : memref<!tpu.dma_semaphore, #tpu.memory_space<semaphore_mem>>) src(%arg9 : memref<128x128xf32, #tpu.memory_space<vmem>>) dst(%dma_wait3A_84 : memref<128x128xf32, #tpu.memory_space<hbm>>)
      tpu.yield
    }) : () -> ()
    %add3A_65 = arith.constant 384 : i32
    %add3A_66 = arith.addi %mul3A_0, %add3A_65 : i32
    "tpu.region"() ({
      %run_scoped3A_73 = tpu.sem_alloc : memref<!tpu.dma_semaphore, #tpu.memory_space<semaphore_mem>>
      %dma_start3A_74 = arith.constant 0 : i32
      %dma_start3A_75 = tpu.memref_slice %arg11[%add3A_66, %dma_start3A_74] : memref<10240x128xf32, #tpu.memory_space<vmem_shared>> -> memref<128x128xf32, #tpu.memory_space<vmem_shared>>
      %dma_start3A_76 = arith.constant 0 : i32
      %dma_start3A_77 = tpu.memref_slice %arg11[%add3A_66, %dma_start3A_76] : memref<10240x128xf32, #tpu.memory_space<vmem_shared>> -> memref<128x128xf32, #tpu.memory_space<vmem_shared>>
      tpu.enqueue_dma source(%dma_start3A_77 : memref<128x128xf32, #tpu.memory_space<vmem_shared>>) target(%arg9 : memref<128x128xf32, #tpu.memory_space<vmem>>) target_semaphore(%run_scoped3A_73 : memref<!tpu.dma_semaphore, #tpu.memory_space<semaphore_mem>>)
      %dma_wait3A = arith.constant 0 : i32
      %dma_wait3A_78 = tpu.memref_slice %arg11[%add3A_66, %dma_wait3A] : memref<10240x128xf32, #tpu.memory_space<vmem_shared>> -> memref<128x128xf32, #tpu.memory_space<vmem_shared>>
      %dma_wait3A_79 = arith.constant 0 : i32
      %dma_wait3A_80 = tpu.memref_slice %arg11[%add3A_66, %dma_wait3A_79] : memref<10240x128xf32, #tpu.memory_space<vmem_shared>> -> memref<128x128xf32, #tpu.memory_space<vmem_shared>>
      tpu.wait_dma2 semaphore(%run_scoped3A_73 : memref<!tpu.dma_semaphore, #tpu.memory_space<semaphore_mem>>) src(%dma_wait3A_80 : memref<128x128xf32, #tpu.memory_space<vmem_shared>>) dst(%arg9 : memref<128x128xf32, #tpu.memory_space<vmem>>)
      tpu.yield
    }) : () -> ()
    %add3A_67 = arith.constant 384 : i32
    %add3A_68 = arith.addi %mul3A_0, %add3A_67 : i32
    "tpu.region"() ({
      %run_scoped3A_73 = tpu.sem_alloc : memref<!tpu.dma_semaphore, #tpu.memory_space<semaphore_mem>>
      %dma_start3A_74 = arith.constant 0 : i32
      %dma_start3A_75 = tpu.memref_slice %arg6[%arg0, %add3A_68, %dma_start3A_74] : memref<2x10240x128xf32, #tpu.memory_space<hbm>> -> memref<1x128x128xf32, #tpu.memory_space<hbm>>
      %dma_start3A_76 = tpu.memref_squeeze %dma_start3A_75 : memref<1x128x128xf32, #tpu.memory_space<hbm>> -> memref<128x128xf32, #tpu.memory_space<hbm>>
      %dma_start3A_77 = arith.constant 0 : i32
      %dma_start3A_78 = tpu.memref_slice %arg6[%arg0, %add3A_68, %dma_start3A_77] : memref<2x10240x128xf32, #tpu.memory_space<hbm>> -> memref<1x128x128xf32, #tpu.memory_space<hbm>>
      %dma_start3A_79 = tpu.memref_squeeze %dma_start3A_78 : memref<1x128x128xf32, #tpu.memory_space<hbm>> -> memref<128x128xf32, #tpu.memory_space<hbm>>
      tpu.enqueue_dma source(%arg9 : memref<128x128xf32, #tpu.memory_space<vmem>>) target(%dma_start3A_79 : memref<128x128xf32, #tpu.memory_space<hbm>>) target_semaphore(%run_scoped3A_73 : memref<!tpu.dma_semaphore, #tpu.memory_space<semaphore_mem>>)
      %dma_wait3A = arith.constant 0 : i32
      %dma_wait3A_80 = tpu.memref_slice %arg6[%arg0, %add3A_68, %dma_wait3A] : memref<2x10240x128xf32, #tpu.memory_space<hbm>> -> memref<1x128x128xf32, #tpu.memory_space<hbm>>
      %dma_wait3A_81 = tpu.memref_squeeze %dma_wait3A_80 : memref<1x128x128xf32, #tpu.memory_space<hbm>> -> memref<128x128xf32, #tpu.memory_space<hbm>>
      %dma_wait3A_82 = arith.constant 0 : i32
      %dma_wait3A_83 = tpu.memref_slice %arg6[%arg0, %add3A_68, %dma_wait3A_82] : memref<2x10240x128xf32, #tpu.memory_space<hbm>> -> memref<1x128x128xf32, #tpu.memory_space<hbm>>
      %dma_wait3A_84 = tpu.memref_squeeze %dma_wait3A_83 : memref<1x128x128xf32, #tpu.memory_space<hbm>> -> memref<128x128xf32, #tpu.memory_space<hbm>>
      tpu.wait_dma2 semaphore(%run_scoped3A_73 : memref<!tpu.dma_semaphore, #tpu.memory_space<semaphore_mem>>) src(%arg9 : memref<128x128xf32, #tpu.memory_space<vmem>>) dst(%dma_wait3A_84 : memref<128x128xf32, #tpu.memory_space<hbm>>)
      tpu.yield
    }) : () -> ()
    %add3A_69 = arith.constant 512 : i32
    %add3A_70 = arith.addi %mul3A_0, %add3A_69 : i32
    "tpu.region"() ({
      %run_scoped3A_73 = tpu.sem_alloc : memref<!tpu.dma_semaphore, #tpu.memory_space<semaphore_mem>>
      %dma_start3A_74 = arith.constant 0 : i32
      %dma_start3A_75 = tpu.memref_slice %arg11[%add3A_70, %dma_start3A_74] : memref<10240x128xf32, #tpu.memory_space<vmem_shared>> -> memref<128x128xf32, #tpu.memory_space<vmem_shared>>
      %dma_start3A_76 = arith.constant 0 : i32
      %dma_start3A_77 = tpu.memref_slice %arg11[%add3A_70, %dma_start3A_76] : memref<10240x128xf32, #tpu.memory_space<vmem_shared>> -> memref<128x128xf32, #tpu.memory_space<vmem_shared>>
      tpu.enqueue_dma source(%dma_start3A_77 : memref<128x128xf32, #tpu.memory_space<vmem_shared>>) target(%arg9 : memref<128x128xf32, #tpu.memory_space<vmem>>) target_semaphore(%run_scoped3A_73 : memref<!tpu.dma_semaphore, #tpu.memory_space<semaphore_mem>>)
      %dma_wait3A = arith.constant 0 : i32
      %dma_wait3A_78 = tpu.memref_slice %arg11[%add3A_70, %dma_wait3A] : memref<10240x128xf32, #tpu.memory_space<vmem_shared>> -> memref<128x128xf32, #tpu.memory_space<vmem_shared>>
      %dma_wait3A_79 = arith.constant 0 : i32
      %dma_wait3A_80 = tpu.memref_slice %arg11[%add3A_70, %dma_wait3A_79] : memref<10240x128xf32, #tpu.memory_space<vmem_shared>> -> memref<128x128xf32, #tpu.memory_space<vmem_shared>>
      tpu.wait_dma2 semaphore(%run_scoped3A_73 : memref<!tpu.dma_semaphore, #tpu.memory_space<semaphore_mem>>) src(%dma_wait3A_80 : memref<128x128xf32, #tpu.memory_space<vmem_shared>>) dst(%arg9 : memref<128x128xf32, #tpu.memory_space<vmem>>)
      tpu.yield
    }) : () -> ()
    %add3A_71 = arith.constant 512 : i32
    %add3A_72 = arith.addi %mul3A_0, %add3A_71 : i32
    "tpu.region"() ({
      %run_scoped3A_73 = tpu.sem_alloc : memref<!tpu.dma_semaphore, #tpu.memory_space<semaphore_mem>>
      %dma_start3A_74 = arith.constant 0 : i32
      %dma_start3A_75 = tpu.memref_slice %arg6[%arg0, %add3A_72, %dma_start3A_74] : memref<2x10240x128xf32, #tpu.memory_space<hbm>> -> memref<1x128x128xf32, #tpu.memory_space<hbm>>
      %dma_start3A_76 = tpu.memref_squeeze %dma_start3A_75 : memref<1x128x128xf32, #tpu.memory_space<hbm>> -> memref<128x128xf32, #tpu.memory_space<hbm>>
      %dma_start3A_77 = arith.constant 0 : i32
      %dma_start3A_78 = tpu.memref_slice %arg6[%arg0, %add3A_72, %dma_start3A_77] : memref<2x10240x128xf32, #tpu.memory_space<hbm>> -> memref<1x128x128xf32, #tpu.memory_space<hbm>>
      %dma_start3A_79 = tpu.memref_squeeze %dma_start3A_78 : memref<1x128x128xf32, #tpu.memory_space<hbm>> -> memref<128x128xf32, #tpu.memory_space<hbm>>
      tpu.enqueue_dma source(%arg9 : memref<128x128xf32, #tpu.memory_space<vmem>>) target(%dma_start3A_79 : memref<128x128xf32, #tpu.memory_space<hbm>>) target_semaphore(%run_scoped3A_73 : memref<!tpu.dma_semaphore, #tpu.memory_space<semaphore_mem>>)
      %dma_wait3A = arith.constant 0 : i32
      %dma_wait3A_80 = tpu.memref_slice %arg6[%arg0, %add3A_72, %dma_wait3A] : memref<2x10240x128xf32, #tpu.memory_space<hbm>> -> memref<1x128x128xf32, #tpu.memory_space<hbm>>
      %dma_wait3A_81 = tpu.memref_squeeze %dma_wait3A_80 : memref<1x128x128xf32, #tpu.memory_space<hbm>> -> memref<128x128xf32, #tpu.memory_space<hbm>>
      %dma_wait3A_82 = arith.constant 0 : i32
      %dma_wait3A_83 = tpu.memref_slice %arg6[%arg0, %add3A_72, %dma_wait3A_82] : memref<2x10240x128xf32, #tpu.memory_space<hbm>> -> memref<1x128x128xf32, #tpu.memory_space<hbm>>
      %dma_wait3A_84 = tpu.memref_squeeze %dma_wait3A_83 : memref<1x128x128xf32, #tpu.memory_space<hbm>> -> memref<128x128xf32, #tpu.memory_space<hbm>>
      tpu.wait_dma2 semaphore(%run_scoped3A_73 : memref<!tpu.dma_semaphore, #tpu.memory_space<semaphore_mem>>) src(%arg9 : memref<128x128xf32, #tpu.memory_space<vmem>>) dst(%dma_wait3A_84 : memref<128x128xf32, #tpu.memory_space<hbm>>)
      tpu.yield
    }) : () -> ()
    return
  }
}

#map = affine_map<(d0, d1) -> (0, 0)>
#map1 = affine_map<(d0, d1) -> (0, 0, 0, 0, 0)>
#map2 = affine_map<(d0, d1) -> (0, 0, 0)>
module attributes {stable_mosaic.version = 14 : i64} {
  func.func @agg_kernel(%arg0: i32, %arg1: i32, %arg2: memref<10240x128xf32, #tpu.memory_space<hbm>>, %arg3: memref<2x16x3x28x128xi32, #tpu.memory_space<hbm>>, %arg4: memref<2x16x3x28x128xi32, #tpu.memory_space<hbm>>, %arg5: memref<128x128xf32, #tpu.memory_space<hbm>>, %arg6: memref<2x10240x128xf32, #tpu.memory_space<hbm>>, %arg7: memref<28x128xi32, #tpu.memory_space<vmem>>, %arg8: memref<28x128xi32, #tpu.memory_space<vmem>>, %arg9: memref<128x128xf32, #tpu.memory_space<vmem>>, %arg10: memref<128x128xf32, #tpu.memory_space<vmem>>, %arg11: memref<10240x128xf32, #tpu.memory_space<vmem_shared>>, %arg12: memref<!tpu.dma_semaphore, #tpu.memory_space<semaphore_mem>>, %arg13: memref<!tpu.dma_semaphore, #tpu.memory_space<semaphore_mem>>) attributes {dimension_semantics = [#tpu.dimension_semantics<core_parallel>, #tpu.dimension_semantics<subcore_parallel>], iteration_bounds = array<i64: 2, 16>, scalar_prefetch = 0 : i64, scratch_operands = 7 : i64, tpu.core_type = #tpu.core_type<sc_vector_subcore>, window_params = [{transform_indices = #map}, {transform_indices = #map1}, {transform_indices = #map1}, {transform_indices = #map}, {transform_indices = #map2}]} {
    %mul3A = arith.constant 640 : i32
    %mul3A_0 = arith.muli %arg1, %mul3A : i32
    "tpu.region"() ({
      %run_scoped3A_73 = tpu.sem_alloc : memref<!tpu.dma_semaphore, #tpu.memory_space<semaphore_mem>>
      tpu.enqueue_dma source(%arg5 : memref<128x128xf32, #tpu.memory_space<hbm>>) target(%arg9 : memref<128x128xf32, #tpu.memory_space<vmem>>) target_semaphore(%run_scoped3A_73 : memref<!tpu.dma_semaphore, #tpu.memory_space<semaphore_mem>>)
      tpu.wait_dma2 semaphore(%run_scoped3A_73 : memref<!tpu.dma_semaphore, #tpu.memory_space<semaphore_mem>>) src(%arg5 : memref<128x128xf32, #tpu.memory_space<hbm>>) dst(%arg9 : memref<128x128xf32, #tpu.memory_space<vmem>>)
      tpu.yield
    }) : () -> ()
    %add3A = arith.constant 0 : i32
    %add3A_1 = arith.addi %mul3A_0, %add3A : i32
    "tpu.region"() ({
      %run_scoped3A_73 = tpu.sem_alloc : memref<!tpu.dma_semaphore, #tpu.memory_space<semaphore_mem>>
      %dma_start3A_74 = arith.constant 0 : i32
      %dma_start3A_75 = tpu.memref_slice %arg11[%add3A_1, %dma_start3A_74] : memref<10240x128xf32, #tpu.memory_space<vmem_shared>> -> memref<128x128xf32, #tpu.memory_space<vmem_shared>>
      %dma_start3A_76 = arith.constant 0 : i32
      %dma_start3A_77 = tpu.memref_slice %arg11[%add3A_1, %dma_start3A_76] : memref<10240x128xf32, #tpu.memory_space<vmem_shared>> -> memref<128x128xf32, #tpu.memory_space<vmem_shared>>
      tpu.enqueue_dma source(%arg9 : memref<128x128xf32, #tpu.memory_space<vmem>>) target(%dma_start3A_77 : memref<128x128xf32, #tpu.memory_space<vmem_shared>>) target_semaphore(%run_scoped3A_73 : memref<!tpu.dma_semaphore, #tpu.memory_space<semaphore_mem>>)
      %dma_wait3A = arith.constant 0 : i32
      %dma_wait3A_78 = tpu.memref_slice %arg11[%add3A_1, %dma_wait3A] : memref<10240x128xf32, #tpu.memory_space<vmem_shared>> -> memref<128x128xf32, #tpu.memory_space<vmem_shared>>
      %dma_wait3A_79 = arith.constant 0 : i32
      %dma_wait3A_80 = tpu.memref_slice %arg11[%add3A_1, %dma_wait3A_79] : memref<10240x128xf32, #tpu.memory_space<vmem_shared>> -> memref<128x128xf32, #tpu.memory_space<vmem_shared>>
      tpu.wait_dma2 semaphore(%run_scoped3A_73 : memref<!tpu.dma_semaphore, #tpu.memory_space<semaphore_mem>>) src(%arg9 : memref<128x128xf32, #tpu.memory_space<vmem>>) dst(%dma_wait3A_80 : memref<128x128xf32, #tpu.memory_space<vmem_shared>>)
      tpu.yield
    }) : () -> ()
    %add3A_2 = arith.constant 128 : i32
    %add3A_3 = arith.addi %mul3A_0, %add3A_2 : i32
    "tpu.region"() ({
      %run_scoped3A_73 = tpu.sem_alloc : memref<!tpu.dma_semaphore, #tpu.memory_space<semaphore_mem>>
      %dma_start3A_74 = arith.constant 0 : i32
      %dma_start3A_75 = tpu.memref_slice %arg11[%add3A_3, %dma_start3A_74] : memref<10240x128xf32, #tpu.memory_space<vmem_shared>> -> memref<128x128xf32, #tpu.memory_space<vmem_shared>>
      %dma_start3A_76 = arith.constant 0 : i32
      %dma_start3A_77 = tpu.memref_slice %arg11[%add3A_3, %dma_start3A_76] : memref<10240x128xf32, #tpu.memory_space<vmem_shared>> -> memref<128x128xf32, #tpu.memory_space<vmem_shared>>
      tpu.enqueue_dma source(%arg9 : memref<128x128xf32, #tpu.memory_space<vmem>>) target(%dma_start3A_77 : memref<128x128xf32, #tpu.memory_space<vmem_shared>>) target_semaphore(%run_scoped3A_73 : memref<!tpu.dma_semaphore, #tpu.memory_space<semaphore_mem>>)
      %dma_wait3A = arith.constant 0 : i32
      %dma_wait3A_78 = tpu.memref_slice %arg11[%add3A_3, %dma_wait3A] : memref<10240x128xf32, #tpu.memory_space<vmem_shared>> -> memref<128x128xf32, #tpu.memory_space<vmem_shared>>
      %dma_wait3A_79 = arith.constant 0 : i32
      %dma_wait3A_80 = tpu.memref_slice %arg11[%add3A_3, %dma_wait3A_79] : memref<10240x128xf32, #tpu.memory_space<vmem_shared>> -> memref<128x128xf32, #tpu.memory_space<vmem_shared>>
      tpu.wait_dma2 semaphore(%run_scoped3A_73 : memref<!tpu.dma_semaphore, #tpu.memory_space<semaphore_mem>>) src(%arg9 : memref<128x128xf32, #tpu.memory_space<vmem>>) dst(%dma_wait3A_80 : memref<128x128xf32, #tpu.memory_space<vmem_shared>>)
      tpu.yield
    }) : () -> ()
    %add3A_4 = arith.constant 256 : i32
    %add3A_5 = arith.addi %mul3A_0, %add3A_4 : i32
    "tpu.region"() ({
      %run_scoped3A_73 = tpu.sem_alloc : memref<!tpu.dma_semaphore, #tpu.memory_space<semaphore_mem>>
      %dma_start3A_74 = arith.constant 0 : i32
      %dma_start3A_75 = tpu.memref_slice %arg11[%add3A_5, %dma_start3A_74] : memref<10240x128xf32, #tpu.memory_space<vmem_shared>> -> memref<128x128xf32, #tpu.memory_space<vmem_shared>>
      %dma_start3A_76 = arith.constant 0 : i32
      %dma_start3A_77 = tpu.memref_slice %arg11[%add3A_5, %dma_start3A_76] : memref<10240x128xf32, #tpu.memory_space<vmem_shared>> -> memref<128x128xf32, #tpu.memory_space<vmem_shared>>
      tpu.enqueue_dma source(%arg9 : memref<128x128xf32, #tpu.memory_space<vmem>>) target(%dma_start3A_77 : memref<128x128xf32, #tpu.memory_space<vmem_shared>>) target_semaphore(%run_scoped3A_73 : memref<!tpu.dma_semaphore, #tpu.memory_space<semaphore_mem>>)
      %dma_wait3A = arith.constant 0 : i32
      %dma_wait3A_78 = tpu.memref_slice %arg11[%add3A_5, %dma_wait3A] : memref<10240x128xf32, #tpu.memory_space<vmem_shared>> -> memref<128x128xf32, #tpu.memory_space<vmem_shared>>
      %dma_wait3A_79 = arith.constant 0 : i32
      %dma_wait3A_80 = tpu.memref_slice %arg11[%add3A_5, %dma_wait3A_79] : memref<10240x128xf32, #tpu.memory_space<vmem_shared>> -> memref<128x128xf32, #tpu.memory_space<vmem_shared>>
      tpu.wait_dma2 semaphore(%run_scoped3A_73 : memref<!tpu.dma_semaphore, #tpu.memory_space<semaphore_mem>>) src(%arg9 : memref<128x128xf32, #tpu.memory_space<vmem>>) dst(%dma_wait3A_80 : memref<128x128xf32, #tpu.memory_space<vmem_shared>>)
      tpu.yield
    }) : () -> ()
    %add3A_6 = arith.constant 384 : i32
    %add3A_7 = arith.addi %mul3A_0, %add3A_6 : i32
    "tpu.region"() ({
      %run_scoped3A_73 = tpu.sem_alloc : memref<!tpu.dma_semaphore, #tpu.memory_space<semaphore_mem>>
      %dma_start3A_74 = arith.constant 0 : i32
      %dma_start3A_75 = tpu.memref_slice %arg11[%add3A_7, %dma_start3A_74] : memref<10240x128xf32, #tpu.memory_space<vmem_shared>> -> memref<128x128xf32, #tpu.memory_space<vmem_shared>>
      %dma_start3A_76 = arith.constant 0 : i32
      %dma_start3A_77 = tpu.memref_slice %arg11[%add3A_7, %dma_start3A_76] : memref<10240x128xf32, #tpu.memory_space<vmem_shared>> -> memref<128x128xf32, #tpu.memory_space<vmem_shared>>
      tpu.enqueue_dma source(%arg9 : memref<128x128xf32, #tpu.memory_space<vmem>>) target(%dma_start3A_77 : memref<128x128xf32, #tpu.memory_space<vmem_shared>>) target_semaphore(%run_scoped3A_73 : memref<!tpu.dma_semaphore, #tpu.memory_space<semaphore_mem>>)
      %dma_wait3A = arith.constant 0 : i32
      %dma_wait3A_78 = tpu.memref_slice %arg11[%add3A_7, %dma_wait3A] : memref<10240x128xf32, #tpu.memory_space<vmem_shared>> -> memref<128x128xf32, #tpu.memory_space<vmem_shared>>
      %dma_wait3A_79 = arith.constant 0 : i32
      %dma_wait3A_80 = tpu.memref_slice %arg11[%add3A_7, %dma_wait3A_79] : memref<10240x128xf32, #tpu.memory_space<vmem_shared>> -> memref<128x128xf32, #tpu.memory_space<vmem_shared>>
      tpu.wait_dma2 semaphore(%run_scoped3A_73 : memref<!tpu.dma_semaphore, #tpu.memory_space<semaphore_mem>>) src(%arg9 : memref<128x128xf32, #tpu.memory_space<vmem>>) dst(%dma_wait3A_80 : memref<128x128xf32, #tpu.memory_space<vmem_shared>>)
      tpu.yield
    }) : () -> ()
    %add3A_8 = arith.constant 512 : i32
    %add3A_9 = arith.addi %mul3A_0, %add3A_8 : i32
    "tpu.region"() ({
      %run_scoped3A_73 = tpu.sem_alloc : memref<!tpu.dma_semaphore, #tpu.memory_space<semaphore_mem>>
      %dma_start3A_74 = arith.constant 0 : i32
      %dma_start3A_75 = tpu.memref_slice %arg11[%add3A_9, %dma_start3A_74] : memref<10240x128xf32, #tpu.memory_space<vmem_shared>> -> memref<128x128xf32, #tpu.memory_space<vmem_shared>>
      %dma_start3A_76 = arith.constant 0 : i32
      %dma_start3A_77 = tpu.memref_slice %arg11[%add3A_9, %dma_start3A_76] : memref<10240x128xf32, #tpu.memory_space<vmem_shared>> -> memref<128x128xf32, #tpu.memory_space<vmem_shared>>
      tpu.enqueue_dma source(%arg9 : memref<128x128xf32, #tpu.memory_space<vmem>>) target(%dma_start3A_77 : memref<128x128xf32, #tpu.memory_space<vmem_shared>>) target_semaphore(%run_scoped3A_73 : memref<!tpu.dma_semaphore, #tpu.memory_space<semaphore_mem>>)
      %dma_wait3A = arith.constant 0 : i32
      %dma_wait3A_78 = tpu.memref_slice %arg11[%add3A_9, %dma_wait3A] : memref<10240x128xf32, #tpu.memory_space<vmem_shared>> -> memref<128x128xf32, #tpu.memory_space<vmem_shared>>
      %dma_wait3A_79 = arith.constant 0 : i32
      %dma_wait3A_80 = tpu.memref_slice %arg11[%add3A_9, %dma_wait3A_79] : memref<10240x128xf32, #tpu.memory_space<vmem_shared>> -> memref<128x128xf32, #tpu.memory_space<vmem_shared>>
      tpu.wait_dma2 semaphore(%run_scoped3A_73 : memref<!tpu.dma_semaphore, #tpu.memory_space<semaphore_mem>>) src(%arg9 : memref<128x128xf32, #tpu.memory_space<vmem>>) dst(%dma_wait3A_80 : memref<128x128xf32, #tpu.memory_space<vmem_shared>>)
      tpu.yield
    }) : () -> ()
    %barrier3A = arith.constant 0 : index
    tpu.barrier barrier_id(%barrier3A)
    %run_scoped3A = arith.constant 0 : i32
    "tpu.region"() ({
      %run_scoped3A_73 = tpu.sem_alloc : memref<!tpu.dma_semaphore, #tpu.memory_space<semaphore_mem>>
      %dma_start3A_74 = arith.constant 0 : i32
      %dma_start3A_75 = arith.constant 0 : i32
      %dma_start3A_76 = tpu.memref_slice %arg3[%arg0, %arg1, %run_scoped3A, %dma_start3A_74, %dma_start3A_75] : memref<2x16x3x28x128xi32, #tpu.memory_space<hbm>> -> memref<1x1x1x28x128xi32, #tpu.memory_space<hbm>>
      %dma_start3A_77 = tpu.memref_squeeze %dma_start3A_76 : memref<1x1x1x28x128xi32, #tpu.memory_space<hbm>> -> memref<28x128xi32, #tpu.memory_space<hbm>>
      %dma_start3A_78 = arith.constant 0 : i32
      %dma_start3A_79 = arith.constant 0 : i32
      %dma_start3A_80 = tpu.memref_slice %arg3[%arg0, %arg1, %run_scoped3A, %dma_start3A_78, %dma_start3A_79] : memref<2x16x3x28x128xi32, #tpu.memory_space<hbm>> -> memref<1x1x1x28x128xi32, #tpu.memory_space<hbm>>
      %dma_start3A_81 = tpu.memref_squeeze %dma_start3A_80 : memref<1x1x1x28x128xi32, #tpu.memory_space<hbm>> -> memref<28x128xi32, #tpu.memory_space<hbm>>
      tpu.enqueue_dma source(%dma_start3A_81 : memref<28x128xi32, #tpu.memory_space<hbm>>) target(%arg7 : memref<28x128xi32, #tpu.memory_space<vmem>>) target_semaphore(%run_scoped3A_73 : memref<!tpu.dma_semaphore, #tpu.memory_space<semaphore_mem>>)
      %dma_wait3A = arith.constant 0 : i32
      %dma_wait3A_82 = arith.constant 0 : i32
      %dma_wait3A_83 = tpu.memref_slice %arg3[%arg0, %arg1, %run_scoped3A, %dma_wait3A, %dma_wait3A_82] : memref<2x16x3x28x128xi32, #tpu.memory_space<hbm>> -> memref<1x1x1x28x128xi32, #tpu.memory_space<hbm>>
      %dma_wait3A_84 = tpu.memref_squeeze %dma_wait3A_83 : memref<1x1x1x28x128xi32, #tpu.memory_space<hbm>> -> memref<28x128xi32, #tpu.memory_space<hbm>>
      %dma_wait3A_85 = arith.constant 0 : i32
      %dma_wait3A_86 = arith.constant 0 : i32
      %dma_wait3A_87 = tpu.memref_slice %arg3[%arg0, %arg1, %run_scoped3A, %dma_wait3A_85, %dma_wait3A_86] : memref<2x16x3x28x128xi32, #tpu.memory_space<hbm>> -> memref<1x1x1x28x128xi32, #tpu.memory_space<hbm>>
      %dma_wait3A_88 = tpu.memref_squeeze %dma_wait3A_87 : memref<1x1x1x28x128xi32, #tpu.memory_space<hbm>> -> memref<28x128xi32, #tpu.memory_space<hbm>>
      tpu.wait_dma2 semaphore(%run_scoped3A_73 : memref<!tpu.dma_semaphore, #tpu.memory_space<semaphore_mem>>) src(%dma_wait3A_88 : memref<28x128xi32, #tpu.memory_space<hbm>>) dst(%arg7 : memref<28x128xi32, #tpu.memory_space<vmem>>)
      tpu.yield
    }) : () -> ()
    %run_scoped3A_10 = arith.constant 0 : i32
    "tpu.region"() ({
      %run_scoped3A_73 = tpu.sem_alloc : memref<!tpu.dma_semaphore, #tpu.memory_space<semaphore_mem>>
      %dma_start3A_74 = arith.constant 0 : i32
      %dma_start3A_75 = arith.constant 0 : i32
      %dma_start3A_76 = tpu.memref_slice %arg4[%arg0, %arg1, %run_scoped3A_10, %dma_start3A_74, %dma_start3A_75] : memref<2x16x3x28x128xi32, #tpu.memory_space<hbm>> -> memref<1x1x1x28x128xi32, #tpu.memory_space<hbm>>
      %dma_start3A_77 = tpu.memref_squeeze %dma_start3A_76 : memref<1x1x1x28x128xi32, #tpu.memory_space<hbm>> -> memref<28x128xi32, #tpu.memory_space<hbm>>
      %dma_start3A_78 = arith.constant 0 : i32
      %dma_start3A_79 = arith.constant 0 : i32
      %dma_start3A_80 = tpu.memref_slice %arg4[%arg0, %arg1, %run_scoped3A_10, %dma_start3A_78, %dma_start3A_79] : memref<2x16x3x28x128xi32, #tpu.memory_space<hbm>> -> memref<1x1x1x28x128xi32, #tpu.memory_space<hbm>>
      %dma_start3A_81 = tpu.memref_squeeze %dma_start3A_80 : memref<1x1x1x28x128xi32, #tpu.memory_space<hbm>> -> memref<28x128xi32, #tpu.memory_space<hbm>>
      tpu.enqueue_dma source(%dma_start3A_81 : memref<28x128xi32, #tpu.memory_space<hbm>>) target(%arg8 : memref<28x128xi32, #tpu.memory_space<vmem>>) target_semaphore(%run_scoped3A_73 : memref<!tpu.dma_semaphore, #tpu.memory_space<semaphore_mem>>)
      %dma_wait3A = arith.constant 0 : i32
      %dma_wait3A_82 = arith.constant 0 : i32
      %dma_wait3A_83 = tpu.memref_slice %arg4[%arg0, %arg1, %run_scoped3A_10, %dma_wait3A, %dma_wait3A_82] : memref<2x16x3x28x128xi32, #tpu.memory_space<hbm>> -> memref<1x1x1x28x128xi32, #tpu.memory_space<hbm>>
      %dma_wait3A_84 = tpu.memref_squeeze %dma_wait3A_83 : memref<1x1x1x28x128xi32, #tpu.memory_space<hbm>> -> memref<28x128xi32, #tpu.memory_space<hbm>>
      %dma_wait3A_85 = arith.constant 0 : i32
      %dma_wait3A_86 = arith.constant 0 : i32
      %dma_wait3A_87 = tpu.memref_slice %arg4[%arg0, %arg1, %run_scoped3A_10, %dma_wait3A_85, %dma_wait3A_86] : memref<2x16x3x28x128xi32, #tpu.memory_space<hbm>> -> memref<1x1x1x28x128xi32, #tpu.memory_space<hbm>>
      %dma_wait3A_88 = tpu.memref_squeeze %dma_wait3A_87 : memref<1x1x1x28x128xi32, #tpu.memory_space<hbm>> -> memref<28x128xi32, #tpu.memory_space<hbm>>
      tpu.wait_dma2 semaphore(%run_scoped3A_73 : memref<!tpu.dma_semaphore, #tpu.memory_space<semaphore_mem>>) src(%dma_wait3A_88 : memref<28x128xi32, #tpu.memory_space<hbm>>) dst(%arg8 : memref<28x128xi32, #tpu.memory_space<vmem>>)
      tpu.yield
    }) : () -> ()
    %dma_start3A = arith.constant 0 : i32
    %dma_start3A_11 = arith.constant 0 : i32
    %dma_start3A_12 = tpu.memref_slice %arg7[%dma_start3A, %dma_start3A_11] : memref<28x128xi32, #tpu.memory_space<vmem>> -> memref<1x128xi32, #tpu.memory_space<vmem>>
    %dma_start3A_13 = tpu.memref_squeeze %dma_start3A_12 : memref<1x128xi32, #tpu.memory_space<vmem>> -> memref<128xi32, #tpu.memory_space<vmem>>
    %dma_start3A_14 = arith.constant 0 : i32
    %dma_start3A_15 = arith.constant 0 : i32
    %dma_start3A_16 = tpu.memref_slice %arg2[%dma_start3A_14, %dma_start3A_15] : memref<10240x128xf32, #tpu.memory_space<hbm>> -> memref<10240x128xf32, #tpu.memory_space<hbm>>
    tpu.enqueue_indirect_dma source(%dma_start3A_16 : memref<10240x128xf32, #tpu.memory_space<hbm>>) target(%arg9 : memref<128x128xf32, #tpu.memory_space<vmem>>) offsets(%dma_start3A_13 : memref<128xi32, #tpu.memory_space<vmem>>) semaphore(%arg12 : memref<!tpu.dma_semaphore, #tpu.memory_space<semaphore_mem>>)
    %scan3A = arith.constant 0 : i32
    %scan3A_17 = arith.constant 0 : i32
    %scan3A_18 = arith.constant 14 : i32
    %scan3A_19 = arith.addi %scan3A_17, %scan3A_18 : i32
    %scan3A_20 = arith.constant 1 : i32
    scf.for %scan3A_73 = %scan3A_17 to %scan3A_19 step %scan3A_20  : i32 {
      %mul3A_74 = arith.constant 2 : i32
      %mul3A_75 = arith.muli %scan3A_73, %mul3A_74 : i32
      %dma_wait3A = arith.constant 0 : i32
      %dma_wait3A_76 = tpu.memref_slice %arg7[%mul3A_75, %dma_wait3A] : memref<28x128xi32, #tpu.memory_space<vmem>> -> memref<1x128xi32, #tpu.memory_space<vmem>>
      %dma_wait3A_77 = tpu.memref_squeeze %dma_wait3A_76 : memref<1x128xi32, #tpu.memory_space<vmem>> -> memref<128xi32, #tpu.memory_space<vmem>>
      %dma_wait3A_78 = arith.constant 0 : i32
      %dma_wait3A_79 = arith.constant 0 : i32
      %dma_wait3A_80 = tpu.memref_slice %arg2[%dma_wait3A_78, %dma_wait3A_79] : memref<10240x128xf32, #tpu.memory_space<hbm>> -> memref<10240x128xf32, #tpu.memory_space<hbm>>
      tpu.wait_indirect_dma semaphore(%arg12 : memref<!tpu.dma_semaphore, #tpu.memory_space<semaphore_mem>>) src(%dma_wait3A_80 : memref<10240x128xf32, #tpu.memory_space<hbm>>) dst(%arg9 : memref<128x128xf32, #tpu.memory_space<vmem>>)
      %add3A_81 = arith.constant 1 : i32
      %add3A_82 = arith.addi %mul3A_75, %add3A_81 : i32
      %dma_start3A_83 = arith.constant 0 : i32
      %dma_start3A_84 = tpu.memref_slice %arg7[%add3A_82, %dma_start3A_83] : memref<28x128xi32, #tpu.memory_space<vmem>> -> memref<1x128xi32, #tpu.memory_space<vmem>>
      %dma_start3A_85 = tpu.memref_squeeze %dma_start3A_84 : memref<1x128xi32, #tpu.memory_space<vmem>> -> memref<128xi32, #tpu.memory_space<vmem>>
      %dma_start3A_86 = arith.constant 0 : i32
      %dma_start3A_87 = arith.constant 0 : i32
      %dma_start3A_88 = tpu.memref_slice %arg2[%dma_start3A_86, %dma_start3A_87] : memref<10240x128xf32, #tpu.memory_space<hbm>> -> memref<10240x128xf32, #tpu.memory_space<hbm>>
      tpu.enqueue_indirect_dma source(%dma_start3A_88 : memref<10240x128xf32, #tpu.memory_space<hbm>>) target(%arg10 : memref<128x128xf32, #tpu.memory_space<vmem>>) offsets(%dma_start3A_85 : memref<128xi32, #tpu.memory_space<vmem>>) semaphore(%arg13 : memref<!tpu.dma_semaphore, #tpu.memory_space<semaphore_mem>>)
      "tpu.region"() ({
        %run_scoped3A_103 = tpu.sem_alloc : memref<!tpu.dma_semaphore, #tpu.memory_space<semaphore_mem>>
        %dma_start3A_104 = arith.constant 0 : i32
        %dma_start3A_105 = tpu.memref_slice %arg8[%mul3A_75, %dma_start3A_104] : memref<28x128xi32, #tpu.memory_space<vmem>> -> memref<1x128xi32, #tpu.memory_space<vmem>>
        %dma_start3A_106 = tpu.memref_squeeze %dma_start3A_105 : memref<1x128xi32, #tpu.memory_space<vmem>> -> memref<128xi32, #tpu.memory_space<vmem>>
        %dma_start3A_107 = arith.constant 0 : i32
        %dma_start3A_108 = arith.constant 0 : i32
        %dma_start3A_109 = tpu.memref_slice %arg11[%dma_start3A_107, %dma_start3A_108] : memref<10240x128xf32, #tpu.memory_space<vmem_shared>> -> memref<10240x128xf32, #tpu.memory_space<vmem_shared>>
        tpu.enqueue_indirect_dma source(%arg9 : memref<128x128xf32, #tpu.memory_space<vmem>>) target(%dma_start3A_109 : memref<10240x128xf32, #tpu.memory_space<vmem_shared>>) offsets(%dma_start3A_106 : memref<128xi32, #tpu.memory_space<vmem>>) semaphore(%run_scoped3A_103 : memref<!tpu.dma_semaphore, #tpu.memory_space<semaphore_mem>>) {add = true}
        %dma_wait3A_110 = arith.constant 0 : i32
        %dma_wait3A_111 = tpu.memref_slice %arg8[%mul3A_75, %dma_wait3A_110] : memref<28x128xi32, #tpu.memory_space<vmem>> -> memref<1x128xi32, #tpu.memory_space<vmem>>
        %dma_wait3A_112 = tpu.memref_squeeze %dma_wait3A_111 : memref<1x128xi32, #tpu.memory_space<vmem>> -> memref<128xi32, #tpu.memory_space<vmem>>
        %dma_wait3A_113 = arith.constant 0 : i32
        %dma_wait3A_114 = arith.constant 0 : i32
        %dma_wait3A_115 = tpu.memref_slice %arg11[%dma_wait3A_113, %dma_wait3A_114] : memref<10240x128xf32, #tpu.memory_space<vmem_shared>> -> memref<10240x128xf32, #tpu.memory_space<vmem_shared>>
        tpu.wait_indirect_dma semaphore(%run_scoped3A_103 : memref<!tpu.dma_semaphore, #tpu.memory_space<semaphore_mem>>) src(%arg9 : memref<128x128xf32, #tpu.memory_space<vmem>>) dst(%dma_wait3A_115 : memref<10240x128xf32, #tpu.memory_space<vmem_shared>>)
        tpu.yield
      }) : () -> ()
      %add3A_89 = arith.constant 1 : i32
      %add3A_90 = arith.addi %mul3A_75, %add3A_89 : i32
      %dma_wait3A_91 = arith.constant 0 : i32
      %dma_wait3A_92 = tpu.memref_slice %arg7[%add3A_90, %dma_wait3A_91] : memref<28x128xi32, #tpu.memory_space<vmem>> -> memref<1x128xi32, #tpu.memory_space<vmem>>
      %dma_wait3A_93 = tpu.memref_squeeze %dma_wait3A_92 : memref<1x128xi32, #tpu.memory_space<vmem>> -> memref<128xi32, #tpu.memory_space<vmem>>
      %dma_wait3A_94 = arith.constant 0 : i32
      %dma_wait3A_95 = arith.constant 0 : i32
      %dma_wait3A_96 = tpu.memref_slice %arg2[%dma_wait3A_94, %dma_wait3A_95] : memref<10240x128xf32, #tpu.memory_space<hbm>> -> memref<10240x128xf32, #tpu.memory_space<hbm>>
      tpu.wait_indirect_dma semaphore(%arg13 : memref<!tpu.dma_semaphore, #tpu.memory_space<semaphore_mem>>) src(%dma_wait3A_96 : memref<10240x128xf32, #tpu.memory_space<hbm>>) dst(%arg10 : memref<128x128xf32, #tpu.memory_space<vmem>>)
      %add3A_97 = arith.constant 1 : i32
      %add3A_98 = arith.addi %scan3A_73, %add3A_97 : i32
      %lt3A = arith.constant 14 : i32
      %lt3A_99 = arith.cmpi slt, %add3A_98, %lt3A : i32
      %convert_element_type3A = arith.extui %lt3A_99 : i1 to i32
      %cond3A = arith.constant 0 : i32
      %cond3A_100 = arith.cmpi ne, %convert_element_type3A, %cond3A : i32
      scf.if %cond3A_100 {
        %add3A_103 = arith.constant 2 : i32
        %add3A_104 = arith.addi %mul3A_75, %add3A_103 : i32
        %dma_start3A_105 = arith.constant 0 : i32
        %dma_start3A_106 = tpu.memref_slice %arg7[%add3A_104, %dma_start3A_105] : memref<28x128xi32, #tpu.memory_space<vmem>> -> memref<1x128xi32, #tpu.memory_space<vmem>>
        %dma_start3A_107 = tpu.memref_squeeze %dma_start3A_106 : memref<1x128xi32, #tpu.memory_space<vmem>> -> memref<128xi32, #tpu.memory_space<vmem>>
        %dma_start3A_108 = arith.constant 0 : i32
        %dma_start3A_109 = arith.constant 0 : i32
        %dma_start3A_110 = tpu.memref_slice %arg2[%dma_start3A_108, %dma_start3A_109] : memref<10240x128xf32, #tpu.memory_space<hbm>> -> memref<10240x128xf32, #tpu.memory_space<hbm>>
        tpu.enqueue_indirect_dma source(%dma_start3A_110 : memref<10240x128xf32, #tpu.memory_space<hbm>>) target(%arg9 : memref<128x128xf32, #tpu.memory_space<vmem>>) offsets(%dma_start3A_107 : memref<128xi32, #tpu.memory_space<vmem>>) semaphore(%arg12 : memref<!tpu.dma_semaphore, #tpu.memory_space<semaphore_mem>>)
      } else {
      }
      %add3A_101 = arith.constant 1 : i32
      %add3A_102 = arith.addi %mul3A_75, %add3A_101 : i32
      "tpu.region"() ({
        %run_scoped3A_103 = tpu.sem_alloc : memref<!tpu.dma_semaphore, #tpu.memory_space<semaphore_mem>>
        %dma_start3A_104 = arith.constant 0 : i32
        %dma_start3A_105 = tpu.memref_slice %arg8[%add3A_102, %dma_start3A_104] : memref<28x128xi32, #tpu.memory_space<vmem>> -> memref<1x128xi32, #tpu.memory_space<vmem>>
        %dma_start3A_106 = tpu.memref_squeeze %dma_start3A_105 : memref<1x128xi32, #tpu.memory_space<vmem>> -> memref<128xi32, #tpu.memory_space<vmem>>
        %dma_start3A_107 = arith.constant 0 : i32
        %dma_start3A_108 = arith.constant 0 : i32
        %dma_start3A_109 = tpu.memref_slice %arg11[%dma_start3A_107, %dma_start3A_108] : memref<10240x128xf32, #tpu.memory_space<vmem_shared>> -> memref<10240x128xf32, #tpu.memory_space<vmem_shared>>
        tpu.enqueue_indirect_dma source(%arg10 : memref<128x128xf32, #tpu.memory_space<vmem>>) target(%dma_start3A_109 : memref<10240x128xf32, #tpu.memory_space<vmem_shared>>) offsets(%dma_start3A_106 : memref<128xi32, #tpu.memory_space<vmem>>) semaphore(%run_scoped3A_103 : memref<!tpu.dma_semaphore, #tpu.memory_space<semaphore_mem>>) {add = true}
        %dma_wait3A_110 = arith.constant 0 : i32
        %dma_wait3A_111 = tpu.memref_slice %arg8[%add3A_102, %dma_wait3A_110] : memref<28x128xi32, #tpu.memory_space<vmem>> -> memref<1x128xi32, #tpu.memory_space<vmem>>
        %dma_wait3A_112 = tpu.memref_squeeze %dma_wait3A_111 : memref<1x128xi32, #tpu.memory_space<vmem>> -> memref<128xi32, #tpu.memory_space<vmem>>
        %dma_wait3A_113 = arith.constant 0 : i32
        %dma_wait3A_114 = arith.constant 0 : i32
        %dma_wait3A_115 = tpu.memref_slice %arg11[%dma_wait3A_113, %dma_wait3A_114] : memref<10240x128xf32, #tpu.memory_space<vmem_shared>> -> memref<10240x128xf32, #tpu.memory_space<vmem_shared>>
        tpu.wait_indirect_dma semaphore(%run_scoped3A_103 : memref<!tpu.dma_semaphore, #tpu.memory_space<semaphore_mem>>) src(%arg10 : memref<128x128xf32, #tpu.memory_space<vmem>>) dst(%dma_wait3A_115 : memref<10240x128xf32, #tpu.memory_space<vmem_shared>>)
        tpu.yield
      }) : () -> ()
    }
    %scan3A_21 = arith.constant 14 : i32
    %run_scoped3A_22 = arith.constant 1 : i32
    "tpu.region"() ({
      %run_scoped3A_73 = tpu.sem_alloc : memref<!tpu.dma_semaphore, #tpu.memory_space<semaphore_mem>>
      %dma_start3A_74 = arith.constant 0 : i32
      %dma_start3A_75 = arith.constant 0 : i32
      %dma_start3A_76 = tpu.memref_slice %arg3[%arg0, %arg1, %run_scoped3A_22, %dma_start3A_74, %dma_start3A_75] : memref<2x16x3x28x128xi32, #tpu.memory_space<hbm>> -> memref<1x1x1x28x128xi32, #tpu.memory_space<hbm>>
      %dma_start3A_77 = tpu.memref_squeeze %dma_start3A_76 : memref<1x1x1x28x128xi32, #tpu.memory_space<hbm>> -> memref<28x128xi32, #tpu.memory_space<hbm>>
      %dma_start3A_78 = arith.constant 0 : i32
      %dma_start3A_79 = arith.constant 0 : i32
      %dma_start3A_80 = tpu.memref_slice %arg3[%arg0, %arg1, %run_scoped3A_22, %dma_start3A_78, %dma_start3A_79] : memref<2x16x3x28x128xi32, #tpu.memory_space<hbm>> -> memref<1x1x1x28x128xi32, #tpu.memory_space<hbm>>
      %dma_start3A_81 = tpu.memref_squeeze %dma_start3A_80 : memref<1x1x1x28x128xi32, #tpu.memory_space<hbm>> -> memref<28x128xi32, #tpu.memory_space<hbm>>
      tpu.enqueue_dma source(%dma_start3A_81 : memref<28x128xi32, #tpu.memory_space<hbm>>) target(%arg7 : memref<28x128xi32, #tpu.memory_space<vmem>>) target_semaphore(%run_scoped3A_73 : memref<!tpu.dma_semaphore, #tpu.memory_space<semaphore_mem>>)
      %dma_wait3A = arith.constant 0 : i32
      %dma_wait3A_82 = arith.constant 0 : i32
      %dma_wait3A_83 = tpu.memref_slice %arg3[%arg0, %arg1, %run_scoped3A_22, %dma_wait3A, %dma_wait3A_82] : memref<2x16x3x28x128xi32, #tpu.memory_space<hbm>> -> memref<1x1x1x28x128xi32, #tpu.memory_space<hbm>>
      %dma_wait3A_84 = tpu.memref_squeeze %dma_wait3A_83 : memref<1x1x1x28x128xi32, #tpu.memory_space<hbm>> -> memref<28x128xi32, #tpu.memory_space<hbm>>
      %dma_wait3A_85 = arith.constant 0 : i32
      %dma_wait3A_86 = arith.constant 0 : i32
      %dma_wait3A_87 = tpu.memref_slice %arg3[%arg0, %arg1, %run_scoped3A_22, %dma_wait3A_85, %dma_wait3A_86] : memref<2x16x3x28x128xi32, #tpu.memory_space<hbm>> -> memref<1x1x1x28x128xi32, #tpu.memory_space<hbm>>
      %dma_wait3A_88 = tpu.memref_squeeze %dma_wait3A_87 : memref<1x1x1x28x128xi32, #tpu.memory_space<hbm>> -> memref<28x128xi32, #tpu.memory_space<hbm>>
      tpu.wait_dma2 semaphore(%run_scoped3A_73 : memref<!tpu.dma_semaphore, #tpu.memory_space<semaphore_mem>>) src(%dma_wait3A_88 : memref<28x128xi32, #tpu.memory_space<hbm>>) dst(%arg7 : memref<28x128xi32, #tpu.memory_space<vmem>>)
      tpu.yield
    }) : () -> ()
    %run_scoped3A_23 = arith.constant 1 : i32
    "tpu.region"() ({
      %run_scoped3A_73 = tpu.sem_alloc : memref<!tpu.dma_semaphore, #tpu.memory_space<semaphore_mem>>
      %dma_start3A_74 = arith.constant 0 : i32
      %dma_start3A_75 = arith.constant 0 : i32
      %dma_start3A_76 = tpu.memref_slice %arg4[%arg0, %arg1, %run_scoped3A_23, %dma_start3A_74, %dma_start3A_75] : memref<2x16x3x28x128xi32, #tpu.memory_space<hbm>> -> memref<1x1x1x28x128xi32, #tpu.memory_space<hbm>>
      %dma_start3A_77 = tpu.memref_squeeze %dma_start3A_76 : memref<1x1x1x28x128xi32, #tpu.memory_space<hbm>> -> memref<28x128xi32, #tpu.memory_space<hbm>>
      %dma_start3A_78 = arith.constant 0 : i32
      %dma_start3A_79 = arith.constant 0 : i32
      %dma_start3A_80 = tpu.memref_slice %arg4[%arg0, %arg1, %run_scoped3A_23, %dma_start3A_78, %dma_start3A_79] : memref<2x16x3x28x128xi32, #tpu.memory_space<hbm>> -> memref<1x1x1x28x128xi32, #tpu.memory_space<hbm>>
      %dma_start3A_81 = tpu.memref_squeeze %dma_start3A_80 : memref<1x1x1x28x128xi32, #tpu.memory_space<hbm>> -> memref<28x128xi32, #tpu.memory_space<hbm>>
      tpu.enqueue_dma source(%dma_start3A_81 : memref<28x128xi32, #tpu.memory_space<hbm>>) target(%arg8 : memref<28x128xi32, #tpu.memory_space<vmem>>) target_semaphore(%run_scoped3A_73 : memref<!tpu.dma_semaphore, #tpu.memory_space<semaphore_mem>>)
      %dma_wait3A = arith.constant 0 : i32
      %dma_wait3A_82 = arith.constant 0 : i32
      %dma_wait3A_83 = tpu.memref_slice %arg4[%arg0, %arg1, %run_scoped3A_23, %dma_wait3A, %dma_wait3A_82] : memref<2x16x3x28x128xi32, #tpu.memory_space<hbm>> -> memref<1x1x1x28x128xi32, #tpu.memory_space<hbm>>
      %dma_wait3A_84 = tpu.memref_squeeze %dma_wait3A_83 : memref<1x1x1x28x128xi32, #tpu.memory_space<hbm>> -> memref<28x128xi32, #tpu.memory_space<hbm>>
      %dma_wait3A_85 = arith.constant 0 : i32
      %dma_wait3A_86 = arith.constant 0 : i32
      %dma_wait3A_87 = tpu.memref_slice %arg4[%arg0, %arg1, %run_scoped3A_23, %dma_wait3A_85, %dma_wait3A_86] : memref<2x16x3x28x128xi32, #tpu.memory_space<hbm>> -> memref<1x1x1x28x128xi32, #tpu.memory_space<hbm>>
      %dma_wait3A_88 = tpu.memref_squeeze %dma_wait3A_87 : memref<1x1x1x28x128xi32, #tpu.memory_space<hbm>> -> memref<28x128xi32, #tpu.memory_space<hbm>>
      tpu.wait_dma2 semaphore(%run_scoped3A_73 : memref<!tpu.dma_semaphore, #tpu.memory_space<semaphore_mem>>) src(%dma_wait3A_88 : memref<28x128xi32, #tpu.memory_space<hbm>>) dst(%arg8 : memref<28x128xi32, #tpu.memory_space<vmem>>)
      tpu.yield
    }) : () -> ()
    %dma_start3A_24 = arith.constant 0 : i32
    %dma_start3A_25 = arith.constant 0 : i32
    %dma_start3A_26 = tpu.memref_slice %arg7[%dma_start3A_24, %dma_start3A_25] : memref<28x128xi32, #tpu.memory_space<vmem>> -> memref<1x128xi32, #tpu.memory_space<vmem>>
    %dma_start3A_27 = tpu.memref_squeeze %dma_start3A_26 : memref<1x128xi32, #tpu.memory_space<vmem>> -> memref<128xi32, #tpu.memory_space<vmem>>
    %dma_start3A_28 = arith.constant 0 : i32
    %dma_start3A_29 = arith.constant 0 : i32
    %dma_start3A_30 = tpu.memref_slice %arg2[%dma_start3A_28, %dma_start3A_29] : memref<10240x128xf32, #tpu.memory_space<hbm>> -> memref<10240x128xf32, #tpu.memory_space<hbm>>
    tpu.enqueue_indirect_dma source(%dma_start3A_30 : memref<10240x128xf32, #tpu.memory_space<hbm>>) target(%arg9 : memref<128x128xf32, #tpu.memory_space<vmem>>) offsets(%dma_start3A_27 : memref<128xi32, #tpu.memory_space<vmem>>) semaphore(%arg12 : memref<!tpu.dma_semaphore, #tpu.memory_space<semaphore_mem>>)
    %scan3A_31 = arith.constant 0 : i32
    %scan3A_32 = arith.constant 0 : i32
    %scan3A_33 = arith.constant 14 : i32
    %scan3A_34 = arith.addi %scan3A_32, %scan3A_33 : i32
    %scan3A_35 = arith.constant 1 : i32
    scf.for %scan3A_73 = %scan3A_32 to %scan3A_34 step %scan3A_35  : i32 {
      %mul3A_74 = arith.constant 2 : i32
      %mul3A_75 = arith.muli %scan3A_73, %mul3A_74 : i32
      %dma_wait3A = arith.constant 0 : i32
      %dma_wait3A_76 = tpu.memref_slice %arg7[%mul3A_75, %dma_wait3A] : memref<28x128xi32, #tpu.memory_space<vmem>> -> memref<1x128xi32, #tpu.memory_space<vmem>>
      %dma_wait3A_77 = tpu.memref_squeeze %dma_wait3A_76 : memref<1x128xi32, #tpu.memory_space<vmem>> -> memref<128xi32, #tpu.memory_space<vmem>>
      %dma_wait3A_78 = arith.constant 0 : i32
      %dma_wait3A_79 = arith.constant 0 : i32
      %dma_wait3A_80 = tpu.memref_slice %arg2[%dma_wait3A_78, %dma_wait3A_79] : memref<10240x128xf32, #tpu.memory_space<hbm>> -> memref<10240x128xf32, #tpu.memory_space<hbm>>
      tpu.wait_indirect_dma semaphore(%arg12 : memref<!tpu.dma_semaphore, #tpu.memory_space<semaphore_mem>>) src(%dma_wait3A_80 : memref<10240x128xf32, #tpu.memory_space<hbm>>) dst(%arg9 : memref<128x128xf32, #tpu.memory_space<vmem>>)
      %add3A_81 = arith.constant 1 : i32
      %add3A_82 = arith.addi %mul3A_75, %add3A_81 : i32
      %dma_start3A_83 = arith.constant 0 : i32
      %dma_start3A_84 = tpu.memref_slice %arg7[%add3A_82, %dma_start3A_83] : memref<28x128xi32, #tpu.memory_space<vmem>> -> memref<1x128xi32, #tpu.memory_space<vmem>>
      %dma_start3A_85 = tpu.memref_squeeze %dma_start3A_84 : memref<1x128xi32, #tpu.memory_space<vmem>> -> memref<128xi32, #tpu.memory_space<vmem>>
      %dma_start3A_86 = arith.constant 0 : i32
      %dma_start3A_87 = arith.constant 0 : i32
      %dma_start3A_88 = tpu.memref_slice %arg2[%dma_start3A_86, %dma_start3A_87] : memref<10240x128xf32, #tpu.memory_space<hbm>> -> memref<10240x128xf32, #tpu.memory_space<hbm>>
      tpu.enqueue_indirect_dma source(%dma_start3A_88 : memref<10240x128xf32, #tpu.memory_space<hbm>>) target(%arg10 : memref<128x128xf32, #tpu.memory_space<vmem>>) offsets(%dma_start3A_85 : memref<128xi32, #tpu.memory_space<vmem>>) semaphore(%arg13 : memref<!tpu.dma_semaphore, #tpu.memory_space<semaphore_mem>>)
      "tpu.region"() ({
        %run_scoped3A_103 = tpu.sem_alloc : memref<!tpu.dma_semaphore, #tpu.memory_space<semaphore_mem>>
        %dma_start3A_104 = arith.constant 0 : i32
        %dma_start3A_105 = tpu.memref_slice %arg8[%mul3A_75, %dma_start3A_104] : memref<28x128xi32, #tpu.memory_space<vmem>> -> memref<1x128xi32, #tpu.memory_space<vmem>>
        %dma_start3A_106 = tpu.memref_squeeze %dma_start3A_105 : memref<1x128xi32, #tpu.memory_space<vmem>> -> memref<128xi32, #tpu.memory_space<vmem>>
        %dma_start3A_107 = arith.constant 0 : i32
        %dma_start3A_108 = arith.constant 0 : i32
        %dma_start3A_109 = tpu.memref_slice %arg11[%dma_start3A_107, %dma_start3A_108] : memref<10240x128xf32, #tpu.memory_space<vmem_shared>> -> memref<10240x128xf32, #tpu.memory_space<vmem_shared>>
        tpu.enqueue_indirect_dma source(%arg9 : memref<128x128xf32, #tpu.memory_space<vmem>>) target(%dma_start3A_109 : memref<10240x128xf32, #tpu.memory_space<vmem_shared>>) offsets(%dma_start3A_106 : memref<128xi32, #tpu.memory_space<vmem>>) semaphore(%run_scoped3A_103 : memref<!tpu.dma_semaphore, #tpu.memory_space<semaphore_mem>>) {add = true}
        %dma_wait3A_110 = arith.constant 0 : i32
        %dma_wait3A_111 = tpu.memref_slice %arg8[%mul3A_75, %dma_wait3A_110] : memref<28x128xi32, #tpu.memory_space<vmem>> -> memref<1x128xi32, #tpu.memory_space<vmem>>
        %dma_wait3A_112 = tpu.memref_squeeze %dma_wait3A_111 : memref<1x128xi32, #tpu.memory_space<vmem>> -> memref<128xi32, #tpu.memory_space<vmem>>
        %dma_wait3A_113 = arith.constant 0 : i32
        %dma_wait3A_114 = arith.constant 0 : i32
        %dma_wait3A_115 = tpu.memref_slice %arg11[%dma_wait3A_113, %dma_wait3A_114] : memref<10240x128xf32, #tpu.memory_space<vmem_shared>> -> memref<10240x128xf32, #tpu.memory_space<vmem_shared>>
        tpu.wait_indirect_dma semaphore(%run_scoped3A_103 : memref<!tpu.dma_semaphore, #tpu.memory_space<semaphore_mem>>) src(%arg9 : memref<128x128xf32, #tpu.memory_space<vmem>>) dst(%dma_wait3A_115 : memref<10240x128xf32, #tpu.memory_space<vmem_shared>>)
        tpu.yield
      }) : () -> ()
      %add3A_89 = arith.constant 1 : i32
      %add3A_90 = arith.addi %mul3A_75, %add3A_89 : i32
      %dma_wait3A_91 = arith.constant 0 : i32
      %dma_wait3A_92 = tpu.memref_slice %arg7[%add3A_90, %dma_wait3A_91] : memref<28x128xi32, #tpu.memory_space<vmem>> -> memref<1x128xi32, #tpu.memory_space<vmem>>
      %dma_wait3A_93 = tpu.memref_squeeze %dma_wait3A_92 : memref<1x128xi32, #tpu.memory_space<vmem>> -> memref<128xi32, #tpu.memory_space<vmem>>
      %dma_wait3A_94 = arith.constant 0 : i32
      %dma_wait3A_95 = arith.constant 0 : i32
      %dma_wait3A_96 = tpu.memref_slice %arg2[%dma_wait3A_94, %dma_wait3A_95] : memref<10240x128xf32, #tpu.memory_space<hbm>> -> memref<10240x128xf32, #tpu.memory_space<hbm>>
      tpu.wait_indirect_dma semaphore(%arg13 : memref<!tpu.dma_semaphore, #tpu.memory_space<semaphore_mem>>) src(%dma_wait3A_96 : memref<10240x128xf32, #tpu.memory_space<hbm>>) dst(%arg10 : memref<128x128xf32, #tpu.memory_space<vmem>>)
      %add3A_97 = arith.constant 1 : i32
      %add3A_98 = arith.addi %scan3A_73, %add3A_97 : i32
      %lt3A = arith.constant 14 : i32
      %lt3A_99 = arith.cmpi slt, %add3A_98, %lt3A : i32
      %convert_element_type3A = arith.extui %lt3A_99 : i1 to i32
      %cond3A = arith.constant 0 : i32
      %cond3A_100 = arith.cmpi ne, %convert_element_type3A, %cond3A : i32
      scf.if %cond3A_100 {
        %add3A_103 = arith.constant 2 : i32
        %add3A_104 = arith.addi %mul3A_75, %add3A_103 : i32
        %dma_start3A_105 = arith.constant 0 : i32
        %dma_start3A_106 = tpu.memref_slice %arg7[%add3A_104, %dma_start3A_105] : memref<28x128xi32, #tpu.memory_space<vmem>> -> memref<1x128xi32, #tpu.memory_space<vmem>>
        %dma_start3A_107 = tpu.memref_squeeze %dma_start3A_106 : memref<1x128xi32, #tpu.memory_space<vmem>> -> memref<128xi32, #tpu.memory_space<vmem>>
        %dma_start3A_108 = arith.constant 0 : i32
        %dma_start3A_109 = arith.constant 0 : i32
        %dma_start3A_110 = tpu.memref_slice %arg2[%dma_start3A_108, %dma_start3A_109] : memref<10240x128xf32, #tpu.memory_space<hbm>> -> memref<10240x128xf32, #tpu.memory_space<hbm>>
        tpu.enqueue_indirect_dma source(%dma_start3A_110 : memref<10240x128xf32, #tpu.memory_space<hbm>>) target(%arg9 : memref<128x128xf32, #tpu.memory_space<vmem>>) offsets(%dma_start3A_107 : memref<128xi32, #tpu.memory_space<vmem>>) semaphore(%arg12 : memref<!tpu.dma_semaphore, #tpu.memory_space<semaphore_mem>>)
      } else {
      }
      %add3A_101 = arith.constant 1 : i32
      %add3A_102 = arith.addi %mul3A_75, %add3A_101 : i32
      "tpu.region"() ({
        %run_scoped3A_103 = tpu.sem_alloc : memref<!tpu.dma_semaphore, #tpu.memory_space<semaphore_mem>>
        %dma_start3A_104 = arith.constant 0 : i32
        %dma_start3A_105 = tpu.memref_slice %arg8[%add3A_102, %dma_start3A_104] : memref<28x128xi32, #tpu.memory_space<vmem>> -> memref<1x128xi32, #tpu.memory_space<vmem>>
        %dma_start3A_106 = tpu.memref_squeeze %dma_start3A_105 : memref<1x128xi32, #tpu.memory_space<vmem>> -> memref<128xi32, #tpu.memory_space<vmem>>
        %dma_start3A_107 = arith.constant 0 : i32
        %dma_start3A_108 = arith.constant 0 : i32
        %dma_start3A_109 = tpu.memref_slice %arg11[%dma_start3A_107, %dma_start3A_108] : memref<10240x128xf32, #tpu.memory_space<vmem_shared>> -> memref<10240x128xf32, #tpu.memory_space<vmem_shared>>
        tpu.enqueue_indirect_dma source(%arg10 : memref<128x128xf32, #tpu.memory_space<vmem>>) target(%dma_start3A_109 : memref<10240x128xf32, #tpu.memory_space<vmem_shared>>) offsets(%dma_start3A_106 : memref<128xi32, #tpu.memory_space<vmem>>) semaphore(%run_scoped3A_103 : memref<!tpu.dma_semaphore, #tpu.memory_space<semaphore_mem>>) {add = true}
        %dma_wait3A_110 = arith.constant 0 : i32
        %dma_wait3A_111 = tpu.memref_slice %arg8[%add3A_102, %dma_wait3A_110] : memref<28x128xi32, #tpu.memory_space<vmem>> -> memref<1x128xi32, #tpu.memory_space<vmem>>
        %dma_wait3A_112 = tpu.memref_squeeze %dma_wait3A_111 : memref<1x128xi32, #tpu.memory_space<vmem>> -> memref<128xi32, #tpu.memory_space<vmem>>
        %dma_wait3A_113 = arith.constant 0 : i32
        %dma_wait3A_114 = arith.constant 0 : i32
        %dma_wait3A_115 = tpu.memref_slice %arg11[%dma_wait3A_113, %dma_wait3A_114] : memref<10240x128xf32, #tpu.memory_space<vmem_shared>> -> memref<10240x128xf32, #tpu.memory_space<vmem_shared>>
        tpu.wait_indirect_dma semaphore(%run_scoped3A_103 : memref<!tpu.dma_semaphore, #tpu.memory_space<semaphore_mem>>) src(%arg10 : memref<128x128xf32, #tpu.memory_space<vmem>>) dst(%dma_wait3A_115 : memref<10240x128xf32, #tpu.memory_space<vmem_shared>>)
        tpu.yield
      }) : () -> ()
    }
    %scan3A_36 = arith.constant 14 : i32
    %run_scoped3A_37 = arith.constant 2 : i32
    "tpu.region"() ({
      %run_scoped3A_73 = tpu.sem_alloc : memref<!tpu.dma_semaphore, #tpu.memory_space<semaphore_mem>>
      %dma_start3A_74 = arith.constant 0 : i32
      %dma_start3A_75 = arith.constant 0 : i32
      %dma_start3A_76 = tpu.memref_slice %arg3[%arg0, %arg1, %run_scoped3A_37, %dma_start3A_74, %dma_start3A_75] : memref<2x16x3x28x128xi32, #tpu.memory_space<hbm>> -> memref<1x1x1x28x128xi32, #tpu.memory_space<hbm>>
      %dma_start3A_77 = tpu.memref_squeeze %dma_start3A_76 : memref<1x1x1x28x128xi32, #tpu.memory_space<hbm>> -> memref<28x128xi32, #tpu.memory_space<hbm>>
      %dma_start3A_78 = arith.constant 0 : i32
      %dma_start3A_79 = arith.constant 0 : i32
      %dma_start3A_80 = tpu.memref_slice %arg3[%arg0, %arg1, %run_scoped3A_37, %dma_start3A_78, %dma_start3A_79] : memref<2x16x3x28x128xi32, #tpu.memory_space<hbm>> -> memref<1x1x1x28x128xi32, #tpu.memory_space<hbm>>
      %dma_start3A_81 = tpu.memref_squeeze %dma_start3A_80 : memref<1x1x1x28x128xi32, #tpu.memory_space<hbm>> -> memref<28x128xi32, #tpu.memory_space<hbm>>
      tpu.enqueue_dma source(%dma_start3A_81 : memref<28x128xi32, #tpu.memory_space<hbm>>) target(%arg7 : memref<28x128xi32, #tpu.memory_space<vmem>>) target_semaphore(%run_scoped3A_73 : memref<!tpu.dma_semaphore, #tpu.memory_space<semaphore_mem>>)
      %dma_wait3A = arith.constant 0 : i32
      %dma_wait3A_82 = arith.constant 0 : i32
      %dma_wait3A_83 = tpu.memref_slice %arg3[%arg0, %arg1, %run_scoped3A_37, %dma_wait3A, %dma_wait3A_82] : memref<2x16x3x28x128xi32, #tpu.memory_space<hbm>> -> memref<1x1x1x28x128xi32, #tpu.memory_space<hbm>>
      %dma_wait3A_84 = tpu.memref_squeeze %dma_wait3A_83 : memref<1x1x1x28x128xi32, #tpu.memory_space<hbm>> -> memref<28x128xi32, #tpu.memory_space<hbm>>
      %dma_wait3A_85 = arith.constant 0 : i32
      %dma_wait3A_86 = arith.constant 0 : i32
      %dma_wait3A_87 = tpu.memref_slice %arg3[%arg0, %arg1, %run_scoped3A_37, %dma_wait3A_85, %dma_wait3A_86] : memref<2x16x3x28x128xi32, #tpu.memory_space<hbm>> -> memref<1x1x1x28x128xi32, #tpu.memory_space<hbm>>
      %dma_wait3A_88 = tpu.memref_squeeze %dma_wait3A_87 : memref<1x1x1x28x128xi32, #tpu.memory_space<hbm>> -> memref<28x128xi32, #tpu.memory_space<hbm>>
      tpu.wait_dma2 semaphore(%run_scoped3A_73 : memref<!tpu.dma_semaphore, #tpu.memory_space<semaphore_mem>>) src(%dma_wait3A_88 : memref<28x128xi32, #tpu.memory_space<hbm>>) dst(%arg7 : memref<28x128xi32, #tpu.memory_space<vmem>>)
      tpu.yield
    }) : () -> ()
    %run_scoped3A_38 = arith.constant 2 : i32
    "tpu.region"() ({
      %run_scoped3A_73 = tpu.sem_alloc : memref<!tpu.dma_semaphore, #tpu.memory_space<semaphore_mem>>
      %dma_start3A_74 = arith.constant 0 : i32
      %dma_start3A_75 = arith.constant 0 : i32
      %dma_start3A_76 = tpu.memref_slice %arg4[%arg0, %arg1, %run_scoped3A_38, %dma_start3A_74, %dma_start3A_75] : memref<2x16x3x28x128xi32, #tpu.memory_space<hbm>> -> memref<1x1x1x28x128xi32, #tpu.memory_space<hbm>>
      %dma_start3A_77 = tpu.memref_squeeze %dma_start3A_76 : memref<1x1x1x28x128xi32, #tpu.memory_space<hbm>> -> memref<28x128xi32, #tpu.memory_space<hbm>>
      %dma_start3A_78 = arith.constant 0 : i32
      %dma_start3A_79 = arith.constant 0 : i32
      %dma_start3A_80 = tpu.memref_slice %arg4[%arg0, %arg1, %run_scoped3A_38, %dma_start3A_78, %dma_start3A_79] : memref<2x16x3x28x128xi32, #tpu.memory_space<hbm>> -> memref<1x1x1x28x128xi32, #tpu.memory_space<hbm>>
      %dma_start3A_81 = tpu.memref_squeeze %dma_start3A_80 : memref<1x1x1x28x128xi32, #tpu.memory_space<hbm>> -> memref<28x128xi32, #tpu.memory_space<hbm>>
      tpu.enqueue_dma source(%dma_start3A_81 : memref<28x128xi32, #tpu.memory_space<hbm>>) target(%arg8 : memref<28x128xi32, #tpu.memory_space<vmem>>) target_semaphore(%run_scoped3A_73 : memref<!tpu.dma_semaphore, #tpu.memory_space<semaphore_mem>>)
      %dma_wait3A = arith.constant 0 : i32
      %dma_wait3A_82 = arith.constant 0 : i32
      %dma_wait3A_83 = tpu.memref_slice %arg4[%arg0, %arg1, %run_scoped3A_38, %dma_wait3A, %dma_wait3A_82] : memref<2x16x3x28x128xi32, #tpu.memory_space<hbm>> -> memref<1x1x1x28x128xi32, #tpu.memory_space<hbm>>
      %dma_wait3A_84 = tpu.memref_squeeze %dma_wait3A_83 : memref<1x1x1x28x128xi32, #tpu.memory_space<hbm>> -> memref<28x128xi32, #tpu.memory_space<hbm>>
      %dma_wait3A_85 = arith.constant 0 : i32
      %dma_wait3A_86 = arith.constant 0 : i32
      %dma_wait3A_87 = tpu.memref_slice %arg4[%arg0, %arg1, %run_scoped3A_38, %dma_wait3A_85, %dma_wait3A_86] : memref<2x16x3x28x128xi32, #tpu.memory_space<hbm>> -> memref<1x1x1x28x128xi32, #tpu.memory_space<hbm>>
      %dma_wait3A_88 = tpu.memref_squeeze %dma_wait3A_87 : memref<1x1x1x28x128xi32, #tpu.memory_space<hbm>> -> memref<28x128xi32, #tpu.memory_space<hbm>>
      tpu.wait_dma2 semaphore(%run_scoped3A_73 : memref<!tpu.dma_semaphore, #tpu.memory_space<semaphore_mem>>) src(%dma_wait3A_88 : memref<28x128xi32, #tpu.memory_space<hbm>>) dst(%arg8 : memref<28x128xi32, #tpu.memory_space<vmem>>)
      tpu.yield
    }) : () -> ()
    %dma_start3A_39 = arith.constant 0 : i32
    %dma_start3A_40 = arith.constant 0 : i32
    %dma_start3A_41 = tpu.memref_slice %arg7[%dma_start3A_39, %dma_start3A_40] : memref<28x128xi32, #tpu.memory_space<vmem>> -> memref<1x128xi32, #tpu.memory_space<vmem>>
    %dma_start3A_42 = tpu.memref_squeeze %dma_start3A_41 : memref<1x128xi32, #tpu.memory_space<vmem>> -> memref<128xi32, #tpu.memory_space<vmem>>
    %dma_start3A_43 = arith.constant 0 : i32
    %dma_start3A_44 = arith.constant 0 : i32
    %dma_start3A_45 = tpu.memref_slice %arg2[%dma_start3A_43, %dma_start3A_44] : memref<10240x128xf32, #tpu.memory_space<hbm>> -> memref<10240x128xf32, #tpu.memory_space<hbm>>
    tpu.enqueue_indirect_dma source(%dma_start3A_45 : memref<10240x128xf32, #tpu.memory_space<hbm>>) target(%arg9 : memref<128x128xf32, #tpu.memory_space<vmem>>) offsets(%dma_start3A_42 : memref<128xi32, #tpu.memory_space<vmem>>) semaphore(%arg12 : memref<!tpu.dma_semaphore, #tpu.memory_space<semaphore_mem>>)
    %scan3A_46 = arith.constant 0 : i32
    %scan3A_47 = arith.constant 0 : i32
    %scan3A_48 = arith.constant 14 : i32
    %scan3A_49 = arith.addi %scan3A_47, %scan3A_48 : i32
    %scan3A_50 = arith.constant 1 : i32
    scf.for %scan3A_73 = %scan3A_47 to %scan3A_49 step %scan3A_50  : i32 {
      %mul3A_74 = arith.constant 2 : i32
      %mul3A_75 = arith.muli %scan3A_73, %mul3A_74 : i32
      %dma_wait3A = arith.constant 0 : i32
      %dma_wait3A_76 = tpu.memref_slice %arg7[%mul3A_75, %dma_wait3A] : memref<28x128xi32, #tpu.memory_space<vmem>> -> memref<1x128xi32, #tpu.memory_space<vmem>>
      %dma_wait3A_77 = tpu.memref_squeeze %dma_wait3A_76 : memref<1x128xi32, #tpu.memory_space<vmem>> -> memref<128xi32, #tpu.memory_space<vmem>>
      %dma_wait3A_78 = arith.constant 0 : i32
      %dma_wait3A_79 = arith.constant 0 : i32
      %dma_wait3A_80 = tpu.memref_slice %arg2[%dma_wait3A_78, %dma_wait3A_79] : memref<10240x128xf32, #tpu.memory_space<hbm>> -> memref<10240x128xf32, #tpu.memory_space<hbm>>
      tpu.wait_indirect_dma semaphore(%arg12 : memref<!tpu.dma_semaphore, #tpu.memory_space<semaphore_mem>>) src(%dma_wait3A_80 : memref<10240x128xf32, #tpu.memory_space<hbm>>) dst(%arg9 : memref<128x128xf32, #tpu.memory_space<vmem>>)
      %add3A_81 = arith.constant 1 : i32
      %add3A_82 = arith.addi %mul3A_75, %add3A_81 : i32
      %dma_start3A_83 = arith.constant 0 : i32
      %dma_start3A_84 = tpu.memref_slice %arg7[%add3A_82, %dma_start3A_83] : memref<28x128xi32, #tpu.memory_space<vmem>> -> memref<1x128xi32, #tpu.memory_space<vmem>>
      %dma_start3A_85 = tpu.memref_squeeze %dma_start3A_84 : memref<1x128xi32, #tpu.memory_space<vmem>> -> memref<128xi32, #tpu.memory_space<vmem>>
      %dma_start3A_86 = arith.constant 0 : i32
      %dma_start3A_87 = arith.constant 0 : i32
      %dma_start3A_88 = tpu.memref_slice %arg2[%dma_start3A_86, %dma_start3A_87] : memref<10240x128xf32, #tpu.memory_space<hbm>> -> memref<10240x128xf32, #tpu.memory_space<hbm>>
      tpu.enqueue_indirect_dma source(%dma_start3A_88 : memref<10240x128xf32, #tpu.memory_space<hbm>>) target(%arg10 : memref<128x128xf32, #tpu.memory_space<vmem>>) offsets(%dma_start3A_85 : memref<128xi32, #tpu.memory_space<vmem>>) semaphore(%arg13 : memref<!tpu.dma_semaphore, #tpu.memory_space<semaphore_mem>>)
      "tpu.region"() ({
        %run_scoped3A_103 = tpu.sem_alloc : memref<!tpu.dma_semaphore, #tpu.memory_space<semaphore_mem>>
        %dma_start3A_104 = arith.constant 0 : i32
        %dma_start3A_105 = tpu.memref_slice %arg8[%mul3A_75, %dma_start3A_104] : memref<28x128xi32, #tpu.memory_space<vmem>> -> memref<1x128xi32, #tpu.memory_space<vmem>>
        %dma_start3A_106 = tpu.memref_squeeze %dma_start3A_105 : memref<1x128xi32, #tpu.memory_space<vmem>> -> memref<128xi32, #tpu.memory_space<vmem>>
        %dma_start3A_107 = arith.constant 0 : i32
        %dma_start3A_108 = arith.constant 0 : i32
        %dma_start3A_109 = tpu.memref_slice %arg11[%dma_start3A_107, %dma_start3A_108] : memref<10240x128xf32, #tpu.memory_space<vmem_shared>> -> memref<10240x128xf32, #tpu.memory_space<vmem_shared>>
        tpu.enqueue_indirect_dma source(%arg9 : memref<128x128xf32, #tpu.memory_space<vmem>>) target(%dma_start3A_109 : memref<10240x128xf32, #tpu.memory_space<vmem_shared>>) offsets(%dma_start3A_106 : memref<128xi32, #tpu.memory_space<vmem>>) semaphore(%run_scoped3A_103 : memref<!tpu.dma_semaphore, #tpu.memory_space<semaphore_mem>>) {add = true}
        %dma_wait3A_110 = arith.constant 0 : i32
        %dma_wait3A_111 = tpu.memref_slice %arg8[%mul3A_75, %dma_wait3A_110] : memref<28x128xi32, #tpu.memory_space<vmem>> -> memref<1x128xi32, #tpu.memory_space<vmem>>
        %dma_wait3A_112 = tpu.memref_squeeze %dma_wait3A_111 : memref<1x128xi32, #tpu.memory_space<vmem>> -> memref<128xi32, #tpu.memory_space<vmem>>
        %dma_wait3A_113 = arith.constant 0 : i32
        %dma_wait3A_114 = arith.constant 0 : i32
        %dma_wait3A_115 = tpu.memref_slice %arg11[%dma_wait3A_113, %dma_wait3A_114] : memref<10240x128xf32, #tpu.memory_space<vmem_shared>> -> memref<10240x128xf32, #tpu.memory_space<vmem_shared>>
        tpu.wait_indirect_dma semaphore(%run_scoped3A_103 : memref<!tpu.dma_semaphore, #tpu.memory_space<semaphore_mem>>) src(%arg9 : memref<128x128xf32, #tpu.memory_space<vmem>>) dst(%dma_wait3A_115 : memref<10240x128xf32, #tpu.memory_space<vmem_shared>>)
        tpu.yield
      }) : () -> ()
      %add3A_89 = arith.constant 1 : i32
      %add3A_90 = arith.addi %mul3A_75, %add3A_89 : i32
      %dma_wait3A_91 = arith.constant 0 : i32
      %dma_wait3A_92 = tpu.memref_slice %arg7[%add3A_90, %dma_wait3A_91] : memref<28x128xi32, #tpu.memory_space<vmem>> -> memref<1x128xi32, #tpu.memory_space<vmem>>
      %dma_wait3A_93 = tpu.memref_squeeze %dma_wait3A_92 : memref<1x128xi32, #tpu.memory_space<vmem>> -> memref<128xi32, #tpu.memory_space<vmem>>
      %dma_wait3A_94 = arith.constant 0 : i32
      %dma_wait3A_95 = arith.constant 0 : i32
      %dma_wait3A_96 = tpu.memref_slice %arg2[%dma_wait3A_94, %dma_wait3A_95] : memref<10240x128xf32, #tpu.memory_space<hbm>> -> memref<10240x128xf32, #tpu.memory_space<hbm>>
      tpu.wait_indirect_dma semaphore(%arg13 : memref<!tpu.dma_semaphore, #tpu.memory_space<semaphore_mem>>) src(%dma_wait3A_96 : memref<10240x128xf32, #tpu.memory_space<hbm>>) dst(%arg10 : memref<128x128xf32, #tpu.memory_space<vmem>>)
      %add3A_97 = arith.constant 1 : i32
      %add3A_98 = arith.addi %scan3A_73, %add3A_97 : i32
      %lt3A = arith.constant 14 : i32
      %lt3A_99 = arith.cmpi slt, %add3A_98, %lt3A : i32
      %convert_element_type3A = arith.extui %lt3A_99 : i1 to i32
      %cond3A = arith.constant 0 : i32
      %cond3A_100 = arith.cmpi ne, %convert_element_type3A, %cond3A : i32
      scf.if %cond3A_100 {
        %add3A_103 = arith.constant 2 : i32
        %add3A_104 = arith.addi %mul3A_75, %add3A_103 : i32
        %dma_start3A_105 = arith.constant 0 : i32
        %dma_start3A_106 = tpu.memref_slice %arg7[%add3A_104, %dma_start3A_105] : memref<28x128xi32, #tpu.memory_space<vmem>> -> memref<1x128xi32, #tpu.memory_space<vmem>>
        %dma_start3A_107 = tpu.memref_squeeze %dma_start3A_106 : memref<1x128xi32, #tpu.memory_space<vmem>> -> memref<128xi32, #tpu.memory_space<vmem>>
        %dma_start3A_108 = arith.constant 0 : i32
        %dma_start3A_109 = arith.constant 0 : i32
        %dma_start3A_110 = tpu.memref_slice %arg2[%dma_start3A_108, %dma_start3A_109] : memref<10240x128xf32, #tpu.memory_space<hbm>> -> memref<10240x128xf32, #tpu.memory_space<hbm>>
        tpu.enqueue_indirect_dma source(%dma_start3A_110 : memref<10240x128xf32, #tpu.memory_space<hbm>>) target(%arg9 : memref<128x128xf32, #tpu.memory_space<vmem>>) offsets(%dma_start3A_107 : memref<128xi32, #tpu.memory_space<vmem>>) semaphore(%arg12 : memref<!tpu.dma_semaphore, #tpu.memory_space<semaphore_mem>>)
      } else {
      }
      %add3A_101 = arith.constant 1 : i32
      %add3A_102 = arith.addi %mul3A_75, %add3A_101 : i32
      "tpu.region"() ({
        %run_scoped3A_103 = tpu.sem_alloc : memref<!tpu.dma_semaphore, #tpu.memory_space<semaphore_mem>>
        %dma_start3A_104 = arith.constant 0 : i32
        %dma_start3A_105 = tpu.memref_slice %arg8[%add3A_102, %dma_start3A_104] : memref<28x128xi32, #tpu.memory_space<vmem>> -> memref<1x128xi32, #tpu.memory_space<vmem>>
        %dma_start3A_106 = tpu.memref_squeeze %dma_start3A_105 : memref<1x128xi32, #tpu.memory_space<vmem>> -> memref<128xi32, #tpu.memory_space<vmem>>
        %dma_start3A_107 = arith.constant 0 : i32
        %dma_start3A_108 = arith.constant 0 : i32
        %dma_start3A_109 = tpu.memref_slice %arg11[%dma_start3A_107, %dma_start3A_108] : memref<10240x128xf32, #tpu.memory_space<vmem_shared>> -> memref<10240x128xf32, #tpu.memory_space<vmem_shared>>
        tpu.enqueue_indirect_dma source(%arg10 : memref<128x128xf32, #tpu.memory_space<vmem>>) target(%dma_start3A_109 : memref<10240x128xf32, #tpu.memory_space<vmem_shared>>) offsets(%dma_start3A_106 : memref<128xi32, #tpu.memory_space<vmem>>) semaphore(%run_scoped3A_103 : memref<!tpu.dma_semaphore, #tpu.memory_space<semaphore_mem>>) {add = true}
        %dma_wait3A_110 = arith.constant 0 : i32
        %dma_wait3A_111 = tpu.memref_slice %arg8[%add3A_102, %dma_wait3A_110] : memref<28x128xi32, #tpu.memory_space<vmem>> -> memref<1x128xi32, #tpu.memory_space<vmem>>
        %dma_wait3A_112 = tpu.memref_squeeze %dma_wait3A_111 : memref<1x128xi32, #tpu.memory_space<vmem>> -> memref<128xi32, #tpu.memory_space<vmem>>
        %dma_wait3A_113 = arith.constant 0 : i32
        %dma_wait3A_114 = arith.constant 0 : i32
        %dma_wait3A_115 = tpu.memref_slice %arg11[%dma_wait3A_113, %dma_wait3A_114] : memref<10240x128xf32, #tpu.memory_space<vmem_shared>> -> memref<10240x128xf32, #tpu.memory_space<vmem_shared>>
        tpu.wait_indirect_dma semaphore(%run_scoped3A_103 : memref<!tpu.dma_semaphore, #tpu.memory_space<semaphore_mem>>) src(%arg10 : memref<128x128xf32, #tpu.memory_space<vmem>>) dst(%dma_wait3A_115 : memref<10240x128xf32, #tpu.memory_space<vmem_shared>>)
        tpu.yield
      }) : () -> ()
    }
    %scan3A_51 = arith.constant 14 : i32
    %barrier3A_52 = arith.constant 0 : index
    tpu.barrier barrier_id(%barrier3A_52)
    %add3A_53 = arith.constant 0 : i32
    %add3A_54 = arith.addi %mul3A_0, %add3A_53 : i32
    "tpu.region"() ({
      %run_scoped3A_73 = tpu.sem_alloc : memref<!tpu.dma_semaphore, #tpu.memory_space<semaphore_mem>>
      %dma_start3A_74 = arith.constant 0 : i32
      %dma_start3A_75 = tpu.memref_slice %arg11[%add3A_54, %dma_start3A_74] : memref<10240x128xf32, #tpu.memory_space<vmem_shared>> -> memref<128x128xf32, #tpu.memory_space<vmem_shared>>
      %dma_start3A_76 = arith.constant 0 : i32
      %dma_start3A_77 = tpu.memref_slice %arg11[%add3A_54, %dma_start3A_76] : memref<10240x128xf32, #tpu.memory_space<vmem_shared>> -> memref<128x128xf32, #tpu.memory_space<vmem_shared>>
      tpu.enqueue_dma source(%dma_start3A_77 : memref<128x128xf32, #tpu.memory_space<vmem_shared>>) target(%arg9 : memref<128x128xf32, #tpu.memory_space<vmem>>) target_semaphore(%run_scoped3A_73 : memref<!tpu.dma_semaphore, #tpu.memory_space<semaphore_mem>>)
      %dma_wait3A = arith.constant 0 : i32
      %dma_wait3A_78 = tpu.memref_slice %arg11[%add3A_54, %dma_wait3A] : memref<10240x128xf32, #tpu.memory_space<vmem_shared>> -> memref<128x128xf32, #tpu.memory_space<vmem_shared>>
      %dma_wait3A_79 = arith.constant 0 : i32
      %dma_wait3A_80 = tpu.memref_slice %arg11[%add3A_54, %dma_wait3A_79] : memref<10240x128xf32, #tpu.memory_space<vmem_shared>> -> memref<128x128xf32, #tpu.memory_space<vmem_shared>>
      tpu.wait_dma2 semaphore(%run_scoped3A_73 : memref<!tpu.dma_semaphore, #tpu.memory_space<semaphore_mem>>) src(%dma_wait3A_80 : memref<128x128xf32, #tpu.memory_space<vmem_shared>>) dst(%arg9 : memref<128x128xf32, #tpu.memory_space<vmem>>)
      tpu.yield
    }) : () -> ()
    %add3A_55 = arith.constant 0 : i32
    %add3A_56 = arith.addi %mul3A_0, %add3A_55 : i32
    "tpu.region"() ({
      %run_scoped3A_73 = tpu.sem_alloc : memref<!tpu.dma_semaphore, #tpu.memory_space<semaphore_mem>>
      %dma_start3A_74 = arith.constant 0 : i32
      %dma_start3A_75 = tpu.memref_slice %arg6[%arg0, %add3A_56, %dma_start3A_74] : memref<2x10240x128xf32, #tpu.memory_space<hbm>> -> memref<1x128x128xf32, #tpu.memory_space<hbm>>
      %dma_start3A_76 = tpu.memref_squeeze %dma_start3A_75 : memref<1x128x128xf32, #tpu.memory_space<hbm>> -> memref<128x128xf32, #tpu.memory_space<hbm>>
      %dma_start3A_77 = arith.constant 0 : i32
      %dma_start3A_78 = tpu.memref_slice %arg6[%arg0, %add3A_56, %dma_start3A_77] : memref<2x10240x128xf32, #tpu.memory_space<hbm>> -> memref<1x128x128xf32, #tpu.memory_space<hbm>>
      %dma_start3A_79 = tpu.memref_squeeze %dma_start3A_78 : memref<1x128x128xf32, #tpu.memory_space<hbm>> -> memref<128x128xf32, #tpu.memory_space<hbm>>
      tpu.enqueue_dma source(%arg9 : memref<128x128xf32, #tpu.memory_space<vmem>>) target(%dma_start3A_79 : memref<128x128xf32, #tpu.memory_space<hbm>>) target_semaphore(%run_scoped3A_73 : memref<!tpu.dma_semaphore, #tpu.memory_space<semaphore_mem>>)
      %dma_wait3A = arith.constant 0 : i32
      %dma_wait3A_80 = tpu.memref_slice %arg6[%arg0, %add3A_56, %dma_wait3A] : memref<2x10240x128xf32, #tpu.memory_space<hbm>> -> memref<1x128x128xf32, #tpu.memory_space<hbm>>
      %dma_wait3A_81 = tpu.memref_squeeze %dma_wait3A_80 : memref<1x128x128xf32, #tpu.memory_space<hbm>> -> memref<128x128xf32, #tpu.memory_space<hbm>>
      %dma_wait3A_82 = arith.constant 0 : i32
      %dma_wait3A_83 = tpu.memref_slice %arg6[%arg0, %add3A_56, %dma_wait3A_82] : memref<2x10240x128xf32, #tpu.memory_space<hbm>> -> memref<1x128x128xf32, #tpu.memory_space<hbm>>
      %dma_wait3A_84 = tpu.memref_squeeze %dma_wait3A_83 : memref<1x128x128xf32, #tpu.memory_space<hbm>> -> memref<128x128xf32, #tpu.memory_space<hbm>>
      tpu.wait_dma2 semaphore(%run_scoped3A_73 : memref<!tpu.dma_semaphore, #tpu.memory_space<semaphore_mem>>) src(%arg9 : memref<128x128xf32, #tpu.memory_space<vmem>>) dst(%dma_wait3A_84 : memref<128x128xf32, #tpu.memory_space<hbm>>)
      tpu.yield
    }) : () -> ()
    %add3A_57 = arith.constant 128 : i32
    %add3A_58 = arith.addi %mul3A_0, %add3A_57 : i32
    "tpu.region"() ({
      %run_scoped3A_73 = tpu.sem_alloc : memref<!tpu.dma_semaphore, #tpu.memory_space<semaphore_mem>>
      %dma_start3A_74 = arith.constant 0 : i32
      %dma_start3A_75 = tpu.memref_slice %arg11[%add3A_58, %dma_start3A_74] : memref<10240x128xf32, #tpu.memory_space<vmem_shared>> -> memref<128x128xf32, #tpu.memory_space<vmem_shared>>
      %dma_start3A_76 = arith.constant 0 : i32
      %dma_start3A_77 = tpu.memref_slice %arg11[%add3A_58, %dma_start3A_76] : memref<10240x128xf32, #tpu.memory_space<vmem_shared>> -> memref<128x128xf32, #tpu.memory_space<vmem_shared>>
      tpu.enqueue_dma source(%dma_start3A_77 : memref<128x128xf32, #tpu.memory_space<vmem_shared>>) target(%arg9 : memref<128x128xf32, #tpu.memory_space<vmem>>) target_semaphore(%run_scoped3A_73 : memref<!tpu.dma_semaphore, #tpu.memory_space<semaphore_mem>>)
      %dma_wait3A = arith.constant 0 : i32
      %dma_wait3A_78 = tpu.memref_slice %arg11[%add3A_58, %dma_wait3A] : memref<10240x128xf32, #tpu.memory_space<vmem_shared>> -> memref<128x128xf32, #tpu.memory_space<vmem_shared>>
      %dma_wait3A_79 = arith.constant 0 : i32
      %dma_wait3A_80 = tpu.memref_slice %arg11[%add3A_58, %dma_wait3A_79] : memref<10240x128xf32, #tpu.memory_space<vmem_shared>> -> memref<128x128xf32, #tpu.memory_space<vmem_shared>>
      tpu.wait_dma2 semaphore(%run_scoped3A_73 : memref<!tpu.dma_semaphore, #tpu.memory_space<semaphore_mem>>) src(%dma_wait3A_80 : memref<128x128xf32, #tpu.memory_space<vmem_shared>>) dst(%arg9 : memref<128x128xf32, #tpu.memory_space<vmem>>)
      tpu.yield
    }) : () -> ()
    %add3A_59 = arith.constant 128 : i32
    %add3A_60 = arith.addi %mul3A_0, %add3A_59 : i32
    "tpu.region"() ({
      %run_scoped3A_73 = tpu.sem_alloc : memref<!tpu.dma_semaphore, #tpu.memory_space<semaphore_mem>>
      %dma_start3A_74 = arith.constant 0 : i32
      %dma_start3A_75 = tpu.memref_slice %arg6[%arg0, %add3A_60, %dma_start3A_74] : memref<2x10240x128xf32, #tpu.memory_space<hbm>> -> memref<1x128x128xf32, #tpu.memory_space<hbm>>
      %dma_start3A_76 = tpu.memref_squeeze %dma_start3A_75 : memref<1x128x128xf32, #tpu.memory_space<hbm>> -> memref<128x128xf32, #tpu.memory_space<hbm>>
      %dma_start3A_77 = arith.constant 0 : i32
      %dma_start3A_78 = tpu.memref_slice %arg6[%arg0, %add3A_60, %dma_start3A_77] : memref<2x10240x128xf32, #tpu.memory_space<hbm>> -> memref<1x128x128xf32, #tpu.memory_space<hbm>>
      %dma_start3A_79 = tpu.memref_squeeze %dma_start3A_78 : memref<1x128x128xf32, #tpu.memory_space<hbm>> -> memref<128x128xf32, #tpu.memory_space<hbm>>
      tpu.enqueue_dma source(%arg9 : memref<128x128xf32, #tpu.memory_space<vmem>>) target(%dma_start3A_79 : memref<128x128xf32, #tpu.memory_space<hbm>>) target_semaphore(%run_scoped3A_73 : memref<!tpu.dma_semaphore, #tpu.memory_space<semaphore_mem>>)
      %dma_wait3A = arith.constant 0 : i32
      %dma_wait3A_80 = tpu.memref_slice %arg6[%arg0, %add3A_60, %dma_wait3A] : memref<2x10240x128xf32, #tpu.memory_space<hbm>> -> memref<1x128x128xf32, #tpu.memory_space<hbm>>
      %dma_wait3A_81 = tpu.memref_squeeze %dma_wait3A_80 : memref<1x128x128xf32, #tpu.memory_space<hbm>> -> memref<128x128xf32, #tpu.memory_space<hbm>>
      %dma_wait3A_82 = arith.constant 0 : i32
      %dma_wait3A_83 = tpu.memref_slice %arg6[%arg0, %add3A_60, %dma_wait3A_82] : memref<2x10240x128xf32, #tpu.memory_space<hbm>> -> memref<1x128x128xf32, #tpu.memory_space<hbm>>
      %dma_wait3A_84 = tpu.memref_squeeze %dma_wait3A_83 : memref<1x128x128xf32, #tpu.memory_space<hbm>> -> memref<128x128xf32, #tpu.memory_space<hbm>>
      tpu.wait_dma2 semaphore(%run_scoped3A_73 : memref<!tpu.dma_semaphore, #tpu.memory_space<semaphore_mem>>) src(%arg9 : memref<128x128xf32, #tpu.memory_space<vmem>>) dst(%dma_wait3A_84 : memref<128x128xf32, #tpu.memory_space<hbm>>)
      tpu.yield
    }) : () -> ()
    %add3A_61 = arith.constant 256 : i32
    %add3A_62 = arith.addi %mul3A_0, %add3A_61 : i32
    "tpu.region"() ({
      %run_scoped3A_73 = tpu.sem_alloc : memref<!tpu.dma_semaphore, #tpu.memory_space<semaphore_mem>>
      %dma_start3A_74 = arith.constant 0 : i32
      %dma_start3A_75 = tpu.memref_slice %arg11[%add3A_62, %dma_start3A_74] : memref<10240x128xf32, #tpu.memory_space<vmem_shared>> -> memref<128x128xf32, #tpu.memory_space<vmem_shared>>
      %dma_start3A_76 = arith.constant 0 : i32
      %dma_start3A_77 = tpu.memref_slice %arg11[%add3A_62, %dma_start3A_76] : memref<10240x128xf32, #tpu.memory_space<vmem_shared>> -> memref<128x128xf32, #tpu.memory_space<vmem_shared>>
      tpu.enqueue_dma source(%dma_start3A_77 : memref<128x128xf32, #tpu.memory_space<vmem_shared>>) target(%arg9 : memref<128x128xf32, #tpu.memory_space<vmem>>) target_semaphore(%run_scoped3A_73 : memref<!tpu.dma_semaphore, #tpu.memory_space<semaphore_mem>>)
      %dma_wait3A = arith.constant 0 : i32
      %dma_wait3A_78 = tpu.memref_slice %arg11[%add3A_62, %dma_wait3A] : memref<10240x128xf32, #tpu.memory_space<vmem_shared>> -> memref<128x128xf32, #tpu.memory_space<vmem_shared>>
      %dma_wait3A_79 = arith.constant 0 : i32
      %dma_wait3A_80 = tpu.memref_slice %arg11[%add3A_62, %dma_wait3A_79] : memref<10240x128xf32, #tpu.memory_space<vmem_shared>> -> memref<128x128xf32, #tpu.memory_space<vmem_shared>>
      tpu.wait_dma2 semaphore(%run_scoped3A_73 : memref<!tpu.dma_semaphore, #tpu.memory_space<semaphore_mem>>) src(%dma_wait3A_80 : memref<128x128xf32, #tpu.memory_space<vmem_shared>>) dst(%arg9 : memref<128x128xf32, #tpu.memory_space<vmem>>)
      tpu.yield
    }) : () -> ()
    %add3A_63 = arith.constant 256 : i32
    %add3A_64 = arith.addi %mul3A_0, %add3A_63 : i32
    "tpu.region"() ({
      %run_scoped3A_73 = tpu.sem_alloc : memref<!tpu.dma_semaphore, #tpu.memory_space<semaphore_mem>>
      %dma_start3A_74 = arith.constant 0 : i32
      %dma_start3A_75 = tpu.memref_slice %arg6[%arg0, %add3A_64, %dma_start3A_74] : memref<2x10240x128xf32, #tpu.memory_space<hbm>> -> memref<1x128x128xf32, #tpu.memory_space<hbm>>
      %dma_start3A_76 = tpu.memref_squeeze %dma_start3A_75 : memref<1x128x128xf32, #tpu.memory_space<hbm>> -> memref<128x128xf32, #tpu.memory_space<hbm>>
      %dma_start3A_77 = arith.constant 0 : i32
      %dma_start3A_78 = tpu.memref_slice %arg6[%arg0, %add3A_64, %dma_start3A_77] : memref<2x10240x128xf32, #tpu.memory_space<hbm>> -> memref<1x128x128xf32, #tpu.memory_space<hbm>>
      %dma_start3A_79 = tpu.memref_squeeze %dma_start3A_78 : memref<1x128x128xf32, #tpu.memory_space<hbm>> -> memref<128x128xf32, #tpu.memory_space<hbm>>
      tpu.enqueue_dma source(%arg9 : memref<128x128xf32, #tpu.memory_space<vmem>>) target(%dma_start3A_79 : memref<128x128xf32, #tpu.memory_space<hbm>>) target_semaphore(%run_scoped3A_73 : memref<!tpu.dma_semaphore, #tpu.memory_space<semaphore_mem>>)
      %dma_wait3A = arith.constant 0 : i32
      %dma_wait3A_80 = tpu.memref_slice %arg6[%arg0, %add3A_64, %dma_wait3A] : memref<2x10240x128xf32, #tpu.memory_space<hbm>> -> memref<1x128x128xf32, #tpu.memory_space<hbm>>
      %dma_wait3A_81 = tpu.memref_squeeze %dma_wait3A_80 : memref<1x128x128xf32, #tpu.memory_space<hbm>> -> memref<128x128xf32, #tpu.memory_space<hbm>>
      %dma_wait3A_82 = arith.constant 0 : i32
      %dma_wait3A_83 = tpu.memref_slice %arg6[%arg0, %add3A_64, %dma_wait3A_82] : memref<2x10240x128xf32, #tpu.memory_space<hbm>> -> memref<1x128x128xf32, #tpu.memory_space<hbm>>
      %dma_wait3A_84 = tpu.memref_squeeze %dma_wait3A_83 : memref<1x128x128xf32, #tpu.memory_space<hbm>> -> memref<128x128xf32, #tpu.memory_space<hbm>>
      tpu.wait_dma2 semaphore(%run_scoped3A_73 : memref<!tpu.dma_semaphore, #tpu.memory_space<semaphore_mem>>) src(%arg9 : memref<128x128xf32, #tpu.memory_space<vmem>>) dst(%dma_wait3A_84 : memref<128x128xf32, #tpu.memory_space<hbm>>)
      tpu.yield
    }) : () -> ()
    %add3A_65 = arith.constant 384 : i32
    %add3A_66 = arith.addi %mul3A_0, %add3A_65 : i32
    "tpu.region"() ({
      %run_scoped3A_73 = tpu.sem_alloc : memref<!tpu.dma_semaphore, #tpu.memory_space<semaphore_mem>>
      %dma_start3A_74 = arith.constant 0 : i32
      %dma_start3A_75 = tpu.memref_slice %arg11[%add3A_66, %dma_start3A_74] : memref<10240x128xf32, #tpu.memory_space<vmem_shared>> -> memref<128x128xf32, #tpu.memory_space<vmem_shared>>
      %dma_start3A_76 = arith.constant 0 : i32
      %dma_start3A_77 = tpu.memref_slice %arg11[%add3A_66, %dma_start3A_76] : memref<10240x128xf32, #tpu.memory_space<vmem_shared>> -> memref<128x128xf32, #tpu.memory_space<vmem_shared>>
      tpu.enqueue_dma source(%dma_start3A_77 : memref<128x128xf32, #tpu.memory_space<vmem_shared>>) target(%arg9 : memref<128x128xf32, #tpu.memory_space<vmem>>) target_semaphore(%run_scoped3A_73 : memref<!tpu.dma_semaphore, #tpu.memory_space<semaphore_mem>>)
      %dma_wait3A = arith.constant 0 : i32
      %dma_wait3A_78 = tpu.memref_slice %arg11[%add3A_66, %dma_wait3A] : memref<10240x128xf32, #tpu.memory_space<vmem_shared>> -> memref<128x128xf32, #tpu.memory_space<vmem_shared>>
      %dma_wait3A_79 = arith.constant 0 : i32
      %dma_wait3A_80 = tpu.memref_slice %arg11[%add3A_66, %dma_wait3A_79] : memref<10240x128xf32, #tpu.memory_space<vmem_shared>> -> memref<128x128xf32, #tpu.memory_space<vmem_shared>>
      tpu.wait_dma2 semaphore(%run_scoped3A_73 : memref<!tpu.dma_semaphore, #tpu.memory_space<semaphore_mem>>) src(%dma_wait3A_80 : memref<128x128xf32, #tpu.memory_space<vmem_shared>>) dst(%arg9 : memref<128x128xf32, #tpu.memory_space<vmem>>)
      tpu.yield
    }) : () -> ()
    %add3A_67 = arith.constant 384 : i32
    %add3A_68 = arith.addi %mul3A_0, %add3A_67 : i32
    "tpu.region"() ({
      %run_scoped3A_73 = tpu.sem_alloc : memref<!tpu.dma_semaphore, #tpu.memory_space<semaphore_mem>>
      %dma_start3A_74 = arith.constant 0 : i32
      %dma_start3A_75 = tpu.memref_slice %arg6[%arg0, %add3A_68, %dma_start3A_74] : memref<2x10240x128xf32, #tpu.memory_space<hbm>> -> memref<1x128x128xf32, #tpu.memory_space<hbm>>
      %dma_start3A_76 = tpu.memref_squeeze %dma_start3A_75 : memref<1x128x128xf32, #tpu.memory_space<hbm>> -> memref<128x128xf32, #tpu.memory_space<hbm>>
      %dma_start3A_77 = arith.constant 0 : i32
      %dma_start3A_78 = tpu.memref_slice %arg6[%arg0, %add3A_68, %dma_start3A_77] : memref<2x10240x128xf32, #tpu.memory_space<hbm>> -> memref<1x128x128xf32, #tpu.memory_space<hbm>>
      %dma_start3A_79 = tpu.memref_squeeze %dma_start3A_78 : memref<1x128x128xf32, #tpu.memory_space<hbm>> -> memref<128x128xf32, #tpu.memory_space<hbm>>
      tpu.enqueue_dma source(%arg9 : memref<128x128xf32, #tpu.memory_space<vmem>>) target(%dma_start3A_79 : memref<128x128xf32, #tpu.memory_space<hbm>>) target_semaphore(%run_scoped3A_73 : memref<!tpu.dma_semaphore, #tpu.memory_space<semaphore_mem>>)
      %dma_wait3A = arith.constant 0 : i32
      %dma_wait3A_80 = tpu.memref_slice %arg6[%arg0, %add3A_68, %dma_wait3A] : memref<2x10240x128xf32, #tpu.memory_space<hbm>> -> memref<1x128x128xf32, #tpu.memory_space<hbm>>
      %dma_wait3A_81 = tpu.memref_squeeze %dma_wait3A_80 : memref<1x128x128xf32, #tpu.memory_space<hbm>> -> memref<128x128xf32, #tpu.memory_space<hbm>>
      %dma_wait3A_82 = arith.constant 0 : i32
      %dma_wait3A_83 = tpu.memref_slice %arg6[%arg0, %add3A_68, %dma_wait3A_82] : memref<2x10240x128xf32, #tpu.memory_space<hbm>> -> memref<1x128x128xf32, #tpu.memory_space<hbm>>
      %dma_wait3A_84 = tpu.memref_squeeze %dma_wait3A_83 : memref<1x128x128xf32, #tpu.memory_space<hbm>> -> memref<128x128xf32, #tpu.memory_space<hbm>>
      tpu.wait_dma2 semaphore(%run_scoped3A_73 : memref<!tpu.dma_semaphore, #tpu.memory_space<semaphore_mem>>) src(%arg9 : memref<128x128xf32, #tpu.memory_space<vmem>>) dst(%dma_wait3A_84 : memref<128x128xf32, #tpu.memory_space<hbm>>)
      tpu.yield
    }) : () -> ()
    %add3A_69 = arith.constant 512 : i32
    %add3A_70 = arith.addi %mul3A_0, %add3A_69 : i32
    "tpu.region"() ({
      %run_scoped3A_73 = tpu.sem_alloc : memref<!tpu.dma_semaphore, #tpu.memory_space<semaphore_mem>>
      %dma_start3A_74 = arith.constant 0 : i32
      %dma_start3A_75 = tpu.memref_slice %arg11[%add3A_70, %dma_start3A_74] : memref<10240x128xf32, #tpu.memory_space<vmem_shared>> -> memref<128x128xf32, #tpu.memory_space<vmem_shared>>
      %dma_start3A_76 = arith.constant 0 : i32
      %dma_start3A_77 = tpu.memref_slice %arg11[%add3A_70, %dma_start3A_76] : memref<10240x128xf32, #tpu.memory_space<vmem_shared>> -> memref<128x128xf32, #tpu.memory_space<vmem_shared>>
      tpu.enqueue_dma source(%dma_start3A_77 : memref<128x128xf32, #tpu.memory_space<vmem_shared>>) target(%arg9 : memref<128x128xf32, #tpu.memory_space<vmem>>) target_semaphore(%run_scoped3A_73 : memref<!tpu.dma_semaphore, #tpu.memory_space<semaphore_mem>>)
      %dma_wait3A = arith.constant 0 : i32
      %dma_wait3A_78 = tpu.memref_slice %arg11[%add3A_70, %dma_wait3A] : memref<10240x128xf32, #tpu.memory_space<vmem_shared>> -> memref<128x128xf32, #tpu.memory_space<vmem_shared>>
      %dma_wait3A_79 = arith.constant 0 : i32
      %dma_wait3A_80 = tpu.memref_slice %arg11[%add3A_70, %dma_wait3A_79] : memref<10240x128xf32, #tpu.memory_space<vmem_shared>> -> memref<128x128xf32, #tpu.memory_space<vmem_shared>>
      tpu.wait_dma2 semaphore(%run_scoped3A_73 : memref<!tpu.dma_semaphore, #tpu.memory_space<semaphore_mem>>) src(%dma_wait3A_80 : memref<128x128xf32, #tpu.memory_space<vmem_shared>>) dst(%arg9 : memref<128x128xf32, #tpu.memory_space<vmem>>)
      tpu.yield
    }) : () -> ()
    %add3A_71 = arith.constant 512 : i32
    %add3A_72 = arith.addi %mul3A_0, %add3A_71 : i32
    "tpu.region"() ({
      %run_scoped3A_73 = tpu.sem_alloc : memref<!tpu.dma_semaphore, #tpu.memory_space<semaphore_mem>>
      %dma_start3A_74 = arith.constant 0 : i32
      %dma_start3A_75 = tpu.memref_slice %arg6[%arg0, %add3A_72, %dma_start3A_74] : memref<2x10240x128xf32, #tpu.memory_space<hbm>> -> memref<1x128x128xf32, #tpu.memory_space<hbm>>
      %dma_start3A_76 = tpu.memref_squeeze %dma_start3A_75 : memref<1x128x128xf32, #tpu.memory_space<hbm>> -> memref<128x128xf32, #tpu.memory_space<hbm>>
      %dma_start3A_77 = arith.constant 0 : i32
      %dma_start3A_78 = tpu.memref_slice %arg6[%arg0, %add3A_72, %dma_start3A_77] : memref<2x10240x128xf32, #tpu.memory_space<hbm>> -> memref<1x128x128xf32, #tpu.memory_space<hbm>>
      %dma_start3A_79 = tpu.memref_squeeze %dma_start3A_78 : memref<1x128x128xf32, #tpu.memory_space<hbm>> -> memref<128x128xf32, #tpu.memory_space<hbm>>
      tpu.enqueue_dma source(%arg9 : memref<128x128xf32, #tpu.memory_space<vmem>>) target(%dma_start3A_79 : memref<128x128xf32, #tpu.memory_space<hbm>>) target_semaphore(%run_scoped3A_73 : memref<!tpu.dma_semaphore, #tpu.memory_space<semaphore_mem>>)
      %dma_wait3A = arith.constant 0 : i32
      %dma_wait3A_80 = tpu.memref_slice %arg6[%arg0, %add3A_72, %dma_wait3A] : memref<2x10240x128xf32, #tpu.memory_space<hbm>> -> memref<1x128x128xf32, #tpu.memory_space<hbm>>
      %dma_wait3A_81 = tpu.memref_squeeze %dma_wait3A_80 : memref<1x128x128xf32, #tpu.memory_space<hbm>> -> memref<128x128xf32, #tpu.memory_space<hbm>>
      %dma_wait3A_82 = arith.constant 0 : i32
      %dma_wait3A_83 = tpu.memref_slice %arg6[%arg0, %add3A_72, %dma_wait3A_82] : memref<2x10240x128xf32, #tpu.memory_space<hbm>> -> memref<1x128x128xf32, #tpu.memory_space<hbm>>
      %dma_wait3A_84 = tpu.memref_squeeze %dma_wait3A_83 : memref<1x128x128xf32, #tpu.memory_space<hbm>> -> memref<128x128xf32, #tpu.memory_space<hbm>>
      tpu.wait_dma2 semaphore(%run_scoped3A_73 : memref<!tpu.dma_semaphore, #tpu.memory_space<semaphore_mem>>) src(%arg9 : memref<128x128xf32, #tpu.memory_space<vmem>>) dst(%dma_wait3A_84 : memref<128x128xf32, #tpu.memory_space<hbm>>)
      tpu.yield
    }) : () -> ()
    return
  }
}

#map = affine_map<(d0, d1) -> (0, 0, 0, 0, 0)>
#map1 = affine_map<(d0, d1) -> (0)>
#map2 = affine_map<(d0, d1) -> (0, 0)>
module attributes {stable_mosaic.version = 14 : i64} {
  func.func @deg_kernel(%arg0: i32, %arg1: i32, %arg2: memref<2x16x3x28x128xi32, #tpu.memory_space<hbm>>, %arg3: memref<128xf32, #tpu.memory_space<hbm>>, %arg4: memref<128xf32, #tpu.memory_space<hbm>>, %arg5: memref<2x10240xf32, #tpu.memory_space<hbm>>, %arg6: memref<28x128xi32, #tpu.memory_space<vmem>>, %arg7: memref<128xf32, #tpu.memory_space<vmem>>, %arg8: memref<128xf32, #tpu.memory_space<vmem>>, %arg9: memref<10240xf32, #tpu.memory_space<vmem_shared>>) attributes {dimension_semantics = [#tpu.dimension_semantics<core_parallel>, #tpu.dimension_semantics<subcore_parallel>], iteration_bounds = array<i64: 2, 16>, scalar_prefetch = 0 : i64, scratch_operands = 4 : i64, tpu.core_type = #tpu.core_type<sc_vector_subcore>, window_params = [{transform_indices = #map}, {transform_indices = #map1}, {transform_indices = #map1}, {transform_indices = #map2}]} {
    %mul3A = arith.constant 640 : i32
    %mul3A_0 = arith.muli %arg1, %mul3A : i32
    "tpu.region"() ({
      %run_scoped3A_50 = tpu.sem_alloc : memref<!tpu.dma_semaphore, #tpu.memory_space<semaphore_mem>>
      tpu.enqueue_dma source(%arg3 : memref<128xf32, #tpu.memory_space<hbm>>) target(%arg7 : memref<128xf32, #tpu.memory_space<vmem>>) target_semaphore(%run_scoped3A_50 : memref<!tpu.dma_semaphore, #tpu.memory_space<semaphore_mem>>)
      tpu.wait_dma2 semaphore(%run_scoped3A_50 : memref<!tpu.dma_semaphore, #tpu.memory_space<semaphore_mem>>) src(%arg3 : memref<128xf32, #tpu.memory_space<hbm>>) dst(%arg7 : memref<128xf32, #tpu.memory_space<vmem>>)
      tpu.yield
    }) : () -> ()
    "tpu.region"() ({
      %run_scoped3A_50 = tpu.sem_alloc : memref<!tpu.dma_semaphore, #tpu.memory_space<semaphore_mem>>
      tpu.enqueue_dma source(%arg4 : memref<128xf32, #tpu.memory_space<hbm>>) target(%arg8 : memref<128xf32, #tpu.memory_space<vmem>>) target_semaphore(%run_scoped3A_50 : memref<!tpu.dma_semaphore, #tpu.memory_space<semaphore_mem>>)
      tpu.wait_dma2 semaphore(%run_scoped3A_50 : memref<!tpu.dma_semaphore, #tpu.memory_space<semaphore_mem>>) src(%arg4 : memref<128xf32, #tpu.memory_space<hbm>>) dst(%arg8 : memref<128xf32, #tpu.memory_space<vmem>>)
      tpu.yield
    }) : () -> ()
    %add3A = arith.constant 0 : i32
    %add3A_1 = arith.addi %mul3A_0, %add3A : i32
    "tpu.region"() ({
      %run_scoped3A_50 = tpu.sem_alloc : memref<!tpu.dma_semaphore, #tpu.memory_space<semaphore_mem>>
      %dma_start3A = tpu.memref_slice %arg9[%add3A_1] : memref<10240xf32, #tpu.memory_space<vmem_shared>> -> memref<128xf32, #tpu.memory_space<vmem_shared>>
      %dma_start3A_51 = tpu.memref_slice %arg9[%add3A_1] : memref<10240xf32, #tpu.memory_space<vmem_shared>> -> memref<128xf32, #tpu.memory_space<vmem_shared>>
      tpu.enqueue_dma source(%arg8 : memref<128xf32, #tpu.memory_space<vmem>>) target(%dma_start3A_51 : memref<128xf32, #tpu.memory_space<vmem_shared>>) target_semaphore(%run_scoped3A_50 : memref<!tpu.dma_semaphore, #tpu.memory_space<semaphore_mem>>)
      %dma_wait3A = tpu.memref_slice %arg9[%add3A_1] : memref<10240xf32, #tpu.memory_space<vmem_shared>> -> memref<128xf32, #tpu.memory_space<vmem_shared>>
      %dma_wait3A_52 = tpu.memref_slice %arg9[%add3A_1] : memref<10240xf32, #tpu.memory_space<vmem_shared>> -> memref<128xf32, #tpu.memory_space<vmem_shared>>
      tpu.wait_dma2 semaphore(%run_scoped3A_50 : memref<!tpu.dma_semaphore, #tpu.memory_space<semaphore_mem>>) src(%arg8 : memref<128xf32, #tpu.memory_space<vmem>>) dst(%dma_wait3A_52 : memref<128xf32, #tpu.memory_space<vmem_shared>>)
      tpu.yield
    }) : () -> ()
    %add3A_2 = arith.constant 128 : i32
    %add3A_3 = arith.addi %mul3A_0, %add3A_2 : i32
    "tpu.region"() ({
      %run_scoped3A_50 = tpu.sem_alloc : memref<!tpu.dma_semaphore, #tpu.memory_space<semaphore_mem>>
      %dma_start3A = tpu.memref_slice %arg9[%add3A_3] : memref<10240xf32, #tpu.memory_space<vmem_shared>> -> memref<128xf32, #tpu.memory_space<vmem_shared>>
      %dma_start3A_51 = tpu.memref_slice %arg9[%add3A_3] : memref<10240xf32, #tpu.memory_space<vmem_shared>> -> memref<128xf32, #tpu.memory_space<vmem_shared>>
      tpu.enqueue_dma source(%arg8 : memref<128xf32, #tpu.memory_space<vmem>>) target(%dma_start3A_51 : memref<128xf32, #tpu.memory_space<vmem_shared>>) target_semaphore(%run_scoped3A_50 : memref<!tpu.dma_semaphore, #tpu.memory_space<semaphore_mem>>)
      %dma_wait3A = tpu.memref_slice %arg9[%add3A_3] : memref<10240xf32, #tpu.memory_space<vmem_shared>> -> memref<128xf32, #tpu.memory_space<vmem_shared>>
      %dma_wait3A_52 = tpu.memref_slice %arg9[%add3A_3] : memref<10240xf32, #tpu.memory_space<vmem_shared>> -> memref<128xf32, #tpu.memory_space<vmem_shared>>
      tpu.wait_dma2 semaphore(%run_scoped3A_50 : memref<!tpu.dma_semaphore, #tpu.memory_space<semaphore_mem>>) src(%arg8 : memref<128xf32, #tpu.memory_space<vmem>>) dst(%dma_wait3A_52 : memref<128xf32, #tpu.memory_space<vmem_shared>>)
      tpu.yield
    }) : () -> ()
    %add3A_4 = arith.constant 256 : i32
    %add3A_5 = arith.addi %mul3A_0, %add3A_4 : i32
    "tpu.region"() ({
      %run_scoped3A_50 = tpu.sem_alloc : memref<!tpu.dma_semaphore, #tpu.memory_space<semaphore_mem>>
      %dma_start3A = tpu.memref_slice %arg9[%add3A_5] : memref<10240xf32, #tpu.memory_space<vmem_shared>> -> memref<128xf32, #tpu.memory_space<vmem_shared>>
      %dma_start3A_51 = tpu.memref_slice %arg9[%add3A_5] : memref<10240xf32, #tpu.memory_space<vmem_shared>> -> memref<128xf32, #tpu.memory_space<vmem_shared>>
      tpu.enqueue_dma source(%arg8 : memref<128xf32, #tpu.memory_space<vmem>>) target(%dma_start3A_51 : memref<128xf32, #tpu.memory_space<vmem_shared>>) target_semaphore(%run_scoped3A_50 : memref<!tpu.dma_semaphore, #tpu.memory_space<semaphore_mem>>)
      %dma_wait3A = tpu.memref_slice %arg9[%add3A_5] : memref<10240xf32, #tpu.memory_space<vmem_shared>> -> memref<128xf32, #tpu.memory_space<vmem_shared>>
      %dma_wait3A_52 = tpu.memref_slice %arg9[%add3A_5] : memref<10240xf32, #tpu.memory_space<vmem_shared>> -> memref<128xf32, #tpu.memory_space<vmem_shared>>
      tpu.wait_dma2 semaphore(%run_scoped3A_50 : memref<!tpu.dma_semaphore, #tpu.memory_space<semaphore_mem>>) src(%arg8 : memref<128xf32, #tpu.memory_space<vmem>>) dst(%dma_wait3A_52 : memref<128xf32, #tpu.memory_space<vmem_shared>>)
      tpu.yield
    }) : () -> ()
    %add3A_6 = arith.constant 384 : i32
    %add3A_7 = arith.addi %mul3A_0, %add3A_6 : i32
    "tpu.region"() ({
      %run_scoped3A_50 = tpu.sem_alloc : memref<!tpu.dma_semaphore, #tpu.memory_space<semaphore_mem>>
      %dma_start3A = tpu.memref_slice %arg9[%add3A_7] : memref<10240xf32, #tpu.memory_space<vmem_shared>> -> memref<128xf32, #tpu.memory_space<vmem_shared>>
      %dma_start3A_51 = tpu.memref_slice %arg9[%add3A_7] : memref<10240xf32, #tpu.memory_space<vmem_shared>> -> memref<128xf32, #tpu.memory_space<vmem_shared>>
      tpu.enqueue_dma source(%arg8 : memref<128xf32, #tpu.memory_space<vmem>>) target(%dma_start3A_51 : memref<128xf32, #tpu.memory_space<vmem_shared>>) target_semaphore(%run_scoped3A_50 : memref<!tpu.dma_semaphore, #tpu.memory_space<semaphore_mem>>)
      %dma_wait3A = tpu.memref_slice %arg9[%add3A_7] : memref<10240xf32, #tpu.memory_space<vmem_shared>> -> memref<128xf32, #tpu.memory_space<vmem_shared>>
      %dma_wait3A_52 = tpu.memref_slice %arg9[%add3A_7] : memref<10240xf32, #tpu.memory_space<vmem_shared>> -> memref<128xf32, #tpu.memory_space<vmem_shared>>
      tpu.wait_dma2 semaphore(%run_scoped3A_50 : memref<!tpu.dma_semaphore, #tpu.memory_space<semaphore_mem>>) src(%arg8 : memref<128xf32, #tpu.memory_space<vmem>>) dst(%dma_wait3A_52 : memref<128xf32, #tpu.memory_space<vmem_shared>>)
      tpu.yield
    }) : () -> ()
    %add3A_8 = arith.constant 512 : i32
    %add3A_9 = arith.addi %mul3A_0, %add3A_8 : i32
    "tpu.region"() ({
      %run_scoped3A_50 = tpu.sem_alloc : memref<!tpu.dma_semaphore, #tpu.memory_space<semaphore_mem>>
      %dma_start3A = tpu.memref_slice %arg9[%add3A_9] : memref<10240xf32, #tpu.memory_space<vmem_shared>> -> memref<128xf32, #tpu.memory_space<vmem_shared>>
      %dma_start3A_51 = tpu.memref_slice %arg9[%add3A_9] : memref<10240xf32, #tpu.memory_space<vmem_shared>> -> memref<128xf32, #tpu.memory_space<vmem_shared>>
      tpu.enqueue_dma source(%arg8 : memref<128xf32, #tpu.memory_space<vmem>>) target(%dma_start3A_51 : memref<128xf32, #tpu.memory_space<vmem_shared>>) target_semaphore(%run_scoped3A_50 : memref<!tpu.dma_semaphore, #tpu.memory_space<semaphore_mem>>)
      %dma_wait3A = tpu.memref_slice %arg9[%add3A_9] : memref<10240xf32, #tpu.memory_space<vmem_shared>> -> memref<128xf32, #tpu.memory_space<vmem_shared>>
      %dma_wait3A_52 = tpu.memref_slice %arg9[%add3A_9] : memref<10240xf32, #tpu.memory_space<vmem_shared>> -> memref<128xf32, #tpu.memory_space<vmem_shared>>
      tpu.wait_dma2 semaphore(%run_scoped3A_50 : memref<!tpu.dma_semaphore, #tpu.memory_space<semaphore_mem>>) src(%arg8 : memref<128xf32, #tpu.memory_space<vmem>>) dst(%dma_wait3A_52 : memref<128xf32, #tpu.memory_space<vmem_shared>>)
      tpu.yield
    }) : () -> ()
    %barrier3A = arith.constant 0 : index
    tpu.barrier barrier_id(%barrier3A)
    %run_scoped3A = arith.constant 0 : i32
    "tpu.region"() ({
      %run_scoped3A_50 = tpu.sem_alloc : memref<!tpu.dma_semaphore, #tpu.memory_space<semaphore_mem>>
      %dma_start3A = arith.constant 0 : i32
      %dma_start3A_51 = arith.constant 0 : i32
      %dma_start3A_52 = tpu.memref_slice %arg2[%arg0, %arg1, %run_scoped3A, %dma_start3A, %dma_start3A_51] : memref<2x16x3x28x128xi32, #tpu.memory_space<hbm>> -> memref<1x1x1x28x128xi32, #tpu.memory_space<hbm>>
      %dma_start3A_53 = tpu.memref_squeeze %dma_start3A_52 : memref<1x1x1x28x128xi32, #tpu.memory_space<hbm>> -> memref<28x128xi32, #tpu.memory_space<hbm>>
      %dma_start3A_54 = arith.constant 0 : i32
      %dma_start3A_55 = arith.constant 0 : i32
      %dma_start3A_56 = tpu.memref_slice %arg2[%arg0, %arg1, %run_scoped3A, %dma_start3A_54, %dma_start3A_55] : memref<2x16x3x28x128xi32, #tpu.memory_space<hbm>> -> memref<1x1x1x28x128xi32, #tpu.memory_space<hbm>>
      %dma_start3A_57 = tpu.memref_squeeze %dma_start3A_56 : memref<1x1x1x28x128xi32, #tpu.memory_space<hbm>> -> memref<28x128xi32, #tpu.memory_space<hbm>>
      tpu.enqueue_dma source(%dma_start3A_57 : memref<28x128xi32, #tpu.memory_space<hbm>>) target(%arg6 : memref<28x128xi32, #tpu.memory_space<vmem>>) target_semaphore(%run_scoped3A_50 : memref<!tpu.dma_semaphore, #tpu.memory_space<semaphore_mem>>)
      %dma_wait3A = arith.constant 0 : i32
      %dma_wait3A_58 = arith.constant 0 : i32
      %dma_wait3A_59 = tpu.memref_slice %arg2[%arg0, %arg1, %run_scoped3A, %dma_wait3A, %dma_wait3A_58] : memref<2x16x3x28x128xi32, #tpu.memory_space<hbm>> -> memref<1x1x1x28x128xi32, #tpu.memory_space<hbm>>
      %dma_wait3A_60 = tpu.memref_squeeze %dma_wait3A_59 : memref<1x1x1x28x128xi32, #tpu.memory_space<hbm>> -> memref<28x128xi32, #tpu.memory_space<hbm>>
      %dma_wait3A_61 = arith.constant 0 : i32
      %dma_wait3A_62 = arith.constant 0 : i32
      %dma_wait3A_63 = tpu.memref_slice %arg2[%arg0, %arg1, %run_scoped3A, %dma_wait3A_61, %dma_wait3A_62] : memref<2x16x3x28x128xi32, #tpu.memory_space<hbm>> -> memref<1x1x1x28x128xi32, #tpu.memory_space<hbm>>
      %dma_wait3A_64 = tpu.memref_squeeze %dma_wait3A_63 : memref<1x1x1x28x128xi32, #tpu.memory_space<hbm>> -> memref<28x128xi32, #tpu.memory_space<hbm>>
      tpu.wait_dma2 semaphore(%run_scoped3A_50 : memref<!tpu.dma_semaphore, #tpu.memory_space<semaphore_mem>>) src(%dma_wait3A_64 : memref<28x128xi32, #tpu.memory_space<hbm>>) dst(%arg6 : memref<28x128xi32, #tpu.memory_space<vmem>>)
      tpu.yield
    }) : () -> ()
    %scan3A = arith.constant 0 : i32
    %scan3A_10 = arith.constant 0 : i32
    %scan3A_11 = arith.constant 28 : i32
    %scan3A_12 = arith.addi %scan3A_10, %scan3A_11 : i32
    %scan3A_13 = arith.constant 1 : i32
    scf.for %scan3A_50 = %scan3A_10 to %scan3A_12 step %scan3A_13  : i32 {
      "tpu.region"() ({
        %run_scoped3A_51 = tpu.sem_alloc : memref<!tpu.dma_semaphore, #tpu.memory_space<semaphore_mem>>
        %dma_start3A = arith.constant 0 : i32
        %dma_start3A_52 = tpu.memref_slice %arg6[%scan3A_50, %dma_start3A] : memref<28x128xi32, #tpu.memory_space<vmem>> -> memref<1x128xi32, #tpu.memory_space<vmem>>
        %dma_start3A_53 = tpu.memref_squeeze %dma_start3A_52 : memref<1x128xi32, #tpu.memory_space<vmem>> -> memref<128xi32, #tpu.memory_space<vmem>>
        %dma_start3A_54 = arith.constant 0 : i32
        %dma_start3A_55 = tpu.memref_slice %arg9[%dma_start3A_54] : memref<10240xf32, #tpu.memory_space<vmem_shared>> -> memref<10240xf32, #tpu.memory_space<vmem_shared>>
        tpu.enqueue_indirect_dma source(%arg7 : memref<128xf32, #tpu.memory_space<vmem>>) target(%dma_start3A_55 : memref<10240xf32, #tpu.memory_space<vmem_shared>>) offsets(%dma_start3A_53 : memref<128xi32, #tpu.memory_space<vmem>>) semaphore(%run_scoped3A_51 : memref<!tpu.dma_semaphore, #tpu.memory_space<semaphore_mem>>) {add = true}
        %dma_wait3A = arith.constant 0 : i32
        %dma_wait3A_56 = tpu.memref_slice %arg6[%scan3A_50, %dma_wait3A] : memref<28x128xi32, #tpu.memory_space<vmem>> -> memref<1x128xi32, #tpu.memory_space<vmem>>
        %dma_wait3A_57 = tpu.memref_squeeze %dma_wait3A_56 : memref<1x128xi32, #tpu.memory_space<vmem>> -> memref<128xi32, #tpu.memory_space<vmem>>
        %dma_wait3A_58 = arith.constant 0 : i32
        %dma_wait3A_59 = tpu.memref_slice %arg9[%dma_wait3A_58] : memref<10240xf32, #tpu.memory_space<vmem_shared>> -> memref<10240xf32, #tpu.memory_space<vmem_shared>>
        tpu.wait_indirect_dma semaphore(%run_scoped3A_51 : memref<!tpu.dma_semaphore, #tpu.memory_space<semaphore_mem>>) src(%arg7 : memref<128xf32, #tpu.memory_space<vmem>>) dst(%dma_wait3A_59 : memref<10240xf32, #tpu.memory_space<vmem_shared>>)
        tpu.yield
      }) : () -> ()
    }
    %scan3A_14 = arith.constant 28 : i32
    %run_scoped3A_15 = arith.constant 1 : i32
    "tpu.region"() ({
      %run_scoped3A_50 = tpu.sem_alloc : memref<!tpu.dma_semaphore, #tpu.memory_space<semaphore_mem>>
      %dma_start3A = arith.constant 0 : i32
      %dma_start3A_51 = arith.constant 0 : i32
      %dma_start3A_52 = tpu.memref_slice %arg2[%arg0, %arg1, %run_scoped3A_15, %dma_start3A, %dma_start3A_51] : memref<2x16x3x28x128xi32, #tpu.memory_space<hbm>> -> memref<1x1x1x28x128xi32, #tpu.memory_space<hbm>>
      %dma_start3A_53 = tpu.memref_squeeze %dma_start3A_52 : memref<1x1x1x28x128xi32, #tpu.memory_space<hbm>> -> memref<28x128xi32, #tpu.memory_space<hbm>>
      %dma_start3A_54 = arith.constant 0 : i32
      %dma_start3A_55 = arith.constant 0 : i32
      %dma_start3A_56 = tpu.memref_slice %arg2[%arg0, %arg1, %run_scoped3A_15, %dma_start3A_54, %dma_start3A_55] : memref<2x16x3x28x128xi32, #tpu.memory_space<hbm>> -> memref<1x1x1x28x128xi32, #tpu.memory_space<hbm>>
      %dma_start3A_57 = tpu.memref_squeeze %dma_start3A_56 : memref<1x1x1x28x128xi32, #tpu.memory_space<hbm>> -> memref<28x128xi32, #tpu.memory_space<hbm>>
      tpu.enqueue_dma source(%dma_start3A_57 : memref<28x128xi32, #tpu.memory_space<hbm>>) target(%arg6 : memref<28x128xi32, #tpu.memory_space<vmem>>) target_semaphore(%run_scoped3A_50 : memref<!tpu.dma_semaphore, #tpu.memory_space<semaphore_mem>>)
      %dma_wait3A = arith.constant 0 : i32
      %dma_wait3A_58 = arith.constant 0 : i32
      %dma_wait3A_59 = tpu.memref_slice %arg2[%arg0, %arg1, %run_scoped3A_15, %dma_wait3A, %dma_wait3A_58] : memref<2x16x3x28x128xi32, #tpu.memory_space<hbm>> -> memref<1x1x1x28x128xi32, #tpu.memory_space<hbm>>
      %dma_wait3A_60 = tpu.memref_squeeze %dma_wait3A_59 : memref<1x1x1x28x128xi32, #tpu.memory_space<hbm>> -> memref<28x128xi32, #tpu.memory_space<hbm>>
      %dma_wait3A_61 = arith.constant 0 : i32
      %dma_wait3A_62 = arith.constant 0 : i32
      %dma_wait3A_63 = tpu.memref_slice %arg2[%arg0, %arg1, %run_scoped3A_15, %dma_wait3A_61, %dma_wait3A_62] : memref<2x16x3x28x128xi32, #tpu.memory_space<hbm>> -> memref<1x1x1x28x128xi32, #tpu.memory_space<hbm>>
      %dma_wait3A_64 = tpu.memref_squeeze %dma_wait3A_63 : memref<1x1x1x28x128xi32, #tpu.memory_space<hbm>> -> memref<28x128xi32, #tpu.memory_space<hbm>>
      tpu.wait_dma2 semaphore(%run_scoped3A_50 : memref<!tpu.dma_semaphore, #tpu.memory_space<semaphore_mem>>) src(%dma_wait3A_64 : memref<28x128xi32, #tpu.memory_space<hbm>>) dst(%arg6 : memref<28x128xi32, #tpu.memory_space<vmem>>)
      tpu.yield
    }) : () -> ()
    %scan3A_16 = arith.constant 0 : i32
    %scan3A_17 = arith.constant 0 : i32
    %scan3A_18 = arith.constant 28 : i32
    %scan3A_19 = arith.addi %scan3A_17, %scan3A_18 : i32
    %scan3A_20 = arith.constant 1 : i32
    scf.for %scan3A_50 = %scan3A_17 to %scan3A_19 step %scan3A_20  : i32 {
      "tpu.region"() ({
        %run_scoped3A_51 = tpu.sem_alloc : memref<!tpu.dma_semaphore, #tpu.memory_space<semaphore_mem>>
        %dma_start3A = arith.constant 0 : i32
        %dma_start3A_52 = tpu.memref_slice %arg6[%scan3A_50, %dma_start3A] : memref<28x128xi32, #tpu.memory_space<vmem>> -> memref<1x128xi32, #tpu.memory_space<vmem>>
        %dma_start3A_53 = tpu.memref_squeeze %dma_start3A_52 : memref<1x128xi32, #tpu.memory_space<vmem>> -> memref<128xi32, #tpu.memory_space<vmem>>
        %dma_start3A_54 = arith.constant 0 : i32
        %dma_start3A_55 = tpu.memref_slice %arg9[%dma_start3A_54] : memref<10240xf32, #tpu.memory_space<vmem_shared>> -> memref<10240xf32, #tpu.memory_space<vmem_shared>>
        tpu.enqueue_indirect_dma source(%arg7 : memref<128xf32, #tpu.memory_space<vmem>>) target(%dma_start3A_55 : memref<10240xf32, #tpu.memory_space<vmem_shared>>) offsets(%dma_start3A_53 : memref<128xi32, #tpu.memory_space<vmem>>) semaphore(%run_scoped3A_51 : memref<!tpu.dma_semaphore, #tpu.memory_space<semaphore_mem>>) {add = true}
        %dma_wait3A = arith.constant 0 : i32
        %dma_wait3A_56 = tpu.memref_slice %arg6[%scan3A_50, %dma_wait3A] : memref<28x128xi32, #tpu.memory_space<vmem>> -> memref<1x128xi32, #tpu.memory_space<vmem>>
        %dma_wait3A_57 = tpu.memref_squeeze %dma_wait3A_56 : memref<1x128xi32, #tpu.memory_space<vmem>> -> memref<128xi32, #tpu.memory_space<vmem>>
        %dma_wait3A_58 = arith.constant 0 : i32
        %dma_wait3A_59 = tpu.memref_slice %arg9[%dma_wait3A_58] : memref<10240xf32, #tpu.memory_space<vmem_shared>> -> memref<10240xf32, #tpu.memory_space<vmem_shared>>
        tpu.wait_indirect_dma semaphore(%run_scoped3A_51 : memref<!tpu.dma_semaphore, #tpu.memory_space<semaphore_mem>>) src(%arg7 : memref<128xf32, #tpu.memory_space<vmem>>) dst(%dma_wait3A_59 : memref<10240xf32, #tpu.memory_space<vmem_shared>>)
        tpu.yield
      }) : () -> ()
    }
    %scan3A_21 = arith.constant 28 : i32
    %run_scoped3A_22 = arith.constant 2 : i32
    "tpu.region"() ({
      %run_scoped3A_50 = tpu.sem_alloc : memref<!tpu.dma_semaphore, #tpu.memory_space<semaphore_mem>>
      %dma_start3A = arith.constant 0 : i32
      %dma_start3A_51 = arith.constant 0 : i32
      %dma_start3A_52 = tpu.memref_slice %arg2[%arg0, %arg1, %run_scoped3A_22, %dma_start3A, %dma_start3A_51] : memref<2x16x3x28x128xi32, #tpu.memory_space<hbm>> -> memref<1x1x1x28x128xi32, #tpu.memory_space<hbm>>
      %dma_start3A_53 = tpu.memref_squeeze %dma_start3A_52 : memref<1x1x1x28x128xi32, #tpu.memory_space<hbm>> -> memref<28x128xi32, #tpu.memory_space<hbm>>
      %dma_start3A_54 = arith.constant 0 : i32
      %dma_start3A_55 = arith.constant 0 : i32
      %dma_start3A_56 = tpu.memref_slice %arg2[%arg0, %arg1, %run_scoped3A_22, %dma_start3A_54, %dma_start3A_55] : memref<2x16x3x28x128xi32, #tpu.memory_space<hbm>> -> memref<1x1x1x28x128xi32, #tpu.memory_space<hbm>>
      %dma_start3A_57 = tpu.memref_squeeze %dma_start3A_56 : memref<1x1x1x28x128xi32, #tpu.memory_space<hbm>> -> memref<28x128xi32, #tpu.memory_space<hbm>>
      tpu.enqueue_dma source(%dma_start3A_57 : memref<28x128xi32, #tpu.memory_space<hbm>>) target(%arg6 : memref<28x128xi32, #tpu.memory_space<vmem>>) target_semaphore(%run_scoped3A_50 : memref<!tpu.dma_semaphore, #tpu.memory_space<semaphore_mem>>)
      %dma_wait3A = arith.constant 0 : i32
      %dma_wait3A_58 = arith.constant 0 : i32
      %dma_wait3A_59 = tpu.memref_slice %arg2[%arg0, %arg1, %run_scoped3A_22, %dma_wait3A, %dma_wait3A_58] : memref<2x16x3x28x128xi32, #tpu.memory_space<hbm>> -> memref<1x1x1x28x128xi32, #tpu.memory_space<hbm>>
      %dma_wait3A_60 = tpu.memref_squeeze %dma_wait3A_59 : memref<1x1x1x28x128xi32, #tpu.memory_space<hbm>> -> memref<28x128xi32, #tpu.memory_space<hbm>>
      %dma_wait3A_61 = arith.constant 0 : i32
      %dma_wait3A_62 = arith.constant 0 : i32
      %dma_wait3A_63 = tpu.memref_slice %arg2[%arg0, %arg1, %run_scoped3A_22, %dma_wait3A_61, %dma_wait3A_62] : memref<2x16x3x28x128xi32, #tpu.memory_space<hbm>> -> memref<1x1x1x28x128xi32, #tpu.memory_space<hbm>>
      %dma_wait3A_64 = tpu.memref_squeeze %dma_wait3A_63 : memref<1x1x1x28x128xi32, #tpu.memory_space<hbm>> -> memref<28x128xi32, #tpu.memory_space<hbm>>
      tpu.wait_dma2 semaphore(%run_scoped3A_50 : memref<!tpu.dma_semaphore, #tpu.memory_space<semaphore_mem>>) src(%dma_wait3A_64 : memref<28x128xi32, #tpu.memory_space<hbm>>) dst(%arg6 : memref<28x128xi32, #tpu.memory_space<vmem>>)
      tpu.yield
    }) : () -> ()
    %scan3A_23 = arith.constant 0 : i32
    %scan3A_24 = arith.constant 0 : i32
    %scan3A_25 = arith.constant 28 : i32
    %scan3A_26 = arith.addi %scan3A_24, %scan3A_25 : i32
    %scan3A_27 = arith.constant 1 : i32
    scf.for %scan3A_50 = %scan3A_24 to %scan3A_26 step %scan3A_27  : i32 {
      "tpu.region"() ({
        %run_scoped3A_51 = tpu.sem_alloc : memref<!tpu.dma_semaphore, #tpu.memory_space<semaphore_mem>>
        %dma_start3A = arith.constant 0 : i32
        %dma_start3A_52 = tpu.memref_slice %arg6[%scan3A_50, %dma_start3A] : memref<28x128xi32, #tpu.memory_space<vmem>> -> memref<1x128xi32, #tpu.memory_space<vmem>>
        %dma_start3A_53 = tpu.memref_squeeze %dma_start3A_52 : memref<1x128xi32, #tpu.memory_space<vmem>> -> memref<128xi32, #tpu.memory_space<vmem>>
        %dma_start3A_54 = arith.constant 0 : i32
        %dma_start3A_55 = tpu.memref_slice %arg9[%dma_start3A_54] : memref<10240xf32, #tpu.memory_space<vmem_shared>> -> memref<10240xf32, #tpu.memory_space<vmem_shared>>
        tpu.enqueue_indirect_dma source(%arg7 : memref<128xf32, #tpu.memory_space<vmem>>) target(%dma_start3A_55 : memref<10240xf32, #tpu.memory_space<vmem_shared>>) offsets(%dma_start3A_53 : memref<128xi32, #tpu.memory_space<vmem>>) semaphore(%run_scoped3A_51 : memref<!tpu.dma_semaphore, #tpu.memory_space<semaphore_mem>>) {add = true}
        %dma_wait3A = arith.constant 0 : i32
        %dma_wait3A_56 = tpu.memref_slice %arg6[%scan3A_50, %dma_wait3A] : memref<28x128xi32, #tpu.memory_space<vmem>> -> memref<1x128xi32, #tpu.memory_space<vmem>>
        %dma_wait3A_57 = tpu.memref_squeeze %dma_wait3A_56 : memref<1x128xi32, #tpu.memory_space<vmem>> -> memref<128xi32, #tpu.memory_space<vmem>>
        %dma_wait3A_58 = arith.constant 0 : i32
        %dma_wait3A_59 = tpu.memref_slice %arg9[%dma_wait3A_58] : memref<10240xf32, #tpu.memory_space<vmem_shared>> -> memref<10240xf32, #tpu.memory_space<vmem_shared>>
        tpu.wait_indirect_dma semaphore(%run_scoped3A_51 : memref<!tpu.dma_semaphore, #tpu.memory_space<semaphore_mem>>) src(%arg7 : memref<128xf32, #tpu.memory_space<vmem>>) dst(%dma_wait3A_59 : memref<10240xf32, #tpu.memory_space<vmem_shared>>)
        tpu.yield
      }) : () -> ()
    }
    %scan3A_28 = arith.constant 28 : i32
    %barrier3A_29 = arith.constant 0 : index
    tpu.barrier barrier_id(%barrier3A_29)
    %add3A_30 = arith.constant 0 : i32
    %add3A_31 = arith.addi %mul3A_0, %add3A_30 : i32
    "tpu.region"() ({
      %run_scoped3A_50 = tpu.sem_alloc : memref<!tpu.dma_semaphore, #tpu.memory_space<semaphore_mem>>
      %dma_start3A = tpu.memref_slice %arg9[%add3A_31] : memref<10240xf32, #tpu.memory_space<vmem_shared>> -> memref<128xf32, #tpu.memory_space<vmem_shared>>
      %dma_start3A_51 = tpu.memref_slice %arg9[%add3A_31] : memref<10240xf32, #tpu.memory_space<vmem_shared>> -> memref<128xf32, #tpu.memory_space<vmem_shared>>
      tpu.enqueue_dma source(%dma_start3A_51 : memref<128xf32, #tpu.memory_space<vmem_shared>>) target(%arg8 : memref<128xf32, #tpu.memory_space<vmem>>) target_semaphore(%run_scoped3A_50 : memref<!tpu.dma_semaphore, #tpu.memory_space<semaphore_mem>>)
      %dma_wait3A = tpu.memref_slice %arg9[%add3A_31] : memref<10240xf32, #tpu.memory_space<vmem_shared>> -> memref<128xf32, #tpu.memory_space<vmem_shared>>
      %dma_wait3A_52 = tpu.memref_slice %arg9[%add3A_31] : memref<10240xf32, #tpu.memory_space<vmem_shared>> -> memref<128xf32, #tpu.memory_space<vmem_shared>>
      tpu.wait_dma2 semaphore(%run_scoped3A_50 : memref<!tpu.dma_semaphore, #tpu.memory_space<semaphore_mem>>) src(%dma_wait3A_52 : memref<128xf32, #tpu.memory_space<vmem_shared>>) dst(%arg8 : memref<128xf32, #tpu.memory_space<vmem>>)
      tpu.yield
    }) : () -> ()
    %add3A_32 = arith.constant 0 : i32
    %add3A_33 = arith.addi %mul3A_0, %add3A_32 : i32
    "tpu.region"() ({
      %run_scoped3A_50 = tpu.sem_alloc : memref<!tpu.dma_semaphore, #tpu.memory_space<semaphore_mem>>
      %dma_start3A = tpu.memref_slice %arg5[%arg0, %add3A_33] : memref<2x10240xf32, #tpu.memory_space<hbm>> -> memref<1x128xf32, #tpu.memory_space<hbm>>
      %dma_start3A_51 = tpu.memref_squeeze %dma_start3A : memref<1x128xf32, #tpu.memory_space<hbm>> -> memref<128xf32, #tpu.memory_space<hbm>>
      %dma_start3A_52 = tpu.memref_slice %arg5[%arg0, %add3A_33] : memref<2x10240xf32, #tpu.memory_space<hbm>> -> memref<1x128xf32, #tpu.memory_space<hbm>>
      %dma_start3A_53 = tpu.memref_squeeze %dma_start3A_52 : memref<1x128xf32, #tpu.memory_space<hbm>> -> memref<128xf32, #tpu.memory_space<hbm>>
      tpu.enqueue_dma source(%arg8 : memref<128xf32, #tpu.memory_space<vmem>>) target(%dma_start3A_53 : memref<128xf32, #tpu.memory_space<hbm>>) target_semaphore(%run_scoped3A_50 : memref<!tpu.dma_semaphore, #tpu.memory_space<semaphore_mem>>)
      %dma_wait3A = tpu.memref_slice %arg5[%arg0, %add3A_33] : memref<2x10240xf32, #tpu.memory_space<hbm>> -> memref<1x128xf32, #tpu.memory_space<hbm>>
      %dma_wait3A_54 = tpu.memref_squeeze %dma_wait3A : memref<1x128xf32, #tpu.memory_space<hbm>> -> memref<128xf32, #tpu.memory_space<hbm>>
      %dma_wait3A_55 = tpu.memref_slice %arg5[%arg0, %add3A_33] : memref<2x10240xf32, #tpu.memory_space<hbm>> -> memref<1x128xf32, #tpu.memory_space<hbm>>
      %dma_wait3A_56 = tpu.memref_squeeze %dma_wait3A_55 : memref<1x128xf32, #tpu.memory_space<hbm>> -> memref<128xf32, #tpu.memory_space<hbm>>
      tpu.wait_dma2 semaphore(%run_scoped3A_50 : memref<!tpu.dma_semaphore, #tpu.memory_space<semaphore_mem>>) src(%arg8 : memref<128xf32, #tpu.memory_space<vmem>>) dst(%dma_wait3A_56 : memref<128xf32, #tpu.memory_space<hbm>>)
      tpu.yield
    }) : () -> ()
    %add3A_34 = arith.constant 128 : i32
    %add3A_35 = arith.addi %mul3A_0, %add3A_34 : i32
    "tpu.region"() ({
      %run_scoped3A_50 = tpu.sem_alloc : memref<!tpu.dma_semaphore, #tpu.memory_space<semaphore_mem>>
      %dma_start3A = tpu.memref_slice %arg9[%add3A_35] : memref<10240xf32, #tpu.memory_space<vmem_shared>> -> memref<128xf32, #tpu.memory_space<vmem_shared>>
      %dma_start3A_51 = tpu.memref_slice %arg9[%add3A_35] : memref<10240xf32, #tpu.memory_space<vmem_shared>> -> memref<128xf32, #tpu.memory_space<vmem_shared>>
      tpu.enqueue_dma source(%dma_start3A_51 : memref<128xf32, #tpu.memory_space<vmem_shared>>) target(%arg8 : memref<128xf32, #tpu.memory_space<vmem>>) target_semaphore(%run_scoped3A_50 : memref<!tpu.dma_semaphore, #tpu.memory_space<semaphore_mem>>)
      %dma_wait3A = tpu.memref_slice %arg9[%add3A_35] : memref<10240xf32, #tpu.memory_space<vmem_shared>> -> memref<128xf32, #tpu.memory_space<vmem_shared>>
      %dma_wait3A_52 = tpu.memref_slice %arg9[%add3A_35] : memref<10240xf32, #tpu.memory_space<vmem_shared>> -> memref<128xf32, #tpu.memory_space<vmem_shared>>
      tpu.wait_dma2 semaphore(%run_scoped3A_50 : memref<!tpu.dma_semaphore, #tpu.memory_space<semaphore_mem>>) src(%dma_wait3A_52 : memref<128xf32, #tpu.memory_space<vmem_shared>>) dst(%arg8 : memref<128xf32, #tpu.memory_space<vmem>>)
      tpu.yield
    }) : () -> ()
    %add3A_36 = arith.constant 128 : i32
    %add3A_37 = arith.addi %mul3A_0, %add3A_36 : i32
    "tpu.region"() ({
      %run_scoped3A_50 = tpu.sem_alloc : memref<!tpu.dma_semaphore, #tpu.memory_space<semaphore_mem>>
      %dma_start3A = tpu.memref_slice %arg5[%arg0, %add3A_37] : memref<2x10240xf32, #tpu.memory_space<hbm>> -> memref<1x128xf32, #tpu.memory_space<hbm>>
      %dma_start3A_51 = tpu.memref_squeeze %dma_start3A : memref<1x128xf32, #tpu.memory_space<hbm>> -> memref<128xf32, #tpu.memory_space<hbm>>
      %dma_start3A_52 = tpu.memref_slice %arg5[%arg0, %add3A_37] : memref<2x10240xf32, #tpu.memory_space<hbm>> -> memref<1x128xf32, #tpu.memory_space<hbm>>
      %dma_start3A_53 = tpu.memref_squeeze %dma_start3A_52 : memref<1x128xf32, #tpu.memory_space<hbm>> -> memref<128xf32, #tpu.memory_space<hbm>>
      tpu.enqueue_dma source(%arg8 : memref<128xf32, #tpu.memory_space<vmem>>) target(%dma_start3A_53 : memref<128xf32, #tpu.memory_space<hbm>>) target_semaphore(%run_scoped3A_50 : memref<!tpu.dma_semaphore, #tpu.memory_space<semaphore_mem>>)
      %dma_wait3A = tpu.memref_slice %arg5[%arg0, %add3A_37] : memref<2x10240xf32, #tpu.memory_space<hbm>> -> memref<1x128xf32, #tpu.memory_space<hbm>>
      %dma_wait3A_54 = tpu.memref_squeeze %dma_wait3A : memref<1x128xf32, #tpu.memory_space<hbm>> -> memref<128xf32, #tpu.memory_space<hbm>>
      %dma_wait3A_55 = tpu.memref_slice %arg5[%arg0, %add3A_37] : memref<2x10240xf32, #tpu.memory_space<hbm>> -> memref<1x128xf32, #tpu.memory_space<hbm>>
      %dma_wait3A_56 = tpu.memref_squeeze %dma_wait3A_55 : memref<1x128xf32, #tpu.memory_space<hbm>> -> memref<128xf32, #tpu.memory_space<hbm>>
      tpu.wait_dma2 semaphore(%run_scoped3A_50 : memref<!tpu.dma_semaphore, #tpu.memory_space<semaphore_mem>>) src(%arg8 : memref<128xf32, #tpu.memory_space<vmem>>) dst(%dma_wait3A_56 : memref<128xf32, #tpu.memory_space<hbm>>)
      tpu.yield
    }) : () -> ()
    %add3A_38 = arith.constant 256 : i32
    %add3A_39 = arith.addi %mul3A_0, %add3A_38 : i32
    "tpu.region"() ({
      %run_scoped3A_50 = tpu.sem_alloc : memref<!tpu.dma_semaphore, #tpu.memory_space<semaphore_mem>>
      %dma_start3A = tpu.memref_slice %arg9[%add3A_39] : memref<10240xf32, #tpu.memory_space<vmem_shared>> -> memref<128xf32, #tpu.memory_space<vmem_shared>>
      %dma_start3A_51 = tpu.memref_slice %arg9[%add3A_39] : memref<10240xf32, #tpu.memory_space<vmem_shared>> -> memref<128xf32, #tpu.memory_space<vmem_shared>>
      tpu.enqueue_dma source(%dma_start3A_51 : memref<128xf32, #tpu.memory_space<vmem_shared>>) target(%arg8 : memref<128xf32, #tpu.memory_space<vmem>>) target_semaphore(%run_scoped3A_50 : memref<!tpu.dma_semaphore, #tpu.memory_space<semaphore_mem>>)
      %dma_wait3A = tpu.memref_slice %arg9[%add3A_39] : memref<10240xf32, #tpu.memory_space<vmem_shared>> -> memref<128xf32, #tpu.memory_space<vmem_shared>>
      %dma_wait3A_52 = tpu.memref_slice %arg9[%add3A_39] : memref<10240xf32, #tpu.memory_space<vmem_shared>> -> memref<128xf32, #tpu.memory_space<vmem_shared>>
      tpu.wait_dma2 semaphore(%run_scoped3A_50 : memref<!tpu.dma_semaphore, #tpu.memory_space<semaphore_mem>>) src(%dma_wait3A_52 : memref<128xf32, #tpu.memory_space<vmem_shared>>) dst(%arg8 : memref<128xf32, #tpu.memory_space<vmem>>)
      tpu.yield
    }) : () -> ()
    %add3A_40 = arith.constant 256 : i32
    %add3A_41 = arith.addi %mul3A_0, %add3A_40 : i32
    "tpu.region"() ({
      %run_scoped3A_50 = tpu.sem_alloc : memref<!tpu.dma_semaphore, #tpu.memory_space<semaphore_mem>>
      %dma_start3A = tpu.memref_slice %arg5[%arg0, %add3A_41] : memref<2x10240xf32, #tpu.memory_space<hbm>> -> memref<1x128xf32, #tpu.memory_space<hbm>>
      %dma_start3A_51 = tpu.memref_squeeze %dma_start3A : memref<1x128xf32, #tpu.memory_space<hbm>> -> memref<128xf32, #tpu.memory_space<hbm>>
      %dma_start3A_52 = tpu.memref_slice %arg5[%arg0, %add3A_41] : memref<2x10240xf32, #tpu.memory_space<hbm>> -> memref<1x128xf32, #tpu.memory_space<hbm>>
      %dma_start3A_53 = tpu.memref_squeeze %dma_start3A_52 : memref<1x128xf32, #tpu.memory_space<hbm>> -> memref<128xf32, #tpu.memory_space<hbm>>
      tpu.enqueue_dma source(%arg8 : memref<128xf32, #tpu.memory_space<vmem>>) target(%dma_start3A_53 : memref<128xf32, #tpu.memory_space<hbm>>) target_semaphore(%run_scoped3A_50 : memref<!tpu.dma_semaphore, #tpu.memory_space<semaphore_mem>>)
      %dma_wait3A = tpu.memref_slice %arg5[%arg0, %add3A_41] : memref<2x10240xf32, #tpu.memory_space<hbm>> -> memref<1x128xf32, #tpu.memory_space<hbm>>
      %dma_wait3A_54 = tpu.memref_squeeze %dma_wait3A : memref<1x128xf32, #tpu.memory_space<hbm>> -> memref<128xf32, #tpu.memory_space<hbm>>
      %dma_wait3A_55 = tpu.memref_slice %arg5[%arg0, %add3A_41] : memref<2x10240xf32, #tpu.memory_space<hbm>> -> memref<1x128xf32, #tpu.memory_space<hbm>>
      %dma_wait3A_56 = tpu.memref_squeeze %dma_wait3A_55 : memref<1x128xf32, #tpu.memory_space<hbm>> -> memref<128xf32, #tpu.memory_space<hbm>>
      tpu.wait_dma2 semaphore(%run_scoped3A_50 : memref<!tpu.dma_semaphore, #tpu.memory_space<semaphore_mem>>) src(%arg8 : memref<128xf32, #tpu.memory_space<vmem>>) dst(%dma_wait3A_56 : memref<128xf32, #tpu.memory_space<hbm>>)
      tpu.yield
    }) : () -> ()
    %add3A_42 = arith.constant 384 : i32
    %add3A_43 = arith.addi %mul3A_0, %add3A_42 : i32
    "tpu.region"() ({
      %run_scoped3A_50 = tpu.sem_alloc : memref<!tpu.dma_semaphore, #tpu.memory_space<semaphore_mem>>
      %dma_start3A = tpu.memref_slice %arg9[%add3A_43] : memref<10240xf32, #tpu.memory_space<vmem_shared>> -> memref<128xf32, #tpu.memory_space<vmem_shared>>
      %dma_start3A_51 = tpu.memref_slice %arg9[%add3A_43] : memref<10240xf32, #tpu.memory_space<vmem_shared>> -> memref<128xf32, #tpu.memory_space<vmem_shared>>
      tpu.enqueue_dma source(%dma_start3A_51 : memref<128xf32, #tpu.memory_space<vmem_shared>>) target(%arg8 : memref<128xf32, #tpu.memory_space<vmem>>) target_semaphore(%run_scoped3A_50 : memref<!tpu.dma_semaphore, #tpu.memory_space<semaphore_mem>>)
      %dma_wait3A = tpu.memref_slice %arg9[%add3A_43] : memref<10240xf32, #tpu.memory_space<vmem_shared>> -> memref<128xf32, #tpu.memory_space<vmem_shared>>
      %dma_wait3A_52 = tpu.memref_slice %arg9[%add3A_43] : memref<10240xf32, #tpu.memory_space<vmem_shared>> -> memref<128xf32, #tpu.memory_space<vmem_shared>>
      tpu.wait_dma2 semaphore(%run_scoped3A_50 : memref<!tpu.dma_semaphore, #tpu.memory_space<semaphore_mem>>) src(%dma_wait3A_52 : memref<128xf32, #tpu.memory_space<vmem_shared>>) dst(%arg8 : memref<128xf32, #tpu.memory_space<vmem>>)
      tpu.yield
    }) : () -> ()
    %add3A_44 = arith.constant 384 : i32
    %add3A_45 = arith.addi %mul3A_0, %add3A_44 : i32
    "tpu.region"() ({
      %run_scoped3A_50 = tpu.sem_alloc : memref<!tpu.dma_semaphore, #tpu.memory_space<semaphore_mem>>
      %dma_start3A = tpu.memref_slice %arg5[%arg0, %add3A_45] : memref<2x10240xf32, #tpu.memory_space<hbm>> -> memref<1x128xf32, #tpu.memory_space<hbm>>
      %dma_start3A_51 = tpu.memref_squeeze %dma_start3A : memref<1x128xf32, #tpu.memory_space<hbm>> -> memref<128xf32, #tpu.memory_space<hbm>>
      %dma_start3A_52 = tpu.memref_slice %arg5[%arg0, %add3A_45] : memref<2x10240xf32, #tpu.memory_space<hbm>> -> memref<1x128xf32, #tpu.memory_space<hbm>>
      %dma_start3A_53 = tpu.memref_squeeze %dma_start3A_52 : memref<1x128xf32, #tpu.memory_space<hbm>> -> memref<128xf32, #tpu.memory_space<hbm>>
      tpu.enqueue_dma source(%arg8 : memref<128xf32, #tpu.memory_space<vmem>>) target(%dma_start3A_53 : memref<128xf32, #tpu.memory_space<hbm>>) target_semaphore(%run_scoped3A_50 : memref<!tpu.dma_semaphore, #tpu.memory_space<semaphore_mem>>)
      %dma_wait3A = tpu.memref_slice %arg5[%arg0, %add3A_45] : memref<2x10240xf32, #tpu.memory_space<hbm>> -> memref<1x128xf32, #tpu.memory_space<hbm>>
      %dma_wait3A_54 = tpu.memref_squeeze %dma_wait3A : memref<1x128xf32, #tpu.memory_space<hbm>> -> memref<128xf32, #tpu.memory_space<hbm>>
      %dma_wait3A_55 = tpu.memref_slice %arg5[%arg0, %add3A_45] : memref<2x10240xf32, #tpu.memory_space<hbm>> -> memref<1x128xf32, #tpu.memory_space<hbm>>
      %dma_wait3A_56 = tpu.memref_squeeze %dma_wait3A_55 : memref<1x128xf32, #tpu.memory_space<hbm>> -> memref<128xf32, #tpu.memory_space<hbm>>
      tpu.wait_dma2 semaphore(%run_scoped3A_50 : memref<!tpu.dma_semaphore, #tpu.memory_space<semaphore_mem>>) src(%arg8 : memref<128xf32, #tpu.memory_space<vmem>>) dst(%dma_wait3A_56 : memref<128xf32, #tpu.memory_space<hbm>>)
      tpu.yield
    }) : () -> ()
    %add3A_46 = arith.constant 512 : i32
    %add3A_47 = arith.addi %mul3A_0, %add3A_46 : i32
    "tpu.region"() ({
      %run_scoped3A_50 = tpu.sem_alloc : memref<!tpu.dma_semaphore, #tpu.memory_space<semaphore_mem>>
      %dma_start3A = tpu.memref_slice %arg9[%add3A_47] : memref<10240xf32, #tpu.memory_space<vmem_shared>> -> memref<128xf32, #tpu.memory_space<vmem_shared>>
      %dma_start3A_51 = tpu.memref_slice %arg9[%add3A_47] : memref<10240xf32, #tpu.memory_space<vmem_shared>> -> memref<128xf32, #tpu.memory_space<vmem_shared>>
      tpu.enqueue_dma source(%dma_start3A_51 : memref<128xf32, #tpu.memory_space<vmem_shared>>) target(%arg8 : memref<128xf32, #tpu.memory_space<vmem>>) target_semaphore(%run_scoped3A_50 : memref<!tpu.dma_semaphore, #tpu.memory_space<semaphore_mem>>)
      %dma_wait3A = tpu.memref_slice %arg9[%add3A_47] : memref<10240xf32, #tpu.memory_space<vmem_shared>> -> memref<128xf32, #tpu.memory_space<vmem_shared>>
      %dma_wait3A_52 = tpu.memref_slice %arg9[%add3A_47] : memref<10240xf32, #tpu.memory_space<vmem_shared>> -> memref<128xf32, #tpu.memory_space<vmem_shared>>
      tpu.wait_dma2 semaphore(%run_scoped3A_50 : memref<!tpu.dma_semaphore, #tpu.memory_space<semaphore_mem>>) src(%dma_wait3A_52 : memref<128xf32, #tpu.memory_space<vmem_shared>>) dst(%arg8 : memref<128xf32, #tpu.memory_space<vmem>>)
      tpu.yield
    }) : () -> ()
    %add3A_48 = arith.constant 512 : i32
    %add3A_49 = arith.addi %mul3A_0, %add3A_48 : i32
    "tpu.region"() ({
      %run_scoped3A_50 = tpu.sem_alloc : memref<!tpu.dma_semaphore, #tpu.memory_space<semaphore_mem>>
      %dma_start3A = tpu.memref_slice %arg5[%arg0, %add3A_49] : memref<2x10240xf32, #tpu.memory_space<hbm>> -> memref<1x128xf32, #tpu.memory_space<hbm>>
      %dma_start3A_51 = tpu.memref_squeeze %dma_start3A : memref<1x128xf32, #tpu.memory_space<hbm>> -> memref<128xf32, #tpu.memory_space<hbm>>
      %dma_start3A_52 = tpu.memref_slice %arg5[%arg0, %add3A_49] : memref<2x10240xf32, #tpu.memory_space<hbm>> -> memref<1x128xf32, #tpu.memory_space<hbm>>
      %dma_start3A_53 = tpu.memref_squeeze %dma_start3A_52 : memref<1x128xf32, #tpu.memory_space<hbm>> -> memref<128xf32, #tpu.memory_space<hbm>>
      tpu.enqueue_dma source(%arg8 : memref<128xf32, #tpu.memory_space<vmem>>) target(%dma_start3A_53 : memref<128xf32, #tpu.memory_space<hbm>>) target_semaphore(%run_scoped3A_50 : memref<!tpu.dma_semaphore, #tpu.memory_space<semaphore_mem>>)
      %dma_wait3A = tpu.memref_slice %arg5[%arg0, %add3A_49] : memref<2x10240xf32, #tpu.memory_space<hbm>> -> memref<1x128xf32, #tpu.memory_space<hbm>>
      %dma_wait3A_54 = tpu.memref_squeeze %dma_wait3A : memref<1x128xf32, #tpu.memory_space<hbm>> -> memref<128xf32, #tpu.memory_space<hbm>>
      %dma_wait3A_55 = tpu.memref_slice %arg5[%arg0, %add3A_49] : memref<2x10240xf32, #tpu.memory_space<hbm>> -> memref<1x128xf32, #tpu.memory_space<hbm>>
      %dma_wait3A_56 = tpu.memref_squeeze %dma_wait3A_55 : memref<1x128xf32, #tpu.memory_space<hbm>> -> memref<128xf32, #tpu.memory_space<hbm>>
      tpu.wait_dma2 semaphore(%run_scoped3A_50 : memref<!tpu.dma_semaphore, #tpu.memory_space<semaphore_mem>>) src(%arg8 : memref<128xf32, #tpu.memory_space<vmem>>) dst(%dma_wait3A_56 : memref<128xf32, #tpu.memory_space<hbm>>)
      tpu.yield
    }) : () -> ()
    return
  }
}

#map = affine_map<(d0, d1) -> (0, 0)>
#map1 = affine_map<(d0, d1) -> (0, 0, 0, 0, 0)>
#map2 = affine_map<(d0, d1) -> (0, 0, 0)>
module attributes {stable_mosaic.version = 14 : i64} {
  func.func @agg_kernel(%arg0: i32, %arg1: i32, %arg2: memref<10240x128xf32, #tpu.memory_space<hbm>>, %arg3: memref<2x16x3x28x128xi32, #tpu.memory_space<hbm>>, %arg4: memref<2x16x3x28x128xi32, #tpu.memory_space<hbm>>, %arg5: memref<128x128xf32, #tpu.memory_space<hbm>>, %arg6: memref<2x10240x128xf32, #tpu.memory_space<hbm>>, %arg7: memref<28x128xi32, #tpu.memory_space<vmem>>, %arg8: memref<28x128xi32, #tpu.memory_space<vmem>>, %arg9: memref<128x128xf32, #tpu.memory_space<vmem>>, %arg10: memref<128x128xf32, #tpu.memory_space<vmem>>, %arg11: memref<10240x128xf32, #tpu.memory_space<vmem_shared>>, %arg12: memref<!tpu.dma_semaphore, #tpu.memory_space<semaphore_mem>>, %arg13: memref<!tpu.dma_semaphore, #tpu.memory_space<semaphore_mem>>) attributes {dimension_semantics = [#tpu.dimension_semantics<core_parallel>, #tpu.dimension_semantics<subcore_parallel>], iteration_bounds = array<i64: 2, 16>, scalar_prefetch = 0 : i64, scratch_operands = 7 : i64, tpu.core_type = #tpu.core_type<sc_vector_subcore>, window_params = [{transform_indices = #map}, {transform_indices = #map1}, {transform_indices = #map1}, {transform_indices = #map}, {transform_indices = #map2}]} {
    %mul3A = arith.constant 640 : i32
    %mul3A_0 = arith.muli %arg1, %mul3A : i32
    "tpu.region"() ({
      %run_scoped3A_73 = tpu.sem_alloc : memref<!tpu.dma_semaphore, #tpu.memory_space<semaphore_mem>>
      tpu.enqueue_dma source(%arg5 : memref<128x128xf32, #tpu.memory_space<hbm>>) target(%arg9 : memref<128x128xf32, #tpu.memory_space<vmem>>) target_semaphore(%run_scoped3A_73 : memref<!tpu.dma_semaphore, #tpu.memory_space<semaphore_mem>>)
      tpu.wait_dma2 semaphore(%run_scoped3A_73 : memref<!tpu.dma_semaphore, #tpu.memory_space<semaphore_mem>>) src(%arg5 : memref<128x128xf32, #tpu.memory_space<hbm>>) dst(%arg9 : memref<128x128xf32, #tpu.memory_space<vmem>>)
      tpu.yield
    }) : () -> ()
    %add3A = arith.constant 0 : i32
    %add3A_1 = arith.addi %mul3A_0, %add3A : i32
    "tpu.region"() ({
      %run_scoped3A_73 = tpu.sem_alloc : memref<!tpu.dma_semaphore, #tpu.memory_space<semaphore_mem>>
      %dma_start3A_74 = arith.constant 0 : i32
      %dma_start3A_75 = tpu.memref_slice %arg11[%add3A_1, %dma_start3A_74] : memref<10240x128xf32, #tpu.memory_space<vmem_shared>> -> memref<128x128xf32, #tpu.memory_space<vmem_shared>>
      %dma_start3A_76 = arith.constant 0 : i32
      %dma_start3A_77 = tpu.memref_slice %arg11[%add3A_1, %dma_start3A_76] : memref<10240x128xf32, #tpu.memory_space<vmem_shared>> -> memref<128x128xf32, #tpu.memory_space<vmem_shared>>
      tpu.enqueue_dma source(%arg9 : memref<128x128xf32, #tpu.memory_space<vmem>>) target(%dma_start3A_77 : memref<128x128xf32, #tpu.memory_space<vmem_shared>>) target_semaphore(%run_scoped3A_73 : memref<!tpu.dma_semaphore, #tpu.memory_space<semaphore_mem>>)
      %dma_wait3A = arith.constant 0 : i32
      %dma_wait3A_78 = tpu.memref_slice %arg11[%add3A_1, %dma_wait3A] : memref<10240x128xf32, #tpu.memory_space<vmem_shared>> -> memref<128x128xf32, #tpu.memory_space<vmem_shared>>
      %dma_wait3A_79 = arith.constant 0 : i32
      %dma_wait3A_80 = tpu.memref_slice %arg11[%add3A_1, %dma_wait3A_79] : memref<10240x128xf32, #tpu.memory_space<vmem_shared>> -> memref<128x128xf32, #tpu.memory_space<vmem_shared>>
      tpu.wait_dma2 semaphore(%run_scoped3A_73 : memref<!tpu.dma_semaphore, #tpu.memory_space<semaphore_mem>>) src(%arg9 : memref<128x128xf32, #tpu.memory_space<vmem>>) dst(%dma_wait3A_80 : memref<128x128xf32, #tpu.memory_space<vmem_shared>>)
      tpu.yield
    }) : () -> ()
    %add3A_2 = arith.constant 128 : i32
    %add3A_3 = arith.addi %mul3A_0, %add3A_2 : i32
    "tpu.region"() ({
      %run_scoped3A_73 = tpu.sem_alloc : memref<!tpu.dma_semaphore, #tpu.memory_space<semaphore_mem>>
      %dma_start3A_74 = arith.constant 0 : i32
      %dma_start3A_75 = tpu.memref_slice %arg11[%add3A_3, %dma_start3A_74] : memref<10240x128xf32, #tpu.memory_space<vmem_shared>> -> memref<128x128xf32, #tpu.memory_space<vmem_shared>>
      %dma_start3A_76 = arith.constant 0 : i32
      %dma_start3A_77 = tpu.memref_slice %arg11[%add3A_3, %dma_start3A_76] : memref<10240x128xf32, #tpu.memory_space<vmem_shared>> -> memref<128x128xf32, #tpu.memory_space<vmem_shared>>
      tpu.enqueue_dma source(%arg9 : memref<128x128xf32, #tpu.memory_space<vmem>>) target(%dma_start3A_77 : memref<128x128xf32, #tpu.memory_space<vmem_shared>>) target_semaphore(%run_scoped3A_73 : memref<!tpu.dma_semaphore, #tpu.memory_space<semaphore_mem>>)
      %dma_wait3A = arith.constant 0 : i32
      %dma_wait3A_78 = tpu.memref_slice %arg11[%add3A_3, %dma_wait3A] : memref<10240x128xf32, #tpu.memory_space<vmem_shared>> -> memref<128x128xf32, #tpu.memory_space<vmem_shared>>
      %dma_wait3A_79 = arith.constant 0 : i32
      %dma_wait3A_80 = tpu.memref_slice %arg11[%add3A_3, %dma_wait3A_79] : memref<10240x128xf32, #tpu.memory_space<vmem_shared>> -> memref<128x128xf32, #tpu.memory_space<vmem_shared>>
      tpu.wait_dma2 semaphore(%run_scoped3A_73 : memref<!tpu.dma_semaphore, #tpu.memory_space<semaphore_mem>>) src(%arg9 : memref<128x128xf32, #tpu.memory_space<vmem>>) dst(%dma_wait3A_80 : memref<128x128xf32, #tpu.memory_space<vmem_shared>>)
      tpu.yield
    }) : () -> ()
    %add3A_4 = arith.constant 256 : i32
    %add3A_5 = arith.addi %mul3A_0, %add3A_4 : i32
    "tpu.region"() ({
      %run_scoped3A_73 = tpu.sem_alloc : memref<!tpu.dma_semaphore, #tpu.memory_space<semaphore_mem>>
      %dma_start3A_74 = arith.constant 0 : i32
      %dma_start3A_75 = tpu.memref_slice %arg11[%add3A_5, %dma_start3A_74] : memref<10240x128xf32, #tpu.memory_space<vmem_shared>> -> memref<128x128xf32, #tpu.memory_space<vmem_shared>>
      %dma_start3A_76 = arith.constant 0 : i32
      %dma_start3A_77 = tpu.memref_slice %arg11[%add3A_5, %dma_start3A_76] : memref<10240x128xf32, #tpu.memory_space<vmem_shared>> -> memref<128x128xf32, #tpu.memory_space<vmem_shared>>
      tpu.enqueue_dma source(%arg9 : memref<128x128xf32, #tpu.memory_space<vmem>>) target(%dma_start3A_77 : memref<128x128xf32, #tpu.memory_space<vmem_shared>>) target_semaphore(%run_scoped3A_73 : memref<!tpu.dma_semaphore, #tpu.memory_space<semaphore_mem>>)
      %dma_wait3A = arith.constant 0 : i32
      %dma_wait3A_78 = tpu.memref_slice %arg11[%add3A_5, %dma_wait3A] : memref<10240x128xf32, #tpu.memory_space<vmem_shared>> -> memref<128x128xf32, #tpu.memory_space<vmem_shared>>
      %dma_wait3A_79 = arith.constant 0 : i32
      %dma_wait3A_80 = tpu.memref_slice %arg11[%add3A_5, %dma_wait3A_79] : memref<10240x128xf32, #tpu.memory_space<vmem_shared>> -> memref<128x128xf32, #tpu.memory_space<vmem_shared>>
      tpu.wait_dma2 semaphore(%run_scoped3A_73 : memref<!tpu.dma_semaphore, #tpu.memory_space<semaphore_mem>>) src(%arg9 : memref<128x128xf32, #tpu.memory_space<vmem>>) dst(%dma_wait3A_80 : memref<128x128xf32, #tpu.memory_space<vmem_shared>>)
      tpu.yield
    }) : () -> ()
    %add3A_6 = arith.constant 384 : i32
    %add3A_7 = arith.addi %mul3A_0, %add3A_6 : i32
    "tpu.region"() ({
      %run_scoped3A_73 = tpu.sem_alloc : memref<!tpu.dma_semaphore, #tpu.memory_space<semaphore_mem>>
      %dma_start3A_74 = arith.constant 0 : i32
      %dma_start3A_75 = tpu.memref_slice %arg11[%add3A_7, %dma_start3A_74] : memref<10240x128xf32, #tpu.memory_space<vmem_shared>> -> memref<128x128xf32, #tpu.memory_space<vmem_shared>>
      %dma_start3A_76 = arith.constant 0 : i32
      %dma_start3A_77 = tpu.memref_slice %arg11[%add3A_7, %dma_start3A_76] : memref<10240x128xf32, #tpu.memory_space<vmem_shared>> -> memref<128x128xf32, #tpu.memory_space<vmem_shared>>
      tpu.enqueue_dma source(%arg9 : memref<128x128xf32, #tpu.memory_space<vmem>>) target(%dma_start3A_77 : memref<128x128xf32, #tpu.memory_space<vmem_shared>>) target_semaphore(%run_scoped3A_73 : memref<!tpu.dma_semaphore, #tpu.memory_space<semaphore_mem>>)
      %dma_wait3A = arith.constant 0 : i32
      %dma_wait3A_78 = tpu.memref_slice %arg11[%add3A_7, %dma_wait3A] : memref<10240x128xf32, #tpu.memory_space<vmem_shared>> -> memref<128x128xf32, #tpu.memory_space<vmem_shared>>
      %dma_wait3A_79 = arith.constant 0 : i32
      %dma_wait3A_80 = tpu.memref_slice %arg11[%add3A_7, %dma_wait3A_79] : memref<10240x128xf32, #tpu.memory_space<vmem_shared>> -> memref<128x128xf32, #tpu.memory_space<vmem_shared>>
      tpu.wait_dma2 semaphore(%run_scoped3A_73 : memref<!tpu.dma_semaphore, #tpu.memory_space<semaphore_mem>>) src(%arg9 : memref<128x128xf32, #tpu.memory_space<vmem>>) dst(%dma_wait3A_80 : memref<128x128xf32, #tpu.memory_space<vmem_shared>>)
      tpu.yield
    }) : () -> ()
    %add3A_8 = arith.constant 512 : i32
    %add3A_9 = arith.addi %mul3A_0, %add3A_8 : i32
    "tpu.region"() ({
      %run_scoped3A_73 = tpu.sem_alloc : memref<!tpu.dma_semaphore, #tpu.memory_space<semaphore_mem>>
      %dma_start3A_74 = arith.constant 0 : i32
      %dma_start3A_75 = tpu.memref_slice %arg11[%add3A_9, %dma_start3A_74] : memref<10240x128xf32, #tpu.memory_space<vmem_shared>> -> memref<128x128xf32, #tpu.memory_space<vmem_shared>>
      %dma_start3A_76 = arith.constant 0 : i32
      %dma_start3A_77 = tpu.memref_slice %arg11[%add3A_9, %dma_start3A_76] : memref<10240x128xf32, #tpu.memory_space<vmem_shared>> -> memref<128x128xf32, #tpu.memory_space<vmem_shared>>
      tpu.enqueue_dma source(%arg9 : memref<128x128xf32, #tpu.memory_space<vmem>>) target(%dma_start3A_77 : memref<128x128xf32, #tpu.memory_space<vmem_shared>>) target_semaphore(%run_scoped3A_73 : memref<!tpu.dma_semaphore, #tpu.memory_space<semaphore_mem>>)
      %dma_wait3A = arith.constant 0 : i32
      %dma_wait3A_78 = tpu.memref_slice %arg11[%add3A_9, %dma_wait3A] : memref<10240x128xf32, #tpu.memory_space<vmem_shared>> -> memref<128x128xf32, #tpu.memory_space<vmem_shared>>
      %dma_wait3A_79 = arith.constant 0 : i32
      %dma_wait3A_80 = tpu.memref_slice %arg11[%add3A_9, %dma_wait3A_79] : memref<10240x128xf32, #tpu.memory_space<vmem_shared>> -> memref<128x128xf32, #tpu.memory_space<vmem_shared>>
      tpu.wait_dma2 semaphore(%run_scoped3A_73 : memref<!tpu.dma_semaphore, #tpu.memory_space<semaphore_mem>>) src(%arg9 : memref<128x128xf32, #tpu.memory_space<vmem>>) dst(%dma_wait3A_80 : memref<128x128xf32, #tpu.memory_space<vmem_shared>>)
      tpu.yield
    }) : () -> ()
    %barrier3A = arith.constant 0 : index
    tpu.barrier barrier_id(%barrier3A)
    %run_scoped3A = arith.constant 0 : i32
    "tpu.region"() ({
      %run_scoped3A_73 = tpu.sem_alloc : memref<!tpu.dma_semaphore, #tpu.memory_space<semaphore_mem>>
      %dma_start3A_74 = arith.constant 0 : i32
      %dma_start3A_75 = arith.constant 0 : i32
      %dma_start3A_76 = tpu.memref_slice %arg3[%arg0, %arg1, %run_scoped3A, %dma_start3A_74, %dma_start3A_75] : memref<2x16x3x28x128xi32, #tpu.memory_space<hbm>> -> memref<1x1x1x28x128xi32, #tpu.memory_space<hbm>>
      %dma_start3A_77 = tpu.memref_squeeze %dma_start3A_76 : memref<1x1x1x28x128xi32, #tpu.memory_space<hbm>> -> memref<28x128xi32, #tpu.memory_space<hbm>>
      %dma_start3A_78 = arith.constant 0 : i32
      %dma_start3A_79 = arith.constant 0 : i32
      %dma_start3A_80 = tpu.memref_slice %arg3[%arg0, %arg1, %run_scoped3A, %dma_start3A_78, %dma_start3A_79] : memref<2x16x3x28x128xi32, #tpu.memory_space<hbm>> -> memref<1x1x1x28x128xi32, #tpu.memory_space<hbm>>
      %dma_start3A_81 = tpu.memref_squeeze %dma_start3A_80 : memref<1x1x1x28x128xi32, #tpu.memory_space<hbm>> -> memref<28x128xi32, #tpu.memory_space<hbm>>
      tpu.enqueue_dma source(%dma_start3A_81 : memref<28x128xi32, #tpu.memory_space<hbm>>) target(%arg7 : memref<28x128xi32, #tpu.memory_space<vmem>>) target_semaphore(%run_scoped3A_73 : memref<!tpu.dma_semaphore, #tpu.memory_space<semaphore_mem>>)
      %dma_wait3A = arith.constant 0 : i32
      %dma_wait3A_82 = arith.constant 0 : i32
      %dma_wait3A_83 = tpu.memref_slice %arg3[%arg0, %arg1, %run_scoped3A, %dma_wait3A, %dma_wait3A_82] : memref<2x16x3x28x128xi32, #tpu.memory_space<hbm>> -> memref<1x1x1x28x128xi32, #tpu.memory_space<hbm>>
      %dma_wait3A_84 = tpu.memref_squeeze %dma_wait3A_83 : memref<1x1x1x28x128xi32, #tpu.memory_space<hbm>> -> memref<28x128xi32, #tpu.memory_space<hbm>>
      %dma_wait3A_85 = arith.constant 0 : i32
      %dma_wait3A_86 = arith.constant 0 : i32
      %dma_wait3A_87 = tpu.memref_slice %arg3[%arg0, %arg1, %run_scoped3A, %dma_wait3A_85, %dma_wait3A_86] : memref<2x16x3x28x128xi32, #tpu.memory_space<hbm>> -> memref<1x1x1x28x128xi32, #tpu.memory_space<hbm>>
      %dma_wait3A_88 = tpu.memref_squeeze %dma_wait3A_87 : memref<1x1x1x28x128xi32, #tpu.memory_space<hbm>> -> memref<28x128xi32, #tpu.memory_space<hbm>>
      tpu.wait_dma2 semaphore(%run_scoped3A_73 : memref<!tpu.dma_semaphore, #tpu.memory_space<semaphore_mem>>) src(%dma_wait3A_88 : memref<28x128xi32, #tpu.memory_space<hbm>>) dst(%arg7 : memref<28x128xi32, #tpu.memory_space<vmem>>)
      tpu.yield
    }) : () -> ()
    %run_scoped3A_10 = arith.constant 0 : i32
    "tpu.region"() ({
      %run_scoped3A_73 = tpu.sem_alloc : memref<!tpu.dma_semaphore, #tpu.memory_space<semaphore_mem>>
      %dma_start3A_74 = arith.constant 0 : i32
      %dma_start3A_75 = arith.constant 0 : i32
      %dma_start3A_76 = tpu.memref_slice %arg4[%arg0, %arg1, %run_scoped3A_10, %dma_start3A_74, %dma_start3A_75] : memref<2x16x3x28x128xi32, #tpu.memory_space<hbm>> -> memref<1x1x1x28x128xi32, #tpu.memory_space<hbm>>
      %dma_start3A_77 = tpu.memref_squeeze %dma_start3A_76 : memref<1x1x1x28x128xi32, #tpu.memory_space<hbm>> -> memref<28x128xi32, #tpu.memory_space<hbm>>
      %dma_start3A_78 = arith.constant 0 : i32
      %dma_start3A_79 = arith.constant 0 : i32
      %dma_start3A_80 = tpu.memref_slice %arg4[%arg0, %arg1, %run_scoped3A_10, %dma_start3A_78, %dma_start3A_79] : memref<2x16x3x28x128xi32, #tpu.memory_space<hbm>> -> memref<1x1x1x28x128xi32, #tpu.memory_space<hbm>>
      %dma_start3A_81 = tpu.memref_squeeze %dma_start3A_80 : memref<1x1x1x28x128xi32, #tpu.memory_space<hbm>> -> memref<28x128xi32, #tpu.memory_space<hbm>>
      tpu.enqueue_dma source(%dma_start3A_81 : memref<28x128xi32, #tpu.memory_space<hbm>>) target(%arg8 : memref<28x128xi32, #tpu.memory_space<vmem>>) target_semaphore(%run_scoped3A_73 : memref<!tpu.dma_semaphore, #tpu.memory_space<semaphore_mem>>)
      %dma_wait3A = arith.constant 0 : i32
      %dma_wait3A_82 = arith.constant 0 : i32
      %dma_wait3A_83 = tpu.memref_slice %arg4[%arg0, %arg1, %run_scoped3A_10, %dma_wait3A, %dma_wait3A_82] : memref<2x16x3x28x128xi32, #tpu.memory_space<hbm>> -> memref<1x1x1x28x128xi32, #tpu.memory_space<hbm>>
      %dma_wait3A_84 = tpu.memref_squeeze %dma_wait3A_83 : memref<1x1x1x28x128xi32, #tpu.memory_space<hbm>> -> memref<28x128xi32, #tpu.memory_space<hbm>>
      %dma_wait3A_85 = arith.constant 0 : i32
      %dma_wait3A_86 = arith.constant 0 : i32
      %dma_wait3A_87 = tpu.memref_slice %arg4[%arg0, %arg1, %run_scoped3A_10, %dma_wait3A_85, %dma_wait3A_86] : memref<2x16x3x28x128xi32, #tpu.memory_space<hbm>> -> memref<1x1x1x28x128xi32, #tpu.memory_space<hbm>>
      %dma_wait3A_88 = tpu.memref_squeeze %dma_wait3A_87 : memref<1x1x1x28x128xi32, #tpu.memory_space<hbm>> -> memref<28x128xi32, #tpu.memory_space<hbm>>
      tpu.wait_dma2 semaphore(%run_scoped3A_73 : memref<!tpu.dma_semaphore, #tpu.memory_space<semaphore_mem>>) src(%dma_wait3A_88 : memref<28x128xi32, #tpu.memory_space<hbm>>) dst(%arg8 : memref<28x128xi32, #tpu.memory_space<vmem>>)
      tpu.yield
    }) : () -> ()
    %dma_start3A = arith.constant 0 : i32
    %dma_start3A_11 = arith.constant 0 : i32
    %dma_start3A_12 = tpu.memref_slice %arg7[%dma_start3A, %dma_start3A_11] : memref<28x128xi32, #tpu.memory_space<vmem>> -> memref<1x128xi32, #tpu.memory_space<vmem>>
    %dma_start3A_13 = tpu.memref_squeeze %dma_start3A_12 : memref<1x128xi32, #tpu.memory_space<vmem>> -> memref<128xi32, #tpu.memory_space<vmem>>
    %dma_start3A_14 = arith.constant 0 : i32
    %dma_start3A_15 = arith.constant 0 : i32
    %dma_start3A_16 = tpu.memref_slice %arg2[%dma_start3A_14, %dma_start3A_15] : memref<10240x128xf32, #tpu.memory_space<hbm>> -> memref<10240x128xf32, #tpu.memory_space<hbm>>
    tpu.enqueue_indirect_dma source(%dma_start3A_16 : memref<10240x128xf32, #tpu.memory_space<hbm>>) target(%arg9 : memref<128x128xf32, #tpu.memory_space<vmem>>) offsets(%dma_start3A_13 : memref<128xi32, #tpu.memory_space<vmem>>) semaphore(%arg12 : memref<!tpu.dma_semaphore, #tpu.memory_space<semaphore_mem>>)
    %scan3A = arith.constant 0 : i32
    %scan3A_17 = arith.constant 0 : i32
    %scan3A_18 = arith.constant 14 : i32
    %scan3A_19 = arith.addi %scan3A_17, %scan3A_18 : i32
    %scan3A_20 = arith.constant 1 : i32
    scf.for %scan3A_73 = %scan3A_17 to %scan3A_19 step %scan3A_20  : i32 {
      %mul3A_74 = arith.constant 2 : i32
      %mul3A_75 = arith.muli %scan3A_73, %mul3A_74 : i32
      %dma_wait3A = arith.constant 0 : i32
      %dma_wait3A_76 = tpu.memref_slice %arg7[%mul3A_75, %dma_wait3A] : memref<28x128xi32, #tpu.memory_space<vmem>> -> memref<1x128xi32, #tpu.memory_space<vmem>>
      %dma_wait3A_77 = tpu.memref_squeeze %dma_wait3A_76 : memref<1x128xi32, #tpu.memory_space<vmem>> -> memref<128xi32, #tpu.memory_space<vmem>>
      %dma_wait3A_78 = arith.constant 0 : i32
      %dma_wait3A_79 = arith.constant 0 : i32
      %dma_wait3A_80 = tpu.memref_slice %arg2[%dma_wait3A_78, %dma_wait3A_79] : memref<10240x128xf32, #tpu.memory_space<hbm>> -> memref<10240x128xf32, #tpu.memory_space<hbm>>
      tpu.wait_indirect_dma semaphore(%arg12 : memref<!tpu.dma_semaphore, #tpu.memory_space<semaphore_mem>>) src(%dma_wait3A_80 : memref<10240x128xf32, #tpu.memory_space<hbm>>) dst(%arg9 : memref<128x128xf32, #tpu.memory_space<vmem>>)
      %add3A_81 = arith.constant 1 : i32
      %add3A_82 = arith.addi %mul3A_75, %add3A_81 : i32
      %dma_start3A_83 = arith.constant 0 : i32
      %dma_start3A_84 = tpu.memref_slice %arg7[%add3A_82, %dma_start3A_83] : memref<28x128xi32, #tpu.memory_space<vmem>> -> memref<1x128xi32, #tpu.memory_space<vmem>>
      %dma_start3A_85 = tpu.memref_squeeze %dma_start3A_84 : memref<1x128xi32, #tpu.memory_space<vmem>> -> memref<128xi32, #tpu.memory_space<vmem>>
      %dma_start3A_86 = arith.constant 0 : i32
      %dma_start3A_87 = arith.constant 0 : i32
      %dma_start3A_88 = tpu.memref_slice %arg2[%dma_start3A_86, %dma_start3A_87] : memref<10240x128xf32, #tpu.memory_space<hbm>> -> memref<10240x128xf32, #tpu.memory_space<hbm>>
      tpu.enqueue_indirect_dma source(%dma_start3A_88 : memref<10240x128xf32, #tpu.memory_space<hbm>>) target(%arg10 : memref<128x128xf32, #tpu.memory_space<vmem>>) offsets(%dma_start3A_85 : memref<128xi32, #tpu.memory_space<vmem>>) semaphore(%arg13 : memref<!tpu.dma_semaphore, #tpu.memory_space<semaphore_mem>>)
      "tpu.region"() ({
        %run_scoped3A_103 = tpu.sem_alloc : memref<!tpu.dma_semaphore, #tpu.memory_space<semaphore_mem>>
        %dma_start3A_104 = arith.constant 0 : i32
        %dma_start3A_105 = tpu.memref_slice %arg8[%mul3A_75, %dma_start3A_104] : memref<28x128xi32, #tpu.memory_space<vmem>> -> memref<1x128xi32, #tpu.memory_space<vmem>>
        %dma_start3A_106 = tpu.memref_squeeze %dma_start3A_105 : memref<1x128xi32, #tpu.memory_space<vmem>> -> memref<128xi32, #tpu.memory_space<vmem>>
        %dma_start3A_107 = arith.constant 0 : i32
        %dma_start3A_108 = arith.constant 0 : i32
        %dma_start3A_109 = tpu.memref_slice %arg11[%dma_start3A_107, %dma_start3A_108] : memref<10240x128xf32, #tpu.memory_space<vmem_shared>> -> memref<10240x128xf32, #tpu.memory_space<vmem_shared>>
        tpu.enqueue_indirect_dma source(%arg9 : memref<128x128xf32, #tpu.memory_space<vmem>>) target(%dma_start3A_109 : memref<10240x128xf32, #tpu.memory_space<vmem_shared>>) offsets(%dma_start3A_106 : memref<128xi32, #tpu.memory_space<vmem>>) semaphore(%run_scoped3A_103 : memref<!tpu.dma_semaphore, #tpu.memory_space<semaphore_mem>>) {add = true}
        %dma_wait3A_110 = arith.constant 0 : i32
        %dma_wait3A_111 = tpu.memref_slice %arg8[%mul3A_75, %dma_wait3A_110] : memref<28x128xi32, #tpu.memory_space<vmem>> -> memref<1x128xi32, #tpu.memory_space<vmem>>
        %dma_wait3A_112 = tpu.memref_squeeze %dma_wait3A_111 : memref<1x128xi32, #tpu.memory_space<vmem>> -> memref<128xi32, #tpu.memory_space<vmem>>
        %dma_wait3A_113 = arith.constant 0 : i32
        %dma_wait3A_114 = arith.constant 0 : i32
        %dma_wait3A_115 = tpu.memref_slice %arg11[%dma_wait3A_113, %dma_wait3A_114] : memref<10240x128xf32, #tpu.memory_space<vmem_shared>> -> memref<10240x128xf32, #tpu.memory_space<vmem_shared>>
        tpu.wait_indirect_dma semaphore(%run_scoped3A_103 : memref<!tpu.dma_semaphore, #tpu.memory_space<semaphore_mem>>) src(%arg9 : memref<128x128xf32, #tpu.memory_space<vmem>>) dst(%dma_wait3A_115 : memref<10240x128xf32, #tpu.memory_space<vmem_shared>>)
        tpu.yield
      }) : () -> ()
      %add3A_89 = arith.constant 1 : i32
      %add3A_90 = arith.addi %mul3A_75, %add3A_89 : i32
      %dma_wait3A_91 = arith.constant 0 : i32
      %dma_wait3A_92 = tpu.memref_slice %arg7[%add3A_90, %dma_wait3A_91] : memref<28x128xi32, #tpu.memory_space<vmem>> -> memref<1x128xi32, #tpu.memory_space<vmem>>
      %dma_wait3A_93 = tpu.memref_squeeze %dma_wait3A_92 : memref<1x128xi32, #tpu.memory_space<vmem>> -> memref<128xi32, #tpu.memory_space<vmem>>
      %dma_wait3A_94 = arith.constant 0 : i32
      %dma_wait3A_95 = arith.constant 0 : i32
      %dma_wait3A_96 = tpu.memref_slice %arg2[%dma_wait3A_94, %dma_wait3A_95] : memref<10240x128xf32, #tpu.memory_space<hbm>> -> memref<10240x128xf32, #tpu.memory_space<hbm>>
      tpu.wait_indirect_dma semaphore(%arg13 : memref<!tpu.dma_semaphore, #tpu.memory_space<semaphore_mem>>) src(%dma_wait3A_96 : memref<10240x128xf32, #tpu.memory_space<hbm>>) dst(%arg10 : memref<128x128xf32, #tpu.memory_space<vmem>>)
      %add3A_97 = arith.constant 1 : i32
      %add3A_98 = arith.addi %scan3A_73, %add3A_97 : i32
      %lt3A = arith.constant 14 : i32
      %lt3A_99 = arith.cmpi slt, %add3A_98, %lt3A : i32
      %convert_element_type3A = arith.extui %lt3A_99 : i1 to i32
      %cond3A = arith.constant 0 : i32
      %cond3A_100 = arith.cmpi ne, %convert_element_type3A, %cond3A : i32
      scf.if %cond3A_100 {
        %add3A_103 = arith.constant 2 : i32
        %add3A_104 = arith.addi %mul3A_75, %add3A_103 : i32
        %dma_start3A_105 = arith.constant 0 : i32
        %dma_start3A_106 = tpu.memref_slice %arg7[%add3A_104, %dma_start3A_105] : memref<28x128xi32, #tpu.memory_space<vmem>> -> memref<1x128xi32, #tpu.memory_space<vmem>>
        %dma_start3A_107 = tpu.memref_squeeze %dma_start3A_106 : memref<1x128xi32, #tpu.memory_space<vmem>> -> memref<128xi32, #tpu.memory_space<vmem>>
        %dma_start3A_108 = arith.constant 0 : i32
        %dma_start3A_109 = arith.constant 0 : i32
        %dma_start3A_110 = tpu.memref_slice %arg2[%dma_start3A_108, %dma_start3A_109] : memref<10240x128xf32, #tpu.memory_space<hbm>> -> memref<10240x128xf32, #tpu.memory_space<hbm>>
        tpu.enqueue_indirect_dma source(%dma_start3A_110 : memref<10240x128xf32, #tpu.memory_space<hbm>>) target(%arg9 : memref<128x128xf32, #tpu.memory_space<vmem>>) offsets(%dma_start3A_107 : memref<128xi32, #tpu.memory_space<vmem>>) semaphore(%arg12 : memref<!tpu.dma_semaphore, #tpu.memory_space<semaphore_mem>>)
      } else {
      }
      %add3A_101 = arith.constant 1 : i32
      %add3A_102 = arith.addi %mul3A_75, %add3A_101 : i32
      "tpu.region"() ({
        %run_scoped3A_103 = tpu.sem_alloc : memref<!tpu.dma_semaphore, #tpu.memory_space<semaphore_mem>>
        %dma_start3A_104 = arith.constant 0 : i32
        %dma_start3A_105 = tpu.memref_slice %arg8[%add3A_102, %dma_start3A_104] : memref<28x128xi32, #tpu.memory_space<vmem>> -> memref<1x128xi32, #tpu.memory_space<vmem>>
        %dma_start3A_106 = tpu.memref_squeeze %dma_start3A_105 : memref<1x128xi32, #tpu.memory_space<vmem>> -> memref<128xi32, #tpu.memory_space<vmem>>
        %dma_start3A_107 = arith.constant 0 : i32
        %dma_start3A_108 = arith.constant 0 : i32
        %dma_start3A_109 = tpu.memref_slice %arg11[%dma_start3A_107, %dma_start3A_108] : memref<10240x128xf32, #tpu.memory_space<vmem_shared>> -> memref<10240x128xf32, #tpu.memory_space<vmem_shared>>
        tpu.enqueue_indirect_dma source(%arg10 : memref<128x128xf32, #tpu.memory_space<vmem>>) target(%dma_start3A_109 : memref<10240x128xf32, #tpu.memory_space<vmem_shared>>) offsets(%dma_start3A_106 : memref<128xi32, #tpu.memory_space<vmem>>) semaphore(%run_scoped3A_103 : memref<!tpu.dma_semaphore, #tpu.memory_space<semaphore_mem>>) {add = true}
        %dma_wait3A_110 = arith.constant 0 : i32
        %dma_wait3A_111 = tpu.memref_slice %arg8[%add3A_102, %dma_wait3A_110] : memref<28x128xi32, #tpu.memory_space<vmem>> -> memref<1x128xi32, #tpu.memory_space<vmem>>
        %dma_wait3A_112 = tpu.memref_squeeze %dma_wait3A_111 : memref<1x128xi32, #tpu.memory_space<vmem>> -> memref<128xi32, #tpu.memory_space<vmem>>
        %dma_wait3A_113 = arith.constant 0 : i32
        %dma_wait3A_114 = arith.constant 0 : i32
        %dma_wait3A_115 = tpu.memref_slice %arg11[%dma_wait3A_113, %dma_wait3A_114] : memref<10240x128xf32, #tpu.memory_space<vmem_shared>> -> memref<10240x128xf32, #tpu.memory_space<vmem_shared>>
        tpu.wait_indirect_dma semaphore(%run_scoped3A_103 : memref<!tpu.dma_semaphore, #tpu.memory_space<semaphore_mem>>) src(%arg10 : memref<128x128xf32, #tpu.memory_space<vmem>>) dst(%dma_wait3A_115 : memref<10240x128xf32, #tpu.memory_space<vmem_shared>>)
        tpu.yield
      }) : () -> ()
    }
    %scan3A_21 = arith.constant 14 : i32
    %run_scoped3A_22 = arith.constant 1 : i32
    "tpu.region"() ({
      %run_scoped3A_73 = tpu.sem_alloc : memref<!tpu.dma_semaphore, #tpu.memory_space<semaphore_mem>>
      %dma_start3A_74 = arith.constant 0 : i32
      %dma_start3A_75 = arith.constant 0 : i32
      %dma_start3A_76 = tpu.memref_slice %arg3[%arg0, %arg1, %run_scoped3A_22, %dma_start3A_74, %dma_start3A_75] : memref<2x16x3x28x128xi32, #tpu.memory_space<hbm>> -> memref<1x1x1x28x128xi32, #tpu.memory_space<hbm>>
      %dma_start3A_77 = tpu.memref_squeeze %dma_start3A_76 : memref<1x1x1x28x128xi32, #tpu.memory_space<hbm>> -> memref<28x128xi32, #tpu.memory_space<hbm>>
      %dma_start3A_78 = arith.constant 0 : i32
      %dma_start3A_79 = arith.constant 0 : i32
      %dma_start3A_80 = tpu.memref_slice %arg3[%arg0, %arg1, %run_scoped3A_22, %dma_start3A_78, %dma_start3A_79] : memref<2x16x3x28x128xi32, #tpu.memory_space<hbm>> -> memref<1x1x1x28x128xi32, #tpu.memory_space<hbm>>
      %dma_start3A_81 = tpu.memref_squeeze %dma_start3A_80 : memref<1x1x1x28x128xi32, #tpu.memory_space<hbm>> -> memref<28x128xi32, #tpu.memory_space<hbm>>
      tpu.enqueue_dma source(%dma_start3A_81 : memref<28x128xi32, #tpu.memory_space<hbm>>) target(%arg7 : memref<28x128xi32, #tpu.memory_space<vmem>>) target_semaphore(%run_scoped3A_73 : memref<!tpu.dma_semaphore, #tpu.memory_space<semaphore_mem>>)
      %dma_wait3A = arith.constant 0 : i32
      %dma_wait3A_82 = arith.constant 0 : i32
      %dma_wait3A_83 = tpu.memref_slice %arg3[%arg0, %arg1, %run_scoped3A_22, %dma_wait3A, %dma_wait3A_82] : memref<2x16x3x28x128xi32, #tpu.memory_space<hbm>> -> memref<1x1x1x28x128xi32, #tpu.memory_space<hbm>>
      %dma_wait3A_84 = tpu.memref_squeeze %dma_wait3A_83 : memref<1x1x1x28x128xi32, #tpu.memory_space<hbm>> -> memref<28x128xi32, #tpu.memory_space<hbm>>
      %dma_wait3A_85 = arith.constant 0 : i32
      %dma_wait3A_86 = arith.constant 0 : i32
      %dma_wait3A_87 = tpu.memref_slice %arg3[%arg0, %arg1, %run_scoped3A_22, %dma_wait3A_85, %dma_wait3A_86] : memref<2x16x3x28x128xi32, #tpu.memory_space<hbm>> -> memref<1x1x1x28x128xi32, #tpu.memory_space<hbm>>
      %dma_wait3A_88 = tpu.memref_squeeze %dma_wait3A_87 : memref<1x1x1x28x128xi32, #tpu.memory_space<hbm>> -> memref<28x128xi32, #tpu.memory_space<hbm>>
      tpu.wait_dma2 semaphore(%run_scoped3A_73 : memref<!tpu.dma_semaphore, #tpu.memory_space<semaphore_mem>>) src(%dma_wait3A_88 : memref<28x128xi32, #tpu.memory_space<hbm>>) dst(%arg7 : memref<28x128xi32, #tpu.memory_space<vmem>>)
      tpu.yield
    }) : () -> ()
    %run_scoped3A_23 = arith.constant 1 : i32
    "tpu.region"() ({
      %run_scoped3A_73 = tpu.sem_alloc : memref<!tpu.dma_semaphore, #tpu.memory_space<semaphore_mem>>
      %dma_start3A_74 = arith.constant 0 : i32
      %dma_start3A_75 = arith.constant 0 : i32
      %dma_start3A_76 = tpu.memref_slice %arg4[%arg0, %arg1, %run_scoped3A_23, %dma_start3A_74, %dma_start3A_75] : memref<2x16x3x28x128xi32, #tpu.memory_space<hbm>> -> memref<1x1x1x28x128xi32, #tpu.memory_space<hbm>>
      %dma_start3A_77 = tpu.memref_squeeze %dma_start3A_76 : memref<1x1x1x28x128xi32, #tpu.memory_space<hbm>> -> memref<28x128xi32, #tpu.memory_space<hbm>>
      %dma_start3A_78 = arith.constant 0 : i32
      %dma_start3A_79 = arith.constant 0 : i32
      %dma_start3A_80 = tpu.memref_slice %arg4[%arg0, %arg1, %run_scoped3A_23, %dma_start3A_78, %dma_start3A_79] : memref<2x16x3x28x128xi32, #tpu.memory_space<hbm>> -> memref<1x1x1x28x128xi32, #tpu.memory_space<hbm>>
      %dma_start3A_81 = tpu.memref_squeeze %dma_start3A_80 : memref<1x1x1x28x128xi32, #tpu.memory_space<hbm>> -> memref<28x128xi32, #tpu.memory_space<hbm>>
      tpu.enqueue_dma source(%dma_start3A_81 : memref<28x128xi32, #tpu.memory_space<hbm>>) target(%arg8 : memref<28x128xi32, #tpu.memory_space<vmem>>) target_semaphore(%run_scoped3A_73 : memref<!tpu.dma_semaphore, #tpu.memory_space<semaphore_mem>>)
      %dma_wait3A = arith.constant 0 : i32
      %dma_wait3A_82 = arith.constant 0 : i32
      %dma_wait3A_83 = tpu.memref_slice %arg4[%arg0, %arg1, %run_scoped3A_23, %dma_wait3A, %dma_wait3A_82] : memref<2x16x3x28x128xi32, #tpu.memory_space<hbm>> -> memref<1x1x1x28x128xi32, #tpu.memory_space<hbm>>
      %dma_wait3A_84 = tpu.memref_squeeze %dma_wait3A_83 : memref<1x1x1x28x128xi32, #tpu.memory_space<hbm>> -> memref<28x128xi32, #tpu.memory_space<hbm>>
      %dma_wait3A_85 = arith.constant 0 : i32
      %dma_wait3A_86 = arith.constant 0 : i32
      %dma_wait3A_87 = tpu.memref_slice %arg4[%arg0, %arg1, %run_scoped3A_23, %dma_wait3A_85, %dma_wait3A_86] : memref<2x16x3x28x128xi32, #tpu.memory_space<hbm>> -> memref<1x1x1x28x128xi32, #tpu.memory_space<hbm>>
      %dma_wait3A_88 = tpu.memref_squeeze %dma_wait3A_87 : memref<1x1x1x28x128xi32, #tpu.memory_space<hbm>> -> memref<28x128xi32, #tpu.memory_space<hbm>>
      tpu.wait_dma2 semaphore(%run_scoped3A_73 : memref<!tpu.dma_semaphore, #tpu.memory_space<semaphore_mem>>) src(%dma_wait3A_88 : memref<28x128xi32, #tpu.memory_space<hbm>>) dst(%arg8 : memref<28x128xi32, #tpu.memory_space<vmem>>)
      tpu.yield
    }) : () -> ()
    %dma_start3A_24 = arith.constant 0 : i32
    %dma_start3A_25 = arith.constant 0 : i32
    %dma_start3A_26 = tpu.memref_slice %arg7[%dma_start3A_24, %dma_start3A_25] : memref<28x128xi32, #tpu.memory_space<vmem>> -> memref<1x128xi32, #tpu.memory_space<vmem>>
    %dma_start3A_27 = tpu.memref_squeeze %dma_start3A_26 : memref<1x128xi32, #tpu.memory_space<vmem>> -> memref<128xi32, #tpu.memory_space<vmem>>
    %dma_start3A_28 = arith.constant 0 : i32
    %dma_start3A_29 = arith.constant 0 : i32
    %dma_start3A_30 = tpu.memref_slice %arg2[%dma_start3A_28, %dma_start3A_29] : memref<10240x128xf32, #tpu.memory_space<hbm>> -> memref<10240x128xf32, #tpu.memory_space<hbm>>
    tpu.enqueue_indirect_dma source(%dma_start3A_30 : memref<10240x128xf32, #tpu.memory_space<hbm>>) target(%arg9 : memref<128x128xf32, #tpu.memory_space<vmem>>) offsets(%dma_start3A_27 : memref<128xi32, #tpu.memory_space<vmem>>) semaphore(%arg12 : memref<!tpu.dma_semaphore, #tpu.memory_space<semaphore_mem>>)
    %scan3A_31 = arith.constant 0 : i32
    %scan3A_32 = arith.constant 0 : i32
    %scan3A_33 = arith.constant 14 : i32
    %scan3A_34 = arith.addi %scan3A_32, %scan3A_33 : i32
    %scan3A_35 = arith.constant 1 : i32
    scf.for %scan3A_73 = %scan3A_32 to %scan3A_34 step %scan3A_35  : i32 {
      %mul3A_74 = arith.constant 2 : i32
      %mul3A_75 = arith.muli %scan3A_73, %mul3A_74 : i32
      %dma_wait3A = arith.constant 0 : i32
      %dma_wait3A_76 = tpu.memref_slice %arg7[%mul3A_75, %dma_wait3A] : memref<28x128xi32, #tpu.memory_space<vmem>> -> memref<1x128xi32, #tpu.memory_space<vmem>>
      %dma_wait3A_77 = tpu.memref_squeeze %dma_wait3A_76 : memref<1x128xi32, #tpu.memory_space<vmem>> -> memref<128xi32, #tpu.memory_space<vmem>>
      %dma_wait3A_78 = arith.constant 0 : i32
      %dma_wait3A_79 = arith.constant 0 : i32
      %dma_wait3A_80 = tpu.memref_slice %arg2[%dma_wait3A_78, %dma_wait3A_79] : memref<10240x128xf32, #tpu.memory_space<hbm>> -> memref<10240x128xf32, #tpu.memory_space<hbm>>
      tpu.wait_indirect_dma semaphore(%arg12 : memref<!tpu.dma_semaphore, #tpu.memory_space<semaphore_mem>>) src(%dma_wait3A_80 : memref<10240x128xf32, #tpu.memory_space<hbm>>) dst(%arg9 : memref<128x128xf32, #tpu.memory_space<vmem>>)
      %add3A_81 = arith.constant 1 : i32
      %add3A_82 = arith.addi %mul3A_75, %add3A_81 : i32
      %dma_start3A_83 = arith.constant 0 : i32
      %dma_start3A_84 = tpu.memref_slice %arg7[%add3A_82, %dma_start3A_83] : memref<28x128xi32, #tpu.memory_space<vmem>> -> memref<1x128xi32, #tpu.memory_space<vmem>>
      %dma_start3A_85 = tpu.memref_squeeze %dma_start3A_84 : memref<1x128xi32, #tpu.memory_space<vmem>> -> memref<128xi32, #tpu.memory_space<vmem>>
      %dma_start3A_86 = arith.constant 0 : i32
      %dma_start3A_87 = arith.constant 0 : i32
      %dma_start3A_88 = tpu.memref_slice %arg2[%dma_start3A_86, %dma_start3A_87] : memref<10240x128xf32, #tpu.memory_space<hbm>> -> memref<10240x128xf32, #tpu.memory_space<hbm>>
      tpu.enqueue_indirect_dma source(%dma_start3A_88 : memref<10240x128xf32, #tpu.memory_space<hbm>>) target(%arg10 : memref<128x128xf32, #tpu.memory_space<vmem>>) offsets(%dma_start3A_85 : memref<128xi32, #tpu.memory_space<vmem>>) semaphore(%arg13 : memref<!tpu.dma_semaphore, #tpu.memory_space<semaphore_mem>>)
      "tpu.region"() ({
        %run_scoped3A_103 = tpu.sem_alloc : memref<!tpu.dma_semaphore, #tpu.memory_space<semaphore_mem>>
        %dma_start3A_104 = arith.constant 0 : i32
        %dma_start3A_105 = tpu.memref_slice %arg8[%mul3A_75, %dma_start3A_104] : memref<28x128xi32, #tpu.memory_space<vmem>> -> memref<1x128xi32, #tpu.memory_space<vmem>>
        %dma_start3A_106 = tpu.memref_squeeze %dma_start3A_105 : memref<1x128xi32, #tpu.memory_space<vmem>> -> memref<128xi32, #tpu.memory_space<vmem>>
        %dma_start3A_107 = arith.constant 0 : i32
        %dma_start3A_108 = arith.constant 0 : i32
        %dma_start3A_109 = tpu.memref_slice %arg11[%dma_start3A_107, %dma_start3A_108] : memref<10240x128xf32, #tpu.memory_space<vmem_shared>> -> memref<10240x128xf32, #tpu.memory_space<vmem_shared>>
        tpu.enqueue_indirect_dma source(%arg9 : memref<128x128xf32, #tpu.memory_space<vmem>>) target(%dma_start3A_109 : memref<10240x128xf32, #tpu.memory_space<vmem_shared>>) offsets(%dma_start3A_106 : memref<128xi32, #tpu.memory_space<vmem>>) semaphore(%run_scoped3A_103 : memref<!tpu.dma_semaphore, #tpu.memory_space<semaphore_mem>>) {add = true}
        %dma_wait3A_110 = arith.constant 0 : i32
        %dma_wait3A_111 = tpu.memref_slice %arg8[%mul3A_75, %dma_wait3A_110] : memref<28x128xi32, #tpu.memory_space<vmem>> -> memref<1x128xi32, #tpu.memory_space<vmem>>
        %dma_wait3A_112 = tpu.memref_squeeze %dma_wait3A_111 : memref<1x128xi32, #tpu.memory_space<vmem>> -> memref<128xi32, #tpu.memory_space<vmem>>
        %dma_wait3A_113 = arith.constant 0 : i32
        %dma_wait3A_114 = arith.constant 0 : i32
        %dma_wait3A_115 = tpu.memref_slice %arg11[%dma_wait3A_113, %dma_wait3A_114] : memref<10240x128xf32, #tpu.memory_space<vmem_shared>> -> memref<10240x128xf32, #tpu.memory_space<vmem_shared>>
        tpu.wait_indirect_dma semaphore(%run_scoped3A_103 : memref<!tpu.dma_semaphore, #tpu.memory_space<semaphore_mem>>) src(%arg9 : memref<128x128xf32, #tpu.memory_space<vmem>>) dst(%dma_wait3A_115 : memref<10240x128xf32, #tpu.memory_space<vmem_shared>>)
        tpu.yield
      }) : () -> ()
      %add3A_89 = arith.constant 1 : i32
      %add3A_90 = arith.addi %mul3A_75, %add3A_89 : i32
      %dma_wait3A_91 = arith.constant 0 : i32
      %dma_wait3A_92 = tpu.memref_slice %arg7[%add3A_90, %dma_wait3A_91] : memref<28x128xi32, #tpu.memory_space<vmem>> -> memref<1x128xi32, #tpu.memory_space<vmem>>
      %dma_wait3A_93 = tpu.memref_squeeze %dma_wait3A_92 : memref<1x128xi32, #tpu.memory_space<vmem>> -> memref<128xi32, #tpu.memory_space<vmem>>
      %dma_wait3A_94 = arith.constant 0 : i32
      %dma_wait3A_95 = arith.constant 0 : i32
      %dma_wait3A_96 = tpu.memref_slice %arg2[%dma_wait3A_94, %dma_wait3A_95] : memref<10240x128xf32, #tpu.memory_space<hbm>> -> memref<10240x128xf32, #tpu.memory_space<hbm>>
      tpu.wait_indirect_dma semaphore(%arg13 : memref<!tpu.dma_semaphore, #tpu.memory_space<semaphore_mem>>) src(%dma_wait3A_96 : memref<10240x128xf32, #tpu.memory_space<hbm>>) dst(%arg10 : memref<128x128xf32, #tpu.memory_space<vmem>>)
      %add3A_97 = arith.constant 1 : i32
      %add3A_98 = arith.addi %scan3A_73, %add3A_97 : i32
      %lt3A = arith.constant 14 : i32
      %lt3A_99 = arith.cmpi slt, %add3A_98, %lt3A : i32
      %convert_element_type3A = arith.extui %lt3A_99 : i1 to i32
      %cond3A = arith.constant 0 : i32
      %cond3A_100 = arith.cmpi ne, %convert_element_type3A, %cond3A : i32
      scf.if %cond3A_100 {
        %add3A_103 = arith.constant 2 : i32
        %add3A_104 = arith.addi %mul3A_75, %add3A_103 : i32
        %dma_start3A_105 = arith.constant 0 : i32
        %dma_start3A_106 = tpu.memref_slice %arg7[%add3A_104, %dma_start3A_105] : memref<28x128xi32, #tpu.memory_space<vmem>> -> memref<1x128xi32, #tpu.memory_space<vmem>>
        %dma_start3A_107 = tpu.memref_squeeze %dma_start3A_106 : memref<1x128xi32, #tpu.memory_space<vmem>> -> memref<128xi32, #tpu.memory_space<vmem>>
        %dma_start3A_108 = arith.constant 0 : i32
        %dma_start3A_109 = arith.constant 0 : i32
        %dma_start3A_110 = tpu.memref_slice %arg2[%dma_start3A_108, %dma_start3A_109] : memref<10240x128xf32, #tpu.memory_space<hbm>> -> memref<10240x128xf32, #tpu.memory_space<hbm>>
        tpu.enqueue_indirect_dma source(%dma_start3A_110 : memref<10240x128xf32, #tpu.memory_space<hbm>>) target(%arg9 : memref<128x128xf32, #tpu.memory_space<vmem>>) offsets(%dma_start3A_107 : memref<128xi32, #tpu.memory_space<vmem>>) semaphore(%arg12 : memref<!tpu.dma_semaphore, #tpu.memory_space<semaphore_mem>>)
      } else {
      }
      %add3A_101 = arith.constant 1 : i32
      %add3A_102 = arith.addi %mul3A_75, %add3A_101 : i32
      "tpu.region"() ({
        %run_scoped3A_103 = tpu.sem_alloc : memref<!tpu.dma_semaphore, #tpu.memory_space<semaphore_mem>>
        %dma_start3A_104 = arith.constant 0 : i32
        %dma_start3A_105 = tpu.memref_slice %arg8[%add3A_102, %dma_start3A_104] : memref<28x128xi32, #tpu.memory_space<vmem>> -> memref<1x128xi32, #tpu.memory_space<vmem>>
        %dma_start3A_106 = tpu.memref_squeeze %dma_start3A_105 : memref<1x128xi32, #tpu.memory_space<vmem>> -> memref<128xi32, #tpu.memory_space<vmem>>
        %dma_start3A_107 = arith.constant 0 : i32
        %dma_start3A_108 = arith.constant 0 : i32
        %dma_start3A_109 = tpu.memref_slice %arg11[%dma_start3A_107, %dma_start3A_108] : memref<10240x128xf32, #tpu.memory_space<vmem_shared>> -> memref<10240x128xf32, #tpu.memory_space<vmem_shared>>
        tpu.enqueue_indirect_dma source(%arg10 : memref<128x128xf32, #tpu.memory_space<vmem>>) target(%dma_start3A_109 : memref<10240x128xf32, #tpu.memory_space<vmem_shared>>) offsets(%dma_start3A_106 : memref<128xi32, #tpu.memory_space<vmem>>) semaphore(%run_scoped3A_103 : memref<!tpu.dma_semaphore, #tpu.memory_space<semaphore_mem>>) {add = true}
        %dma_wait3A_110 = arith.constant 0 : i32
        %dma_wait3A_111 = tpu.memref_slice %arg8[%add3A_102, %dma_wait3A_110] : memref<28x128xi32, #tpu.memory_space<vmem>> -> memref<1x128xi32, #tpu.memory_space<vmem>>
        %dma_wait3A_112 = tpu.memref_squeeze %dma_wait3A_111 : memref<1x128xi32, #tpu.memory_space<vmem>> -> memref<128xi32, #tpu.memory_space<vmem>>
        %dma_wait3A_113 = arith.constant 0 : i32
        %dma_wait3A_114 = arith.constant 0 : i32
        %dma_wait3A_115 = tpu.memref_slice %arg11[%dma_wait3A_113, %dma_wait3A_114] : memref<10240x128xf32, #tpu.memory_space<vmem_shared>> -> memref<10240x128xf32, #tpu.memory_space<vmem_shared>>
        tpu.wait_indirect_dma semaphore(%run_scoped3A_103 : memref<!tpu.dma_semaphore, #tpu.memory_space<semaphore_mem>>) src(%arg10 : memref<128x128xf32, #tpu.memory_space<vmem>>) dst(%dma_wait3A_115 : memref<10240x128xf32, #tpu.memory_space<vmem_shared>>)
        tpu.yield
      }) : () -> ()
    }
    %scan3A_36 = arith.constant 14 : i32
    %run_scoped3A_37 = arith.constant 2 : i32
    "tpu.region"() ({
      %run_scoped3A_73 = tpu.sem_alloc : memref<!tpu.dma_semaphore, #tpu.memory_space<semaphore_mem>>
      %dma_start3A_74 = arith.constant 0 : i32
      %dma_start3A_75 = arith.constant 0 : i32
      %dma_start3A_76 = tpu.memref_slice %arg3[%arg0, %arg1, %run_scoped3A_37, %dma_start3A_74, %dma_start3A_75] : memref<2x16x3x28x128xi32, #tpu.memory_space<hbm>> -> memref<1x1x1x28x128xi32, #tpu.memory_space<hbm>>
      %dma_start3A_77 = tpu.memref_squeeze %dma_start3A_76 : memref<1x1x1x28x128xi32, #tpu.memory_space<hbm>> -> memref<28x128xi32, #tpu.memory_space<hbm>>
      %dma_start3A_78 = arith.constant 0 : i32
      %dma_start3A_79 = arith.constant 0 : i32
      %dma_start3A_80 = tpu.memref_slice %arg3[%arg0, %arg1, %run_scoped3A_37, %dma_start3A_78, %dma_start3A_79] : memref<2x16x3x28x128xi32, #tpu.memory_space<hbm>> -> memref<1x1x1x28x128xi32, #tpu.memory_space<hbm>>
      %dma_start3A_81 = tpu.memref_squeeze %dma_start3A_80 : memref<1x1x1x28x128xi32, #tpu.memory_space<hbm>> -> memref<28x128xi32, #tpu.memory_space<hbm>>
      tpu.enqueue_dma source(%dma_start3A_81 : memref<28x128xi32, #tpu.memory_space<hbm>>) target(%arg7 : memref<28x128xi32, #tpu.memory_space<vmem>>) target_semaphore(%run_scoped3A_73 : memref<!tpu.dma_semaphore, #tpu.memory_space<semaphore_mem>>)
      %dma_wait3A = arith.constant 0 : i32
      %dma_wait3A_82 = arith.constant 0 : i32
      %dma_wait3A_83 = tpu.memref_slice %arg3[%arg0, %arg1, %run_scoped3A_37, %dma_wait3A, %dma_wait3A_82] : memref<2x16x3x28x128xi32, #tpu.memory_space<hbm>> -> memref<1x1x1x28x128xi32, #tpu.memory_space<hbm>>
      %dma_wait3A_84 = tpu.memref_squeeze %dma_wait3A_83 : memref<1x1x1x28x128xi32, #tpu.memory_space<hbm>> -> memref<28x128xi32, #tpu.memory_space<hbm>>
      %dma_wait3A_85 = arith.constant 0 : i32
      %dma_wait3A_86 = arith.constant 0 : i32
      %dma_wait3A_87 = tpu.memref_slice %arg3[%arg0, %arg1, %run_scoped3A_37, %dma_wait3A_85, %dma_wait3A_86] : memref<2x16x3x28x128xi32, #tpu.memory_space<hbm>> -> memref<1x1x1x28x128xi32, #tpu.memory_space<hbm>>
      %dma_wait3A_88 = tpu.memref_squeeze %dma_wait3A_87 : memref<1x1x1x28x128xi32, #tpu.memory_space<hbm>> -> memref<28x128xi32, #tpu.memory_space<hbm>>
      tpu.wait_dma2 semaphore(%run_scoped3A_73 : memref<!tpu.dma_semaphore, #tpu.memory_space<semaphore_mem>>) src(%dma_wait3A_88 : memref<28x128xi32, #tpu.memory_space<hbm>>) dst(%arg7 : memref<28x128xi32, #tpu.memory_space<vmem>>)
      tpu.yield
    }) : () -> ()
    %run_scoped3A_38 = arith.constant 2 : i32
    "tpu.region"() ({
      %run_scoped3A_73 = tpu.sem_alloc : memref<!tpu.dma_semaphore, #tpu.memory_space<semaphore_mem>>
      %dma_start3A_74 = arith.constant 0 : i32
      %dma_start3A_75 = arith.constant 0 : i32
      %dma_start3A_76 = tpu.memref_slice %arg4[%arg0, %arg1, %run_scoped3A_38, %dma_start3A_74, %dma_start3A_75] : memref<2x16x3x28x128xi32, #tpu.memory_space<hbm>> -> memref<1x1x1x28x128xi32, #tpu.memory_space<hbm>>
      %dma_start3A_77 = tpu.memref_squeeze %dma_start3A_76 : memref<1x1x1x28x128xi32, #tpu.memory_space<hbm>> -> memref<28x128xi32, #tpu.memory_space<hbm>>
      %dma_start3A_78 = arith.constant 0 : i32
      %dma_start3A_79 = arith.constant 0 : i32
      %dma_start3A_80 = tpu.memref_slice %arg4[%arg0, %arg1, %run_scoped3A_38, %dma_start3A_78, %dma_start3A_79] : memref<2x16x3x28x128xi32, #tpu.memory_space<hbm>> -> memref<1x1x1x28x128xi32, #tpu.memory_space<hbm>>
      %dma_start3A_81 = tpu.memref_squeeze %dma_start3A_80 : memref<1x1x1x28x128xi32, #tpu.memory_space<hbm>> -> memref<28x128xi32, #tpu.memory_space<hbm>>
      tpu.enqueue_dma source(%dma_start3A_81 : memref<28x128xi32, #tpu.memory_space<hbm>>) target(%arg8 : memref<28x128xi32, #tpu.memory_space<vmem>>) target_semaphore(%run_scoped3A_73 : memref<!tpu.dma_semaphore, #tpu.memory_space<semaphore_mem>>)
      %dma_wait3A = arith.constant 0 : i32
      %dma_wait3A_82 = arith.constant 0 : i32
      %dma_wait3A_83 = tpu.memref_slice %arg4[%arg0, %arg1, %run_scoped3A_38, %dma_wait3A, %dma_wait3A_82] : memref<2x16x3x28x128xi32, #tpu.memory_space<hbm>> -> memref<1x1x1x28x128xi32, #tpu.memory_space<hbm>>
      %dma_wait3A_84 = tpu.memref_squeeze %dma_wait3A_83 : memref<1x1x1x28x128xi32, #tpu.memory_space<hbm>> -> memref<28x128xi32, #tpu.memory_space<hbm>>
      %dma_wait3A_85 = arith.constant 0 : i32
      %dma_wait3A_86 = arith.constant 0 : i32
      %dma_wait3A_87 = tpu.memref_slice %arg4[%arg0, %arg1, %run_scoped3A_38, %dma_wait3A_85, %dma_wait3A_86] : memref<2x16x3x28x128xi32, #tpu.memory_space<hbm>> -> memref<1x1x1x28x128xi32, #tpu.memory_space<hbm>>
      %dma_wait3A_88 = tpu.memref_squeeze %dma_wait3A_87 : memref<1x1x1x28x128xi32, #tpu.memory_space<hbm>> -> memref<28x128xi32, #tpu.memory_space<hbm>>
      tpu.wait_dma2 semaphore(%run_scoped3A_73 : memref<!tpu.dma_semaphore, #tpu.memory_space<semaphore_mem>>) src(%dma_wait3A_88 : memref<28x128xi32, #tpu.memory_space<hbm>>) dst(%arg8 : memref<28x128xi32, #tpu.memory_space<vmem>>)
      tpu.yield
    }) : () -> ()
    %dma_start3A_39 = arith.constant 0 : i32
    %dma_start3A_40 = arith.constant 0 : i32
    %dma_start3A_41 = tpu.memref_slice %arg7[%dma_start3A_39, %dma_start3A_40] : memref<28x128xi32, #tpu.memory_space<vmem>> -> memref<1x128xi32, #tpu.memory_space<vmem>>
    %dma_start3A_42 = tpu.memref_squeeze %dma_start3A_41 : memref<1x128xi32, #tpu.memory_space<vmem>> -> memref<128xi32, #tpu.memory_space<vmem>>
    %dma_start3A_43 = arith.constant 0 : i32
    %dma_start3A_44 = arith.constant 0 : i32
    %dma_start3A_45 = tpu.memref_slice %arg2[%dma_start3A_43, %dma_start3A_44] : memref<10240x128xf32, #tpu.memory_space<hbm>> -> memref<10240x128xf32, #tpu.memory_space<hbm>>
    tpu.enqueue_indirect_dma source(%dma_start3A_45 : memref<10240x128xf32, #tpu.memory_space<hbm>>) target(%arg9 : memref<128x128xf32, #tpu.memory_space<vmem>>) offsets(%dma_start3A_42 : memref<128xi32, #tpu.memory_space<vmem>>) semaphore(%arg12 : memref<!tpu.dma_semaphore, #tpu.memory_space<semaphore_mem>>)
    %scan3A_46 = arith.constant 0 : i32
    %scan3A_47 = arith.constant 0 : i32
    %scan3A_48 = arith.constant 14 : i32
    %scan3A_49 = arith.addi %scan3A_47, %scan3A_48 : i32
    %scan3A_50 = arith.constant 1 : i32
    scf.for %scan3A_73 = %scan3A_47 to %scan3A_49 step %scan3A_50  : i32 {
      %mul3A_74 = arith.constant 2 : i32
      %mul3A_75 = arith.muli %scan3A_73, %mul3A_74 : i32
      %dma_wait3A = arith.constant 0 : i32
      %dma_wait3A_76 = tpu.memref_slice %arg7[%mul3A_75, %dma_wait3A] : memref<28x128xi32, #tpu.memory_space<vmem>> -> memref<1x128xi32, #tpu.memory_space<vmem>>
      %dma_wait3A_77 = tpu.memref_squeeze %dma_wait3A_76 : memref<1x128xi32, #tpu.memory_space<vmem>> -> memref<128xi32, #tpu.memory_space<vmem>>
      %dma_wait3A_78 = arith.constant 0 : i32
      %dma_wait3A_79 = arith.constant 0 : i32
      %dma_wait3A_80 = tpu.memref_slice %arg2[%dma_wait3A_78, %dma_wait3A_79] : memref<10240x128xf32, #tpu.memory_space<hbm>> -> memref<10240x128xf32, #tpu.memory_space<hbm>>
      tpu.wait_indirect_dma semaphore(%arg12 : memref<!tpu.dma_semaphore, #tpu.memory_space<semaphore_mem>>) src(%dma_wait3A_80 : memref<10240x128xf32, #tpu.memory_space<hbm>>) dst(%arg9 : memref<128x128xf32, #tpu.memory_space<vmem>>)
      %add3A_81 = arith.constant 1 : i32
      %add3A_82 = arith.addi %mul3A_75, %add3A_81 : i32
      %dma_start3A_83 = arith.constant 0 : i32
      %dma_start3A_84 = tpu.memref_slice %arg7[%add3A_82, %dma_start3A_83] : memref<28x128xi32, #tpu.memory_space<vmem>> -> memref<1x128xi32, #tpu.memory_space<vmem>>
      %dma_start3A_85 = tpu.memref_squeeze %dma_start3A_84 : memref<1x128xi32, #tpu.memory_space<vmem>> -> memref<128xi32, #tpu.memory_space<vmem>>
      %dma_start3A_86 = arith.constant 0 : i32
      %dma_start3A_87 = arith.constant 0 : i32
      %dma_start3A_88 = tpu.memref_slice %arg2[%dma_start3A_86, %dma_start3A_87] : memref<10240x128xf32, #tpu.memory_space<hbm>> -> memref<10240x128xf32, #tpu.memory_space<hbm>>
      tpu.enqueue_indirect_dma source(%dma_start3A_88 : memref<10240x128xf32, #tpu.memory_space<hbm>>) target(%arg10 : memref<128x128xf32, #tpu.memory_space<vmem>>) offsets(%dma_start3A_85 : memref<128xi32, #tpu.memory_space<vmem>>) semaphore(%arg13 : memref<!tpu.dma_semaphore, #tpu.memory_space<semaphore_mem>>)
      "tpu.region"() ({
        %run_scoped3A_103 = tpu.sem_alloc : memref<!tpu.dma_semaphore, #tpu.memory_space<semaphore_mem>>
        %dma_start3A_104 = arith.constant 0 : i32
        %dma_start3A_105 = tpu.memref_slice %arg8[%mul3A_75, %dma_start3A_104] : memref<28x128xi32, #tpu.memory_space<vmem>> -> memref<1x128xi32, #tpu.memory_space<vmem>>
        %dma_start3A_106 = tpu.memref_squeeze %dma_start3A_105 : memref<1x128xi32, #tpu.memory_space<vmem>> -> memref<128xi32, #tpu.memory_space<vmem>>
        %dma_start3A_107 = arith.constant 0 : i32
        %dma_start3A_108 = arith.constant 0 : i32
        %dma_start3A_109 = tpu.memref_slice %arg11[%dma_start3A_107, %dma_start3A_108] : memref<10240x128xf32, #tpu.memory_space<vmem_shared>> -> memref<10240x128xf32, #tpu.memory_space<vmem_shared>>
        tpu.enqueue_indirect_dma source(%arg9 : memref<128x128xf32, #tpu.memory_space<vmem>>) target(%dma_start3A_109 : memref<10240x128xf32, #tpu.memory_space<vmem_shared>>) offsets(%dma_start3A_106 : memref<128xi32, #tpu.memory_space<vmem>>) semaphore(%run_scoped3A_103 : memref<!tpu.dma_semaphore, #tpu.memory_space<semaphore_mem>>) {add = true}
        %dma_wait3A_110 = arith.constant 0 : i32
        %dma_wait3A_111 = tpu.memref_slice %arg8[%mul3A_75, %dma_wait3A_110] : memref<28x128xi32, #tpu.memory_space<vmem>> -> memref<1x128xi32, #tpu.memory_space<vmem>>
        %dma_wait3A_112 = tpu.memref_squeeze %dma_wait3A_111 : memref<1x128xi32, #tpu.memory_space<vmem>> -> memref<128xi32, #tpu.memory_space<vmem>>
        %dma_wait3A_113 = arith.constant 0 : i32
        %dma_wait3A_114 = arith.constant 0 : i32
        %dma_wait3A_115 = tpu.memref_slice %arg11[%dma_wait3A_113, %dma_wait3A_114] : memref<10240x128xf32, #tpu.memory_space<vmem_shared>> -> memref<10240x128xf32, #tpu.memory_space<vmem_shared>>
        tpu.wait_indirect_dma semaphore(%run_scoped3A_103 : memref<!tpu.dma_semaphore, #tpu.memory_space<semaphore_mem>>) src(%arg9 : memref<128x128xf32, #tpu.memory_space<vmem>>) dst(%dma_wait3A_115 : memref<10240x128xf32, #tpu.memory_space<vmem_shared>>)
        tpu.yield
      }) : () -> ()
      %add3A_89 = arith.constant 1 : i32
      %add3A_90 = arith.addi %mul3A_75, %add3A_89 : i32
      %dma_wait3A_91 = arith.constant 0 : i32
      %dma_wait3A_92 = tpu.memref_slice %arg7[%add3A_90, %dma_wait3A_91] : memref<28x128xi32, #tpu.memory_space<vmem>> -> memref<1x128xi32, #tpu.memory_space<vmem>>
      %dma_wait3A_93 = tpu.memref_squeeze %dma_wait3A_92 : memref<1x128xi32, #tpu.memory_space<vmem>> -> memref<128xi32, #tpu.memory_space<vmem>>
      %dma_wait3A_94 = arith.constant 0 : i32
      %dma_wait3A_95 = arith.constant 0 : i32
      %dma_wait3A_96 = tpu.memref_slice %arg2[%dma_wait3A_94, %dma_wait3A_95] : memref<10240x128xf32, #tpu.memory_space<hbm>> -> memref<10240x128xf32, #tpu.memory_space<hbm>>
      tpu.wait_indirect_dma semaphore(%arg13 : memref<!tpu.dma_semaphore, #tpu.memory_space<semaphore_mem>>) src(%dma_wait3A_96 : memref<10240x128xf32, #tpu.memory_space<hbm>>) dst(%arg10 : memref<128x128xf32, #tpu.memory_space<vmem>>)
      %add3A_97 = arith.constant 1 : i32
      %add3A_98 = arith.addi %scan3A_73, %add3A_97 : i32
      %lt3A = arith.constant 14 : i32
      %lt3A_99 = arith.cmpi slt, %add3A_98, %lt3A : i32
      %convert_element_type3A = arith.extui %lt3A_99 : i1 to i32
      %cond3A = arith.constant 0 : i32
      %cond3A_100 = arith.cmpi ne, %convert_element_type3A, %cond3A : i32
      scf.if %cond3A_100 {
        %add3A_103 = arith.constant 2 : i32
        %add3A_104 = arith.addi %mul3A_75, %add3A_103 : i32
        %dma_start3A_105 = arith.constant 0 : i32
        %dma_start3A_106 = tpu.memref_slice %arg7[%add3A_104, %dma_start3A_105] : memref<28x128xi32, #tpu.memory_space<vmem>> -> memref<1x128xi32, #tpu.memory_space<vmem>>
        %dma_start3A_107 = tpu.memref_squeeze %dma_start3A_106 : memref<1x128xi32, #tpu.memory_space<vmem>> -> memref<128xi32, #tpu.memory_space<vmem>>
        %dma_start3A_108 = arith.constant 0 : i32
        %dma_start3A_109 = arith.constant 0 : i32
        %dma_start3A_110 = tpu.memref_slice %arg2[%dma_start3A_108, %dma_start3A_109] : memref<10240x128xf32, #tpu.memory_space<hbm>> -> memref<10240x128xf32, #tpu.memory_space<hbm>>
        tpu.enqueue_indirect_dma source(%dma_start3A_110 : memref<10240x128xf32, #tpu.memory_space<hbm>>) target(%arg9 : memref<128x128xf32, #tpu.memory_space<vmem>>) offsets(%dma_start3A_107 : memref<128xi32, #tpu.memory_space<vmem>>) semaphore(%arg12 : memref<!tpu.dma_semaphore, #tpu.memory_space<semaphore_mem>>)
      } else {
      }
      %add3A_101 = arith.constant 1 : i32
      %add3A_102 = arith.addi %mul3A_75, %add3A_101 : i32
      "tpu.region"() ({
        %run_scoped3A_103 = tpu.sem_alloc : memref<!tpu.dma_semaphore, #tpu.memory_space<semaphore_mem>>
        %dma_start3A_104 = arith.constant 0 : i32
        %dma_start3A_105 = tpu.memref_slice %arg8[%add3A_102, %dma_start3A_104] : memref<28x128xi32, #tpu.memory_space<vmem>> -> memref<1x128xi32, #tpu.memory_space<vmem>>
        %dma_start3A_106 = tpu.memref_squeeze %dma_start3A_105 : memref<1x128xi32, #tpu.memory_space<vmem>> -> memref<128xi32, #tpu.memory_space<vmem>>
        %dma_start3A_107 = arith.constant 0 : i32
        %dma_start3A_108 = arith.constant 0 : i32
        %dma_start3A_109 = tpu.memref_slice %arg11[%dma_start3A_107, %dma_start3A_108] : memref<10240x128xf32, #tpu.memory_space<vmem_shared>> -> memref<10240x128xf32, #tpu.memory_space<vmem_shared>>
        tpu.enqueue_indirect_dma source(%arg10 : memref<128x128xf32, #tpu.memory_space<vmem>>) target(%dma_start3A_109 : memref<10240x128xf32, #tpu.memory_space<vmem_shared>>) offsets(%dma_start3A_106 : memref<128xi32, #tpu.memory_space<vmem>>) semaphore(%run_scoped3A_103 : memref<!tpu.dma_semaphore, #tpu.memory_space<semaphore_mem>>) {add = true}
        %dma_wait3A_110 = arith.constant 0 : i32
        %dma_wait3A_111 = tpu.memref_slice %arg8[%add3A_102, %dma_wait3A_110] : memref<28x128xi32, #tpu.memory_space<vmem>> -> memref<1x128xi32, #tpu.memory_space<vmem>>
        %dma_wait3A_112 = tpu.memref_squeeze %dma_wait3A_111 : memref<1x128xi32, #tpu.memory_space<vmem>> -> memref<128xi32, #tpu.memory_space<vmem>>
        %dma_wait3A_113 = arith.constant 0 : i32
        %dma_wait3A_114 = arith.constant 0 : i32
        %dma_wait3A_115 = tpu.memref_slice %arg11[%dma_wait3A_113, %dma_wait3A_114] : memref<10240x128xf32, #tpu.memory_space<vmem_shared>> -> memref<10240x128xf32, #tpu.memory_space<vmem_shared>>
        tpu.wait_indirect_dma semaphore(%run_scoped3A_103 : memref<!tpu.dma_semaphore, #tpu.memory_space<semaphore_mem>>) src(%arg10 : memref<128x128xf32, #tpu.memory_space<vmem>>) dst(%dma_wait3A_115 : memref<10240x128xf32, #tpu.memory_space<vmem_shared>>)
        tpu.yield
      }) : () -> ()
    }
    %scan3A_51 = arith.constant 14 : i32
    %barrier3A_52 = arith.constant 0 : index
    tpu.barrier barrier_id(%barrier3A_52)
    %add3A_53 = arith.constant 0 : i32
    %add3A_54 = arith.addi %mul3A_0, %add3A_53 : i32
    "tpu.region"() ({
      %run_scoped3A_73 = tpu.sem_alloc : memref<!tpu.dma_semaphore, #tpu.memory_space<semaphore_mem>>
      %dma_start3A_74 = arith.constant 0 : i32
      %dma_start3A_75 = tpu.memref_slice %arg11[%add3A_54, %dma_start3A_74] : memref<10240x128xf32, #tpu.memory_space<vmem_shared>> -> memref<128x128xf32, #tpu.memory_space<vmem_shared>>
      %dma_start3A_76 = arith.constant 0 : i32
      %dma_start3A_77 = tpu.memref_slice %arg11[%add3A_54, %dma_start3A_76] : memref<10240x128xf32, #tpu.memory_space<vmem_shared>> -> memref<128x128xf32, #tpu.memory_space<vmem_shared>>
      tpu.enqueue_dma source(%dma_start3A_77 : memref<128x128xf32, #tpu.memory_space<vmem_shared>>) target(%arg9 : memref<128x128xf32, #tpu.memory_space<vmem>>) target_semaphore(%run_scoped3A_73 : memref<!tpu.dma_semaphore, #tpu.memory_space<semaphore_mem>>)
      %dma_wait3A = arith.constant 0 : i32
      %dma_wait3A_78 = tpu.memref_slice %arg11[%add3A_54, %dma_wait3A] : memref<10240x128xf32, #tpu.memory_space<vmem_shared>> -> memref<128x128xf32, #tpu.memory_space<vmem_shared>>
      %dma_wait3A_79 = arith.constant 0 : i32
      %dma_wait3A_80 = tpu.memref_slice %arg11[%add3A_54, %dma_wait3A_79] : memref<10240x128xf32, #tpu.memory_space<vmem_shared>> -> memref<128x128xf32, #tpu.memory_space<vmem_shared>>
      tpu.wait_dma2 semaphore(%run_scoped3A_73 : memref<!tpu.dma_semaphore, #tpu.memory_space<semaphore_mem>>) src(%dma_wait3A_80 : memref<128x128xf32, #tpu.memory_space<vmem_shared>>) dst(%arg9 : memref<128x128xf32, #tpu.memory_space<vmem>>)
      tpu.yield
    }) : () -> ()
    %add3A_55 = arith.constant 0 : i32
    %add3A_56 = arith.addi %mul3A_0, %add3A_55 : i32
    "tpu.region"() ({
      %run_scoped3A_73 = tpu.sem_alloc : memref<!tpu.dma_semaphore, #tpu.memory_space<semaphore_mem>>
      %dma_start3A_74 = arith.constant 0 : i32
      %dma_start3A_75 = tpu.memref_slice %arg6[%arg0, %add3A_56, %dma_start3A_74] : memref<2x10240x128xf32, #tpu.memory_space<hbm>> -> memref<1x128x128xf32, #tpu.memory_space<hbm>>
      %dma_start3A_76 = tpu.memref_squeeze %dma_start3A_75 : memref<1x128x128xf32, #tpu.memory_space<hbm>> -> memref<128x128xf32, #tpu.memory_space<hbm>>
      %dma_start3A_77 = arith.constant 0 : i32
      %dma_start3A_78 = tpu.memref_slice %arg6[%arg0, %add3A_56, %dma_start3A_77] : memref<2x10240x128xf32, #tpu.memory_space<hbm>> -> memref<1x128x128xf32, #tpu.memory_space<hbm>>
      %dma_start3A_79 = tpu.memref_squeeze %dma_start3A_78 : memref<1x128x128xf32, #tpu.memory_space<hbm>> -> memref<128x128xf32, #tpu.memory_space<hbm>>
      tpu.enqueue_dma source(%arg9 : memref<128x128xf32, #tpu.memory_space<vmem>>) target(%dma_start3A_79 : memref<128x128xf32, #tpu.memory_space<hbm>>) target_semaphore(%run_scoped3A_73 : memref<!tpu.dma_semaphore, #tpu.memory_space<semaphore_mem>>)
      %dma_wait3A = arith.constant 0 : i32
      %dma_wait3A_80 = tpu.memref_slice %arg6[%arg0, %add3A_56, %dma_wait3A] : memref<2x10240x128xf32, #tpu.memory_space<hbm>> -> memref<1x128x128xf32, #tpu.memory_space<hbm>>
      %dma_wait3A_81 = tpu.memref_squeeze %dma_wait3A_80 : memref<1x128x128xf32, #tpu.memory_space<hbm>> -> memref<128x128xf32, #tpu.memory_space<hbm>>
      %dma_wait3A_82 = arith.constant 0 : i32
      %dma_wait3A_83 = tpu.memref_slice %arg6[%arg0, %add3A_56, %dma_wait3A_82] : memref<2x10240x128xf32, #tpu.memory_space<hbm>> -> memref<1x128x128xf32, #tpu.memory_space<hbm>>
      %dma_wait3A_84 = tpu.memref_squeeze %dma_wait3A_83 : memref<1x128x128xf32, #tpu.memory_space<hbm>> -> memref<128x128xf32, #tpu.memory_space<hbm>>
      tpu.wait_dma2 semaphore(%run_scoped3A_73 : memref<!tpu.dma_semaphore, #tpu.memory_space<semaphore_mem>>) src(%arg9 : memref<128x128xf32, #tpu.memory_space<vmem>>) dst(%dma_wait3A_84 : memref<128x128xf32, #tpu.memory_space<hbm>>)
      tpu.yield
    }) : () -> ()
    %add3A_57 = arith.constant 128 : i32
    %add3A_58 = arith.addi %mul3A_0, %add3A_57 : i32
    "tpu.region"() ({
      %run_scoped3A_73 = tpu.sem_alloc : memref<!tpu.dma_semaphore, #tpu.memory_space<semaphore_mem>>
      %dma_start3A_74 = arith.constant 0 : i32
      %dma_start3A_75 = tpu.memref_slice %arg11[%add3A_58, %dma_start3A_74] : memref<10240x128xf32, #tpu.memory_space<vmem_shared>> -> memref<128x128xf32, #tpu.memory_space<vmem_shared>>
      %dma_start3A_76 = arith.constant 0 : i32
      %dma_start3A_77 = tpu.memref_slice %arg11[%add3A_58, %dma_start3A_76] : memref<10240x128xf32, #tpu.memory_space<vmem_shared>> -> memref<128x128xf32, #tpu.memory_space<vmem_shared>>
      tpu.enqueue_dma source(%dma_start3A_77 : memref<128x128xf32, #tpu.memory_space<vmem_shared>>) target(%arg9 : memref<128x128xf32, #tpu.memory_space<vmem>>) target_semaphore(%run_scoped3A_73 : memref<!tpu.dma_semaphore, #tpu.memory_space<semaphore_mem>>)
      %dma_wait3A = arith.constant 0 : i32
      %dma_wait3A_78 = tpu.memref_slice %arg11[%add3A_58, %dma_wait3A] : memref<10240x128xf32, #tpu.memory_space<vmem_shared>> -> memref<128x128xf32, #tpu.memory_space<vmem_shared>>
      %dma_wait3A_79 = arith.constant 0 : i32
      %dma_wait3A_80 = tpu.memref_slice %arg11[%add3A_58, %dma_wait3A_79] : memref<10240x128xf32, #tpu.memory_space<vmem_shared>> -> memref<128x128xf32, #tpu.memory_space<vmem_shared>>
      tpu.wait_dma2 semaphore(%run_scoped3A_73 : memref<!tpu.dma_semaphore, #tpu.memory_space<semaphore_mem>>) src(%dma_wait3A_80 : memref<128x128xf32, #tpu.memory_space<vmem_shared>>) dst(%arg9 : memref<128x128xf32, #tpu.memory_space<vmem>>)
      tpu.yield
    }) : () -> ()
    %add3A_59 = arith.constant 128 : i32
    %add3A_60 = arith.addi %mul3A_0, %add3A_59 : i32
    "tpu.region"() ({
      %run_scoped3A_73 = tpu.sem_alloc : memref<!tpu.dma_semaphore, #tpu.memory_space<semaphore_mem>>
      %dma_start3A_74 = arith.constant 0 : i32
      %dma_start3A_75 = tpu.memref_slice %arg6[%arg0, %add3A_60, %dma_start3A_74] : memref<2x10240x128xf32, #tpu.memory_space<hbm>> -> memref<1x128x128xf32, #tpu.memory_space<hbm>>
      %dma_start3A_76 = tpu.memref_squeeze %dma_start3A_75 : memref<1x128x128xf32, #tpu.memory_space<hbm>> -> memref<128x128xf32, #tpu.memory_space<hbm>>
      %dma_start3A_77 = arith.constant 0 : i32
      %dma_start3A_78 = tpu.memref_slice %arg6[%arg0, %add3A_60, %dma_start3A_77] : memref<2x10240x128xf32, #tpu.memory_space<hbm>> -> memref<1x128x128xf32, #tpu.memory_space<hbm>>
      %dma_start3A_79 = tpu.memref_squeeze %dma_start3A_78 : memref<1x128x128xf32, #tpu.memory_space<hbm>> -> memref<128x128xf32, #tpu.memory_space<hbm>>
      tpu.enqueue_dma source(%arg9 : memref<128x128xf32, #tpu.memory_space<vmem>>) target(%dma_start3A_79 : memref<128x128xf32, #tpu.memory_space<hbm>>) target_semaphore(%run_scoped3A_73 : memref<!tpu.dma_semaphore, #tpu.memory_space<semaphore_mem>>)
      %dma_wait3A = arith.constant 0 : i32
      %dma_wait3A_80 = tpu.memref_slice %arg6[%arg0, %add3A_60, %dma_wait3A] : memref<2x10240x128xf32, #tpu.memory_space<hbm>> -> memref<1x128x128xf32, #tpu.memory_space<hbm>>
      %dma_wait3A_81 = tpu.memref_squeeze %dma_wait3A_80 : memref<1x128x128xf32, #tpu.memory_space<hbm>> -> memref<128x128xf32, #tpu.memory_space<hbm>>
      %dma_wait3A_82 = arith.constant 0 : i32
      %dma_wait3A_83 = tpu.memref_slice %arg6[%arg0, %add3A_60, %dma_wait3A_82] : memref<2x10240x128xf32, #tpu.memory_space<hbm>> -> memref<1x128x128xf32, #tpu.memory_space<hbm>>
      %dma_wait3A_84 = tpu.memref_squeeze %dma_wait3A_83 : memref<1x128x128xf32, #tpu.memory_space<hbm>> -> memref<128x128xf32, #tpu.memory_space<hbm>>
      tpu.wait_dma2 semaphore(%run_scoped3A_73 : memref<!tpu.dma_semaphore, #tpu.memory_space<semaphore_mem>>) src(%arg9 : memref<128x128xf32, #tpu.memory_space<vmem>>) dst(%dma_wait3A_84 : memref<128x128xf32, #tpu.memory_space<hbm>>)
      tpu.yield
    }) : () -> ()
    %add3A_61 = arith.constant 256 : i32
    %add3A_62 = arith.addi %mul3A_0, %add3A_61 : i32
    "tpu.region"() ({
      %run_scoped3A_73 = tpu.sem_alloc : memref<!tpu.dma_semaphore, #tpu.memory_space<semaphore_mem>>
      %dma_start3A_74 = arith.constant 0 : i32
      %dma_start3A_75 = tpu.memref_slice %arg11[%add3A_62, %dma_start3A_74] : memref<10240x128xf32, #tpu.memory_space<vmem_shared>> -> memref<128x128xf32, #tpu.memory_space<vmem_shared>>
      %dma_start3A_76 = arith.constant 0 : i32
      %dma_start3A_77 = tpu.memref_slice %arg11[%add3A_62, %dma_start3A_76] : memref<10240x128xf32, #tpu.memory_space<vmem_shared>> -> memref<128x128xf32, #tpu.memory_space<vmem_shared>>
      tpu.enqueue_dma source(%dma_start3A_77 : memref<128x128xf32, #tpu.memory_space<vmem_shared>>) target(%arg9 : memref<128x128xf32, #tpu.memory_space<vmem>>) target_semaphore(%run_scoped3A_73 : memref<!tpu.dma_semaphore, #tpu.memory_space<semaphore_mem>>)
      %dma_wait3A = arith.constant 0 : i32
      %dma_wait3A_78 = tpu.memref_slice %arg11[%add3A_62, %dma_wait3A] : memref<10240x128xf32, #tpu.memory_space<vmem_shared>> -> memref<128x128xf32, #tpu.memory_space<vmem_shared>>
      %dma_wait3A_79 = arith.constant 0 : i32
      %dma_wait3A_80 = tpu.memref_slice %arg11[%add3A_62, %dma_wait3A_79] : memref<10240x128xf32, #tpu.memory_space<vmem_shared>> -> memref<128x128xf32, #tpu.memory_space<vmem_shared>>
      tpu.wait_dma2 semaphore(%run_scoped3A_73 : memref<!tpu.dma_semaphore, #tpu.memory_space<semaphore_mem>>) src(%dma_wait3A_80 : memref<128x128xf32, #tpu.memory_space<vmem_shared>>) dst(%arg9 : memref<128x128xf32, #tpu.memory_space<vmem>>)
      tpu.yield
    }) : () -> ()
    %add3A_63 = arith.constant 256 : i32
    %add3A_64 = arith.addi %mul3A_0, %add3A_63 : i32
    "tpu.region"() ({
      %run_scoped3A_73 = tpu.sem_alloc : memref<!tpu.dma_semaphore, #tpu.memory_space<semaphore_mem>>
      %dma_start3A_74 = arith.constant 0 : i32
      %dma_start3A_75 = tpu.memref_slice %arg6[%arg0, %add3A_64, %dma_start3A_74] : memref<2x10240x128xf32, #tpu.memory_space<hbm>> -> memref<1x128x128xf32, #tpu.memory_space<hbm>>
      %dma_start3A_76 = tpu.memref_squeeze %dma_start3A_75 : memref<1x128x128xf32, #tpu.memory_space<hbm>> -> memref<128x128xf32, #tpu.memory_space<hbm>>
      %dma_start3A_77 = arith.constant 0 : i32
      %dma_start3A_78 = tpu.memref_slice %arg6[%arg0, %add3A_64, %dma_start3A_77] : memref<2x10240x128xf32, #tpu.memory_space<hbm>> -> memref<1x128x128xf32, #tpu.memory_space<hbm>>
      %dma_start3A_79 = tpu.memref_squeeze %dma_start3A_78 : memref<1x128x128xf32, #tpu.memory_space<hbm>> -> memref<128x128xf32, #tpu.memory_space<hbm>>
      tpu.enqueue_dma source(%arg9 : memref<128x128xf32, #tpu.memory_space<vmem>>) target(%dma_start3A_79 : memref<128x128xf32, #tpu.memory_space<hbm>>) target_semaphore(%run_scoped3A_73 : memref<!tpu.dma_semaphore, #tpu.memory_space<semaphore_mem>>)
      %dma_wait3A = arith.constant 0 : i32
      %dma_wait3A_80 = tpu.memref_slice %arg6[%arg0, %add3A_64, %dma_wait3A] : memref<2x10240x128xf32, #tpu.memory_space<hbm>> -> memref<1x128x128xf32, #tpu.memory_space<hbm>>
      %dma_wait3A_81 = tpu.memref_squeeze %dma_wait3A_80 : memref<1x128x128xf32, #tpu.memory_space<hbm>> -> memref<128x128xf32, #tpu.memory_space<hbm>>
      %dma_wait3A_82 = arith.constant 0 : i32
      %dma_wait3A_83 = tpu.memref_slice %arg6[%arg0, %add3A_64, %dma_wait3A_82] : memref<2x10240x128xf32, #tpu.memory_space<hbm>> -> memref<1x128x128xf32, #tpu.memory_space<hbm>>
      %dma_wait3A_84 = tpu.memref_squeeze %dma_wait3A_83 : memref<1x128x128xf32, #tpu.memory_space<hbm>> -> memref<128x128xf32, #tpu.memory_space<hbm>>
      tpu.wait_dma2 semaphore(%run_scoped3A_73 : memref<!tpu.dma_semaphore, #tpu.memory_space<semaphore_mem>>) src(%arg9 : memref<128x128xf32, #tpu.memory_space<vmem>>) dst(%dma_wait3A_84 : memref<128x128xf32, #tpu.memory_space<hbm>>)
      tpu.yield
    }) : () -> ()
    %add3A_65 = arith.constant 384 : i32
    %add3A_66 = arith.addi %mul3A_0, %add3A_65 : i32
    "tpu.region"() ({
      %run_scoped3A_73 = tpu.sem_alloc : memref<!tpu.dma_semaphore, #tpu.memory_space<semaphore_mem>>
      %dma_start3A_74 = arith.constant 0 : i32
      %dma_start3A_75 = tpu.memref_slice %arg11[%add3A_66, %dma_start3A_74] : memref<10240x128xf32, #tpu.memory_space<vmem_shared>> -> memref<128x128xf32, #tpu.memory_space<vmem_shared>>
      %dma_start3A_76 = arith.constant 0 : i32
      %dma_start3A_77 = tpu.memref_slice %arg11[%add3A_66, %dma_start3A_76] : memref<10240x128xf32, #tpu.memory_space<vmem_shared>> -> memref<128x128xf32, #tpu.memory_space<vmem_shared>>
      tpu.enqueue_dma source(%dma_start3A_77 : memref<128x128xf32, #tpu.memory_space<vmem_shared>>) target(%arg9 : memref<128x128xf32, #tpu.memory_space<vmem>>) target_semaphore(%run_scoped3A_73 : memref<!tpu.dma_semaphore, #tpu.memory_space<semaphore_mem>>)
      %dma_wait3A = arith.constant 0 : i32
      %dma_wait3A_78 = tpu.memref_slice %arg11[%add3A_66, %dma_wait3A] : memref<10240x128xf32, #tpu.memory_space<vmem_shared>> -> memref<128x128xf32, #tpu.memory_space<vmem_shared>>
      %dma_wait3A_79 = arith.constant 0 : i32
      %dma_wait3A_80 = tpu.memref_slice %arg11[%add3A_66, %dma_wait3A_79] : memref<10240x128xf32, #tpu.memory_space<vmem_shared>> -> memref<128x128xf32, #tpu.memory_space<vmem_shared>>
      tpu.wait_dma2 semaphore(%run_scoped3A_73 : memref<!tpu.dma_semaphore, #tpu.memory_space<semaphore_mem>>) src(%dma_wait3A_80 : memref<128x128xf32, #tpu.memory_space<vmem_shared>>) dst(%arg9 : memref<128x128xf32, #tpu.memory_space<vmem>>)
      tpu.yield
    }) : () -> ()
    %add3A_67 = arith.constant 384 : i32
    %add3A_68 = arith.addi %mul3A_0, %add3A_67 : i32
    "tpu.region"() ({
      %run_scoped3A_73 = tpu.sem_alloc : memref<!tpu.dma_semaphore, #tpu.memory_space<semaphore_mem>>
      %dma_start3A_74 = arith.constant 0 : i32
      %dma_start3A_75 = tpu.memref_slice %arg6[%arg0, %add3A_68, %dma_start3A_74] : memref<2x10240x128xf32, #tpu.memory_space<hbm>> -> memref<1x128x128xf32, #tpu.memory_space<hbm>>
      %dma_start3A_76 = tpu.memref_squeeze %dma_start3A_75 : memref<1x128x128xf32, #tpu.memory_space<hbm>> -> memref<128x128xf32, #tpu.memory_space<hbm>>
      %dma_start3A_77 = arith.constant 0 : i32
      %dma_start3A_78 = tpu.memref_slice %arg6[%arg0, %add3A_68, %dma_start3A_77] : memref<2x10240x128xf32, #tpu.memory_space<hbm>> -> memref<1x128x128xf32, #tpu.memory_space<hbm>>
      %dma_start3A_79 = tpu.memref_squeeze %dma_start3A_78 : memref<1x128x128xf32, #tpu.memory_space<hbm>> -> memref<128x128xf32, #tpu.memory_space<hbm>>
      tpu.enqueue_dma source(%arg9 : memref<128x128xf32, #tpu.memory_space<vmem>>) target(%dma_start3A_79 : memref<128x128xf32, #tpu.memory_space<hbm>>) target_semaphore(%run_scoped3A_73 : memref<!tpu.dma_semaphore, #tpu.memory_space<semaphore_mem>>)
      %dma_wait3A = arith.constant 0 : i32
      %dma_wait3A_80 = tpu.memref_slice %arg6[%arg0, %add3A_68, %dma_wait3A] : memref<2x10240x128xf32, #tpu.memory_space<hbm>> -> memref<1x128x128xf32, #tpu.memory_space<hbm>>
      %dma_wait3A_81 = tpu.memref_squeeze %dma_wait3A_80 : memref<1x128x128xf32, #tpu.memory_space<hbm>> -> memref<128x128xf32, #tpu.memory_space<hbm>>
      %dma_wait3A_82 = arith.constant 0 : i32
      %dma_wait3A_83 = tpu.memref_slice %arg6[%arg0, %add3A_68, %dma_wait3A_82] : memref<2x10240x128xf32, #tpu.memory_space<hbm>> -> memref<1x128x128xf32, #tpu.memory_space<hbm>>
      %dma_wait3A_84 = tpu.memref_squeeze %dma_wait3A_83 : memref<1x128x128xf32, #tpu.memory_space<hbm>> -> memref<128x128xf32, #tpu.memory_space<hbm>>
      tpu.wait_dma2 semaphore(%run_scoped3A_73 : memref<!tpu.dma_semaphore, #tpu.memory_space<semaphore_mem>>) src(%arg9 : memref<128x128xf32, #tpu.memory_space<vmem>>) dst(%dma_wait3A_84 : memref<128x128xf32, #tpu.memory_space<hbm>>)
      tpu.yield
    }) : () -> ()
    %add3A_69 = arith.constant 512 : i32
    %add3A_70 = arith.addi %mul3A_0, %add3A_69 : i32
    "tpu.region"() ({
      %run_scoped3A_73 = tpu.sem_alloc : memref<!tpu.dma_semaphore, #tpu.memory_space<semaphore_mem>>
      %dma_start3A_74 = arith.constant 0 : i32
      %dma_start3A_75 = tpu.memref_slice %arg11[%add3A_70, %dma_start3A_74] : memref<10240x128xf32, #tpu.memory_space<vmem_shared>> -> memref<128x128xf32, #tpu.memory_space<vmem_shared>>
      %dma_start3A_76 = arith.constant 0 : i32
      %dma_start3A_77 = tpu.memref_slice %arg11[%add3A_70, %dma_start3A_76] : memref<10240x128xf32, #tpu.memory_space<vmem_shared>> -> memref<128x128xf32, #tpu.memory_space<vmem_shared>>
      tpu.enqueue_dma source(%dma_start3A_77 : memref<128x128xf32, #tpu.memory_space<vmem_shared>>) target(%arg9 : memref<128x128xf32, #tpu.memory_space<vmem>>) target_semaphore(%run_scoped3A_73 : memref<!tpu.dma_semaphore, #tpu.memory_space<semaphore_mem>>)
      %dma_wait3A = arith.constant 0 : i32
      %dma_wait3A_78 = tpu.memref_slice %arg11[%add3A_70, %dma_wait3A] : memref<10240x128xf32, #tpu.memory_space<vmem_shared>> -> memref<128x128xf32, #tpu.memory_space<vmem_shared>>
      %dma_wait3A_79 = arith.constant 0 : i32
      %dma_wait3A_80 = tpu.memref_slice %arg11[%add3A_70, %dma_wait3A_79] : memref<10240x128xf32, #tpu.memory_space<vmem_shared>> -> memref<128x128xf32, #tpu.memory_space<vmem_shared>>
      tpu.wait_dma2 semaphore(%run_scoped3A_73 : memref<!tpu.dma_semaphore, #tpu.memory_space<semaphore_mem>>) src(%dma_wait3A_80 : memref<128x128xf32, #tpu.memory_space<vmem_shared>>) dst(%arg9 : memref<128x128xf32, #tpu.memory_space<vmem>>)
      tpu.yield
    }) : () -> ()
    %add3A_71 = arith.constant 512 : i32
    %add3A_72 = arith.addi %mul3A_0, %add3A_71 : i32
    "tpu.region"() ({
      %run_scoped3A_73 = tpu.sem_alloc : memref<!tpu.dma_semaphore, #tpu.memory_space<semaphore_mem>>
      %dma_start3A_74 = arith.constant 0 : i32
      %dma_start3A_75 = tpu.memref_slice %arg6[%arg0, %add3A_72, %dma_start3A_74] : memref<2x10240x128xf32, #tpu.memory_space<hbm>> -> memref<1x128x128xf32, #tpu.memory_space<hbm>>
      %dma_start3A_76 = tpu.memref_squeeze %dma_start3A_75 : memref<1x128x128xf32, #tpu.memory_space<hbm>> -> memref<128x128xf32, #tpu.memory_space<hbm>>
      %dma_start3A_77 = arith.constant 0 : i32
      %dma_start3A_78 = tpu.memref_slice %arg6[%arg0, %add3A_72, %dma_start3A_77] : memref<2x10240x128xf32, #tpu.memory_space<hbm>> -> memref<1x128x128xf32, #tpu.memory_space<hbm>>
      %dma_start3A_79 = tpu.memref_squeeze %dma_start3A_78 : memref<1x128x128xf32, #tpu.memory_space<hbm>> -> memref<128x128xf32, #tpu.memory_space<hbm>>
      tpu.enqueue_dma source(%arg9 : memref<128x128xf32, #tpu.memory_space<vmem>>) target(%dma_start3A_79 : memref<128x128xf32, #tpu.memory_space<hbm>>) target_semaphore(%run_scoped3A_73 : memref<!tpu.dma_semaphore, #tpu.memory_space<semaphore_mem>>)
      %dma_wait3A = arith.constant 0 : i32
      %dma_wait3A_80 = tpu.memref_slice %arg6[%arg0, %add3A_72, %dma_wait3A] : memref<2x10240x128xf32, #tpu.memory_space<hbm>> -> memref<1x128x128xf32, #tpu.memory_space<hbm>>
      %dma_wait3A_81 = tpu.memref_squeeze %dma_wait3A_80 : memref<1x128x128xf32, #tpu.memory_space<hbm>> -> memref<128x128xf32, #tpu.memory_space<hbm>>
      %dma_wait3A_82 = arith.constant 0 : i32
      %dma_wait3A_83 = tpu.memref_slice %arg6[%arg0, %add3A_72, %dma_wait3A_82] : memref<2x10240x128xf32, #tpu.memory_space<hbm>> -> memref<1x128x128xf32, #tpu.memory_space<hbm>>
      %dma_wait3A_84 = tpu.memref_squeeze %dma_wait3A_83 : memref<1x128x128xf32, #tpu.memory_space<hbm>> -> memref<128x128xf32, #tpu.memory_space<hbm>>
      tpu.wait_dma2 semaphore(%run_scoped3A_73 : memref<!tpu.dma_semaphore, #tpu.memory_space<semaphore_mem>>) src(%arg9 : memref<128x128xf32, #tpu.memory_space<vmem>>) dst(%dma_wait3A_84 : memref<128x128xf32, #tpu.memory_space<hbm>>)
      tpu.yield
    }) : () -> ()
    return
  }
}

module attributes {stable_mosaic.version = 14 : i64} {
  func.func @f(%arg0: i32, %arg1: memref<1024x128xf32, #tpu.memory_space<vmem>>, %arg2: memref<1024x1xf32, #tpu.memory_space<vmem>>, %arg3: memref<1024x1xf32, #tpu.memory_space<vmem>>, %arg4: memref<1024x128xf32, #tpu.memory_space<vmem>>) attributes {dimension_semantics = [#tpu.dimension_semantics<arbitrary>], iteration_bounds = array<i64: 10>, scalar_prefetch = 0 : i64, scratch_operands = 0 : i64, tpu.core_type = #tpu.core_type<tc>, window_params = [{transform_indices = @transform_0, window_bounds = array<i64: 1024, 128>}, {transform_indices = @transform_1, window_bounds = array<i64: 1024, 1>}, {transform_indices = @transform_2, window_bounds = array<i64: 1024, 1>}, {transform_indices = @transform_3, window_bounds = array<i64: 1024, 128>}]} {
    %get3A = arith.constant 0 : index
    %get3A_0 = arith.constant 0 : index
    %get3A_1 = vector.load %arg1[%get3A, %get3A_0] : memref<1024x128xf32, #tpu.memory_space<vmem>>, vector<1024x128xf32>
    %get3A_2 = arith.constant 0 : index
    %get3A_3 = arith.constant 0 : index
    %get3A_4 = vector.load %arg2[%get3A_2, %get3A_3] : memref<1024x1xf32, #tpu.memory_space<vmem>>, vector<1024x1xf32>
    %get3A_5 = arith.constant 0 : index
    %get3A_6 = arith.constant 0 : index
    %get3A_7 = vector.load %arg3[%get3A_5, %get3A_6] : memref<1024x1xf32, #tpu.memory_space<vmem>>, vector<1024x1xf32>
    %add3A = arith.addf %get3A_4, %get3A_7 : vector<1024x1xf32>
    %gt3A = arith.constant 0.000000e+00 : f32
    %gt3A_8 = vector.broadcast %gt3A : f32 to vector<1024x1xf32>
    %gt3A_9 = arith.cmpf ogt, %add3A, %gt3A_8 : vector<1024x1xf32>
    %rsqrt3A = math.rsqrt %add3A : vector<1024x1xf32>
    %jit3A = arith.constant 0.000000e+00 : f32
    %broadcast_in_dim3A = vector.broadcast %jit3A : f32 to vector<1024x1xf32>
    %select_n3A = arith.select %gt3A_9, %rsqrt3A, %broadcast_in_dim3A : vector<1024x1xi1>, vector<1024x1xf32>
    %mul3A = vector.broadcast %select_n3A : vector<1024x1xf32> to vector<1024x128xf32>
    %mul3A_10 = arith.mulf %get3A_1, %mul3A : vector<1024x128xf32>
    %swap3A = arith.constant 0 : index
    %swap3A_11 = arith.constant 0 : index
    %swap3A_12 = vector.load %arg4[%swap3A, %swap3A_11] : memref<1024x128xf32, #tpu.memory_space<vmem>>, vector<1024x128xf32>
    tpu.vector_store %arg4[%swap3A, %swap3A_11], %mul3A_10 {strides = array<i32>} : memref<1024x128xf32, #tpu.memory_space<vmem>>, vector<1024x128xf32>,
    return
  }
  func.func @transform_0(%arg0: i32) -> (i32, i32) {
    %c0_i32 = arith.constant 0 : i32
    %c0_i32_0 = arith.constant 0 : i32
    return %arg0, %c0_i32 : i32, i32
  }
  func.func @transform_1(%arg0: i32) -> (i32, i32) {
    %c0_i32 = arith.constant 0 : i32
    %c0_i32_0 = arith.constant 0 : i32
    return %arg0, %c0_i32 : i32, i32
  }
  func.func @transform_2(%arg0: i32) -> (i32, i32) {
    %c0_i32 = arith.constant 0 : i32
    %c0_i32_0 = arith.constant 0 : i32
    return %arg0, %c0_i32 : i32, i32
  }
  func.func @transform_3(%arg0: i32) -> (i32, i32) {
    %c0_i32 = arith.constant 0 : i32
    %c0_i32_0 = arith.constant 0 : i32
    return %arg0, %c0_i32 : i32, i32
  }
}

module attributes {stable_mosaic.version = 14 : i64} {
  func.func @f(%arg0: i32, %arg1: memref<1024x128xf32, #tpu.memory_space<vmem>>, %arg2: memref<1024x128xf32, #tpu.memory_space<vmem>>, %arg3: memref<1024x1xf32, #tpu.memory_space<vmem>>, %arg4: memref<1024x1xf32, #tpu.memory_space<vmem>>, %arg5: memref<128x128xf32, #tpu.memory_space<vmem>>, %arg6: memref<1x128xf32, #tpu.memory_space<vmem>>, %arg7: memref<1024x128xf32, #tpu.memory_space<vmem>>) attributes {dimension_semantics = [#tpu.dimension_semantics<arbitrary>], iteration_bounds = array<i64: 10>, scalar_prefetch = 0 : i64, scratch_operands = 0 : i64, tpu.core_type = #tpu.core_type<tc>, window_params = [{transform_indices = @transform_0, window_bounds = array<i64: 1024, 128>}, {transform_indices = @transform_1, window_bounds = array<i64: 1024, 128>}, {transform_indices = @transform_2, window_bounds = array<i64: 1024, 1>}, {transform_indices = @transform_3, window_bounds = array<i64: 1024, 1>}, {pipeline_mode = #tpu.pipeline_mode<synchronous>, transform_indices = @transform_4, window_bounds = array<i64: 128, 128>}, {pipeline_mode = #tpu.pipeline_mode<synchronous>, transform_indices = @transform_5, window_bounds = array<i64: 1, 128>}, {transform_indices = @transform_6, window_bounds = array<i64: 1024, 128>}]} {
    %get3A = arith.constant 0 : index
    %get3A_0 = arith.constant 0 : index
    %get3A_1 = vector.load %arg3[%get3A, %get3A_0] : memref<1024x1xf32, #tpu.memory_space<vmem>>, vector<1024x1xf32>
    %get3A_2 = arith.constant 0 : index
    %get3A_3 = arith.constant 0 : index
    %get3A_4 = vector.load %arg4[%get3A_2, %get3A_3] : memref<1024x1xf32, #tpu.memory_space<vmem>>, vector<1024x1xf32>
    %add3A = arith.addf %get3A_1, %get3A_4 : vector<1024x1xf32>
    %gt3A = arith.constant 0.000000e+00 : f32
    %gt3A_5 = vector.broadcast %gt3A : f32 to vector<1024x1xf32>
    %gt3A_6 = arith.cmpf ogt, %add3A, %gt3A_5 : vector<1024x1xf32>
    %rsqrt3A = math.rsqrt %add3A : vector<1024x1xf32>
    %jit3A = arith.constant 0.000000e+00 : f32
    %broadcast_in_dim3A = vector.broadcast %jit3A : f32 to vector<1024x1xf32>
    %select_n3A = arith.select %gt3A_6, %rsqrt3A, %broadcast_in_dim3A : vector<1024x1xi1>, vector<1024x1xf32>
    %get3A_7 = arith.constant 0 : index
    %get3A_8 = arith.constant 0 : index
    %get3A_9 = vector.load %arg1[%get3A_7, %get3A_8] : memref<1024x128xf32, #tpu.memory_space<vmem>>, vector<1024x128xf32>
    %get3A_10 = arith.constant 0 : index
    %get3A_11 = arith.constant 0 : index
    %get3A_12 = vector.load %arg2[%get3A_10, %get3A_11] : memref<1024x128xf32, #tpu.memory_space<vmem>>, vector<1024x128xf32>
    %add3A_13 = arith.addf %get3A_9, %get3A_12 : vector<1024x128xf32>
    %mul3A = vector.broadcast %select_n3A : vector<1024x1xf32> to vector<1024x128xf32>
    %mul3A_14 = arith.mulf %add3A_13, %mul3A : vector<1024x128xf32>
    %get3A_15 = arith.constant 0 : index
    %get3A_16 = arith.constant 0 : index
    %get3A_17 = vector.load %arg5[%get3A_15, %get3A_16] : memref<128x128xf32, #tpu.memory_space<vmem>>, vector<128x128xf32>
    %dot_general3A = arith.constant dense<0.000000e+00> : vector<1024x128xf32>
    %dot_general3A_18 = tpu.matmul %mul3A_14, %get3A_17, %dot_general3A {dimension_numbers = #tpu.dot_dimension_numbers<[1], [0], [0], [1], [0, 0, 1, 1], [], []>, transpose_lhs_hint = false} : vector<1024x128xf32>, vector<128x128xf32>, vector<1024x128xf32> -> vector<1024x128xf32>
    %get3A_19 = arith.constant 0 : index
    %get3A_20 = arith.constant 0 : index
    %get3A_21 = vector.load %arg6[%get3A_19, %get3A_20] : memref<1x128xf32, #tpu.memory_space<vmem>>, vector<1x128xf32>
    %add3A_22 = vector.broadcast %get3A_21 : vector<1x128xf32> to vector<1024x128xf32>
    %add3A_23 = arith.addf %dot_general3A_18, %add3A_22 : vector<1024x128xf32>
    %max3A = arith.constant 0.000000e+00 : f32
    %max3A_24 = vector.broadcast %max3A : f32 to vector<1024x128xf32>
    %max3A_25 = arith.maximumf %add3A_23, %max3A_24 : vector<1024x128xf32>
    %mul3A_26 = vector.broadcast %select_n3A : vector<1024x1xf32> to vector<1024x128xf32>
    %mul3A_27 = arith.mulf %max3A_25, %mul3A_26 : vector<1024x128xf32>
    %swap3A = arith.constant 0 : index
    %swap3A_28 = arith.constant 0 : index
    %swap3A_29 = vector.load %arg7[%swap3A, %swap3A_28] : memref<1024x128xf32, #tpu.memory_space<vmem>>, vector<1024x128xf32>
    tpu.vector_store %arg7[%swap3A, %swap3A_28], %mul3A_27 {strides = array<i32>} : memref<1024x128xf32, #tpu.memory_space<vmem>>, vector<1024x128xf32>,
    return
  }
  func.func @transform_0(%arg0: i32) -> (i32, i32) {
    %c0_i32 = arith.constant 0 : i32
    %c0_i32_0 = arith.constant 0 : i32
    return %arg0, %c0_i32 : i32, i32
  }
  func.func @transform_1(%arg0: i32) -> (i32, i32) {
    %c0_i32 = arith.constant 0 : i32
    %c0_i32_0 = arith.constant 0 : i32
    return %arg0, %c0_i32 : i32, i32
  }
  func.func @transform_2(%arg0: i32) -> (i32, i32) {
    %c0_i32 = arith.constant 0 : i32
    %c0_i32_0 = arith.constant 0 : i32
    return %arg0, %c0_i32 : i32, i32
  }
  func.func @transform_3(%arg0: i32) -> (i32, i32) {
    %c0_i32 = arith.constant 0 : i32
    %c0_i32_0 = arith.constant 0 : i32
    return %arg0, %c0_i32 : i32, i32
  }
  func.func @transform_4(%arg0: i32) -> (i32, i32) {
    %c0_i32 = arith.constant 0 : i32
    %c0_i32_0 = arith.constant 0 : i32
    %c0_i32_1 = arith.constant 0 : i32
    return %c0_i32, %c0_i32_0 : i32, i32
  }
  func.func @transform_5(%arg0: i32) -> (i32, i32) {
    %c0_i32 = arith.constant 0 : i32
    %c0_i32_0 = arith.constant 0 : i32
    %c0_i32_1 = arith.constant 0 : i32
    return %c0_i32, %c0_i32_0 : i32, i32
  }
  func.func @transform_6(%arg0: i32) -> (i32, i32) {
    %c0_i32 = arith.constant 0 : i32
    %c0_i32_0 = arith.constant 0 : i32
    return %arg0, %c0_i32 : i32, i32
  }
}

module attributes {stable_mosaic.version = 14 : i64} {
  func.func @f(%arg0: i32, %arg1: memref<1024x128xf32, #tpu.memory_space<vmem>>, %arg2: memref<1024x128xf32, #tpu.memory_space<vmem>>, %arg3: memref<1024x1xf32, #tpu.memory_space<vmem>>, %arg4: memref<1024x1xf32, #tpu.memory_space<vmem>>, %arg5: memref<128x128xf32, #tpu.memory_space<vmem>>, %arg6: memref<1x128xf32, #tpu.memory_space<vmem>>, %arg7: memref<1024x64xf32, #tpu.memory_space<vmem>>, %arg8: memref<1x1xf32, #tpu.memory_space<vmem>>, %arg9: memref<1024x64xf32, #tpu.memory_space<vmem>>, %arg10: memref<1024x64xf32, #tpu.memory_space<vmem>>, %arg11: memref<1024x64xf32, #tpu.memory_space<vmem>>, %arg12: memref<1024x64xf32, #tpu.memory_space<vmem>>, %arg13: memref<1024x64xf32, #tpu.memory_space<vmem>>, %arg14: memref<1024x128xf32, #tpu.memory_space<vmem>>) attributes {dimension_semantics = [#tpu.dimension_semantics<arbitrary>], iteration_bounds = array<i64: 10>, scalar_prefetch = 0 : i64, scratch_operands = 0 : i64, tpu.core_type = #tpu.core_type<tc>, window_params = [{transform_indices = @transform_0, window_bounds = array<i64: 1024, 128>}, {transform_indices = @transform_1, window_bounds = array<i64: 1024, 128>}, {transform_indices = @transform_2, window_bounds = array<i64: 1024, 1>}, {transform_indices = @transform_3, window_bounds = array<i64: 1024, 1>}, {pipeline_mode = #tpu.pipeline_mode<synchronous>, transform_indices = @transform_4, window_bounds = array<i64: 128, 128>}, {pipeline_mode = #tpu.pipeline_mode<synchronous>, transform_indices = @transform_5, window_bounds = array<i64: 1, 128>}, {transform_indices = @transform_6, window_bounds = array<i64: 1024, 64>}, {pipeline_mode = #tpu.pipeline_mode<synchronous>, transform_indices = @transform_7, window_bounds = array<i64: 1, 1>}, {transform_indices = @transform_8, window_bounds = array<i64: 1024, 64>}, {transform_indices = @transform_9, window_bounds = array<i64: 1024, 64>}, {transform_indices = @transform_10, window_bounds = array<i64: 1024, 64>}, {transform_indices = @transform_11, window_bounds = array<i64: 1024, 64>}, {transform_indices = @transform_12, window_bounds = array<i64: 1024, 64>}, {transform_indices = @transform_13, window_bounds = array<i64: 1024, 128>}]} {
    %get3A = arith.constant 0 : index
    %get3A_0 = arith.constant 0 : index
    %get3A_1 = vector.load %arg8[%get3A, %get3A_0] : memref<1x1xf32, #tpu.memory_space<vmem>>, vector<1x1xf32>
    %get3A_2 = vector.extract %get3A_1[0, 0] : f32 from vector<1x1xf32>
    %get3A_3 = arith.constant 0 : index
    %get3A_4 = arith.constant 0 : index
    %get3A_5 = vector.load %arg3[%get3A_3, %get3A_4] : memref<1024x1xf32, #tpu.memory_space<vmem>>, vector<1024x1xf32>
    %get3A_6 = arith.constant 0 : index
    %get3A_7 = arith.constant 0 : index
    %get3A_8 = vector.load %arg4[%get3A_6, %get3A_7] : memref<1024x1xf32, #tpu.memory_space<vmem>>, vector<1024x1xf32>
    %add3A = arith.addf %get3A_5, %get3A_8 : vector<1024x1xf32>
    %gt3A = arith.constant 0.000000e+00 : f32
    %gt3A_9 = vector.broadcast %gt3A : f32 to vector<1024x1xf32>
    %gt3A_10 = arith.cmpf ogt, %add3A, %gt3A_9 : vector<1024x1xf32>
    %rsqrt3A = math.rsqrt %add3A : vector<1024x1xf32>
    %jit3A = arith.constant 0.000000e+00 : f32
    %broadcast_in_dim3A = vector.broadcast %jit3A : f32 to vector<1024x1xf32>
    %select_n3A = arith.select %gt3A_10, %rsqrt3A, %broadcast_in_dim3A : vector<1024x1xi1>, vector<1024x1xf32>
    %get3A_11 = arith.constant 0 : index
    %get3A_12 = arith.constant 0 : index
    %get3A_13 = vector.load %arg1[%get3A_11, %get3A_12] : memref<1024x128xf32, #tpu.memory_space<vmem>>, vector<1024x128xf32>
    %get3A_14 = arith.constant 0 : index
    %get3A_15 = arith.constant 0 : index
    %get3A_16 = vector.load %arg2[%get3A_14, %get3A_15] : memref<1024x128xf32, #tpu.memory_space<vmem>>, vector<1024x128xf32>
    %add3A_17 = arith.addf %get3A_13, %get3A_16 : vector<1024x128xf32>
    %mul3A = vector.broadcast %select_n3A : vector<1024x1xf32> to vector<1024x128xf32>
    %mul3A_18 = arith.mulf %add3A_17, %mul3A : vector<1024x128xf32>
    %get3A_19 = arith.constant 0 : index
    %get3A_20 = arith.constant 0 : index
    %get3A_21 = vector.load %arg5[%get3A_19, %get3A_20] : memref<128x128xf32, #tpu.memory_space<vmem>>, vector<128x128xf32>
    %dot_general3A = arith.constant dense<0.000000e+00> : vector<1024x128xf32>
    %dot_general3A_22 = tpu.matmul %mul3A_18, %get3A_21, %dot_general3A {dimension_numbers = #tpu.dot_dimension_numbers<[1], [0], [0], [1], [0, 0, 1, 1], [], []>, transpose_lhs_hint = false} : vector<1024x128xf32>, vector<128x128xf32>, vector<1024x128xf32> -> vector<1024x128xf32>
    %get3A_23 = arith.constant 0 : index
    %get3A_24 = arith.constant 0 : index
    %get3A_25 = vector.load %arg6[%get3A_23, %get3A_24] : memref<1x128xf32, #tpu.memory_space<vmem>>, vector<1x128xf32>
    %add3A_26 = vector.broadcast %get3A_25 : vector<1x128xf32> to vector<1024x128xf32>
    %add3A_27 = arith.addf %dot_general3A_22, %add3A_26 : vector<1024x128xf32>
    %slice3A = vector.extract_strided_slice %add3A_27 {offsets = [0, 0], sizes = [1024, 64], strides = [1, 1]} : vector<1024x128xf32> to vector<1024x64xf32>
    %jit3A_28 = arith.constant -4.000000e+01 : f32
    %jit3A_29 = arith.constant 4.000000e+01 : f32
    %max3A = vector.broadcast %jit3A_28 : f32 to vector<1024x64xf32>
    %max3A_30 = arith.maximumf %max3A, %slice3A : vector<1024x64xf32>
    %min3A = vector.broadcast %jit3A_29 : f32 to vector<1024x64xf32>
    %min3A_31 = arith.minimumf %min3A, %max3A_30 : vector<1024x64xf32>
    %slice3A_32 = vector.extract_strided_slice %add3A_27 {offsets = [0, 64], sizes = [1024, 64], strides = [1, 1]} : vector<1024x128xf32> to vector<1024x64xf32>
    %mul3A_33 = arith.mulf %min3A_31, %min3A_31 : vector<1024x64xf32>
    %reduce_sum3A = arith.constant dense<0.000000e+00> : vector<1024xf32>
    %reduce_sum3A_34 = vector.multi_reduction <add>, %mul3A_33, %reduce_sum3A [1] : vector<1024x64xf32> to vector<1024xf32>
    %broadcast_in_dim3A_35 = vector.shape_cast %reduce_sum3A_34 : vector<1024xf32> to vector<1024x1xf32>
    %sqrt3A = math.sqrt %broadcast_in_dim3A_35 : vector<1024x1xf32>
    %max3A_36 = arith.constant 9.99999993E-9 : f32
    %max3A_37 = vector.broadcast %max3A_36 : f32 to vector<1024x1xf32>
    %max3A_38 = arith.maximumf %sqrt3A, %max3A_37 : vector<1024x1xf32>
    %div3A = vector.broadcast %get3A_2 : f32 to vector<1024x1xf32>
    %div3A_39 = arith.divf %max3A_38, %div3A : vector<1024x1xf32>
    %exp3A = math.exp %div3A_39 : vector<1024x1xf32>
    %div3A_40 = arith.constant 1.000000e+00 : f32
    %div3A_41 = vector.broadcast %div3A_40 : f32 to vector<1024x1xf32>
    %div3A_42 = arith.divf %div3A_41, %exp3A : vector<1024x1xf32>
    %add3A_43 = arith.addf %exp3A, %div3A_42 : vector<1024x1xf32>
    %mul3A_44 = arith.constant 5.000000e-01 : f32
    %mul3A_45 = vector.broadcast %mul3A_44 : f32 to vector<1024x1xf32>
    %mul3A_46 = arith.mulf %mul3A_45, %add3A_43 : vector<1024x1xf32>
    %div3A_47 = arith.constant 1.000000e+00 : f32
    %div3A_48 = vector.broadcast %div3A_47 : f32 to vector<1024x1xf32>
    %div3A_49 = arith.divf %div3A_48, %exp3A : vector<1024x1xf32>
    %sub3A = arith.subf %exp3A, %div3A_49 : vector<1024x1xf32>
    %mul3A_50 = arith.constant 5.000000e-01 : f32
    %mul3A_51 = vector.broadcast %mul3A_50 : f32 to vector<1024x1xf32>
    %mul3A_52 = arith.mulf %mul3A_51, %sub3A : vector<1024x1xf32>
    %mul3A_53 = vector.broadcast %get3A_2 : f32 to vector<1024x1xf32>
    %mul3A_54 = arith.mulf %mul3A_53, %mul3A_46 : vector<1024x1xf32>
    %mul3A_55 = vector.broadcast %get3A_2 : f32 to vector<1024x1xf32>
    %mul3A_56 = arith.mulf %mul3A_55, %mul3A_52 : vector<1024x1xf32>
    %div3A_57 = arith.divf %mul3A_56, %max3A_38 : vector<1024x1xf32>
    %mul3A_58 = vector.broadcast %div3A_57 : vector<1024x1xf32> to vector<1024x64xf32>
    %mul3A_59 = arith.mulf %mul3A_58, %min3A_31 : vector<1024x64xf32>
    %max3A_60 = arith.constant 0.000000e+00 : f32
    %max3A_61 = vector.broadcast %max3A_60 : f32 to vector<1024x64xf32>
    %max3A_62 = arith.maximumf %slice3A_32, %max3A_61 : vector<1024x64xf32>
    %abs3A = math.absf %slice3A_32 : vector<1024x64xf32>
    %neg3A = arith.constant 0.000000e+00 : f32
    %neg3A_63 = vector.broadcast %neg3A : f32 to vector<1024x64xf32>
    %neg3A_64 = arith.subf %neg3A_63, %abs3A : vector<1024x64xf32>
    %exp3A_65 = math.exp %neg3A_64 : vector<1024x64xf32>
    %log1p3A = math.log1p %exp3A_65 : vector<1024x64xf32>
    %add3A_66 = arith.addf %max3A_62, %log1p3A : vector<1024x64xf32>
    %add3A_67 = arith.constant 9.99999974E-6 : f32
    %add3A_68 = vector.broadcast %add3A_67 : f32 to vector<1024x64xf32>
    %add3A_69 = arith.addf %add3A_66, %add3A_68 : vector<1024x64xf32>
    %get3A_70 = arith.constant 0 : index
    %get3A_71 = arith.constant 0 : index
    %get3A_72 = vector.load %arg7[%get3A_70, %get3A_71] : memref<1024x64xf32, #tpu.memory_space<vmem>>, vector<1024x64xf32>
    %mul3A_73 = arith.mulf %get3A_72, %add3A_69 : vector<1024x64xf32>
    %mul3A_74 = arith.mulf %mul3A_59, %mul3A_73 : vector<1024x64xf32>
    %reduce_sum3A_75 = arith.constant dense<0.000000e+00> : vector<1024xf32>
    %reduce_sum3A_76 = vector.multi_reduction <add>, %mul3A_74, %reduce_sum3A_75 [1] : vector<1024x64xf32> to vector<1024xf32>
    %broadcast_in_dim3A_77 = vector.shape_cast %reduce_sum3A_76 : vector<1024xf32> to vector<1024x1xf32>
    %add3A_78 = vector.broadcast %get3A_2 : f32 to vector<1024x1xf32>
    %add3A_79 = arith.addf %add3A_78, %mul3A_54 : vector<1024x1xf32>
    %mul3A_80 = vector.broadcast %get3A_2 : f32 to vector<1024x1xf32>
    %mul3A_81 = arith.mulf %mul3A_80, %add3A_79 : vector<1024x1xf32>
    %div3A_82 = arith.divf %broadcast_in_dim3A_77, %mul3A_81 : vector<1024x1xf32>
    %add3A_83 = vector.broadcast %get3A_2 : f32 to vector<1024x1xf32>
    %add3A_84 = arith.addf %add3A_83, %mul3A_54 : vector<1024x1xf32>
    %mul3A_85 = arith.mulf %div3A_82, %add3A_84 : vector<1024x1xf32>
    %mul3A_86 = vector.broadcast %div3A_82 : vector<1024x1xf32> to vector<1024x64xf32>
    %mul3A_87 = arith.mulf %mul3A_86, %mul3A_59 : vector<1024x64xf32>
    %add3A_88 = arith.addf %mul3A_73, %mul3A_87 : vector<1024x64xf32>
    %mul3A_89 = arith.mulf %add3A_88, %add3A_88 : vector<1024x64xf32>
    %reduce_sum3A_90 = arith.constant dense<0.000000e+00> : vector<1024xf32>
    %reduce_sum3A_91 = vector.multi_reduction <add>, %mul3A_89, %reduce_sum3A_90 [1] : vector<1024x64xf32> to vector<1024xf32>
    %broadcast_in_dim3A_92 = vector.shape_cast %reduce_sum3A_91 : vector<1024xf32> to vector<1024x1xf32>
    %mul3A_93 = arith.mulf %mul3A_85, %mul3A_85 : vector<1024x1xf32>
    %sub3A_94 = arith.subf %broadcast_in_dim3A_92, %mul3A_93 : vector<1024x1xf32>
    %max3A_95 = arith.constant 9.99999993E-9 : f32
    %max3A_96 = vector.broadcast %max3A_95 : f32 to vector<1024x1xf32>
    %max3A_97 = arith.maximumf %sub3A_94, %max3A_96 : vector<1024x1xf32>
    %sqrt3A_98 = math.sqrt %max3A_97 : vector<1024x1xf32>
    %div3A_99 = vector.broadcast %get3A_2 : f32 to vector<1024x1xf32>
    %div3A_100 = arith.divf %sqrt3A_98, %div3A_99 : vector<1024x1xf32>
    %exp3A_101 = math.exp %div3A_100 : vector<1024x1xf32>
    %div3A_102 = arith.constant 1.000000e+00 : f32
    %div3A_103 = vector.broadcast %div3A_102 : f32 to vector<1024x1xf32>
    %div3A_104 = arith.divf %div3A_103, %exp3A_101 : vector<1024x1xf32>
    %add3A_105 = arith.addf %exp3A_101, %div3A_104 : vector<1024x1xf32>
    %mul3A_106 = arith.constant 5.000000e-01 : f32
    %mul3A_107 = vector.broadcast %mul3A_106 : f32 to vector<1024x1xf32>
    %mul3A_108 = arith.mulf %mul3A_107, %add3A_105 : vector<1024x1xf32>
    %div3A_109 = arith.constant 1.000000e+00 : f32
    %div3A_110 = vector.broadcast %div3A_109 : f32 to vector<1024x1xf32>
    %div3A_111 = arith.divf %div3A_110, %exp3A_101 : vector<1024x1xf32>
    %sub3A_112 = arith.subf %exp3A_101, %div3A_111 : vector<1024x1xf32>
    %mul3A_113 = arith.constant 5.000000e-01 : f32
    %mul3A_114 = vector.broadcast %mul3A_113 : f32 to vector<1024x1xf32>
    %mul3A_115 = arith.mulf %mul3A_114, %sub3A_112 : vector<1024x1xf32>
    %mul3A_116 = vector.broadcast %get3A_2 : f32 to vector<1024x1xf32>
    %mul3A_117 = arith.mulf %mul3A_115, %mul3A_116 : vector<1024x1xf32>
    %div3A_118 = arith.divf %mul3A_117, %sqrt3A_98 : vector<1024x1xf32>
    %mul3A_119 = arith.mulf %mul3A_108, %mul3A_54 : vector<1024x1xf32>
    %mul3A_120 = arith.mulf %div3A_118, %mul3A_85 : vector<1024x1xf32>
    %add3A_121 = arith.addf %mul3A_119, %mul3A_120 : vector<1024x1xf32>
    %mul3A_122 = vector.broadcast %mul3A_108 : vector<1024x1xf32> to vector<1024x64xf32>
    %mul3A_123 = arith.mulf %mul3A_122, %mul3A_59 : vector<1024x64xf32>
    %mul3A_124 = vector.broadcast %div3A_118 : vector<1024x1xf32> to vector<1024x64xf32>
    %mul3A_125 = arith.mulf %mul3A_124, %add3A_88 : vector<1024x64xf32>
    %add3A_126 = arith.addf %mul3A_123, %mul3A_125 : vector<1024x64xf32>
    %iota3A = tpu.iota {dimensions = array<i32: 1>} : vector<1024x128xi32>
    %eq3A = arith.constant 0 : i32
    %eq3A_127 = vector.broadcast %eq3A : i32 to vector<1024x128xi32>
    %eq3A_128 = arith.cmpi eq, %iota3A, %eq3A_127 : vector<1024x128xi32>
    %jit3A_129 = arith.constant 0.000000e+00 : f32
    %broadcast_in_dim3A_130 = vector.shape_cast %mul3A_54 : vector<1024x1xf32> to vector<1024x1xf32>
    %broadcast_in_dim3A_131 = vector.broadcast %broadcast_in_dim3A_130 : vector<1024x1xf32> to vector<1024x128xf32>
    %broadcast_in_dim3A_132 = vector.broadcast %jit3A_129 : f32 to vector<1024x128xf32>
    %select_n3A_133 = arith.select %eq3A_128, %broadcast_in_dim3A_131, %broadcast_in_dim3A_132 : vector<1024x128xi1>, vector<1024x128xf32>
    %eq3A_134 = arith.constant 1 : i32
    %eq3A_135 = vector.broadcast %eq3A_134 : i32 to vector<1024x128xi32>
    %eq3A_136 = arith.cmpi eq, %iota3A, %eq3A_135 : vector<1024x128xi32>
    %jit3A_137 = arith.constant 0.000000e+00 : f32
    %broadcast_in_dim3A_138 = vector.shape_cast %mul3A_85 : vector<1024x1xf32> to vector<1024x1xf32>
    %broadcast_in_dim3A_139 = vector.broadcast %broadcast_in_dim3A_138 : vector<1024x1xf32> to vector<1024x128xf32>
    %broadcast_in_dim3A_140 = vector.broadcast %jit3A_137 : f32 to vector<1024x128xf32>
    %select_n3A_141 = arith.select %eq3A_136, %broadcast_in_dim3A_139, %broadcast_in_dim3A_140 : vector<1024x128xi1>, vector<1024x128xf32>
    %add3A_142 = arith.addf %select_n3A_133, %select_n3A_141 : vector<1024x128xf32>
    %eq3A_143 = arith.constant 2 : i32
    %eq3A_144 = vector.broadcast %eq3A_143 : i32 to vector<1024x128xi32>
    %eq3A_145 = arith.cmpi eq, %iota3A, %eq3A_144 : vector<1024x128xi32>
    %jit3A_146 = arith.constant 0.000000e+00 : f32
    %broadcast_in_dim3A_147 = vector.shape_cast %add3A_121 : vector<1024x1xf32> to vector<1024x1xf32>
    %broadcast_in_dim3A_148 = vector.broadcast %broadcast_in_dim3A_147 : vector<1024x1xf32> to vector<1024x128xf32>
    %broadcast_in_dim3A_149 = vector.broadcast %jit3A_146 : f32 to vector<1024x128xf32>
    %select_n3A_150 = arith.select %eq3A_145, %broadcast_in_dim3A_148, %broadcast_in_dim3A_149 : vector<1024x128xi1>, vector<1024x128xf32>
    %add3A_151 = arith.addf %add3A_142, %select_n3A_150 : vector<1024x128xf32>
    %swap3A = arith.constant 0 : index
    %swap3A_152 = arith.constant 0 : index
    %swap3A_153 = vector.load %arg9[%swap3A, %swap3A_152] : memref<1024x64xf32, #tpu.memory_space<vmem>>, vector<1024x64xf32>
    tpu.vector_store %arg9[%swap3A, %swap3A_152], %add3A_126 {strides = array<i32>} : memref<1024x64xf32, #tpu.memory_space<vmem>>, vector<1024x64xf32>,
    %swap3A_154 = arith.constant 0 : index
    %swap3A_155 = arith.constant 0 : index
    %swap3A_156 = vector.load %arg10[%swap3A_154, %swap3A_155] : memref<1024x64xf32, #tpu.memory_space<vmem>>, vector<1024x64xf32>
    tpu.vector_store %arg10[%swap3A_154, %swap3A_155], %mul3A_59 {strides = array<i32>} : memref<1024x64xf32, #tpu.memory_space<vmem>>, vector<1024x64xf32>,
    %swap3A_157 = arith.constant 0 : index
    %swap3A_158 = arith.constant 0 : index
    %swap3A_159 = vector.load %arg11[%swap3A_157, %swap3A_158] : memref<1024x64xf32, #tpu.memory_space<vmem>>, vector<1024x64xf32>
    tpu.vector_store %arg11[%swap3A_157, %swap3A_158], %add3A_69 {strides = array<i32>} : memref<1024x64xf32, #tpu.memory_space<vmem>>, vector<1024x64xf32>,
    %swap3A_160 = arith.constant 0 : index
    %swap3A_161 = arith.constant 0 : index
    %swap3A_162 = vector.load %arg12[%swap3A_160, %swap3A_161] : memref<1024x64xf32, #tpu.memory_space<vmem>>, vector<1024x64xf32>
    tpu.vector_store %arg12[%swap3A_160, %swap3A_161], %mul3A_73 {strides = array<i32>} : memref<1024x64xf32, #tpu.memory_space<vmem>>, vector<1024x64xf32>,
    %swap3A_163 = arith.constant 0 : index
    %swap3A_164 = arith.constant 0 : index
    %swap3A_165 = vector.load %arg13[%swap3A_163, %swap3A_164] : memref<1024x64xf32, #tpu.memory_space<vmem>>, vector<1024x64xf32>
    tpu.vector_store %arg13[%swap3A_163, %swap3A_164], %add3A_88 {strides = array<i32>} : memref<1024x64xf32, #tpu.memory_space<vmem>>, vector<1024x64xf32>,
    %swap3A_166 = arith.constant 0 : index
    %swap3A_167 = arith.constant 0 : index
    %swap3A_168 = vector.load %arg14[%swap3A_166, %swap3A_167] : memref<1024x128xf32, #tpu.memory_space<vmem>>, vector<1024x128xf32>
    tpu.vector_store %arg14[%swap3A_166, %swap3A_167], %add3A_151 {strides = array<i32>} : memref<1024x128xf32, #tpu.memory_space<vmem>>, vector<1024x128xf32>,
    return
  }
  func.func @transform_0(%arg0: i32) -> (i32, i32) {
    %c0_i32 = arith.constant 0 : i32
    %c0_i32_0 = arith.constant 0 : i32
    return %arg0, %c0_i32 : i32, i32
  }
  func.func @transform_1(%arg0: i32) -> (i32, i32) {
    %c0_i32 = arith.constant 0 : i32
    %c0_i32_0 = arith.constant 0 : i32
    return %arg0, %c0_i32 : i32, i32
  }
  func.func @transform_2(%arg0: i32) -> (i32, i32) {
    %c0_i32 = arith.constant 0 : i32
    %c0_i32_0 = arith.constant 0 : i32
    return %arg0, %c0_i32 : i32, i32
  }
  func.func @transform_3(%arg0: i32) -> (i32, i32) {
    %c0_i32 = arith.constant 0 : i32
    %c0_i32_0 = arith.constant 0 : i32
    return %arg0, %c0_i32 : i32, i32
  }
  func.func @transform_4(%arg0: i32) -> (i32, i32) {
    %c0_i32 = arith.constant 0 : i32
    %c0_i32_0 = arith.constant 0 : i32
    %c0_i32_1 = arith.constant 0 : i32
    return %c0_i32, %c0_i32_0 : i32, i32
  }
  func.func @transform_5(%arg0: i32) -> (i32, i32) {
    %c0_i32 = arith.constant 0 : i32
    %c0_i32_0 = arith.constant 0 : i32
    %c0_i32_1 = arith.constant 0 : i32
    return %c0_i32, %c0_i32_0 : i32, i32
  }
  func.func @transform_6(%arg0: i32) -> (i32, i32) {
    %c0_i32 = arith.constant 0 : i32
    %c0_i32_0 = arith.constant 0 : i32
    return %arg0, %c0_i32 : i32, i32
  }
  func.func @transform_7(%arg0: i32) -> (i32, i32) {
    %c0_i32 = arith.constant 0 : i32
    %c0_i32_0 = arith.constant 0 : i32
    %c0_i32_1 = arith.constant 0 : i32
    return %c0_i32, %c0_i32_0 : i32, i32
  }
  func.func @transform_8(%arg0: i32) -> (i32, i32) {
    %c0_i32 = arith.constant 0 : i32
    %c0_i32_0 = arith.constant 0 : i32
    return %arg0, %c0_i32 : i32, i32
  }
  func.func @transform_9(%arg0: i32) -> (i32, i32) {
    %c0_i32 = arith.constant 0 : i32
    %c0_i32_0 = arith.constant 0 : i32
    return %arg0, %c0_i32 : i32, i32
  }
  func.func @transform_10(%arg0: i32) -> (i32, i32) {
    %c0_i32 = arith.constant 0 : i32
    %c0_i32_0 = arith.constant 0 : i32
    return %arg0, %c0_i32 : i32, i32
  }
  func.func @transform_11(%arg0: i32) -> (i32, i32) {
    %c0_i32 = arith.constant 0 : i32
    %c0_i32_0 = arith.constant 0 : i32
    return %arg0, %c0_i32 : i32, i32
  }
  func.func @transform_12(%arg0: i32) -> (i32, i32) {
    %c0_i32 = arith.constant 0 : i32
    %c0_i32_0 = arith.constant 0 : i32
    return %arg0, %c0_i32 : i32, i32
  }
  func.func @transform_13(%arg0: i32) -> (i32, i32) {
    %c0_i32 = arith.constant 0 : i32
    %c0_i32_0 = arith.constant 0 : i32
    return %arg0, %c0_i32 : i32, i32
  }
}

</mosaic_0001>

<sc_bundles>
// kernel: kernel.10.cloned.1.call-start
scs
__scs_entry_jumppad:
0x0: {  	(pc) =	sbr.rel $0x88, $3  }
0x1: {  	(tag) =	ssettag $0x0;
	lr =	simm.s32 $0x1  }
0x2: {  	[smem:$0x3F96] =	sst lr;
	_ =	strace $0xD0000000  }
0x3: {  	_ = 	snop  }
0x4: {  	_ = 	snop  }
0x5: {  	_ = 	snop  }
0x6: {  	_ = 	snop  }
0x7: {  	_ = 	snop  }
__scs_overlays_trampoline_lowered:
0x8: {  	[smem:$0x3FA5] =	sst s0  }
0x9: {  	[smem:$0x3FA6] =	sst s1  }
0xa: {  	[smem:$0x3FA7] =	sst s2  }
0xb: {  	[smem:$0x3FA8] =	sst s3  }
0xc: {  	[smem:$0x3FA9] =	sst s4  }
0xd: {  	[smem:$0x3FAA] =	sst s5  }
0xe: {  	[smem:$0x3FAB] =	sst s6  }
0xf: {  	[smem:$0x3FAC] =	sst s7  }
0x10: {  	[smem:$0x3FAD] =	sst s8  }
0x11: {  	[smem:$0x3FAE] =	sst s9;
	s0 =	simm.s32 @!p0 $0x0  }
0x12: {  	s1 =	sld [smem:$0x3F94];
	s0 =	simm.s32 @p0 $0x1  }
0x13: {  	[smem:$0x3FAF] =	sst s0;
	s0 =	simm.s32 @!p1 $0x0  }
0x14: {  	s2 =	sld [smem:$0x3F93];
	s0 =	simm.s32 @p1 $0x1  }
0x15: {  	[smem:$0x3FB0] =	sst s0;
	s0 =	simm.s32 @!p2 $0x0  }
0x16: {  	s3 =	sld [smem:$0x3FDB];
	s0 =	simm.s32 @p2 $0x1  }
0x17: {  	s4 =	simm.s32 $0x1BF5;
	[smem:$0x3FB2] =	sst s0  }
0x18: {  	s0 =	sld [smem:$0x3F95];
	_ =	swait.ge [sflag:s4], $0x0  }
0x19: {  	s7 =	sld [smem:$0x3F96]  }
0x1a: {  	s8 =	sadd.s32 $0xFFFFE003, lr  }
0x1b: {  	s9 =	sadd.s32 $0xFFFFFEF7, lr;
	s5 =	simm.s32 $0xFFFFFFFF;
	p2 =	slt.u32 s8, $0xFFFFF086  }
0x1c: {  	p1 =	slt.u32 s9, $0xF7A;
	s5 =	simm.s32 @!p2 $0x0  }
0x1d: {  	s5 =	simm.s32 @p1 $0x1;
	p0 =	seq.s32 s7, s2  }
0x1e: {  	s7 =	smul.u32 @!p0 $0xF7A, s2;
	p2 =	seq.s32 @!p0 s5, $0x0  }
0x1f: {  	s9 =	smul.u32 $0xF7A, s1;
	s8 =	simm.s32 @!p0 $0x1BF5;
	p2 =	por !p2, p0  }
0x20: {  	[sflag:s8] =	ssyncset.s32 @!p0 $0xFFFFF086;
	s6 =	sadd.s32 @!p0 s3, s7;
	s7 =	simm.s32 @!p0 $0x108  }
0x21: {  	s3 =	sadd.s32 s3, s9;
	s6 =	sadd.s32 @!p0 $0x88, s6;
	s7 =	simm.s32 @p2 $0x1082  }
0x22: {  	[simem:s7], [sflag:s8] =	dma.local @!p0 [hbm:s6], $0xF7A  }
0x23: {  	s9 =	sor.u32 $0xD0000000, s2;
	s6 =	simm.s32 $0x108;
	_ =	swait.ge @!p0 [sflag:s8], $0x0  }
0x24: {  	s3 =	sadd.s32 $0x88, s3;
	s6 =	simm.s32 @!p1 $0x1082;
	[sflag:s4] =	ssyncset.s32 $0xFFFFF086  }
0x25: {  	[simem:s6], [sflag:s4] =	dma.local [hbm:s3], $0xF7A  }
0x26: {  	[smem:$0x3F96] =	sst s1;
	(tag) =	ssettag s2;
	_ =	strace s9  }
0x27: {  	s1 =	sld [smem:$0x3FA6]  }
0x28: {  	s2 =	sld [smem:$0x3FA7]  }
0x29: {  	s4 =	sld [smem:$0x3FA9]  }
0x2a: {  	p0 =	seq.s32 s5, $0x0;
	s5 =	sld [smem:$0x3FAA]  }
0x2b: {  	s6 =	sld [smem:$0x3FAB]  }
0x2c: {  	s7 =	sld [smem:$0x3FAC]  }
0x2d: {  	s3 =	simm.s32 $0x108;
	s8 =	sld [smem:$0x3FAD]  }
0x2e: {  	s3 =	simm.s32 @!p0 $0x1082;
	s9 =	sld [smem:$0x3FAE]  }
0x2f: {  	lr =	sadd.s32 s0, s3;
	s0 =	sld [smem:$0x3FA5]  }
0x30: {  	s3 =	sld [smem:$0x3FA8]  }
0x31: {  	[smem:$0x3FB1] =	sst s10  }
0x32: {  	s10 =	sld [smem:$0x3FAF];
	_ =	sdelay $0x3  }
0x33: {  	p0 =	seq.s32 s10, $0x1;
	s10 =	sld [smem:$0x3FB1];
	_ =	sdelay $0x3  }
0x34: {  	[smem:$0x3FB1] =	sst s10  }
0x35: {  	s10 =	sld [smem:$0x3FB0];
	_ =	sdelay $0x3  }
0x36: {  	p1 =	seq.s32 s10, $0x1;
	s10 =	sld [smem:$0x3FB1];
	_ =	sdelay $0x3  }
0x37: {  	[smem:$0x3FB1] =	sst s10  }
0x38: {  	s10 =	sld [smem:$0x3FB2]  }
0x39: {  	_ = 	snop;
	(pc) =	sbr.ind lr, $3  }
0x3a: {  	_ = 	snop  }
0x3b: {  	_ = 	snop  }
0x3c: {  	p2 =	seq.s32 s10, $0x1;
	s10 =	sld [smem:$0x3FB1]  }
0x3d: {  	_ =	shalt  }
0x3e: {  	_ =	shalt  }
0x3f: {  	_ =	shalt  }
0x40: {  	_ =	shalt  }
0x41: {  	_ =	shalt  }
0x42: {  	_ =	shalt  }
0x43: {  	_ =	shalt  }
0x44: {  	_ =	shalt  }
0x45: {  	_ =	shalt  }
0x46: {  	_ =	shalt  }
0x47: {  	_ =	shalt  }
0x48: {  	_ =	shalt  }
0x49: {  	_ =	shalt  }
0x4a: {  	_ =	shalt  }
0x4b: {  	_ =	shalt  }
0x4c: {  	_ =	shalt  }
0x4d: {  	_ =	shalt  }
0x4e: {  	_ =	shalt  }
0x4f: {  	_ =	shalt  }
0x50: {  	_ =	shalt  }
0x51: {  	_ =	shalt  }
0x52: {  	_ =	shalt  }
0x53: {  	_ =	shalt  }
0x54: {  	_ =	shalt  }
0x55: {  	_ =	shalt  }
0x56: {  	_ =	shalt  }
0x57: {  	_ =	shalt  }
0x58: {  	_ =	shalt  }
0x59: {  	_ =	shalt  }
0x5a: {  	_ =	shalt  }
0x5b: {  	_ =	shalt  }
0x5c: {  	_ =	shalt  }
0x5d: {  	_ =	shalt  }
0x5e: {  	_ =	shalt  }
0x5f: {  	_ =	shalt  }
0x60: {  	_ =	shalt  }
0x61: {  	_ =	shalt  }
0x62: {  	_ =	shalt  }
0x63: {  	_ =	shalt  }
0x64: {  	_ =	shalt  }
0x65: {  	_ =	shalt  }
0x66: {  	_ =	shalt  }
0x67: {  	_ =	shalt  }
0x68: {  	_ =	shalt  }
0x69: {  	_ =	shalt  }
0x6a: {  	_ =	shalt  }
0x6b: {  	_ =	shalt  }
0x6c: {  	_ =	shalt  }
0x6d: {  	_ =	shalt  }
0x6e: {  	_ =	shalt  }
0x6f: {  	_ =	shalt  }
0x70: {  	_ =	shalt  }
0x71: {  	_ =	shalt  }
0x72: {  	_ =	shalt  }
0x73: {  	_ =	shalt  }
0x74: {  	_ =	shalt  }
0x75: {  	_ =	shalt  }
0x76: {  	_ =	shalt  }
0x77: {  	_ =	shalt  }
0x78: {  	_ =	shalt  }
0x79: {  	_ =	shalt  }
0x7a: {  	_ =	shalt  }
0x7b: {  	_ =	shalt  }
0x7c: {  	_ =	shalt  }
0x7d: {  	_ =	shalt  }
0x7e: {  	_ =	shalt  }
0x7f: {  	_ =	shalt  }
0x80: {  	_ =	shalt  }
0x81: {  	_ =	shalt  }
0x82: {  	_ =	shalt  }
0x83: {  	_ =	shalt  }
0x84: {  	_ =	shalt  }
0x85: {  	_ =	shalt  }
0x86: {  	_ =	shalt  }
0x87: {  	_ =	shalt  }
.Lfunc_end0:
.L_simem_size_0:
called_computation_lowered:
.L_overlay_start_0:
0x88: {  	s2 =	sld [smem:$0x3FD9]  }
0x89: {  	s3 =	sld [smem:$0x3FFE];
	_ =	sdelay $0x1  }
0x8a: {  	s1 =	srdreg.scid  }
0x8b: {  	s0 =	sand.u32 $0x1, s1  }
0x8c: {  	s15 =	sshll.u32 s0, $0xA;
	s2 =	sadd.s32 s3, s2  }
0x8d: {  	s2 =	sadd.s32 s2, s15  }
0x8e: {  	[smem:$0x3FBD] =	sst s2  }
0x8f: {  	_ = 	snop  }
0x90: {  	s2 =	sld [smem:$0x3FD0];
	_ =	sdelay $0x2  }
0x91: {  	s16 =	simm.s32 $0xA;
	s4 =	simm.s32 $0x10  }
0x92: {  	[smem:s4], [sflag:s16] =	dma.local [hbm:s2], $0x1  }
0x93: {  	_ =	swait.eq [sflag:s16], $0x1  }
0x94: {  	s17 =	sld [smem:$0x10]  }
0x95: {  	s18 =	sld [smem:$0x11];
	[sflag:s16] =	ssyncset.done $0x0  }
0x96: {  	s5 =	sld [smem:$0x12];
	[sflag:s16] =	ssyncadd.s32 $0xFFFFFFFF  }
0x97: {  	s19 =	sld [smem:$0x13];
	(tm) =	ssettm $0x1  }
0x98: {  	s6 =	sld [smem:$0x3FFB];
	_ =	sdelay $0x3  }
0x99: {  	_ =	strace s6  }
0x9a: {  	s6 =	sld [smem:$0x3FFC];
	_ =	sdelay $0x3  }
0x9b: {  	_ =	strace s6  }
0x9c: {  	s6 =	sld [smem:$0x3FFD];
	_ =	sdelay $0x3  }
0x9d: {  	_ =	strace s6  }
0x9e: {  	_ =	strace $0x8FFFFFFF  }
0x9f: {  	s20 =	sld [smem:$0x3FDB];
	_ =	sdelay $0x1  }
0xa0: {  	s7 =	simm.s32 $_scs_section_size  }
0xa1: {  	s8 =	simm.s32 $_size__tile_overlayer_lowered;
	s9 =	simm.s32 $_tile_overlayer_lowered  }
0xa2: {  	s23 =	simm.s32 $0x1BFF;
	s22 =	sshll.u32 s9, $0x1;
	s6 =	sadd.s32 s7, s20  }
0xa3: {  	s10 =	simm.s32 $0x0;
	s21 =	sshll.u32 s8, $0x1;
	s8 =	sadd.s32 s22, s6  }
0xa4: {  	[timem:s10], [sflag:s23] =	dma.local [hbm:s8], s21  }
0xa5: {  	_ =	swait.ge [sflag:s23], s21  }
0xa6: {  	s7 =	ssub.s32 $0x0, s21;
	[sflag:s23] =	ssyncset.done $0x0  }
0xa7: {  	[sflag:s23] =	ssyncadd.s32 s7;
	_ =	sdelay $0x1  }
0xa8: {  	s24 =	simm.s32 $0x1B8B  }
0xa9: {  	_ =	swait.ge [sflag:s24], $0x1  }
0xaa: {  	[sflag:s24] =	ssyncset.done $0x0  }
0xab: {  	s25 =	simm.s32 $0x1B8E;
	[sflag:s24] =	ssyncadd.s32 $0xFFFFFFFF  }
0xac: {  	s26 =	simm.s32 $execute0_lowered;
	[smem:$0x3FD2] =	sst s25  }
0xad: {  	s7 =	sshll.u32 s26, $0x1;
	_ =	strace $0x80000046;
	[dreg:$0x1] =	wrdreg $0xFFFFFFFF  }
0xae: {  	s28 =	simm.s32 $_size_execute0_lowered;
	s6 =	sadd.s32 s6, s7;
	[dreg:$0x0] =	wrdreg $0x0  }
0xaf: {  	s7 =	sshll.u32 s28, $0x1;
	[dreg:$0x2] =	wrdreg s6  }
0xb0: {  	[dreg:$0x3] =	wrdreg s7  }
0xb1: {  	[dreg:$0x4] =	wrdreg $0xC0  }
0xb2: {  	_ =	task [dreg:s10], $0x5FFFF  }
0xb3: {  	[dreg:$0x1] =	wrdreg $0xFFFFFFFF  }
0xb4: {  	[dreg:$0x0] =	wrdreg $0x60  }
0xb5: {  	[dreg:$0x2] =	wrdreg s5  }
0xb6: {  	[dreg:$0x3] =	wrdreg s18  }
0xb7: {  	[dreg:$0x4] =	wrdreg s17  }
0xb8: {  	[dreg:$0x5] =	wrdreg s19  }
0xb9: {  	[dreg:$0x6] =	wrdreg $0x11000  }
0xba: {  	[dreg:$0x7] =	wrdreg $0x9  }
0xbb: {  	_ =	task.clear_ibuf [dreg:s10], $0x8FFFF;
	_ =	strace $0x90000046  }
0xbc: {  	s29 =	simm.s32 $0x9;
	_ =	strace $0x80000048  }
0xbd: {  	_ =	swait.ge [sflag:s29], $0x1  }
0xbe: {  	[sflag:s29] =	ssyncadd.s32 $0xFFFFFFFF  }
0xbf: {  	_ =	strace $0x90000048  }
0xc0: {  	_ =	sfence  }
0xc1: {  	s30 =	sld [smem:$0x0];
	_ =	sdelay $0x2  }
0xc2: {  	s31 =	sshll.u32 s1, $0xD;
	s1 =	sshrl.u32 s1, $0x2  }
0xc3: {  	s3 =	sand.u32 $0x4000, s31;
	s1 =	sadd.s32 s1, s30  }
0xc4: {  	s0 =	sor.u32 s3, s0;
	s1 =	sshll.u32 s1, $0x11  }
0xc5: {  	s0 =	sor.u32 s1, s0  }
0xc6: {  	s0 =	sadd.s32 $0x8F2B, s0  }
0xc7: {  	[sflag:s0] =	ssyncadd.remote.s32 $0x1  }
0xc8: {  	_ =	sfence.sel $0xFFFF  }
0xc9: {  	[dreg:$0x0] =	wrdreg $0xFFFFFFFF;
	(pc) =	sbr.abs _section_cstart, $3  }
0xca: {  	[dreg:$0x1] =	wrdreg $0xFFFFFFFF  }
0xcb: {  	_ =	task.clear_ibuf [dreg:s10], $0x2FFFF;
	_ =	strace $0x9FFFFFFF  }
0xcc: {  	(tm) =	ssettm $0x7FFFFFFF  }
0xcd: {  	_ =	shalt  }
tec
execute0_lowered:
.L_overlay_start_1:
0x0: {  	(tag) =	ssettag $0x1  }
0x1: {  	s11 =	rddreg [dreg:$0x0]  }
0x2: {  	s1 =	rddreg [dreg:$0x1]  }
0x3: {  	s2 =	rddreg [dreg:$0x2]  }
0x4: {  	s18 =	rddreg [dreg:$0x3]  }
0x5: {  	s4 =	rddreg [dreg:$0x4];
	s5 =	srdreg.scid  }
0x6: {  	s0 =	rddreg [dreg:$0x5];
	s3 =	stileid.u32  }
0x7: {  	s23 =	simm.s32 $0x80;
	s24 =	simm.s32 $0x0;
	s10 =	smul.u32 $0x280, s3  }
0x8: {  	s12 =	sand.u32 $0x1, s5;
	s5 =	simm.s32 $0x0;
	s15 =	smul.u32 $0x3000, s3  }
0x9: {  	s28 =	smul.u32 $0x500, s3;
	s6 =	ssub.s32 $0x2, s12;
	[smem:$0x7FF] =	sst s5  }
0xa: {  	s14 =	smul.u32 $0x30000, s12;
	s21 =	sshll.u32 s12, $0x7;
	s7 =	sshrl.u32 s6, $0x1  }
0xb: {  	_ =	strace $0x80000047;
	s13 =	sadd.s32 $0x80, s10;
	s16 =	sadd.s32 $0x100, s10  }
0xc: {  	s17 =	sadd.s32 $0x180, s10;
	s20 =	sadd.s32 $0x200, s10;
	s30 =	sor.u32 s21, s28  }
0xd: {  	s19 =	ssub.s32 s6, s7;
	s6 =	sadd.s32 s10, s4;
	s7 =	sadd.s32 s13, s4  }
0xe: {  	s8 =	sadd.s32 s16, s4;
	s9 =	sadd.s32 s17, s4;
	s10 =	sadd.s32 s20, s4  }
0xf: {  	s14 =	sadd.s32 s15, s14;
	s29 =	sshll.u32 s13, $0x1;
	s15 =	sshrl.u32 s30, $0x3  }
0x10: {  	s16 =	sshll.u32 s16, $0x1;
	s17 =	sshll.u32 s17, $0x1;
	s20 =	sshll.u32 s20, $0x1  }
0x11: {  	s14 =	sshrl.u32 s14, $0x3;
	s31 =	sor.u32 s21, s29;
	s16 =	sor.u32 s21, s16  }
0x12: {  	s17 =	sor.u32 s21, s17;
	s20 =	sor.u32 s21, s20;
	s19 =	smax.u32 s19, $0x1  }
0x13: {  	s21 =	simm.s32 $0x1;
	s11 =	sadd.s32 s11, s14;
	s22 =	sshrl.u32 s31, $0x3  }
0x14: {  	s14 =	sadd.s32 s18, s15;
	s16 =	sshrl.u32 s16, $0x3;
	s17 =	sshrl.u32 s17, $0x3  }
0x15: {  	s20 =	sshrl.u32 s20, $0x3;
	s12 =	sadd.s32 $0x200, s11;
	s13 =	sadd.s32 $0x400, s11  }
0x16: {  	s15 =	sadd.s32 s18, s22;
	s16 =	sadd.s32 s18, s16;
	s17 =	sadd.s32 s18, s17  }
0x17: {  	s18 =	sadd.s32 s18, s20;
	s20 =	simm.s32 $0x1000;
	s22 =	simm.s32 $0x1080  }
.LBB2_1:
0x18: {  	[tilespmem:s20], [sflag:$0x1] =	stream.linear.gather [hbm4b:s1+s5], $0x80, $0x38;
	[tilespmem:$0x1380] =	vst v63  }
0x19: {  	_ =	swait.ge [sflag:s21], $0x80  }
0x1a: {  	[sflag:s21] =	ssyncset.done $0x0  }
0x1b: {  	[sflag:s21] =	ssyncadd.s32 $0xFFFFFF80  }
0x1c: {  	[tilespmem:s22], [sflag:$0x1] =	stream.linear.gather [hbm4b:s2+s5], $0x80, $0x38;
	[tilespmem:$0x1380] =	vst v63  }
0x1d: {  	_ =	swait.ge [sflag:s21], $0x80  }
0x1e: {  	[sflag:s21] =	ssyncset.done $0x0  }
0x1f: {  	[sflag:s21] =	ssyncadd.s32 $0xFFFFFF80  }
0x20: {  	[spmem:s6] =	stream.linear.scatter [tilespmem:s22], [sflag:$0x1], $0x80, $0x38;
	[tilespmem:$0x1380] =	vst v63  }
0x21: {  	_ =	swait.ge [sflag:s21], $0x80  }
0x22: {  	[sflag:s21] =	ssyncset.done $0x0  }
0x23: {  	[sflag:s21] =	ssyncadd.s32 $0xFFFFFF80  }
0x24: {  	[spmem:s7] =	stream.linear.scatter [tilespmem:s22], [sflag:$0x1], $0x80, $0x38;
	[tilespmem:$0x1380] =	vst v63  }
0x25: {  	_ =	swait.ge [sflag:s21], $0x80  }
0x26: {  	[sflag:s21] =	ssyncset.done $0x0  }
0x27: {  	[sflag:s21] =	ssyncadd.s32 $0xFFFFFF80  }
0x28: {  	[spmem:s8] =	stream.linear.scatter [tilespmem:s22], [sflag:$0x1], $0x80, $0x38;
	[tilespmem:$0x1380] =	vst v63  }
0x29: {  	_ =	swait.ge [sflag:s21], $0x80  }
0x2a: {  	[sflag:s21] =	ssyncset.done $0x0  }
0x2b: {  	[sflag:s21] =	ssyncadd.s32 $0xFFFFFF80  }
0x2c: {  	[spmem:s9] =	stream.linear.scatter [tilespmem:s22], [sflag:$0x1], $0x80, $0x38;
	[tilespmem:$0x1380] =	vst v63  }
0x2d: {  	_ =	swait.ge [sflag:s21], $0x80  }
0x2e: {  	[sflag:s21] =	ssyncset.done $0x0  }
0x2f: {  	[sflag:s21] =	ssyncadd.s32 $0xFFFFFF80  }
0x30: {  	[spmem:s10] =	stream.linear.scatter [tilespmem:s22], [sflag:$0x1], $0x80, $0x38;
	[tilespmem:$0x1380] =	vst v63  }
0x31: {  	_ =	swait.ge [sflag:s21], $0x80  }
0x32: {  	[sflag:s21] =	ssyncset.done $0x0  }
0x33: {  	[sflag:s21] =	ssyncadd.s32 $0xFFFFFF80  }
0x34: {  	[bflag:$0x0] =	sbarrier.arrive $0xFFFF  }
0x35: {  	[tilespmem:s5], [sflag:$0x1] =	stream.linear.gather [hbm4b:s11+s5], $0xE00, $0x38;
	[tilespmem:$0x1380] =	vst v63  }
0x36: {  	_ =	swait.ge [sflag:s21], $0xE00  }
0x37: {  	[sflag:s21] =	ssyncset.done $0x0  }
0x38: {  	s25 =	simm.s32 $0x0;
	[sflag:s21] =	ssyncadd.s32 $0xFFFFF200  }
0x39: {  	[spmem:s4] =	stream.indirect.scatter.add.f32 [tilespmem:s20], [sflag:$0x1], $0x1, s25, s23, $0xb8;
	[tilespmem:$0x1380] =	vst v63  }
0x3a: {  	_ =	swait.ge [sflag:s21], $0x80  }
0x3b: {  	s25 =	simm.s32 $0x200;
	[sflag:s21] =	ssyncset.done $0x0  }
.LBB2_2:
0x3c: {  	s26 =	sshra.s32 s25, $0x2;
	[sflag:s21] =	ssyncadd.s32 $0xFFFFFF80;
	p0 =	sne.s32 s25, $0x3600  }
0x3d: {  	[spmem:s4] =	stream.indirect.scatter.add.f32 [tilespmem:s20], [sflag:$0x1], $0x1, s26, s23, $0xb8;
	[tilespmem:$0x1380] =	vst v63  }
.Ltmp0:
0x3e: {  	_ = 	snop;
	(pc) =	sbr.rel @p0 .LBB2_2-.Ltmp0, $4  }
0x3f: {  	_ = 	snop  }
0x40: {  	s25 =	sadd.s32 $0x200, s25  }
0x41: {  	_ =	swait.ge [sflag:s21], $0x80  }
0x42: {  	[sflag:s21] =	ssyncset.done $0x0  }
0x43: {  	[sflag:s21] =	ssyncadd.s32 $0xFFFFFF80;
	s25 =	simm.s32 $0x0  }
0x44: {  	[tilespmem:s25], [sflag:$0x1] =	stream.linear.gather [hbm4b:s12+s25], $0xE00, $0x38;
	[tilespmem:$0x1380] =	vst v63  }
0x45: {  	_ =	swait.ge [sflag:s21], $0xE00  }
0x46: {  	[sflag:s21] =	ssyncset.done $0x0  }
0x47: {  	s31 =	simm.s32 $0x0;
	[sflag:s21] =	ssyncadd.s32 $0xFFFFF200  }
0x48: {  	[spmem:s4] =	stream.indirect.scatter.add.f32 [tilespmem:s20], [sflag:$0x1], $0x1, s31, s23, $0xb8;
	[tilespmem:$0x1380] =	vst v63  }
0x49: {  	_ =	swait.ge [sflag:s21], $0x80  }
0x4a: {  	s25 =	simm.s32 $0x200;
	[sflag:s21] =	ssyncset.done $0x0  }
.LBB2_4:
0x4b: {  	s26 =	sshra.s32 s25, $0x2;
	[sflag:s21] =	ssyncadd.s32 $0xFFFFFF80;
	p0 =	sne.s32 s25, $0x3600  }
0x4c: {  	[spmem:s4] =	stream.indirect.scatter.add.f32 [tilespmem:s20], [sflag:$0x1], $0x1, s26, s23, $0xb8;
	[tilespmem:$0x1380] =	vst v63  }
.Ltmp1:
0x4d: {  	_ = 	snop;
	(pc) =	sbr.rel @p0 .LBB2_4-.Ltmp1, $4  }
0x4e: {  	_ = 	snop  }
0x4f: {  	s25 =	sadd.s32 $0x200, s25  }
0x50: {  	_ =	swait.ge [sflag:s21], $0x80  }
0x51: {  	[sflag:s21] =	ssyncset.done $0x0  }
0x52: {  	[sflag:s21] =	ssyncadd.s32 $0xFFFFFF80;
	s25 =	simm.s32 $0x0  }
0x53: {  	[tilespmem:s25], [sflag:$0x1] =	stream.linear.gather [hbm4b:s13+s25], $0xE00, $0x38;
	[tilespmem:$0x1380] =	vst v63  }
0x54: {  	_ =	swait.ge [sflag:s21], $0xE00  }
0x55: {  	[sflag:s21] =	ssyncset.done $0x0  }
0x56: {  	s31 =	simm.s32 $0x0;
	[sflag:s21] =	ssyncadd.s32 $0xFFFFF200  }
0x57: {  	[spmem:s4] =	stream.indirect.scatter.add.f32 [tilespmem:s20], [sflag:$0x1], $0x1, s31, s23, $0xb8;
	[tilespmem:$0x1380] =	vst v63  }
0x58: {  	_ =	swait.ge [sflag:s21], $0x80  }
0x59: {  	s25 =	simm.s32 $0x200;
	[sflag:s21] =	ssyncset.done $0x0  }
.LBB2_6:
0x5a: {  	s26 =	sshra.s32 s25, $0x2;
	[sflag:s21] =	ssyncadd.s32 $0xFFFFFF80;
	p0 =	sne.s32 s25, $0x3600  }
0x5b: {  	[spmem:s4] =	stream.indirect.scatter.add.f32 [tilespmem:s20], [sflag:$0x1], $0x1, s26, s23, $0xb8;
	[tilespmem:$0x1380] =	vst v63  }
.Ltmp2:
0x5c: {  	_ = 	snop;
	(pc) =	sbr.rel @p0 .LBB2_6-.Ltmp2, $4  }
0x5d: {  	_ = 	snop  }
0x5e: {  	s25 =	sadd.s32 $0x200, s25  }
0x5f: {  	_ =	swait.ge [sflag:s21], $0x80  }
0x60: {  	[sflag:s21] =	ssyncset.done $0x0  }
0x61: {  	[sflag:s21] =	ssyncadd.s32 $0xFFFFFF80  }
0x62: {  	[bflag:$0x0] =	sbarrier.arrive $0xFFFF  }
0x63: {  	[tilespmem:s22], [sflag:$0x1] =	stream.linear.gather [spmem:s6], $0x80, $0x38;
	[tilespmem:$0x1380] =	vst v63  }
0x64: {  	_ =	swait.ge [sflag:s21], $0x80  }
0x65: {  	[sflag:s21] =	ssyncset.done $0x0  }
0x66: {  	[sflag:s21] =	ssyncadd.s32 $0xFFFFFF80  }
0x67: {  	[hbm4b:s14+s5] =	stream.linear.scatter [tilespmem:s22], [sflag:$0x1], $0x80, $0x38;
	[tilespmem:$0x1380] =	vst v63  }
0x68: {  	_ =	swait.ge [sflag:s21], $0x80  }
0x69: {  	[sflag:s21] =	ssyncset.done $0x0  }
0x6a: {  	[sflag:s21] =	ssyncadd.s32 $0xFFFFFF80  }
0x6b: {  	[tilespmem:s22], [sflag:$0x1] =	stream.linear.gather [spmem:s7], $0x80, $0x38;
	[tilespmem:$0x1380] =	vst v63  }
0x6c: {  	_ =	swait.ge [sflag:s21], $0x80  }
0x6d: {  	[sflag:s21] =	ssyncset.done $0x0  }
0x6e: {  	[sflag:s21] =	ssyncadd.s32 $0xFFFFFF80  }
0x6f: {  	[hbm4b:s15+s5] =	stream.linear.scatter [tilespmem:s22], [sflag:$0x1], $0x80, $0x38;
	[tilespmem:$0x1380] =	vst v63  }
0x70: {  	_ =	swait.ge [sflag:s21], $0x80  }
0x71: {  	[sflag:s21] =	ssyncset.done $0x0  }
0x72: {  	[sflag:s21] =	ssyncadd.s32 $0xFFFFFF80  }
0x73: {  	[tilespmem:s22], [sflag:$0x1] =	stream.linear.gather [spmem:s8], $0x80, $0x38;
	[tilespmem:$0x1380] =	vst v63  }
0x74: {  	_ =	swait.ge [sflag:s21], $0x80  }
0x75: {  	[sflag:s21] =	ssyncset.done $0x0  }
0x76: {  	[sflag:s21] =	ssyncadd.s32 $0xFFFFFF80  }
0x77: {  	[hbm4b:s16+s5] =	stream.linear.scatter [tilespmem:s22], [sflag:$0x1], $0x80, $0x38;
	[tilespmem:$0x1380] =	vst v63  }
0x78: {  	_ =	swait.ge [sflag:s21], $0x80  }
0x79: {  	[sflag:s21] =	ssyncset.done $0x0  }
0x7a: {  	[sflag:s21] =	ssyncadd.s32 $0xFFFFFF80  }
0x7b: {  	[tilespmem:s22], [sflag:$0x1] =	stream.linear.gather [spmem:s9], $0x80, $0x38;
	[tilespmem:$0x1380] =	vst v63  }
0x7c: {  	_ =	swait.ge [sflag:s21], $0x80  }
0x7d: {  	[sflag:s21] =	ssyncset.done $0x0  }
0x7e: {  	[sflag:s21] =	ssyncadd.s32 $0xFFFFFF80  }
0x7f: {  	[hbm4b:s17+s5] =	stream.linear.scatter [tilespmem:s22], [sflag:$0x1], $0x80, $0x38;
	[tilespmem:$0x1380] =	vst v63  }
0x80: {  	_ =	swait.ge [sflag:s21], $0x80  }
0x81: {  	[sflag:s21] =	ssyncset.done $0x0  }
0x82: {  	[sflag:s21] =	ssyncadd.s32 $0xFFFFFF80  }
0x83: {  	[tilespmem:s22], [sflag:$0x1] =	stream.linear.gather [spmem:s10], $0x80, $0x38;
	[tilespmem:$0x1380] =	vst v63  }
0x84: {  	s24 =	sadd.s32 $0x1, s24;
	_ =	swait.ge [sflag:s21], $0x80  }
0x85: {  	p0 =	sne.s32 s24, s19;
	[sflag:s21] =	ssyncset.done $0x0  }
.Ltmp3:
0x86: {  	[sflag:s21] =	ssyncadd.s32 $0xFFFFFF80;
	(pc) =	sbr.rel @p0 .LBB2_1-.Ltmp3, $4  }
0x87: {  	[hbm4b:s18+s5] =	stream.linear.scatter [tilespmem:s22], [sflag:$0x1], $0x80, $0x38;
	[tilespmem:$0x1380] =	vst v63  }
0x88: {  	_ =	swait.ge [sflag:s21], $0x80  }
0x89: {  	[sflag:s21] =	ssyncset.done $0x0  }
0x8a: {  	[sflag:s21] =	ssyncadd.s32 $0xFFFFFF80  }
0x8b: {  	_ =	sfence.sel $0x180000  }
0x8c: {  	[bflag:$0x0] =	sbarrier.arrive $0xFFFF  }
0x8d: {  	p0 =	sne.s32 s3, $0x0;
	_ =	strace $0x90000047  }
0x8e: {  	s0 =	sadd.s32 @!p0 $0x100000, s0;
	[bflag:$0x2] =	sbarrier.arrive $0xFFFF  }
0x8f: {  	[sflag:s0] =	ssyncadd.tile.s32 @!p0 $0x1;
	_ =	shalt  }
.Lfunc_end2:
_tile_overlayer_lowered:
.L_overlay_start_2:
0x90: {  	(tag) =	ssettag $0x2  }
0x91: {  	s0 =	rddreg [dreg:$0x0];
	s2 =	stileid.u32  }
0x92: {  	s1 =	rddreg [dreg:$0x1];
	p0 =	sne.s32 s2, $0x0  }
0x93: {  	s3 =	rddreg [dreg:$0x2];
	[bflag:$0x3] =	sbarrier.arrive $0xFFFF;
	s2 =	simm.s32 @!p0 $0x1C01  }
0x94: {  	[timem:s3], [sflag:s2] =	dma.local @!p0 [hbm:s0], s1  }
0x95: {  	s0 =	simm.s32 @!p0 $0x1  }
0x96: {  	_ =	swait.ge @!p0 [sflag:s0], s1  }
0x97: {  	s1 =	ssub.s32 @!p0 $0x0, s1;
	[sflag:s0] =	ssyncset.done @!p0 $0x0  }
0x98: {  	[sflag:s0] =	ssyncadd.s32 @!p0 s1  }
0x99: {  	[bflag:$0x3] =	sbarrier.arrive $0xFFFF  }
0x9a: {  	_ =	shalt  }

// kernel: kernel.13.cloned.1.call-start
scs
__scs_entry_jumppad:
0x0: {  	(pc) =	sbr.rel $0x88, $3  }
0x1: {  	(tag) =	ssettag $0x0;
	lr =	simm.s32 $0x1  }
0x2: {  	[smem:$0x3F96] =	sst lr;
	_ =	strace $0xD0000000  }
0x3: {  	_ = 	snop  }
0x4: {  	_ = 	snop  }
0x5: {  	_ = 	snop  }
0x6: {  	_ = 	snop  }
0x7: {  	_ = 	snop  }
__scs_overlays_trampoline_lowered:
0x8: {  	[smem:$0x3FA5] =	sst s0  }
0x9: {  	[smem:$0x3FA6] =	sst s1  }
0xa: {  	[smem:$0x3FA7] =	sst s2  }
0xb: {  	[smem:$0x3FA8] =	sst s3  }
0xc: {  	[smem:$0x3FA9] =	sst s4  }
0xd: {  	[smem:$0x3FAA] =	sst s5  }
0xe: {  	[smem:$0x3FAB] =	sst s6  }
0xf: {  	[smem:$0x3FAC] =	sst s7  }
0x10: {  	[smem:$0x3FAD] =	sst s8  }
0x11: {  	[smem:$0x3FAE] =	sst s9;
	s0 =	simm.s32 @!p0 $0x0  }
0x12: {  	s1 =	sld [smem:$0x3F94];
	s0 =	simm.s32 @p0 $0x1  }
0x13: {  	[smem:$0x3FAF] =	sst s0;
	s0 =	simm.s32 @!p1 $0x0  }
0x14: {  	s2 =	sld [smem:$0x3F93];
	s0 =	simm.s32 @p1 $0x1  }
0x15: {  	[smem:$0x3FB0] =	sst s0;
	s0 =	simm.s32 @!p2 $0x0  }
0x16: {  	s3 =	sld [smem:$0x3FDB];
	s0 =	simm.s32 @p2 $0x1  }
0x17: {  	s4 =	simm.s32 $0x1BF5;
	[smem:$0x3FB2] =	sst s0  }
0x18: {  	s0 =	sld [smem:$0x3F95];
	_ =	swait.ge [sflag:s4], $0x0  }
0x19: {  	s7 =	sld [smem:$0x3F96]  }
0x1a: {  	s8 =	sadd.s32 $0xFFFFE003, lr  }
0x1b: {  	s9 =	sadd.s32 $0xFFFFFEF7, lr;
	s5 =	simm.s32 $0xFFFFFFFF;
	p2 =	slt.u32 s8, $0xFFFFF086  }
0x1c: {  	p1 =	slt.u32 s9, $0xF7A;
	s5 =	simm.s32 @!p2 $0x0  }
0x1d: {  	s5 =	simm.s32 @p1 $0x1;
	p0 =	seq.s32 s7, s2  }
0x1e: {  	s7 =	smul.u32 @!p0 $0xF7A, s2;
	p2 =	seq.s32 @!p0 s5, $0x0  }
0x1f: {  	s9 =	smul.u32 $0xF7A, s1;
	s8 =	simm.s32 @!p0 $0x1BF5;
	p2 =	por !p2, p0  }
0x20: {  	[sflag:s8] =	ssyncset.s32 @!p0 $0xFFFFF086;
	s6 =	sadd.s32 @!p0 s3, s7;
	s7 =	simm.s32 @!p0 $0x108  }
0x21: {  	s3 =	sadd.s32 s3, s9;
	s6 =	sadd.s32 @!p0 $0x88, s6;
	s7 =	simm.s32 @p2 $0x1082  }
0x22: {  	[simem:s7], [sflag:s8] =	dma.local @!p0 [hbm:s6], $0xF7A  }
0x23: {  	s9 =	sor.u32 $0xD0000000, s2;
	s6 =	simm.s32 $0x108;
	_ =	swait.ge @!p0 [sflag:s8], $0x0  }
0x24: {  	s3 =	sadd.s32 $0x88, s3;
	s6 =	simm.s32 @!p1 $0x1082;
	[sflag:s4] =	ssyncset.s32 $0xFFFFF086  }
0x25: {  	[simem:s6], [sflag:s4] =	dma.local [hbm:s3], $0xF7A  }
0x26: {  	[smem:$0x3F96] =	sst s1;
	(tag) =	ssettag s2;
	_ =	strace s9  }
0x27: {  	s1 =	sld [smem:$0x3FA6]  }
0x28: {  	s2 =	sld [smem:$0x3FA7]  }
0x29: {  	s4 =	sld [smem:$0x3FA9]  }
0x2a: {  	p0 =	seq.s32 s5, $0x0;
	s5 =	sld [smem:$0x3FAA]  }
0x2b: {  	s6 =	sld [smem:$0x3FAB]  }
0x2c: {  	s7 =	sld [smem:$0x3FAC]  }
0x2d: {  	s3 =	simm.s32 $0x108;
	s8 =	sld [smem:$0x3FAD]  }
0x2e: {  	s3 =	simm.s32 @!p0 $0x1082;
	s9 =	sld [smem:$0x3FAE]  }
0x2f: {  	lr =	sadd.s32 s0, s3;
	s0 =	sld [smem:$0x3FA5]  }
0x30: {  	s3 =	sld [smem:$0x3FA8]  }
0x31: {  	[smem:$0x3FB1] =	sst s10  }
0x32: {  	s10 =	sld [smem:$0x3FAF];
	_ =	sdelay $0x3  }
0x33: {  	p0 =	seq.s32 s10, $0x1;
	s10 =	sld [smem:$0x3FB1];
	_ =	sdelay $0x3  }
0x34: {  	[smem:$0x3FB1] =	sst s10  }
0x35: {  	s10 =	sld [smem:$0x3FB0];
	_ =	sdelay $0x3  }
0x36: {  	p1 =	seq.s32 s10, $0x1;
	s10 =	sld [smem:$0x3FB1];
	_ =	sdelay $0x3  }
0x37: {  	[smem:$0x3FB1] =	sst s10  }
0x38: {  	s10 =	sld [smem:$0x3FB2]  }
0x39: {  	_ = 	snop;
	(pc) =	sbr.ind lr, $3  }
0x3a: {  	_ = 	snop  }
0x3b: {  	_ = 	snop  }
0x3c: {  	p2 =	seq.s32 s10, $0x1;
	s10 =	sld [smem:$0x3FB1]  }
0x3d: {  	_ =	shalt  }
0x3e: {  	_ =	shalt  }
0x3f: {  	_ =	shalt  }
0x40: {  	_ =	shalt  }
0x41: {  	_ =	shalt  }
0x42: {  	_ =	shalt  }
0x43: {  	_ =	shalt  }
0x44: {  	_ =	shalt  }
0x45: {  	_ =	shalt  }
0x46: {  	_ =	shalt  }
0x47: {  	_ =	shalt  }
0x48: {  	_ =	shalt  }
0x49: {  	_ =	shalt  }
0x4a: {  	_ =	shalt  }
0x4b: {  	_ =	shalt  }
0x4c: {  	_ =	shalt  }
0x4d: {  	_ =	shalt  }
0x4e: {  	_ =	shalt  }
0x4f: {  	_ =	shalt  }
0x50: {  	_ =	shalt  }
0x51: {  	_ =	shalt  }
0x52: {  	_ =	shalt  }
0x53: {  	_ =	shalt  }
0x54: {  	_ =	shalt  }
0x55: {  	_ =	shalt  }
0x56: {  	_ =	shalt  }
0x57: {  	_ =	shalt  }
0x58: {  	_ =	shalt  }
0x59: {  	_ =	shalt  }
0x5a: {  	_ =	shalt  }
0x5b: {  	_ =	shalt  }
0x5c: {  	_ =	shalt  }
0x5d: {  	_ =	shalt  }
0x5e: {  	_ =	shalt  }
0x5f: {  	_ =	shalt  }
0x60: {  	_ =	shalt  }
0x61: {  	_ =	shalt  }
0x62: {  	_ =	shalt  }
0x63: {  	_ =	shalt  }
0x64: {  	_ =	shalt  }
0x65: {  	_ =	shalt  }
0x66: {  	_ =	shalt  }
0x67: {  	_ =	shalt  }
0x68: {  	_ =	shalt  }
0x69: {  	_ =	shalt  }
0x6a: {  	_ =	shalt  }
0x6b: {  	_ =	shalt  }
0x6c: {  	_ =	shalt  }
0x6d: {  	_ =	shalt  }
0x6e: {  	_ =	shalt  }
0x6f: {  	_ =	shalt  }
0x70: {  	_ =	shalt  }
0x71: {  	_ =	shalt  }
0x72: {  	_ =	shalt  }
0x73: {  	_ =	shalt  }
0x74: {  	_ =	shalt  }
0x75: {  	_ =	shalt  }
0x76: {  	_ =	shalt  }
0x77: {  	_ =	shalt  }
0x78: {  	_ =	shalt  }
0x79: {  	_ =	shalt  }
0x7a: {  	_ =	shalt  }
0x7b: {  	_ =	shalt  }
0x7c: {  	_ =	shalt  }
0x7d: {  	_ =	shalt  }
0x7e: {  	_ =	shalt  }
0x7f: {  	_ =	shalt  }
0x80: {  	_ =	shalt  }
0x81: {  	_ =	shalt  }
0x82: {  	_ =	shalt  }
0x83: {  	_ =	shalt  }
0x84: {  	_ =	shalt  }
0x85: {  	_ =	shalt  }
0x86: {  	_ =	shalt  }
0x87: {  	_ =	shalt  }
.Lfunc_end0:
.L_simem_size_0:
called_computation.1_lowered:
.L_overlay_start_0:
0x88: {  	s2 =	sld [smem:$0x3FD9]  }
0x89: {  	s3 =	sld [smem:$0x3FFE];
	_ =	sdelay $0x1  }
0x8a: {  	s1 =	srdreg.scid  }
0x8b: {  	s0 =	sand.u32 $0x1, s1  }
0x8c: {  	s14 =	sshll.u32 s0, $0xA;
	s2 =	sadd.s32 s3, s2  }
0x8d: {  	s2 =	sadd.s32 s2, s14  }
0x8e: {  	[smem:$0x3FBD] =	sst s2  }
0x8f: {  	_ = 	snop  }
0x90: {  	s2 =	sld [smem:$0x3FD0];
	_ =	sdelay $0x2  }
0x91: {  	s15 =	simm.s32 $0xA;
	s4 =	simm.s32 $0x10  }
0x92: {  	[smem:s4], [sflag:s15] =	dma.local [hbm:s2], $0x1  }
0x93: {  	_ =	swait.eq [sflag:s15], $0x1  }
0x94: {  	s16 =	sld [smem:$0x12];
	[sflag:s15] =	ssyncset.done $0x0  }
0x95: {  	s17 =	sld [smem:$0x13];
	[sflag:s15] =	ssyncadd.s32 $0xFFFFFFFF  }
0x96: {  	s18 =	sld [smem:$0x14];
	(tm) =	ssettm $0x1  }
0x97: {  	s5 =	sld [smem:$0x3FFB];
	_ =	sdelay $0x3  }
0x98: {  	_ =	strace s5  }
0x99: {  	s5 =	sld [smem:$0x3FFC];
	_ =	sdelay $0x3  }
0x9a: {  	_ =	strace s5  }
0x9b: {  	s5 =	sld [smem:$0x3FFD];
	_ =	sdelay $0x3  }
0x9c: {  	_ =	strace s5  }
0x9d: {  	_ =	strace $0x8FFFFFFF  }
0x9e: {  	s19 =	sld [smem:$0x3FDB];
	_ =	sdelay $0x1  }
0x9f: {  	s6 =	simm.s32 $_scs_section_size  }
0xa0: {  	s7 =	simm.s32 $_size__tile_overlayer_lowered;
	s8 =	simm.s32 $_tile_overlayer_lowered  }
0xa1: {  	s22 =	simm.s32 $0x1BFF;
	s21 =	sshll.u32 s8, $0x1;
	s5 =	sadd.s32 s6, s19  }
0xa2: {  	s9 =	simm.s32 $0x0;
	s20 =	sshll.u32 s7, $0x1;
	s7 =	sadd.s32 s21, s5  }
0xa3: {  	[timem:s9], [sflag:s22] =	dma.local [hbm:s7], s20  }
0xa4: {  	_ =	swait.ge [sflag:s22], s20  }
0xa5: {  	s6 =	ssub.s32 $0x0, s20;
	[sflag:s22] =	ssyncset.done $0x0  }
0xa6: {  	[sflag:s22] =	ssyncadd.s32 s6;
	_ =	sdelay $0x1  }
0xa7: {  	s23 =	simm.s32 $0x1B8B  }
0xa8: {  	_ =	swait.ge [sflag:s23], $0x1  }
0xa9: {  	[sflag:s23] =	ssyncset.done $0x0  }
0xaa: {  	s25 =	simm.s32 $0x1B8E;
	s24 =	sld [smem:$0x3FFE];
	[sflag:s23] =	ssyncadd.s32 $0xFFFFFFFF  }
0xab: {  	s26 =	simm.s32 $execute0_lowered;
	[smem:$0x3FD2] =	sst s25  }
0xac: {  	s7 =	sshll.u32 s26, $0x1;
	_ =	strace $0x80000049;
	[dreg:$0x1] =	wrdreg $0xFFFFFFFF  }
0xad: {  	s28 =	simm.s32 $_size_execute0_lowered;
	s5 =	sadd.s32 s5, s7;
	[dreg:$0x0] =	wrdreg $0x0  }
0xae: {  	s7 =	sshll.u32 s28, $0x1;
	[dreg:$0x2] =	wrdreg s5  }
0xaf: {  	[dreg:$0x3] =	wrdreg s7  }
0xb0: {  	[dreg:$0x4] =	wrdreg $0xC0  }
0xb1: {  	_ =	task [dreg:s9], $0x5FFFF  }
0xb2: {  	[dreg:$0x1] =	wrdreg $0xFFFFFFFF  }
0xb3: {  	[dreg:$0x0] =	wrdreg $0x60  }
0xb4: {  	[dreg:$0x2] =	wrdreg s24  }
0xb5: {  	[dreg:$0x3] =	wrdreg s18  }
0xb6: {  	[dreg:$0x4] =	wrdreg s16  }
0xb7: {  	[dreg:$0x5] =	wrdreg s17  }
0xb8: {  	[dreg:$0x6] =	wrdreg $0xA0000  }
0xb9: {  	[dreg:$0x7] =	wrdreg $0x9  }
0xba: {  	_ =	task.clear_ibuf [dreg:s9], $0x8FFFF;
	_ =	strace $0x90000049  }
0xbb: {  	s29 =	simm.s32 $0x9;
	_ =	strace $0x8000004B  }
0xbc: {  	_ =	swait.ge [sflag:s29], $0x1  }
0xbd: {  	[sflag:s29] =	ssyncadd.s32 $0xFFFFFFFF  }
0xbe: {  	_ =	strace $0x9000004B  }
0xbf: {  	_ =	sfence  }
0xc0: {  	s30 =	sld [smem:$0x0];
	_ =	sdelay $0x2  }
0xc1: {  	s31 =	sshll.u32 s1, $0xD;
	s1 =	sshrl.u32 s1, $0x2  }
0xc2: {  	s3 =	sand.u32 $0x4000, s31;
	s1 =	sadd.s32 s1, s30  }
0xc3: {  	s0 =	sor.u32 s3, s0;
	s1 =	sshll.u32 s1, $0x11  }
0xc4: {  	s0 =	sor.u32 s1, s0  }
0xc5: {  	s0 =	sadd.s32 $0x8F2B, s0  }
0xc6: {  	[sflag:s0] =	ssyncadd.remote.s32 $0x1  }
0xc7: {  	_ =	sfence.sel $0xFFFF  }
0xc8: {  	[dreg:$0x0] =	wrdreg $0xFFFFFFFF;
	(pc) =	sbr.abs _section_cstart, $3  }
0xc9: {  	[dreg:$0x1] =	wrdreg $0xFFFFFFFF  }
0xca: {  	_ =	task.clear_ibuf [dreg:s9], $0x2FFFF;
	_ =	strace $0x9FFFFFFF  }
0xcb: {  	(tm) =	ssettm $0x7FFFFFFF  }
tec
execute0_lowered:
.L_overlay_start_1:
0x0: {  	(tag) =	ssettag $0x1  }
0x1: {  	s0 =	rddreg [dreg:$0x0]  }
0x2: {  	s1 =	rddreg [dreg:$0x1]  }
0x3: {  	s3 =	rddreg [dreg:$0x2]  }
0x4: {  	s2 =	rddreg [dreg:$0x4]  }
0x5: {  	s4 =	simm.s32 $0x0;
	s5 =	srdreg.scid;
	s10 =	stileid.u32  }
0x6: {  	s28 =	simm.s32 $0x1;
	s29 =	simm.s32 $0x6000;
	s7 =	smul.u32 $0x50000, s10  }
0x7: {  	s30 =	simm.s32 $0x2;
	s31 =	simm.s32 $0xD80;
	s15 =	smul.u32 $0x14000, s10  }
0x8: {  	[smem:$0x7FF] =	sst s4;
	s11 =	sand.u32 $0x1, s5;
	s10 =	smul.u32 $0x3000, s10  }
0x9: {  	s5 =	sadd.s32 $0x54000, s0;
	s0 =	sadd.s32 $0x7C000, s0;
	s9 =	smul.u32 $0x30000, s11  }
0xa: {  	_ =	strace $0x8000004A;
	s6 =	ssub.s32 $0x2, s11;
	s11 =	smul.u32 $0x140000, s11  }
0xb: {  	s8 =	sshrl.u32 s6, $0x1;
	s12 =	sshrl.u32 s7, $0x2;
	s16 =	sadd.s32 $0x4000, s15  }
0xc: {  	s19 =	sadd.s32 $0x8000, s15;
	s20 =	sadd.s32 $0xC000, s15;
	s21 =	sadd.s32 $0x10000, s15  }
0xd: {  	s22 =	ssub.s32 s6, s8;
	s6 =	sadd.s32 s12, s2;
	s7 =	sadd.s32 s16, s2  }
0xe: {  	s8 =	sadd.s32 s19, s2;
	s12 =	sadd.s32 s10, s9;
	s9 =	sadd.s32 s20, s2  }
0xf: {  	s10 =	sadd.s32 s21, s2;
	s16 =	sadd.s32 s11, s16;
	s25 =	sadd.s32 s11, s19  }
0x10: {  	s26 =	sadd.s32 s11, s20;
	s17 =	sshrl.u32 s12, $0x3;
	s24 =	sshrl.u32 s16, $0x3  }
0x11: {  	s22 =	smax.u32 s22, $0x1;
	s12 =	sadd.s32 s1, s17;
	s14 =	sadd.s32 $0x200, s17  }
0x12: {  	s13 =	sadd.s32 s3, s17;
	s17 =	sadd.s32 $0x400, s17;
	[dreg:$0x6] =	wrdreg s12  }
0x13: {  	[dreg:$0x7] =	wrdreg s13;
	s18 =	sadd.s32 s1, s14;
	s14 =	sadd.s32 s3, s14  }
0x14: {  	s16 =	sadd.s32 s3, s17;
	s3 =	sshrl.u32 s26, $0x3;
	s26 =	simm.s32 $0x80  }
0x15: {  	[dreg:$0x8] =	wrdreg s18;
	s18 =	sadd.s32 s15, s11;
	s15 =	sadd.s32 s1, s17  }
0x16: {  	s11 =	sadd.s32 s11, s21;
	s1 =	sshrl.u32 s25, $0x3;
	s20 =	sadd.s32 s0, s3  }
0x17: {  	s25 =	simm.s32 $0x1000;
	s3 =	simm.s32 $0x1D80;
	s23 =	sshrl.u32 s18, $0x3  }
0x18: {  	s18 =	sadd.s32 s0, s24;
	s11 =	sshrl.u32 s11, $0x3;
	s19 =	sadd.s32 s0, s1  }
0x19: {  	s24 =	simm.s32 $0x3;
	s1 =	simm.s32 $0x0;
	s17 =	sadd.s32 s0, s23  }
0x1a: {  	s21 =	sadd.s32 s0, s11;
	s23 =	simm.s32 $0x2000;
	s0 =	simm.s32 $0x1D00  }
.LBB2_1:
0x1b: {  	s11 =	rddreg [dreg:$0x3]  }
0x1c: {  	[tilespmem:s23], [sflag:$0x3] =	stream.linear.gather [hbm4b:s11+s4], $0x4000, $0x38;
	[tilespmem:$0x1E000] =	vst v63  }
0x1d: {  	_ =	swait.ge [sflag:s24], $0x4000  }
0x1e: {  	[sflag:s24] =	ssyncset.done $0x0  }
0x1f: {  	[sflag:s24] =	ssyncadd.s32 $0xFFFFC000  }
0x20: {  	[spmem:s6] =	stream.linear.scatter [tilespmem:s23], [sflag:$0x3], $0x4000, $0x38;
	[tilespmem:$0x1E000] =	vst v63  }
0x21: {  	_ =	swait.ge [sflag:s24], $0x4000  }
0x22: {  	[sflag:s24] =	ssyncset.done $0x0  }
0x23: {  	[sflag:s24] =	ssyncadd.s32 $0xFFFFC000  }
0x24: {  	[spmem:s7] =	stream.linear.scatter [tilespmem:s23], [sflag:$0x3], $0x4000, $0x38;
	[tilespmem:$0x1E000] =	vst v63  }
0x25: {  	_ =	swait.ge [sflag:s24], $0x4000  }
0x26: {  	[sflag:s24] =	ssyncset.done $0x0  }
0x27: {  	[sflag:s24] =	ssyncadd.s32 $0xFFFFC000  }
0x28: {  	[spmem:s8] =	stream.linear.scatter [tilespmem:s23], [sflag:$0x3], $0x4000, $0x38;
	[tilespmem:$0x1E000] =	vst v63  }
0x29: {  	_ =	swait.ge [sflag:s24], $0x4000  }
0x2a: {  	[sflag:s24] =	ssyncset.done $0x0  }
0x2b: {  	[sflag:s24] =	ssyncadd.s32 $0xFFFFC000  }
0x2c: {  	[spmem:s9] =	stream.linear.scatter [tilespmem:s23], [sflag:$0x3], $0x4000, $0x38;
	[tilespmem:$0x1E000] =	vst v63  }
0x2d: {  	_ =	swait.ge [sflag:s24], $0x4000  }
0x2e: {  	[sflag:s24] =	ssyncset.done $0x0  }
0x2f: {  	[sflag:s24] =	ssyncadd.s32 $0xFFFFC000  }
0x30: {  	[spmem:s10] =	stream.linear.scatter [tilespmem:s23], [sflag:$0x3], $0x4000, $0x38;
	[tilespmem:$0x1E000] =	vst v63  }
0x31: {  	_ =	swait.ge [sflag:s24], $0x4000  }
0x32: {  	[sflag:s24] =	ssyncset.done $0x0  }
0x33: {  	[sflag:s24] =	ssyncadd.s32 $0xFFFFC000  }
0x34: {  	[bflag:$0x0] =	sbarrier.arrive $0xFFFF  }
0x35: {  	s12 =	rddreg [dreg:$0x6]  }
0x36: {  	[tilespmem:s4], [sflag:$0x3] =	stream.linear.gather [hbm4b:s12+s4], $0xE00, $0x38;
	[tilespmem:$0x1E000] =	vst v63  }
0x37: {  	_ =	swait.ge [sflag:s24], $0xE00  }
0x38: {  	[sflag:s24] =	ssyncset.done $0x0  }
0x39: {  	s13 =	rddreg [dreg:$0x7];
	[sflag:s24] =	ssyncadd.s32 $0xFFFFF200  }
0x3a: {  	[tilespmem:s25], [sflag:$0x3] =	stream.linear.gather [hbm4b:s13+s4], $0xE00, $0x38;
	[tilespmem:$0x1E000] =	vst v63  }
0x3b: {  	_ =	swait.ge [sflag:s24], $0xE00  }
0x3c: {  	[sflag:s24] =	ssyncset.done $0x0  }
0x3d: {  	[sflag:s24] =	ssyncadd.s32 $0xFFFFF200  }
0x3e: {  	[tilespmem:s23], [sflag:$0x1] =	stream.indirect.gather [hbm4b:s5+s26], $0x80, s4, s26, $0xb8;
	[tilespmem:$0x1E000] =	vst v63  }
0x3f: {  	_ =	swait.ge [sflag:s28], $0x4000  }
0x40: {  	[sflag:s28] =	ssyncset.done $0x0  }
0x41: {  	s12 =	simm.s32 $0x80;
	[sflag:s28] =	ssyncadd.s32 $0xFFFFC000  }
0x42: {  	[tilespmem:s29], [sflag:$0x2] =	stream.indirect.gather [hbm4b:s5+s26], $0x80, s12, s26, $0xb8;
	[tilespmem:$0x1E000] =	vst v63  }
0x43: {  	s13 =	simm.s32 $0x1000  }
0x44: {  	[spmem:s2] =	stream.indirect.scatter.add.f32 [tilespmem:s23], [sflag:$0x3], $0x80, s13, s26, $0xb8;
	[tilespmem:$0x1E000] =	vst v63  }
0x45: {  	_ =	swait.ge [sflag:s24], $0x4000  }
0x46: {  	[sflag:s24] =	ssyncset.done $0x0  }
0x47: {  	[sflag:s24] =	ssyncadd.s32 $0xFFFFC000  }
0x48: {  	_ =	swait.ge [sflag:s30], $0x4000  }
0x49: {  	[sflag:s30] =	ssyncset.done $0x0  }
0x4a: {  	s12 =	simm.s32 $0x100;
	[sflag:s30] =	ssyncadd.s32 $0xFFFFC000  }
0x4b: {  	[tilespmem:s23], [sflag:$0x1] =	stream.indirect.gather [hbm4b:s5+s26], $0x80, s12, s26, $0xb8;
	[tilespmem:$0x1E000] =	vst v63  }
0x4c: {  	s13 =	simm.s32 $0x1080  }
0x4d: {  	[spmem:s2] =	stream.indirect.scatter.add.f32 [tilespmem:s29], [sflag:$0x3], $0x80, s13, s26, $0xb8;
	[tilespmem:$0x1E000] =	vst v63  }
0x4e: {  	_ =	swait.ge [sflag:s24], $0x4000  }
0x4f: {  	s11 =	simm.s32 $0x400;
	[sflag:s24] =	ssyncset.done $0x0  }
.LBB2_2:
0x50: {  	p0 =	sne.s32 s11, $0x3000  }
0x51: {  	[sflag:s24] =	ssyncadd.s32 $0xFFFFC000;
	s12 =	smov.u32 s11;
	s11 =	sadd.s32 $0x400, s11  }
0x52: {  	_ = 	snop  }
0x53: {  	_ =	swait.ge [sflag:s28], $0x4000  }
0x54: {  	s12 =	sshra.s32 s12, $0x2;
	[sflag:s28] =	ssyncset.done $0x0  }
0x55: {  	s13 =	sadd.s32 $0x80, s12;
	[sflag:s28] =	ssyncadd.s32 $0xFFFFC000  }
0x56: {  	[tilespmem:s29], [sflag:$0x2] =	stream.indirect.gather [hbm4b:s5+s26], $0x80, s13, s26, $0xb8;
	[tilespmem:$0x1E000] =	vst v63  }
0x57: {  	s13 =	sadd.s32 $0x1000, s12  }
0x58: {  	[spmem:s2] =	stream.indirect.scatter.add.f32 [tilespmem:s23], [sflag:$0x3], $0x80, s13, s26, $0xb8;
	[tilespmem:$0x1E000] =	vst v63  }
0x59: {  	_ =	swait.ge [sflag:s24], $0x4000  }
0x5a: {  	[sflag:s24] =	ssyncset.done $0x0  }
0x5b: {  	[sflag:s24] =	ssyncadd.s32 $0xFFFFC000  }
0x5c: {  	_ =	swait.ge [sflag:s30], $0x4000  }
0x5d: {  	[sflag:s30] =	ssyncset.done $0x0  }
0x5e: {  	s13 =	sadd.s32 $0x100, s12;
	[sflag:s30] =	ssyncadd.s32 $0xFFFFC000  }
0x5f: {  	[tilespmem:s23], [sflag:$0x1] =	stream.indirect.gather [hbm4b:s5+s26], $0x80, s13, s26, $0xb8;
	[tilespmem:$0x1E000] =	vst v63  }
.Ltmp0:
0x60: {  	_ = 	snop;
	(pc) =	sbr.rel @p0 .LBB2_2-.Ltmp0, $4  }
0x61: {  	s12 =	sadd.s32 $0x1080, s12  }
0x62: {  	[spmem:s2] =	stream.indirect.scatter.add.f32 [tilespmem:s29], [sflag:$0x3], $0x80, s12, s26, $0xb8;
	[tilespmem:$0x1E000] =	vst v63  }
0x63: {  	_ =	swait.ge [sflag:s24], $0x4000  }
0x64: {  	[sflag:s24] =	ssyncset.done $0x0  }
0x65: {  	[sflag:s24] =	ssyncadd.s32 $0xFFFFC000  }
0x66: {  	_ =	swait.ge [sflag:s28], $0x4000  }
0x67: {  	[sflag:s28] =	ssyncset.done $0x0  }
0x68: {  	[sflag:s28] =	ssyncadd.s32 $0xFFFFC000  }
0x69: {  	[tilespmem:s29], [sflag:$0x2] =	stream.indirect.gather [hbm4b:s5+s26], $0x80, s31, s26, $0xb8;
	[tilespmem:$0x1E000] =	vst v63  }
0x6a: {  	_ = 	snop  }
0x6b: {  	[spmem:s2] =	stream.indirect.scatter.add.f32 [tilespmem:s23], [sflag:$0x3], $0x80, s0, s26, $0xb8;
	[tilespmem:$0x1E000] =	vst v63  }
0x6c: {  	_ =	swait.ge [sflag:s24], $0x4000  }
0x6d: {  	[sflag:s24] =	ssyncset.done $0x0  }
0x6e: {  	[sflag:s24] =	ssyncadd.s32 $0xFFFFC000  }
0x6f: {  	_ =	swait.ge [sflag:s30], $0x4000  }
0x70: {  	[sflag:s30] =	ssyncset.done $0x0  }
0x71: {  	[sflag:s30] =	ssyncadd.s32 $0xFFFFC000  }
0x72: {  	[spmem:s2] =	stream.indirect.scatter.add.f32 [tilespmem:s29], [sflag:$0x3], $0x80, s3, s26, $0xb8;
	[tilespmem:$0x1E000] =	vst v63  }
0x73: {  	_ =	swait.ge [sflag:s24], $0x4000  }
0x74: {  	[sflag:s24] =	ssyncset.done $0x0  }
0x75: {  	s11 =	simm.s32 $0x0;
	s12 =	rddreg [dreg:$0x8];
	[sflag:s24] =	ssyncadd.s32 $0xFFFFC000  }
0x76: {  	[tilespmem:s11], [sflag:$0x3] =	stream.linear.gather [hbm4b:s12+s11], $0xE00, $0x38;
	[tilespmem:$0x1E000] =	vst v63  }
0x77: {  	_ =	swait.ge [sflag:s24], $0xE00  }
0x78: {  	[sflag:s24] =	ssyncset.done $0x0  }
0x79: {  	[sflag:s24] =	ssyncadd.s32 $0xFFFFF200  }
0x7a: {  	[tilespmem:s25], [sflag:$0x3] =	stream.linear.gather [hbm4b:s14+s11], $0xE00, $0x38;
	[tilespmem:$0x1E000] =	vst v63  }
0x7b: {  	_ =	swait.ge [sflag:s24], $0xE00  }
0x7c: {  	[sflag:s24] =	ssyncset.done $0x0  }
0x7d: {  	[sflag:s24] =	ssyncadd.s32 $0xFFFFF200  }
0x7e: {  	[tilespmem:s23], [sflag:$0x1] =	stream.indirect.gather [hbm4b:s5+s26], $0x80, s11, s26, $0xb8;
	[tilespmem:$0x1E000] =	vst v63  }
0x7f: {  	_ =	swait.ge [sflag:s28], $0x4000  }
0x80: {  	[sflag:s28] =	ssyncset.done $0x0  }
0x81: {  	s12 =	simm.s32 $0x80;
	[sflag:s28] =	ssyncadd.s32 $0xFFFFC000  }
0x82: {  	[tilespmem:s29], [sflag:$0x2] =	stream.indirect.gather [hbm4b:s5+s26], $0x80, s12, s26, $0xb8;
	[tilespmem:$0x1E000] =	vst v63  }
0x83: {  	s13 =	simm.s32 $0x1000  }
0x84: {  	[spmem:s2] =	stream.indirect.scatter.add.f32 [tilespmem:s23], [sflag:$0x3], $0x80, s13, s26, $0xb8;
	[tilespmem:$0x1E000] =	vst v63  }
0x85: {  	_ =	swait.ge [sflag:s24], $0x4000  }
0x86: {  	[sflag:s24] =	ssyncset.done $0x0  }
0x87: {  	[sflag:s24] =	ssyncadd.s32 $0xFFFFC000  }
0x88: {  	_ =	swait.ge [sflag:s30], $0x4000  }
0x89: {  	[sflag:s30] =	ssyncset.done $0x0  }
0x8a: {  	s12 =	simm.s32 $0x100;
	[sflag:s30] =	ssyncadd.s32 $0xFFFFC000  }
0x8b: {  	[tilespmem:s23], [sflag:$0x1] =	stream.indirect.gather [hbm4b:s5+s26], $0x80, s12, s26, $0xb8;
	[tilespmem:$0x1E000] =	vst v63  }
0x8c: {  	s13 =	simm.s32 $0x1080  }
0x8d: {  	[spmem:s2] =	stream.indirect.scatter.add.f32 [tilespmem:s29], [sflag:$0x3], $0x80, s13, s26, $0xb8;
	[tilespmem:$0x1E000] =	vst v63  }
0x8e: {  	_ =	swait.ge [sflag:s24], $0x4000  }
0x8f: {  	s11 =	simm.s32 $0x400;
	[sflag:s24] =	ssyncset.done $0x0  }
.LBB2_4:
0x90: {  	p0 =	sne.s32 s11, $0x3000  }
0x91: {  	[sflag:s24] =	ssyncadd.s32 $0xFFFFC000;
	s12 =	smov.u32 s11;
	s11 =	sadd.s32 $0x400, s11  }
0x92: {  	_ = 	snop  }
0x93: {  	_ =	swait.ge [sflag:s28], $0x4000  }
0x94: {  	s12 =	sshra.s32 s12, $0x2;
	[sflag:s28] =	ssyncset.done $0x0  }
0x95: {  	s13 =	sadd.s32 $0x80, s12;
	[sflag:s28] =	ssyncadd.s32 $0xFFFFC000  }
0x96: {  	[tilespmem:s29], [sflag:$0x2] =	stream.indirect.gather [hbm4b:s5+s26], $0x80, s13, s26, $0xb8;
	[tilespmem:$0x1E000] =	vst v63  }
0x97: {  	s13 =	sadd.s32 $0x1000, s12  }
0x98: {  	[spmem:s2] =	stream.indirect.scatter.add.f32 [tilespmem:s23], [sflag:$0x3], $0x80, s13, s26, $0xb8;
	[tilespmem:$0x1E000] =	vst v63  }
0x99: {  	_ =	swait.ge [sflag:s24], $0x4000  }
0x9a: {  	[sflag:s24] =	ssyncset.done $0x0  }
0x9b: {  	[sflag:s24] =	ssyncadd.s32 $0xFFFFC000  }
0x9c: {  	_ =	swait.ge [sflag:s30], $0x4000  }
0x9d: {  	[sflag:s30] =	ssyncset.done $0x0  }
0x9e: {  	s13 =	sadd.s32 $0x100, s12;
	[sflag:s30] =	ssyncadd.s32 $0xFFFFC000  }
0x9f: {  	[tilespmem:s23], [sflag:$0x1] =	stream.indirect.gather [hbm4b:s5+s26], $0x80, s13, s26, $0xb8;
	[tilespmem:$0x1E000] =	vst v63  }
.Ltmp1:
0xa0: {  	_ = 	snop;
	(pc) =	sbr.rel @p0 .LBB2_4-.Ltmp1, $4  }
0xa1: {  	s12 =	sadd.s32 $0x1080, s12  }
0xa2: {  	[spmem:s2] =	stream.indirect.scatter.add.f32 [tilespmem:s29], [sflag:$0x3], $0x80, s12, s26, $0xb8;
	[tilespmem:$0x1E000] =	vst v63  }
0xa3: {  	_ =	swait.ge [sflag:s24], $0x4000  }
0xa4: {  	[sflag:s24] =	ssyncset.done $0x0  }
0xa5: {  	[sflag:s24] =	ssyncadd.s32 $0xFFFFC000  }
0xa6: {  	_ =	swait.ge [sflag:s28], $0x4000  }
0xa7: {  	[sflag:s28] =	ssyncset.done $0x0  }
0xa8: {  	[sflag:s28] =	ssyncadd.s32 $0xFFFFC000  }
0xa9: {  	[tilespmem:s29], [sflag:$0x2] =	stream.indirect.gather [hbm4b:s5+s26], $0x80, s31, s26, $0xb8;
	[tilespmem:$0x1E000] =	vst v63  }
0xaa: {  	_ = 	snop  }
0xab: {  	[spmem:s2] =	stream.indirect.scatter.add.f32 [tilespmem:s23], [sflag:$0x3], $0x80, s0, s26, $0xb8;
	[tilespmem:$0x1E000] =	vst v63  }
0xac: {  	_ =	swait.ge [sflag:s24], $0x4000  }
0xad: {  	[sflag:s24] =	ssyncset.done $0x0  }
0xae: {  	[sflag:s24] =	ssyncadd.s32 $0xFFFFC000  }
0xaf: {  	_ =	swait.ge [sflag:s30], $0x4000  }
0xb0: {  	[sflag:s30] =	ssyncset.done $0x0  }
0xb1: {  	[sflag:s30] =	ssyncadd.s32 $0xFFFFC000  }
0xb2: {  	[spmem:s2] =	stream.indirect.scatter.add.f32 [tilespmem:s29], [sflag:$0x3], $0x80, s3, s26, $0xb8;
	[tilespmem:$0x1E000] =	vst v63  }
0xb3: {  	_ =	swait.ge [sflag:s24], $0x4000  }
0xb4: {  	[sflag:s24] =	ssyncset.done $0x0  }
0xb5: {  	s11 =	simm.s32 $0x0;
	[sflag:s24] =	ssyncadd.s32 $0xFFFFC000  }
0xb6: {  	[tilespmem:s11], [sflag:$0x3] =	stream.linear.gather [hbm4b:s15+s11], $0xE00, $0x38;
	[tilespmem:$0x1E000] =	vst v63  }
0xb7: {  	_ =	swait.ge [sflag:s24], $0xE00  }
0xb8: {  	[sflag:s24] =	ssyncset.done $0x0  }
0xb9: {  	[sflag:s24] =	ssyncadd.s32 $0xFFFFF200  }
0xba: {  	[tilespmem:s25], [sflag:$0x3] =	stream.linear.gather [hbm4b:s16+s11], $0xE00, $0x38;
	[tilespmem:$0x1E000] =	vst v63  }
0xbb: {  	_ =	swait.ge [sflag:s24], $0xE00  }
0xbc: {  	[sflag:s24] =	ssyncset.done $0x0  }
0xbd: {  	[sflag:s24] =	ssyncadd.s32 $0xFFFFF200  }
0xbe: {  	[tilespmem:s23], [sflag:$0x1] =	stream.indirect.gather [hbm4b:s5+s26], $0x80, s11, s26, $0xb8;
	[tilespmem:$0x1E000] =	vst v63  }
0xbf: {  	_ =	swait.ge [sflag:s28], $0x4000  }
0xc0: {  	[sflag:s28] =	ssyncset.done $0x0  }
0xc1: {  	s12 =	simm.s32 $0x80;
	[sflag:s28] =	ssyncadd.s32 $0xFFFFC000  }
0xc2: {  	[tilespmem:s29], [sflag:$0x2] =	stream.indirect.gather [hbm4b:s5+s26], $0x80, s12, s26, $0xb8;
	[tilespmem:$0x1E000] =	vst v63  }
0xc3: {  	s13 =	simm.s32 $0x1000  }
0xc4: {  	[spmem:s2] =	stream.indirect.scatter.add.f32 [tilespmem:s23], [sflag:$0x3], $0x80, s13, s26, $0xb8;
	[tilespmem:$0x1E000] =	vst v63  }
0xc5: {  	_ =	swait.ge [sflag:s24], $0x4000  }
0xc6: {  	[sflag:s24] =	ssyncset.done $0x0  }
0xc7: {  	[sflag:s24] =	ssyncadd.s32 $0xFFFFC000  }
0xc8: {  	_ =	swait.ge [sflag:s30], $0x4000  }
0xc9: {  	[sflag:s30] =	ssyncset.done $0x0  }
0xca: {  	s12 =	simm.s32 $0x100;
	[sflag:s30] =	ssyncadd.s32 $0xFFFFC000  }
0xcb: {  	[tilespmem:s23], [sflag:$0x1] =	stream.indirect.gather [hbm4b:s5+s26], $0x80, s12, s26, $0xb8;
	[tilespmem:$0x1E000] =	vst v63  }
0xcc: {  	s13 =	simm.s32 $0x1080  }
0xcd: {  	[spmem:s2] =	stream.indirect.scatter.add.f32 [tilespmem:s29], [sflag:$0x3], $0x80, s13, s26, $0xb8;
	[tilespmem:$0x1E000] =	vst v63  }
0xce: {  	_ =	swait.ge [sflag:s24], $0x4000  }
0xcf: {  	s11 =	simm.s32 $0x400;
	[sflag:s24] =	ssyncset.done $0x0  }
.LBB2_6:
0xd0: {  	p0 =	sne.s32 s11, $0x3000  }
0xd1: {  	[sflag:s24] =	ssyncadd.s32 $0xFFFFC000;
	s12 =	smov.u32 s11;
	s11 =	sadd.s32 $0x400, s11  }
0xd2: {  	_ = 	snop  }
0xd3: {  	_ =	swait.ge [sflag:s28], $0x4000  }
0xd4: {  	s12 =	sshra.s32 s12, $0x2;
	[sflag:s28] =	ssyncset.done $0x0  }
0xd5: {  	s13 =	sadd.s32 $0x80, s12;
	[sflag:s28] =	ssyncadd.s32 $0xFFFFC000  }
0xd6: {  	[tilespmem:s29], [sflag:$0x2] =	stream.indirect.gather [hbm4b:s5+s26], $0x80, s13, s26, $0xb8;
	[tilespmem:$0x1E000] =	vst v63  }
0xd7: {  	s13 =	sadd.s32 $0x1000, s12  }
0xd8: {  	[spmem:s2] =	stream.indirect.scatter.add.f32 [tilespmem:s23], [sflag:$0x3], $0x80, s13, s26, $0xb8;
	[tilespmem:$0x1E000] =	vst v63  }
0xd9: {  	_ =	swait.ge [sflag:s24], $0x4000  }
0xda: {  	[sflag:s24] =	ssyncset.done $0x0  }
0xdb: {  	[sflag:s24] =	ssyncadd.s32 $0xFFFFC000  }
0xdc: {  	_ =	swait.ge [sflag:s30], $0x4000  }
0xdd: {  	[sflag:s30] =	ssyncset.done $0x0  }
0xde: {  	s13 =	sadd.s32 $0x100, s12;
	[sflag:s30] =	ssyncadd.s32 $0xFFFFC000  }
0xdf: {  	[tilespmem:s23], [sflag:$0x1] =	stream.indirect.gather [hbm4b:s5+s26], $0x80, s13, s26, $0xb8;
	[tilespmem:$0x1E000] =	vst v63  }
.Ltmp2:
0xe0: {  	_ = 	snop;
	(pc) =	sbr.rel @p0 .LBB2_6-.Ltmp2, $4  }
0xe1: {  	s12 =	sadd.s32 $0x1080, s12  }
0xe2: {  	[spmem:s2] =	stream.indirect.scatter.add.f32 [tilespmem:s29], [sflag:$0x3], $0x80, s12, s26, $0xb8;
	[tilespmem:$0x1E000] =	vst v63  }
0xe3: {  	_ =	swait.ge [sflag:s24], $0x4000  }
0xe4: {  	[sflag:s24] =	ssyncset.done $0x0  }
0xe5: {  	[sflag:s24] =	ssyncadd.s32 $0xFFFFC000  }
0xe6: {  	_ =	swait.ge [sflag:s28], $0x4000  }
0xe7: {  	[sflag:s28] =	ssyncset.done $0x0  }
0xe8: {  	[sflag:s28] =	ssyncadd.s32 $0xFFFFC000  }
0xe9: {  	[tilespmem:s29], [sflag:$0x2] =	stream.indirect.gather [hbm4b:s5+s26], $0x80, s31, s26, $0xb8;
	[tilespmem:$0x1E000] =	vst v63  }
0xea: {  	_ = 	snop  }
0xeb: {  	[spmem:s2] =	stream.indirect.scatter.add.f32 [tilespmem:s23], [sflag:$0x3], $0x80, s0, s26, $0xb8;
	[tilespmem:$0x1E000] =	vst v63  }
0xec: {  	_ =	swait.ge [sflag:s24], $0x4000  }
0xed: {  	[sflag:s24] =	ssyncset.done $0x0  }
0xee: {  	[sflag:s24] =	ssyncadd.s32 $0xFFFFC000  }
0xef: {  	_ =	swait.ge [sflag:s30], $0x4000  }
0xf0: {  	[sflag:s30] =	ssyncset.done $0x0  }
0xf1: {  	[sflag:s30] =	ssyncadd.s32 $0xFFFFC000  }
0xf2: {  	[spmem:s2] =	stream.indirect.scatter.add.f32 [tilespmem:s29], [sflag:$0x3], $0x80, s3, s26, $0xb8;
	[tilespmem:$0x1E000] =	vst v63  }
0xf3: {  	_ =	swait.ge [sflag:s24], $0x4000  }
0xf4: {  	[sflag:s24] =	ssyncset.done $0x0  }
0xf5: {  	[sflag:s24] =	ssyncadd.s32 $0xFFFFC000  }
0xf6: {  	[bflag:$0x0] =	sbarrier.arrive $0xFFFF  }
0xf7: {  	[tilespmem:s23], [sflag:$0x3] =	stream.linear.gather [spmem:s6], $0x4000, $0x38;
	[tilespmem:$0x1E000] =	vst v63  }
0xf8: {  	_ =	swait.ge [sflag:s24], $0x4000  }
0xf9: {  	[sflag:s24] =	ssyncset.done $0x0  }
0xfa: {  	[sflag:s24] =	ssyncadd.s32 $0xFFFFC000  }
0xfb: {  	[hbm4b:s17+s4] =	stream.linear.scatter [tilespmem:s23], [sflag:$0x3], $0x4000, $0x38;
	[tilespmem:$0x1E000] =	vst v63  }
0xfc: {  	_ =	swait.ge [sflag:s24], $0x4000  }
0xfd: {  	[sflag:s24] =	ssyncset.done $0x0  }
0xfe: {  	[sflag:s24] =	ssyncadd.s32 $0xFFFFC000  }
0xff: {  	[tilespmem:s23], [sflag:$0x3] =	stream.linear.gather [spmem:s7], $0x4000, $0x38;
	[tilespmem:$0x1E000] =	vst v63  }
0x100: {  	_ =	swait.ge [sflag:s24], $0x4000  }
0x101: {  	[sflag:s24] =	ssyncset.done $0x0  }
0x102: {  	[sflag:s24] =	ssyncadd.s32 $0xFFFFC000  }
0x103: {  	[hbm4b:s18+s4] =	stream.linear.scatter [tilespmem:s23], [sflag:$0x3], $0x4000, $0x38;
	[tilespmem:$0x1E000] =	vst v63  }
0x104: {  	_ =	swait.ge [sflag:s24], $0x4000  }
0x105: {  	[sflag:s24] =	ssyncset.done $0x0  }
0x106: {  	[sflag:s24] =	ssyncadd.s32 $0xFFFFC000  }
0x107: {  	[tilespmem:s23], [sflag:$0x3] =	stream.linear.gather [spmem:s8], $0x4000, $0x38;
	[tilespmem:$0x1E000] =	vst v63  }
0x108: {  	_ =	swait.ge [sflag:s24], $0x4000  }
0x109: {  	[sflag:s24] =	ssyncset.done $0x0  }
0x10a: {  	[sflag:s24] =	ssyncadd.s32 $0xFFFFC000  }
0x10b: {  	[hbm4b:s19+s4] =	stream.linear.scatter [tilespmem:s23], [sflag:$0x3], $0x4000, $0x38;
	[tilespmem:$0x1E000] =	vst v63  }
0x10c: {  	_ =	swait.ge [sflag:s24], $0x4000  }
0x10d: {  	[sflag:s24] =	ssyncset.done $0x0  }
0x10e: {  	[sflag:s24] =	ssyncadd.s32 $0xFFFFC000  }
0x10f: {  	[tilespmem:s23], [sflag:$0x3] =	stream.linear.gather [spmem:s9], $0x4000, $0x38;
	[tilespmem:$0x1E000] =	vst v63  }
0x110: {  	_ =	swait.ge [sflag:s24], $0x4000  }
0x111: {  	[sflag:s24] =	ssyncset.done $0x0  }
0x112: {  	[sflag:s24] =	ssyncadd.s32 $0xFFFFC000  }
0x113: {  	[hbm4b:s20+s4] =	stream.linear.scatter [tilespmem:s23], [sflag:$0x3], $0x4000, $0x38;
	[tilespmem:$0x1E000] =	vst v63  }
0x114: {  	_ =	swait.ge [sflag:s24], $0x4000  }
0x115: {  	[sflag:s24] =	ssyncset.done $0x0  }
0x116: {  	[sflag:s24] =	ssyncadd.s32 $0xFFFFC000  }
0x117: {  	[tilespmem:s23], [sflag:$0x3] =	stream.linear.gather [spmem:s10], $0x4000, $0x38;
	[tilespmem:$0x1E000] =	vst v63  }
0x118: {  	s1 =	sadd.s32 $0x1, s1;
	_ =	swait.ge [sflag:s24], $0x4000  }
0x119: {  	p0 =	sne.s32 s1, s22;
	[sflag:s24] =	ssyncset.done $0x0  }
.Ltmp3:
0x11a: {  	[sflag:s24] =	ssyncadd.s32 $0xFFFFC000;
	(pc) =	sbr.rel @p0 .LBB2_1-.Ltmp3, $4  }
0x11b: {  	[hbm4b:s21+s4] =	stream.linear.scatter [tilespmem:s23], [sflag:$0x3], $0x4000, $0x38;
	[tilespmem:$0x1E000] =	vst v63  }
0x11c: {  	_ =	swait.ge [sflag:s24], $0x4000  }
0x11d: {  	[sflag:s24] =	ssyncset.done $0x0  }
0x11e: {  	[sflag:s24] =	ssyncadd.s32 $0xFFFFC000  }
0x11f: {  	_ =	sfence.sel $0x180000  }
0x120: {  	[bflag:$0x0] =	sbarrier.arrive $0xFFFF  }
0x121: {  	_ =	strace $0x9000004A  }
0x122: {  	s0 =	stileid.u32;
	[bflag:$0x2] =	sbarrier.arrive $0xFFFF  }
0x123: {  	p0 =	sne.s32 s0, $0x0;
	s0 =	rddreg [dreg:$0x5]  }
0x124: {  	s0 =	sadd.s32 @!p0 $0x100000, s0  }
0x125: {  	[sflag:s0] =	ssyncadd.tile.s32 @!p0 $0x1;
	_ =	shalt  }
.Lfunc_end2:
_tile_overlayer_lowered:
.L_overlay_start_2:
0x126: {  	(tag) =	ssettag $0x2  }
0x127: {  	s0 =	rddreg [dreg:$0x0];
	s2 =	stileid.u32  }
0x128: {  	s1 =	rddreg [dreg:$0x1];
	p0 =	sne.s32 s2, $0x0  }
0x129: {  	s3 =	rddreg [dreg:$0x2];
	[bflag:$0x3] =	sbarrier.arrive $0xFFFF;
	s2 =	simm.s32 @!p0 $0x1C03  }
0x12a: {  	[timem:s3], [sflag:s2] =	dma.local @!p0 [hbm:s0], s1  }
0x12b: {  	s0 =	simm.s32 @!p0 $0x3  }
0x12c: {  	_ =	swait.ge @!p0 [sflag:s0], s1  }
0x12d: {  	s1 =	ssub.s32 @!p0 $0x0, s1;
	[sflag:s0] =	ssyncset.done @!p0 $0x0  }
0x12e: {  	[sflag:s0] =	ssyncadd.s32 @!p0 s1  }
0x12f: {  	[bflag:$0x3] =	sbarrier.arrive $0xFFFF  }
0x130: {  	_ =	shalt  }

// kernel: kernel.16.cloned.1.call-start
scs
__scs_entry_jumppad:
0x0: {  	(pc) =	sbr.rel $0x88, $3  }
0x1: {  	(tag) =	ssettag $0x0;
	lr =	simm.s32 $0x1  }
0x2: {  	[smem:$0x3F96] =	sst lr;
	_ =	strace $0xD0000000  }
0x3: {  	_ = 	snop  }
0x4: {  	_ = 	snop  }
0x5: {  	_ = 	snop  }
0x6: {  	_ = 	snop  }
0x7: {  	_ = 	snop  }
__scs_overlays_trampoline_lowered:
0x8: {  	[smem:$0x3FA5] =	sst s0  }
0x9: {  	[smem:$0x3FA6] =	sst s1  }
0xa: {  	[smem:$0x3FA7] =	sst s2  }
0xb: {  	[smem:$0x3FA8] =	sst s3  }
0xc: {  	[smem:$0x3FA9] =	sst s4  }
0xd: {  	[smem:$0x3FAA] =	sst s5  }
0xe: {  	[smem:$0x3FAB] =	sst s6  }
0xf: {  	[smem:$0x3FAC] =	sst s7  }
0x10: {  	[smem:$0x3FAD] =	sst s8  }
0x11: {  	[smem:$0x3FAE] =	sst s9;
	s0 =	simm.s32 @!p0 $0x0  }
0x12: {  	s1 =	sld [smem:$0x3F94];
	s0 =	simm.s32 @p0 $0x1  }
0x13: {  	[smem:$0x3FAF] =	sst s0;
	s0 =	simm.s32 @!p1 $0x0  }
0x14: {  	s2 =	sld [smem:$0x3F93];
	s0 =	simm.s32 @p1 $0x1  }
0x15: {  	[smem:$0x3FB0] =	sst s0;
	s0 =	simm.s32 @!p2 $0x0  }
0x16: {  	s3 =	sld [smem:$0x3FDB];
	s0 =	simm.s32 @p2 $0x1  }
0x17: {  	s4 =	simm.s32 $0x1BF5;
	[smem:$0x3FB2] =	sst s0  }
0x18: {  	s0 =	sld [smem:$0x3F95];
	_ =	swait.ge [sflag:s4], $0x0  }
0x19: {  	s7 =	sld [smem:$0x3F96]  }
0x1a: {  	s8 =	sadd.s32 $0xFFFFE003, lr  }
0x1b: {  	s9 =	sadd.s32 $0xFFFFFEF7, lr;
	s5 =	simm.s32 $0xFFFFFFFF;
	p2 =	slt.u32 s8, $0xFFFFF086  }
0x1c: {  	p1 =	slt.u32 s9, $0xF7A;
	s5 =	simm.s32 @!p2 $0x0  }
0x1d: {  	s5 =	simm.s32 @p1 $0x1;
	p0 =	seq.s32 s7, s2  }
0x1e: {  	s7 =	smul.u32 @!p0 $0xF7A, s2;
	p2 =	seq.s32 @!p0 s5, $0x0  }
0x1f: {  	s9 =	smul.u32 $0xF7A, s1;
	s8 =	simm.s32 @!p0 $0x1BF5;
	p2 =	por !p2, p0  }
0x20: {  	[sflag:s8] =	ssyncset.s32 @!p0 $0xFFFFF086;
	s6 =	sadd.s32 @!p0 s3, s7;
	s7 =	simm.s32 @!p0 $0x108  }
0x21: {  	s3 =	sadd.s32 s3, s9;
	s6 =	sadd.s32 @!p0 $0x88, s6;
	s7 =	simm.s32 @p2 $0x1082  }
0x22: {  	[simem:s7], [sflag:s8] =	dma.local @!p0 [hbm:s6], $0xF7A  }
0x23: {  	s9 =	sor.u32 $0xD0000000, s2;
	s6 =	simm.s32 $0x108;
	_ =	swait.ge @!p0 [sflag:s8], $0x0  }
0x24: {  	s3 =	sadd.s32 $0x88, s3;
	s6 =	simm.s32 @!p1 $0x1082;
	[sflag:s4] =	ssyncset.s32 $0xFFFFF086  }
0x25: {  	[simem:s6], [sflag:s4] =	dma.local [hbm:s3], $0xF7A  }
0x26: {  	[smem:$0x3F96] =	sst s1;
	(tag) =	ssettag s2;
	_ =	strace s9  }
0x27: {  	s1 =	sld [smem:$0x3FA6]  }
0x28: {  	s2 =	sld [smem:$0x3FA7]  }
0x29: {  	s4 =	sld [smem:$0x3FA9]  }
0x2a: {  	p0 =	seq.s32 s5, $0x0;
	s5 =	sld [smem:$0x3FAA]  }
0x2b: {  	s6 =	sld [smem:$0x3FAB]  }
0x2c: {  	s7 =	sld [smem:$0x3FAC]  }
0x2d: {  	s3 =	simm.s32 $0x108;
	s8 =	sld [smem:$0x3FAD]  }
0x2e: {  	s3 =	simm.s32 @!p0 $0x1082;
	s9 =	sld [smem:$0x3FAE]  }
0x2f: {  	lr =	sadd.s32 s0, s3;
	s0 =	sld [smem:$0x3FA5]  }
0x30: {  	s3 =	sld [smem:$0x3FA8]  }
0x31: {  	[smem:$0x3FB1] =	sst s10  }
0x32: {  	s10 =	sld [smem:$0x3FAF];
	_ =	sdelay $0x3  }
0x33: {  	p0 =	seq.s32 s10, $0x1;
	s10 =	sld [smem:$0x3FB1];
	_ =	sdelay $0x3  }
0x34: {  	[smem:$0x3FB1] =	sst s10  }
0x35: {  	s10 =	sld [smem:$0x3FB0];
	_ =	sdelay $0x3  }
0x36: {  	p1 =	seq.s32 s10, $0x1;
	s10 =	sld [smem:$0x3FB1];
	_ =	sdelay $0x3  }
0x37: {  	[smem:$0x3FB1] =	sst s10  }
0x38: {  	s10 =	sld [smem:$0x3FB2]  }
0x39: {  	_ = 	snop;
	(pc) =	sbr.ind lr, $3  }
0x3a: {  	_ = 	snop  }
0x3b: {  	_ = 	snop  }
0x3c: {  	p2 =	seq.s32 s10, $0x1;
	s10 =	sld [smem:$0x3FB1]  }
0x3d: {  	_ =	shalt  }
0x3e: {  	_ =	shalt  }
0x3f: {  	_ =	shalt  }
0x40: {  	_ =	shalt  }
0x41: {  	_ =	shalt  }
0x42: {  	_ =	shalt  }
0x43: {  	_ =	shalt  }
0x44: {  	_ =	shalt  }
0x45: {  	_ =	shalt  }
0x46: {  	_ =	shalt  }
0x47: {  	_ =	shalt  }
0x48: {  	_ =	shalt  }
0x49: {  	_ =	shalt  }
0x4a: {  	_ =	shalt  }
0x4b: {  	_ =	shalt  }
0x4c: {  	_ =	shalt  }
0x4d: {  	_ =	shalt  }
0x4e: {  	_ =	shalt  }
0x4f: {  	_ =	shalt  }
0x50: {  	_ =	shalt  }
0x51: {  	_ =	shalt  }
0x52: {  	_ =	shalt  }
0x53: {  	_ =	shalt  }
0x54: {  	_ =	shalt  }
0x55: {  	_ =	shalt  }
0x56: {  	_ =	shalt  }
0x57: {  	_ =	shalt  }
0x58: {  	_ =	shalt  }
0x59: {  	_ =	shalt  }
0x5a: {  	_ =	shalt  }
0x5b: {  	_ =	shalt  }
0x5c: {  	_ =	shalt  }
0x5d: {  	_ =	shalt  }
0x5e: {  	_ =	shalt  }
0x5f: {  	_ =	shalt  }
0x60: {  	_ =	shalt  }
0x61: {  	_ =	shalt  }
0x62: {  	_ =	shalt  }
0x63: {  	_ =	shalt  }
0x64: {  	_ =	shalt  }
0x65: {  	_ =	shalt  }
0x66: {  	_ =	shalt  }
0x67: {  	_ =	shalt  }
0x68: {  	_ =	shalt  }
0x69: {  	_ =	shalt  }
0x6a: {  	_ =	shalt  }
0x6b: {  	_ =	shalt  }
0x6c: {  	_ =	shalt  }
0x6d: {  	_ =	shalt  }
0x6e: {  	_ =	shalt  }
0x6f: {  	_ =	shalt  }
0x70: {  	_ =	shalt  }
0x71: {  	_ =	shalt  }
0x72: {  	_ =	shalt  }
0x73: {  	_ =	shalt  }
0x74: {  	_ =	shalt  }
0x75: {  	_ =	shalt  }
0x76: {  	_ =	shalt  }
0x77: {  	_ =	shalt  }
0x78: {  	_ =	shalt  }
0x79: {  	_ =	shalt  }
0x7a: {  	_ =	shalt  }
0x7b: {  	_ =	shalt  }
0x7c: {  	_ =	shalt  }
0x7d: {  	_ =	shalt  }
0x7e: {  	_ =	shalt  }
0x7f: {  	_ =	shalt  }
0x80: {  	_ =	shalt  }
0x81: {  	_ =	shalt  }
0x82: {  	_ =	shalt  }
0x83: {  	_ =	shalt  }
0x84: {  	_ =	shalt  }
0x85: {  	_ =	shalt  }
0x86: {  	_ =	shalt  }
0x87: {  	_ =	shalt  }
.Lfunc_end0:
.L_simem_size_0:
called_computation.2_lowered:
.L_overlay_start_0:
0x88: {  	s2 =	sld [smem:$0x3FD9]  }
0x89: {  	s3 =	sld [smem:$0x3FFE];
	_ =	sdelay $0x1  }
0x8a: {  	s1 =	srdreg.scid  }
0x8b: {  	s0 =	sand.u32 $0x1, s1  }
0x8c: {  	s14 =	sshll.u32 s0, $0xA;
	s2 =	sadd.s32 s3, s2  }
0x8d: {  	s2 =	sadd.s32 s2, s14  }
0x8e: {  	[smem:$0x3FBD] =	sst s2  }
0x8f: {  	_ = 	snop  }
0x90: {  	s2 =	sld [smem:$0x3FD0];
	_ =	sdelay $0x2  }
0x91: {  	s15 =	simm.s32 $0xA;
	s4 =	simm.s32 $0x10  }
0x92: {  	[smem:s4], [sflag:s15] =	dma.local [hbm:s2], $0x1  }
0x93: {  	_ =	swait.eq [sflag:s15], $0x1  }
0x94: {  	s16 =	sld [smem:$0x12];
	[sflag:s15] =	ssyncset.done $0x0  }
0x95: {  	s17 =	sld [smem:$0x13];
	[sflag:s15] =	ssyncadd.s32 $0xFFFFFFFF  }
0x96: {  	s18 =	sld [smem:$0x14];
	(tm) =	ssettm $0x1  }
0x97: {  	s5 =	sld [smem:$0x3FFB];
	_ =	sdelay $0x3  }
0x98: {  	_ =	strace s5  }
0x99: {  	s5 =	sld [smem:$0x3FFC];
	_ =	sdelay $0x3  }
0x9a: {  	_ =	strace s5  }
0x9b: {  	s5 =	sld [smem:$0x3FFD];
	_ =	sdelay $0x3  }
0x9c: {  	_ =	strace s5  }
0x9d: {  	_ =	strace $0x8FFFFFFF  }
0x9e: {  	s19 =	sld [smem:$0x3FDB];
	_ =	sdelay $0x1  }
0x9f: {  	s6 =	simm.s32 $_scs_section_size  }
0xa0: {  	s7 =	simm.s32 $_size__tile_overlayer_lowered;
	s8 =	simm.s32 $_tile_overlayer_lowered  }
0xa1: {  	s22 =	simm.s32 $0x1BFF;
	s21 =	sshll.u32 s8, $0x1;
	s5 =	sadd.s32 s6, s19  }
0xa2: {  	s9 =	simm.s32 $0x0;
	s20 =	sshll.u32 s7, $0x1;
	s7 =	sadd.s32 s21, s5  }
0xa3: {  	[timem:s9], [sflag:s22] =	dma.local [hbm:s7], s20  }
0xa4: {  	_ =	swait.ge [sflag:s22], s20  }
0xa5: {  	s6 =	ssub.s32 $0x0, s20;
	[sflag:s22] =	ssyncset.done $0x0  }
0xa6: {  	[sflag:s22] =	ssyncadd.s32 s6;
	_ =	sdelay $0x1  }
0xa7: {  	s23 =	simm.s32 $0x1B8B  }
0xa8: {  	_ =	swait.ge [sflag:s23], $0x1  }
0xa9: {  	[sflag:s23] =	ssyncset.done $0x0  }
0xaa: {  	s25 =	simm.s32 $0x1B8E;
	s24 =	sld [smem:$0x3FFE];
	[sflag:s23] =	ssyncadd.s32 $0xFFFFFFFF  }
0xab: {  	s26 =	simm.s32 $execute0_lowered;
	[smem:$0x3FD2] =	sst s25  }
0xac: {  	s7 =	sshll.u32 s26, $0x1;
	_ =	strace $0x8000004C;
	[dreg:$0x1] =	wrdreg $0xFFFFFFFF  }
0xad: {  	s28 =	simm.s32 $_size_execute0_lowered;
	s5 =	sadd.s32 s5, s7;
	[dreg:$0x0] =	wrdreg $0x0  }
0xae: {  	s7 =	sshll.u32 s28, $0x1;
	[dreg:$0x2] =	wrdreg s5  }
0xaf: {  	[dreg:$0x3] =	wrdreg s7  }
0xb0: {  	[dreg:$0x4] =	wrdreg $0xC0  }
0xb1: {  	_ =	task [dreg:s9], $0x5FFFF  }
0xb2: {  	[dreg:$0x1] =	wrdreg $0xFFFFFFFF  }
0xb3: {  	[dreg:$0x0] =	wrdreg $0x60  }
0xb4: {  	[dreg:$0x2] =	wrdreg s24  }
0xb5: {  	[dreg:$0x3] =	wrdreg s18  }
0xb6: {  	[dreg:$0x4] =	wrdreg s16  }
0xb7: {  	[dreg:$0x5] =	wrdreg s17  }
0xb8: {  	[dreg:$0x6] =	wrdreg $0xA0000  }
0xb9: {  	[dreg:$0x7] =	wrdreg $0x9  }
0xba: {  	_ =	task.clear_ibuf [dreg:s9], $0x8FFFF;
	_ =	strace $0x9000004C  }
0xbb: {  	s29 =	simm.s32 $0x9;
	_ =	strace $0x8000004E  }
0xbc: {  	_ =	swait.ge [sflag:s29], $0x1  }
0xbd: {  	[sflag:s29] =	ssyncadd.s32 $0xFFFFFFFF  }
0xbe: {  	_ =	strace $0x9000004E  }
0xbf: {  	_ =	sfence  }
0xc0: {  	s30 =	sld [smem:$0x0];
	_ =	sdelay $0x2  }
0xc1: {  	s31 =	sshll.u32 s1, $0xD;
	s1 =	sshrl.u32 s1, $0x2  }
0xc2: {  	s3 =	sand.u32 $0x4000, s31;
	s1 =	sadd.s32 s1, s30  }
0xc3: {  	s0 =	sor.u32 s3, s0;
	s1 =	sshll.u32 s1, $0x11  }
0xc4: {  	s0 =	sor.u32 s1, s0  }
0xc5: {  	s0 =	sadd.s32 $0x8F2B, s0  }
0xc6: {  	[sflag:s0] =	ssyncadd.remote.s32 $0x1  }
0xc7: {  	_ =	sfence.sel $0xFFFF  }
0xc8: {  	[dreg:$0x0] =	wrdreg $0xFFFFFFFF;
	(pc) =	sbr.abs _section_cstart, $3  }
0xc9: {  	[dreg:$0x1] =	wrdreg $0xFFFFFFFF  }
0xca: {  	_ =	task.clear_ibuf [dreg:s9], $0x2FFFF;
	_ =	strace $0x9FFFFFFF  }
0xcb: {  	(tm) =	ssettm $0x7FFFFFFF  }
tec
execute0_lowered:
.L_overlay_start_1:
0x0: {  	(tag) =	ssettag $0x1  }
0x1: {  	s0 =	rddreg [dreg:$0x0]  }
0x2: {  	s1 =	rddreg [dreg:$0x1]  }
0x3: {  	s3 =	rddreg [dreg:$0x2]  }
0x4: {  	s2 =	rddreg [dreg:$0x4]  }
0x5: {  	s4 =	simm.s32 $0x0;
	s5 =	srdreg.scid;
	s10 =	stileid.u32  }
0x6: {  	s28 =	simm.s32 $0x1;
	s29 =	simm.s32 $0x6000;
	s7 =	smul.u32 $0x50000, s10  }
0x7: {  	s30 =	simm.s32 $0x2;
	s31 =	simm.s32 $0xD80;
	s15 =	smul.u32 $0x14000, s10  }
0x8: {  	[smem:$0x7FF] =	sst s4;
	s11 =	sand.u32 $0x1, s5;
	s10 =	smul.u32 $0x3000, s10  }
0x9: {  	s5 =	sadd.s32 $0x54000, s0;
	s0 =	sadd.s32 $0x7C000, s0;
	s9 =	smul.u32 $0x30000, s11  }
0xa: {  	_ =	strace $0x8000004D;
	s6 =	ssub.s32 $0x2, s11;
	s11 =	smul.u32 $0x140000, s11  }
0xb: {  	s8 =	sshrl.u32 s6, $0x1;
	s12 =	sshrl.u32 s7, $0x2;
	s16 =	sadd.s32 $0x4000, s15  }
0xc: {  	s19 =	sadd.s32 $0x8000, s15;
	s20 =	sadd.s32 $0xC000, s15;
	s21 =	sadd.s32 $0x10000, s15  }
0xd: {  	s22 =	ssub.s32 s6, s8;
	s6 =	sadd.s32 s12, s2;
	s7 =	sadd.s32 s16, s2  }
0xe: {  	s8 =	sadd.s32 s19, s2;
	s12 =	sadd.s32 s10, s9;
	s9 =	sadd.s32 s20, s2  }
0xf: {  	s10 =	sadd.s32 s21, s2;
	s16 =	sadd.s32 s11, s16;
	s25 =	sadd.s32 s11, s19  }
0x10: {  	s26 =	sadd.s32 s11, s20;
	s17 =	sshrl.u32 s12, $0x3;
	s24 =	sshrl.u32 s16, $0x3  }
0x11: {  	s22 =	smax.u32 s22, $0x1;
	s12 =	sadd.s32 s1, s17;
	s14 =	sadd.s32 $0x200, s17  }
0x12: {  	s13 =	sadd.s32 s3, s17;
	s17 =	sadd.s32 $0x400, s17;
	[dreg:$0x6] =	wrdreg s12  }
0x13: {  	[dreg:$0x7] =	wrdreg s13;
	s18 =	sadd.s32 s1, s14;
	s14 =	sadd.s32 s3, s14  }
0x14: {  	s16 =	sadd.s32 s3, s17;
	s3 =	sshrl.u32 s26, $0x3;
	s26 =	simm.s32 $0x80  }
0x15: {  	[dreg:$0x8] =	wrdreg s18;
	s18 =	sadd.s32 s15, s11;
	s15 =	sadd.s32 s1, s17  }
0x16: {  	s11 =	sadd.s32 s11, s21;
	s1 =	sshrl.u32 s25, $0x3;
	s20 =	sadd.s32 s0, s3  }
0x17: {  	s25 =	simm.s32 $0x1000;
	s3 =	simm.s32 $0x1D80;
	s23 =	sshrl.u32 s18, $0x3  }
0x18: {  	s18 =	sadd.s32 s0, s24;
	s11 =	sshrl.u32 s11, $0x3;
	s19 =	sadd.s32 s0, s1  }
0x19: {  	s24 =	simm.s32 $0x3;
	s1 =	simm.s32 $0x0;
	s17 =	sadd.s32 s0, s23  }
0x1a: {  	s21 =	sadd.s32 s0, s11;
	s23 =	simm.s32 $0x2000;
	s0 =	simm.s32 $0x1D00  }
.LBB2_1:
0x1b: {  	s11 =	rddreg [dreg:$0x3]  }
0x1c: {  	[tilespmem:s23], [sflag:$0x3] =	stream.linear.gather [hbm4b:s11+s4], $0x4000, $0x38;
	[tilespmem:$0x1E000] =	vst v63  }
0x1d: {  	_ =	swait.ge [sflag:s24], $0x4000  }
0x1e: {  	[sflag:s24] =	ssyncset.done $0x0  }
0x1f: {  	[sflag:s24] =	ssyncadd.s32 $0xFFFFC000  }
0x20: {  	[spmem:s6] =	stream.linear.scatter [tilespmem:s23], [sflag:$0x3], $0x4000, $0x38;
	[tilespmem:$0x1E000] =	vst v63  }
0x21: {  	_ =	swait.ge [sflag:s24], $0x4000  }
0x22: {  	[sflag:s24] =	ssyncset.done $0x0  }
0x23: {  	[sflag:s24] =	ssyncadd.s32 $0xFFFFC000  }
0x24: {  	[spmem:s7] =	stream.linear.scatter [tilespmem:s23], [sflag:$0x3], $0x4000, $0x38;
	[tilespmem:$0x1E000] =	vst v63  }
0x25: {  	_ =	swait.ge [sflag:s24], $0x4000  }
0x26: {  	[sflag:s24] =	ssyncset.done $0x0  }
0x27: {  	[sflag:s24] =	ssyncadd.s32 $0xFFFFC000  }
0x28: {  	[spmem:s8] =	stream.linear.scatter [tilespmem:s23], [sflag:$0x3], $0x4000, $0x38;
	[tilespmem:$0x1E000] =	vst v63  }
0x29: {  	_ =	swait.ge [sflag:s24], $0x4000  }
0x2a: {  	[sflag:s24] =	ssyncset.done $0x0  }
0x2b: {  	[sflag:s24] =	ssyncadd.s32 $0xFFFFC000  }
0x2c: {  	[spmem:s9] =	stream.linear.scatter [tilespmem:s23], [sflag:$0x3], $0x4000, $0x38;
	[tilespmem:$0x1E000] =	vst v63  }
0x2d: {  	_ =	swait.ge [sflag:s24], $0x4000  }
0x2e: {  	[sflag:s24] =	ssyncset.done $0x0  }
0x2f: {  	[sflag:s24] =	ssyncadd.s32 $0xFFFFC000  }
0x30: {  	[spmem:s10] =	stream.linear.scatter [tilespmem:s23], [sflag:$0x3], $0x4000, $0x38;
	[tilespmem:$0x1E000] =	vst v63  }
0x31: {  	_ =	swait.ge [sflag:s24], $0x4000  }
0x32: {  	[sflag:s24] =	ssyncset.done $0x0  }
0x33: {  	[sflag:s24] =	ssyncadd.s32 $0xFFFFC000  }
0x34: {  	[bflag:$0x0] =	sbarrier.arrive $0xFFFF  }
0x35: {  	s12 =	rddreg [dreg:$0x6]  }
0x36: {  	[tilespmem:s4], [sflag:$0x3] =	stream.linear.gather [hbm4b:s12+s4], $0xE00, $0x38;
	[tilespmem:$0x1E000] =	vst v63  }
0x37: {  	_ =	swait.ge [sflag:s24], $0xE00  }
0x38: {  	[sflag:s24] =	ssyncset.done $0x0  }
0x39: {  	s13 =	rddreg [dreg:$0x7];
	[sflag:s24] =	ssyncadd.s32 $0xFFFFF200  }
0x3a: {  	[tilespmem:s25], [sflag:$0x3] =	stream.linear.gather [hbm4b:s13+s4], $0xE00, $0x38;
	[tilespmem:$0x1E000] =	vst v63  }
0x3b: {  	_ =	swait.ge [sflag:s24], $0xE00  }
0x3c: {  	[sflag:s24] =	ssyncset.done $0x0  }
0x3d: {  	[sflag:s24] =	ssyncadd.s32 $0xFFFFF200  }
0x3e: {  	[tilespmem:s23], [sflag:$0x1] =	stream.indirect.gather [hbm4b:s5+s26], $0x80, s4, s26, $0xb8;
	[tilespmem:$0x1E000] =	vst v63  }
0x3f: {  	_ =	swait.ge [sflag:s28], $0x4000  }
0x40: {  	[sflag:s28] =	ssyncset.done $0x0  }
0x41: {  	s12 =	simm.s32 $0x80;
	[sflag:s28] =	ssyncadd.s32 $0xFFFFC000  }
0x42: {  	[tilespmem:s29], [sflag:$0x2] =	stream.indirect.gather [hbm4b:s5+s26], $0x80, s12, s26, $0xb8;
	[tilespmem:$0x1E000] =	vst v63  }
0x43: {  	s13 =	simm.s32 $0x1000  }
0x44: {  	[spmem:s2] =	stream.indirect.scatter.add.f32 [tilespmem:s23], [sflag:$0x3], $0x80, s13, s26, $0xb8;
	[tilespmem:$0x1E000] =	vst v63  }
0x45: {  	_ =	swait.ge [sflag:s24], $0x4000  }
0x46: {  	[sflag:s24] =	ssyncset.done $0x0  }
0x47: {  	[sflag:s24] =	ssyncadd.s32 $0xFFFFC000  }
0x48: {  	_ =	swait.ge [sflag:s30], $0x4000  }
0x49: {  	[sflag:s30] =	ssyncset.done $0x0  }
0x4a: {  	s12 =	simm.s32 $0x100;
	[sflag:s30] =	ssyncadd.s32 $0xFFFFC000  }
0x4b: {  	[tilespmem:s23], [sflag:$0x1] =	stream.indirect.gather [hbm4b:s5+s26], $0x80, s12, s26, $0xb8;
	[tilespmem:$0x1E000] =	vst v63  }
0x4c: {  	s13 =	simm.s32 $0x1080  }
0x4d: {  	[spmem:s2] =	stream.indirect.scatter.add.f32 [tilespmem:s29], [sflag:$0x3], $0x80, s13, s26, $0xb8;
	[tilespmem:$0x1E000] =	vst v63  }
0x4e: {  	_ =	swait.ge [sflag:s24], $0x4000  }
0x4f: {  	s11 =	simm.s32 $0x400;
	[sflag:s24] =	ssyncset.done $0x0  }
.LBB2_2:
0x50: {  	p0 =	sne.s32 s11, $0x3000  }
0x51: {  	[sflag:s24] =	ssyncadd.s32 $0xFFFFC000;
	s12 =	smov.u32 s11;
	s11 =	sadd.s32 $0x400, s11  }
0x52: {  	_ = 	snop  }
0x53: {  	_ =	swait.ge [sflag:s28], $0x4000  }
0x54: {  	s12 =	sshra.s32 s12, $0x2;
	[sflag:s28] =	ssyncset.done $0x0  }
0x55: {  	s13 =	sadd.s32 $0x80, s12;
	[sflag:s28] =	ssyncadd.s32 $0xFFFFC000  }
0x56: {  	[tilespmem:s29], [sflag:$0x2] =	stream.indirect.gather [hbm4b:s5+s26], $0x80, s13, s26, $0xb8;
	[tilespmem:$0x1E000] =	vst v63  }
0x57: {  	s13 =	sadd.s32 $0x1000, s12  }
0x58: {  	[spmem:s2] =	stream.indirect.scatter.add.f32 [tilespmem:s23], [sflag:$0x3], $0x80, s13, s26, $0xb8;
	[tilespmem:$0x1E000] =	vst v63  }
0x59: {  	_ =	swait.ge [sflag:s24], $0x4000  }
0x5a: {  	[sflag:s24] =	ssyncset.done $0x0  }
0x5b: {  	[sflag:s24] =	ssyncadd.s32 $0xFFFFC000  }
0x5c: {  	_ =	swait.ge [sflag:s30], $0x4000  }
0x5d: {  	[sflag:s30] =	ssyncset.done $0x0  }
0x5e: {  	s13 =	sadd.s32 $0x100, s12;
	[sflag:s30] =	ssyncadd.s32 $0xFFFFC000  }
0x5f: {  	[tilespmem:s23], [sflag:$0x1] =	stream.indirect.gather [hbm4b:s5+s26], $0x80, s13, s26, $0xb8;
	[tilespmem:$0x1E000] =	vst v63  }
.Ltmp0:
0x60: {  	_ = 	snop;
	(pc) =	sbr.rel @p0 .LBB2_2-.Ltmp0, $4  }
0x61: {  	s12 =	sadd.s32 $0x1080, s12  }
0x62: {  	[spmem:s2] =	stream.indirect.scatter.add.f32 [tilespmem:s29], [sflag:$0x3], $0x80, s12, s26, $0xb8;
	[tilespmem:$0x1E000] =	vst v63  }
0x63: {  	_ =	swait.ge [sflag:s24], $0x4000  }
0x64: {  	[sflag:s24] =	ssyncset.done $0x0  }
0x65: {  	[sflag:s24] =	ssyncadd.s32 $0xFFFFC000  }
0x66: {  	_ =	swait.ge [sflag:s28], $0x4000  }
0x67: {  	[sflag:s28] =	ssyncset.done $0x0  }
0x68: {  	[sflag:s28] =	ssyncadd.s32 $0xFFFFC000  }
0x69: {  	[tilespmem:s29], [sflag:$0x2] =	stream.indirect.gather [hbm4b:s5+s26], $0x80, s31, s26, $0xb8;
	[tilespmem:$0x1E000] =	vst v63  }
0x6a: {  	_ = 	snop  }
0x6b: {  	[spmem:s2] =	stream.indirect.scatter.add.f32 [tilespmem:s23], [sflag:$0x3], $0x80, s0, s26, $0xb8;
	[tilespmem:$0x1E000] =	vst v63  }
0x6c: {  	_ =	swait.ge [sflag:s24], $0x4000  }
0x6d: {  	[sflag:s24] =	ssyncset.done $0x0  }
0x6e: {  	[sflag:s24] =	ssyncadd.s32 $0xFFFFC000  }
0x6f: {  	_ =	swait.ge [sflag:s30], $0x4000  }
0x70: {  	[sflag:s30] =	ssyncset.done $0x0  }
0x71: {  	[sflag:s30] =	ssyncadd.s32 $0xFFFFC000  }
0x72: {  	[spmem:s2] =	stream.indirect.scatter.add.f32 [tilespmem:s29], [sflag:$0x3], $0x80, s3, s26, $0xb8;
	[tilespmem:$0x1E000] =	vst v63  }
0x73: {  	_ =	swait.ge [sflag:s24], $0x4000  }
0x74: {  	[sflag:s24] =	ssyncset.done $0x0  }
0x75: {  	s11 =	simm.s32 $0x0;
	s12 =	rddreg [dreg:$0x8];
	[sflag:s24] =	ssyncadd.s32 $0xFFFFC000  }
0x76: {  	[tilespmem:s11], [sflag:$0x3] =	stream.linear.gather [hbm4b:s12+s11], $0xE00, $0x38;
	[tilespmem:$0x1E000] =	vst v63  }
0x77: {  	_ =	swait.ge [sflag:s24], $0xE00  }
0x78: {  	[sflag:s24] =	ssyncset.done $0x0  }
0x79: {  	[sflag:s24] =	ssyncadd.s32 $0xFFFFF200  }
0x7a: {  	[tilespmem:s25], [sflag:$0x3] =	stream.linear.gather [hbm4b:s14+s11], $0xE00, $0x38;
	[tilespmem:$0x1E000] =	vst v63  }
0x7b: {  	_ =	swait.ge [sflag:s24], $0xE00  }
0x7c: {  	[sflag:s24] =	ssyncset.done $0x0  }
0x7d: {  	[sflag:s24] =	ssyncadd.s32 $0xFFFFF200  }
0x7e: {  	[tilespmem:s23], [sflag:$0x1] =	stream.indirect.gather [hbm4b:s5+s26], $0x80, s11, s26, $0xb8;
	[tilespmem:$0x1E000] =	vst v63  }
0x7f: {  	_ =	swait.ge [sflag:s28], $0x4000  }
0x80: {  	[sflag:s28] =	ssyncset.done $0x0  }
0x81: {  	s12 =	simm.s32 $0x80;
	[sflag:s28] =	ssyncadd.s32 $0xFFFFC000  }
0x82: {  	[tilespmem:s29], [sflag:$0x2] =	stream.indirect.gather [hbm4b:s5+s26], $0x80, s12, s26, $0xb8;
	[tilespmem:$0x1E000] =	vst v63  }
0x83: {  	s13 =	simm.s32 $0x1000  }
0x84: {  	[spmem:s2] =	stream.indirect.scatter.add.f32 [tilespmem:s23], [sflag:$0x3], $0x80, s13, s26, $0xb8;
	[tilespmem:$0x1E000] =	vst v63  }
0x85: {  	_ =	swait.ge [sflag:s24], $0x4000  }
0x86: {  	[sflag:s24] =	ssyncset.done $0x0  }
0x87: {  	[sflag:s24] =	ssyncadd.s32 $0xFFFFC000  }
0x88: {  	_ =	swait.ge [sflag:s30], $0x4000  }
0x89: {  	[sflag:s30] =	ssyncset.done $0x0  }
0x8a: {  	s12 =	simm.s32 $0x100;
	[sflag:s30] =	ssyncadd.s32 $0xFFFFC000  }
0x8b: {  	[tilespmem:s23], [sflag:$0x1] =	stream.indirect.gather [hbm4b:s5+s26], $0x80, s12, s26, $0xb8;
	[tilespmem:$0x1E000] =	vst v63  }
0x8c: {  	s13 =	simm.s32 $0x1080  }
0x8d: {  	[spmem:s2] =	stream.indirect.scatter.add.f32 [tilespmem:s29], [sflag:$0x3], $0x80, s13, s26, $0xb8;
	[tilespmem:$0x1E000] =	vst v63  }
0x8e: {  	_ =	swait.ge [sflag:s24], $0x4000  }
0x8f: {  	s11 =	simm.s32 $0x400;
	[sflag:s24] =	ssyncset.done $0x0  }
.LBB2_4:
0x90: {  	p0 =	sne.s32 s11, $0x3000  }
0x91: {  	[sflag:s24] =	ssyncadd.s32 $0xFFFFC000;
	s12 =	smov.u32 s11;
	s11 =	sadd.s32 $0x400, s11  }
0x92: {  	_ = 	snop  }
0x93: {  	_ =	swait.ge [sflag:s28], $0x4000  }
0x94: {  	s12 =	sshra.s32 s12, $0x2;
	[sflag:s28] =	ssyncset.done $0x0  }
0x95: {  	s13 =	sadd.s32 $0x80, s12;
	[sflag:s28] =	ssyncadd.s32 $0xFFFFC000  }
0x96: {  	[tilespmem:s29], [sflag:$0x2] =	stream.indirect.gather [hbm4b:s5+s26], $0x80, s13, s26, $0xb8;
	[tilespmem:$0x1E000] =	vst v63  }
0x97: {  	s13 =	sadd.s32 $0x1000, s12  }
0x98: {  	[spmem:s2] =	stream.indirect.scatter.add.f32 [tilespmem:s23], [sflag:$0x3], $0x80, s13, s26, $0xb8;
	[tilespmem:$0x1E000] =	vst v63  }
0x99: {  	_ =	swait.ge [sflag:s24], $0x4000  }
0x9a: {  	[sflag:s24] =	ssyncset.done $0x0  }
0x9b: {  	[sflag:s24] =	ssyncadd.s32 $0xFFFFC000  }
0x9c: {  	_ =	swait.ge [sflag:s30], $0x4000  }
0x9d: {  	[sflag:s30] =	ssyncset.done $0x0  }
0x9e: {  	s13 =	sadd.s32 $0x100, s12;
	[sflag:s30] =	ssyncadd.s32 $0xFFFFC000  }
0x9f: {  	[tilespmem:s23], [sflag:$0x1] =	stream.indirect.gather [hbm4b:s5+s26], $0x80, s13, s26, $0xb8;
	[tilespmem:$0x1E000] =	vst v63  }
.Ltmp1:
0xa0: {  	_ = 	snop;
	(pc) =	sbr.rel @p0 .LBB2_4-.Ltmp1, $4  }
0xa1: {  	s12 =	sadd.s32 $0x1080, s12  }
0xa2: {  	[spmem:s2] =	stream.indirect.scatter.add.f32 [tilespmem:s29], [sflag:$0x3], $0x80, s12, s26, $0xb8;
	[tilespmem:$0x1E000] =	vst v63  }
0xa3: {  	_ =	swait.ge [sflag:s24], $0x4000  }
0xa4: {  	[sflag:s24] =	ssyncset.done $0x0  }
0xa5: {  	[sflag:s24] =	ssyncadd.s32 $0xFFFFC000  }
0xa6: {  	_ =	swait.ge [sflag:s28], $0x4000  }
0xa7: {  	[sflag:s28] =	ssyncset.done $0x0  }
0xa8: {  	[sflag:s28] =	ssyncadd.s32 $0xFFFFC000  }
0xa9: {  	[tilespmem:s29], [sflag:$0x2] =	stream.indirect.gather [hbm4b:s5+s26], $0x80, s31, s26, $0xb8;
	[tilespmem:$0x1E000] =	vst v63  }
0xaa: {  	_ = 	snop  }
0xab: {  	[spmem:s2] =	stream.indirect.scatter.add.f32 [tilespmem:s23], [sflag:$0x3], $0x80, s0, s26, $0xb8;
	[tilespmem:$0x1E000] =	vst v63  }
0xac: {  	_ =	swait.ge [sflag:s24], $0x4000  }
0xad: {  	[sflag:s24] =	ssyncset.done $0x0  }
0xae: {  	[sflag:s24] =	ssyncadd.s32 $0xFFFFC000  }
0xaf: {  	_ =	swait.ge [sflag:s30], $0x4000  }
0xb0: {  	[sflag:s30] =	ssyncset.done $0x0  }
0xb1: {  	[sflag:s30] =	ssyncadd.s32 $0xFFFFC000  }
0xb2: {  	[spmem:s2] =	stream.indirect.scatter.add.f32 [tilespmem:s29], [sflag:$0x3], $0x80, s3, s26, $0xb8;
	[tilespmem:$0x1E000] =	vst v63  }
0xb3: {  	_ =	swait.ge [sflag:s24], $0x4000  }
0xb4: {  	[sflag:s24] =	ssyncset.done $0x0  }
0xb5: {  	s11 =	simm.s32 $0x0;
	[sflag:s24] =	ssyncadd.s32 $0xFFFFC000  }
0xb6: {  	[tilespmem:s11], [sflag:$0x3] =	stream.linear.gather [hbm4b:s15+s11], $0xE00, $0x38;
	[tilespmem:$0x1E000] =	vst v63  }
0xb7: {  	_ =	swait.ge [sflag:s24], $0xE00  }
0xb8: {  	[sflag:s24] =	ssyncset.done $0x0  }
0xb9: {  	[sflag:s24] =	ssyncadd.s32 $0xFFFFF200  }
0xba: {  	[tilespmem:s25], [sflag:$0x3] =	stream.linear.gather [hbm4b:s16+s11], $0xE00, $0x38;
	[tilespmem:$0x1E000] =	vst v63  }
0xbb: {  	_ =	swait.ge [sflag:s24], $0xE00  }
0xbc: {  	[sflag:s24] =	ssyncset.done $0x0  }
0xbd: {  	[sflag:s24] =	ssyncadd.s32 $0xFFFFF200  }
0xbe: {  	[tilespmem:s23], [sflag:$0x1] =	stream.indirect.gather [hbm4b:s5+s26], $0x80, s11, s26, $0xb8;
	[tilespmem:$0x1E000] =	vst v63  }
0xbf: {  	_ =	swait.ge [sflag:s28], $0x4000  }
0xc0: {  	[sflag:s28] =	ssyncset.done $0x0  }
0xc1: {  	s12 =	simm.s32 $0x80;
	[sflag:s28] =	ssyncadd.s32 $0xFFFFC000  }
0xc2: {  	[tilespmem:s29], [sflag:$0x2] =	stream.indirect.gather [hbm4b:s5+s26], $0x80, s12, s26, $0xb8;
	[tilespmem:$0x1E000] =	vst v63  }
0xc3: {  	s13 =	simm.s32 $0x1000  }
0xc4: {  	[spmem:s2] =	stream.indirect.scatter.add.f32 [tilespmem:s23], [sflag:$0x3], $0x80, s13, s26, $0xb8;
	[tilespmem:$0x1E000] =	vst v63  }
0xc5: {  	_ =	swait.ge [sflag:s24], $0x4000  }
0xc6: {  	[sflag:s24] =	ssyncset.done $0x0  }
0xc7: {  	[sflag:s24] =	ssyncadd.s32 $0xFFFFC000  }
0xc8: {  	_ =	swait.ge [sflag:s30], $0x4000  }
0xc9: {  	[sflag:s30] =	ssyncset.done $0x0  }
0xca: {  	s12 =	simm.s32 $0x100;
	[sflag:s30] =	ssyncadd.s32 $0xFFFFC000  }
0xcb: {  	[tilespmem:s23], [sflag:$0x1] =	stream.indirect.gather [hbm4b:s5+s26], $0x80, s12, s26, $0xb8;
	[tilespmem:$0x1E000] =	vst v63  }
0xcc: {  	s13 =	simm.s32 $0x1080  }
0xcd: {  	[spmem:s2] =	stream.indirect.scatter.add.f32 [tilespmem:s29], [sflag:$0x3], $0x80, s13, s26, $0xb8;
	[tilespmem:$0x1E000] =	vst v63  }
0xce: {  	_ =	swait.ge [sflag:s24], $0x4000  }
0xcf: {  	s11 =	simm.s32 $0x400;
	[sflag:s24] =	ssyncset.done $0x0  }
.LBB2_6:
0xd0: {  	p0 =	sne.s32 s11, $0x3000  }
0xd1: {  	[sflag:s24] =	ssyncadd.s32 $0xFFFFC000;
	s12 =	smov.u32 s11;
	s11 =	sadd.s32 $0x400, s11  }
0xd2: {  	_ = 	snop  }
0xd3: {  	_ =	swait.ge [sflag:s28], $0x4000  }
0xd4: {  	s12 =	sshra.s32 s12, $0x2;
	[sflag:s28] =	ssyncset.done $0x0  }
0xd5: {  	s13 =	sadd.s32 $0x80, s12;
	[sflag:s28] =	ssyncadd.s32 $0xFFFFC000  }
0xd6: {  	[tilespmem:s29], [sflag:$0x2] =	stream.indirect.gather [hbm4b:s5+s26], $0x80, s13, s26, $0xb8;
	[tilespmem:$0x1E000] =	vst v63  }
0xd7: {  	s13 =	sadd.s32 $0x1000, s12  }
0xd8: {  	[spmem:s2] =	stream.indirect.scatter.add.f32 [tilespmem:s23], [sflag:$0x3], $0x80, s13, s26, $0xb8;
	[tilespmem:$0x1E000] =	vst v63  }
0xd9: {  	_ =	swait.ge [sflag:s24], $0x4000  }
0xda: {  	[sflag:s24] =	ssyncset.done $0x0  }
0xdb: {  	[sflag:s24] =	ssyncadd.s32 $0xFFFFC000  }
0xdc: {  	_ =	swait.ge [sflag:s30], $0x4000  }
0xdd: {  	[sflag:s30] =	ssyncset.done $0x0  }
0xde: {  	s13 =	sadd.s32 $0x100, s12;
	[sflag:s30] =	ssyncadd.s32 $0xFFFFC000  }
0xdf: {  	[tilespmem:s23], [sflag:$0x1] =	stream.indirect.gather [hbm4b:s5+s26], $0x80, s13, s26, $0xb8;
	[tilespmem:$0x1E000] =	vst v63  }
.Ltmp2:
0xe0: {  	_ = 	snop;
	(pc) =	sbr.rel @p0 .LBB2_6-.Ltmp2, $4  }
0xe1: {  	s12 =	sadd.s32 $0x1080, s12  }
0xe2: {  	[spmem:s2] =	stream.indirect.scatter.add.f32 [tilespmem:s29], [sflag:$0x3], $0x80, s12, s26, $0xb8;
	[tilespmem:$0x1E000] =	vst v63  }
0xe3: {  	_ =	swait.ge [sflag:s24], $0x4000  }
0xe4: {  	[sflag:s24] =	ssyncset.done $0x0  }
0xe5: {  	[sflag:s24] =	ssyncadd.s32 $0xFFFFC000  }
0xe6: {  	_ =	swait.ge [sflag:s28], $0x4000  }
0xe7: {  	[sflag:s28] =	ssyncset.done $0x0  }
0xe8: {  	[sflag:s28] =	ssyncadd.s32 $0xFFFFC000  }
0xe9: {  	[tilespmem:s29], [sflag:$0x2] =	stream.indirect.gather [hbm4b:s5+s26], $0x80, s31, s26, $0xb8;
	[tilespmem:$0x1E000] =	vst v63  }
0xea: {  	_ = 	snop  }
0xeb: {  	[spmem:s2] =	stream.indirect.scatter.add.f32 [tilespmem:s23], [sflag:$0x3], $0x80, s0, s26, $0xb8;
	[tilespmem:$0x1E000] =	vst v63  }
0xec: {  	_ =	swait.ge [sflag:s24], $0x4000  }
0xed: {  	[sflag:s24] =	ssyncset.done $0x0  }
0xee: {  	[sflag:s24] =	ssyncadd.s32 $0xFFFFC000  }
0xef: {  	_ =	swait.ge [sflag:s30], $0x4000  }
0xf0: {  	[sflag:s30] =	ssyncset.done $0x0  }
0xf1: {  	[sflag:s30] =	ssyncadd.s32 $0xFFFFC000  }
0xf2: {  	[spmem:s2] =	stream.indirect.scatter.add.f32 [tilespmem:s29], [sflag:$0x3], $0x80, s3, s26, $0xb8;
	[tilespmem:$0x1E000] =	vst v63  }
0xf3: {  	_ =	swait.ge [sflag:s24], $0x4000  }
0xf4: {  	[sflag:s24] =	ssyncset.done $0x0  }
0xf5: {  	[sflag:s24] =	ssyncadd.s32 $0xFFFFC000  }
0xf6: {  	[bflag:$0x0] =	sbarrier.arrive $0xFFFF  }
0xf7: {  	[tilespmem:s23], [sflag:$0x3] =	stream.linear.gather [spmem:s6], $0x4000, $0x38;
	[tilespmem:$0x1E000] =	vst v63  }
0xf8: {  	_ =	swait.ge [sflag:s24], $0x4000  }
0xf9: {  	[sflag:s24] =	ssyncset.done $0x0  }
0xfa: {  	[sflag:s24] =	ssyncadd.s32 $0xFFFFC000  }
0xfb: {  	[hbm4b:s17+s4] =	stream.linear.scatter [tilespmem:s23], [sflag:$0x3], $0x4000, $0x38;
	[tilespmem:$0x1E000] =	vst v63  }
0xfc: {  	_ =	swait.ge [sflag:s24], $0x4000  }
0xfd: {  	[sflag:s24] =	ssyncset.done $0x0  }
0xfe: {  	[sflag:s24] =	ssyncadd.s32 $0xFFFFC000  }
0xff: {  	[tilespmem:s23], [sflag:$0x3] =	stream.linear.gather [spmem:s7], $0x4000, $0x38;
	[tilespmem:$0x1E000] =	vst v63  }
0x100: {  	_ =	swait.ge [sflag:s24], $0x4000  }
0x101: {  	[sflag:s24] =	ssyncset.done $0x0  }
0x102: {  	[sflag:s24] =	ssyncadd.s32 $0xFFFFC000  }
0x103: {  	[hbm4b:s18+s4] =	stream.linear.scatter [tilespmem:s23], [sflag:$0x3], $0x4000, $0x38;
	[tilespmem:$0x1E000] =	vst v63  }
0x104: {  	_ =	swait.ge [sflag:s24], $0x4000  }
0x105: {  	[sflag:s24] =	ssyncset.done $0x0  }
0x106: {  	[sflag:s24] =	ssyncadd.s32 $0xFFFFC000  }
0x107: {  	[tilespmem:s23], [sflag:$0x3] =	stream.linear.gather [spmem:s8], $0x4000, $0x38;
	[tilespmem:$0x1E000] =	vst v63  }
0x108: {  	_ =	swait.ge [sflag:s24], $0x4000  }
0x109: {  	[sflag:s24] =	ssyncset.done $0x0  }
0x10a: {  	[sflag:s24] =	ssyncadd.s32 $0xFFFFC000  }
0x10b: {  	[hbm4b:s19+s4] =	stream.linear.scatter [tilespmem:s23], [sflag:$0x3], $0x4000, $0x38;
	[tilespmem:$0x1E000] =	vst v63  }
0x10c: {  	_ =	swait.ge [sflag:s24], $0x4000  }
0x10d: {  	[sflag:s24] =	ssyncset.done $0x0  }
0x10e: {  	[sflag:s24] =	ssyncadd.s32 $0xFFFFC000  }
0x10f: {  	[tilespmem:s23], [sflag:$0x3] =	stream.linear.gather [spmem:s9], $0x4000, $0x38;
	[tilespmem:$0x1E000] =	vst v63  }
0x110: {  	_ =	swait.ge [sflag:s24], $0x4000  }
0x111: {  	[sflag:s24] =	ssyncset.done $0x0  }
0x112: {  	[sflag:s24] =	ssyncadd.s32 $0xFFFFC000  }
0x113: {  	[hbm4b:s20+s4] =	stream.linear.scatter [tilespmem:s23], [sflag:$0x3], $0x4000, $0x38;
	[tilespmem:$0x1E000] =	vst v63  }
0x114: {  	_ =	swait.ge [sflag:s24], $0x4000  }
0x115: {  	[sflag:s24] =	ssyncset.done $0x0  }
0x116: {  	[sflag:s24] =	ssyncadd.s32 $0xFFFFC000  }
0x117: {  	[tilespmem:s23], [sflag:$0x3] =	stream.linear.gather [spmem:s10], $0x4000, $0x38;
	[tilespmem:$0x1E000] =	vst v63  }
0x118: {  	s1 =	sadd.s32 $0x1, s1;
	_ =	swait.ge [sflag:s24], $0x4000  }
0x119: {  	p0 =	sne.s32 s1, s22;
	[sflag:s24] =	ssyncset.done $0x0  }
.Ltmp3:
0x11a: {  	[sflag:s24] =	ssyncadd.s32 $0xFFFFC000;
	(pc) =	sbr.rel @p0 .LBB2_1-.Ltmp3, $4  }
0x11b: {  	[hbm4b:s21+s4] =	stream.linear.scatter [tilespmem:s23], [sflag:$0x3], $0x4000, $0x38;
	[tilespmem:$0x1E000] =	vst v63  }
0x11c: {  	_ =	swait.ge [sflag:s24], $0x4000  }
0x11d: {  	[sflag:s24] =	ssyncset.done $0x0  }
0x11e: {  	[sflag:s24] =	ssyncadd.s32 $0xFFFFC000  }
0x11f: {  	_ =	sfence.sel $0x180000  }
0x120: {  	[bflag:$0x0] =	sbarrier.arrive $0xFFFF  }
0x121: {  	_ =	strace $0x9000004D  }
0x122: {  	s0 =	stileid.u32;
	[bflag:$0x2] =	sbarrier.arrive $0xFFFF  }
0x123: {  	p0 =	sne.s32 s0, $0x0;
	s0 =	rddreg [dreg:$0x5]  }
0x124: {  	s0 =	sadd.s32 @!p0 $0x100000, s0  }
0x125: {  	[sflag:s0] =	ssyncadd.tile.s32 @!p0 $0x1;
	_ =	shalt  }
.Lfunc_end2:
_tile_overlayer_lowered:
.L_overlay_start_2:
0x126: {  	(tag) =	ssettag $0x2  }
0x127: {  	s0 =	rddreg [dreg:$0x0];
	s2 =	stileid.u32  }
0x128: {  	s1 =	rddreg [dreg:$0x1];
	p0 =	sne.s32 s2, $0x0  }
0x129: {  	s3 =	rddreg [dreg:$0x2];
	[bflag:$0x3] =	sbarrier.arrive $0xFFFF;
	s2 =	simm.s32 @!p0 $0x1C03  }
0x12a: {  	[timem:s3], [sflag:s2] =	dma.local @!p0 [hbm:s0], s1  }
0x12b: {  	s0 =	simm.s32 @!p0 $0x3  }
0x12c: {  	_ =	swait.ge @!p0 [sflag:s0], s1  }
0x12d: {  	s1 =	ssub.s32 @!p0 $0x0, s1;
	[sflag:s0] =	ssyncset.done @!p0 $0x0  }
0x12e: {  	[sflag:s0] =	ssyncadd.s32 @!p0 s1  }
0x12f: {  	[bflag:$0x3] =	sbarrier.arrive $0xFFFF  }
0x130: {  	_ =	shalt  }

// kernel: kernel.19.cloned.1.call-start
scs
__scs_entry_jumppad:
0x0: {  	(pc) =	sbr.rel $0x88, $3  }
0x1: {  	(tag) =	ssettag $0x0;
	lr =	simm.s32 $0x1  }
0x2: {  	[smem:$0x3F96] =	sst lr;
	_ =	strace $0xD0000000  }
0x3: {  	_ = 	snop  }
0x4: {  	_ = 	snop  }
0x5: {  	_ = 	snop  }
0x6: {  	_ = 	snop  }
0x7: {  	_ = 	snop  }
__scs_overlays_trampoline_lowered:
0x8: {  	[smem:$0x3FA5] =	sst s0  }
0x9: {  	[smem:$0x3FA6] =	sst s1  }
0xa: {  	[smem:$0x3FA7] =	sst s2  }
0xb: {  	[smem:$0x3FA8] =	sst s3  }
0xc: {  	[smem:$0x3FA9] =	sst s4  }
0xd: {  	[smem:$0x3FAA] =	sst s5  }
0xe: {  	[smem:$0x3FAB] =	sst s6  }
0xf: {  	[smem:$0x3FAC] =	sst s7  }
0x10: {  	[smem:$0x3FAD] =	sst s8  }
0x11: {  	[smem:$0x3FAE] =	sst s9;
	s0 =	simm.s32 @!p0 $0x0  }
0x12: {  	s1 =	sld [smem:$0x3F94];
	s0 =	simm.s32 @p0 $0x1  }
0x13: {  	[smem:$0x3FAF] =	sst s0;
	s0 =	simm.s32 @!p1 $0x0  }
0x14: {  	s2 =	sld [smem:$0x3F93];
	s0 =	simm.s32 @p1 $0x1  }
0x15: {  	[smem:$0x3FB0] =	sst s0;
	s0 =	simm.s32 @!p2 $0x0  }
0x16: {  	s3 =	sld [smem:$0x3FDB];
	s0 =	simm.s32 @p2 $0x1  }
0x17: {  	s4 =	simm.s32 $0x1BF5;
	[smem:$0x3FB2] =	sst s0  }
0x18: {  	s0 =	sld [smem:$0x3F95];
	_ =	swait.ge [sflag:s4], $0x0  }
0x19: {  	s7 =	sld [smem:$0x3F96]  }
0x1a: {  	s8 =	sadd.s32 $0xFFFFE003, lr  }
0x1b: {  	s9 =	sadd.s32 $0xFFFFFEF7, lr;
	s5 =	simm.s32 $0xFFFFFFFF;
	p2 =	slt.u32 s8, $0xFFFFF086  }
0x1c: {  	p1 =	slt.u32 s9, $0xF7A;
	s5 =	simm.s32 @!p2 $0x0  }
0x1d: {  	s5 =	simm.s32 @p1 $0x1;
	p0 =	seq.s32 s7, s2  }
0x1e: {  	s7 =	smul.u32 @!p0 $0xF7A, s2;
	p2 =	seq.s32 @!p0 s5, $0x0  }
0x1f: {  	s9 =	smul.u32 $0xF7A, s1;
	s8 =	simm.s32 @!p0 $0x1BF5;
	p2 =	por !p2, p0  }
0x20: {  	[sflag:s8] =	ssyncset.s32 @!p0 $0xFFFFF086;
	s6 =	sadd.s32 @!p0 s3, s7;
	s7 =	simm.s32 @!p0 $0x108  }
0x21: {  	s3 =	sadd.s32 s3, s9;
	s6 =	sadd.s32 @!p0 $0x88, s6;
	s7 =	simm.s32 @p2 $0x1082  }
0x22: {  	[simem:s7], [sflag:s8] =	dma.local @!p0 [hbm:s6], $0xF7A  }
0x23: {  	s9 =	sor.u32 $0xD0000000, s2;
	s6 =	simm.s32 $0x108;
	_ =	swait.ge @!p0 [sflag:s8], $0x0  }
0x24: {  	s3 =	sadd.s32 $0x88, s3;
	s6 =	simm.s32 @!p1 $0x1082;
	[sflag:s4] =	ssyncset.s32 $0xFFFFF086  }
0x25: {  	[simem:s6], [sflag:s4] =	dma.local [hbm:s3], $0xF7A  }
0x26: {  	[smem:$0x3F96] =	sst s1;
	(tag) =	ssettag s2;
	_ =	strace s9  }
0x27: {  	s1 =	sld [smem:$0x3FA6]  }
0x28: {  	s2 =	sld [smem:$0x3FA7]  }
0x29: {  	s4 =	sld [smem:$0x3FA9]  }
0x2a: {  	p0 =	seq.s32 s5, $0x0;
	s5 =	sld [smem:$0x3FAA]  }
0x2b: {  	s6 =	sld [smem:$0x3FAB]  }
0x2c: {  	s7 =	sld [smem:$0x3FAC]  }
0x2d: {  	s3 =	simm.s32 $0x108;
	s8 =	sld [smem:$0x3FAD]  }
0x2e: {  	s3 =	simm.s32 @!p0 $0x1082;
	s9 =	sld [smem:$0x3FAE]  }
0x2f: {  	lr =	sadd.s32 s0, s3;
	s0 =	sld [smem:$0x3FA5]  }
0x30: {  	s3 =	sld [smem:$0x3FA8]  }
0x31: {  	[smem:$0x3FB1] =	sst s10  }
0x32: {  	s10 =	sld [smem:$0x3FAF];
	_ =	sdelay $0x3  }
0x33: {  	p0 =	seq.s32 s10, $0x1;
	s10 =	sld [smem:$0x3FB1];
	_ =	sdelay $0x3  }
0x34: {  	[smem:$0x3FB1] =	sst s10  }
0x35: {  	s10 =	sld [smem:$0x3FB0];
	_ =	sdelay $0x3  }
0x36: {  	p1 =	seq.s32 s10, $0x1;
	s10 =	sld [smem:$0x3FB1];
	_ =	sdelay $0x3  }
0x37: {  	[smem:$0x3FB1] =	sst s10  }
0x38: {  	s10 =	sld [smem:$0x3FB2]  }
0x39: {  	_ = 	snop;
	(pc) =	sbr.ind lr, $3  }
0x3a: {  	_ = 	snop  }
0x3b: {  	_ = 	snop  }
0x3c: {  	p2 =	seq.s32 s10, $0x1;
	s10 =	sld [smem:$0x3FB1]  }
0x3d: {  	_ =	shalt  }
0x3e: {  	_ =	shalt  }
0x3f: {  	_ =	shalt  }
0x40: {  	_ =	shalt  }
0x41: {  	_ =	shalt  }
0x42: {  	_ =	shalt  }
0x43: {  	_ =	shalt  }
0x44: {  	_ =	shalt  }
0x45: {  	_ =	shalt  }
0x46: {  	_ =	shalt  }
0x47: {  	_ =	shalt  }
0x48: {  	_ =	shalt  }
0x49: {  	_ =	shalt  }
0x4a: {  	_ =	shalt  }
0x4b: {  	_ =	shalt  }
0x4c: {  	_ =	shalt  }
0x4d: {  	_ =	shalt  }
0x4e: {  	_ =	shalt  }
0x4f: {  	_ =	shalt  }
0x50: {  	_ =	shalt  }
0x51: {  	_ =	shalt  }
0x52: {  	_ =	shalt  }
0x53: {  	_ =	shalt  }
0x54: {  	_ =	shalt  }
0x55: {  	_ =	shalt  }
0x56: {  	_ =	shalt  }
0x57: {  	_ =	shalt  }
0x58: {  	_ =	shalt  }
0x59: {  	_ =	shalt  }
0x5a: {  	_ =	shalt  }
0x5b: {  	_ =	shalt  }
0x5c: {  	_ =	shalt  }
0x5d: {  	_ =	shalt  }
0x5e: {  	_ =	shalt  }
0x5f: {  	_ =	shalt  }
0x60: {  	_ =	shalt  }
0x61: {  	_ =	shalt  }
0x62: {  	_ =	shalt  }
0x63: {  	_ =	shalt  }
0x64: {  	_ =	shalt  }
0x65: {  	_ =	shalt  }
0x66: {  	_ =	shalt  }
0x67: {  	_ =	shalt  }
0x68: {  	_ =	shalt  }
0x69: {  	_ =	shalt  }
0x6a: {  	_ =	shalt  }
0x6b: {  	_ =	shalt  }
0x6c: {  	_ =	shalt  }
0x6d: {  	_ =	shalt  }
0x6e: {  	_ =	shalt  }
0x6f: {  	_ =	shalt  }
0x70: {  	_ =	shalt  }
0x71: {  	_ =	shalt  }
0x72: {  	_ =	shalt  }
0x73: {  	_ =	shalt  }
0x74: {  	_ =	shalt  }
0x75: {  	_ =	shalt  }
0x76: {  	_ =	shalt  }
0x77: {  	_ =	shalt  }
0x78: {  	_ =	shalt  }
0x79: {  	_ =	shalt  }
0x7a: {  	_ =	shalt  }
0x7b: {  	_ =	shalt  }
0x7c: {  	_ =	shalt  }
0x7d: {  	_ =	shalt  }
0x7e: {  	_ =	shalt  }
0x7f: {  	_ =	shalt  }
0x80: {  	_ =	shalt  }
0x81: {  	_ =	shalt  }
0x82: {  	_ =	shalt  }
0x83: {  	_ =	shalt  }
0x84: {  	_ =	shalt  }
0x85: {  	_ =	shalt  }
0x86: {  	_ =	shalt  }
0x87: {  	_ =	shalt  }
.Lfunc_end0:
.L_simem_size_0:
called_computation.3_lowered:
.L_overlay_start_0:
0x88: {  	s2 =	sld [smem:$0x3FD9]  }
0x89: {  	s3 =	sld [smem:$0x3FFE];
	_ =	sdelay $0x1  }
0x8a: {  	s1 =	srdreg.scid  }
0x8b: {  	s0 =	sand.u32 $0x1, s1  }
0x8c: {  	s14 =	sshll.u32 s0, $0xA;
	s2 =	sadd.s32 s3, s2  }
0x8d: {  	s2 =	sadd.s32 s2, s14  }
0x8e: {  	[smem:$0x3FBD] =	sst s2  }
0x8f: {  	_ = 	snop  }
0x90: {  	s2 =	sld [smem:$0x3FD0];
	_ =	sdelay $0x2  }
0x91: {  	s15 =	simm.s32 $0xA;
	s4 =	simm.s32 $0x10  }
0x92: {  	[smem:s4], [sflag:s15] =	dma.local [hbm:s2], $0x1  }
0x93: {  	_ =	swait.eq [sflag:s15], $0x1  }
0x94: {  	s16 =	sld [smem:$0x12];
	[sflag:s15] =	ssyncset.done $0x0  }
0x95: {  	s17 =	sld [smem:$0x13];
	[sflag:s15] =	ssyncadd.s32 $0xFFFFFFFF  }
0x96: {  	s18 =	sld [smem:$0x14];
	(tm) =	ssettm $0x1  }
0x97: {  	s5 =	sld [smem:$0x3FFB];
	_ =	sdelay $0x3  }
0x98: {  	_ =	strace s5  }
0x99: {  	s5 =	sld [smem:$0x3FFC];
	_ =	sdelay $0x3  }
0x9a: {  	_ =	strace s5  }
0x9b: {  	s5 =	sld [smem:$0x3FFD];
	_ =	sdelay $0x3  }
0x9c: {  	_ =	strace s5  }
0x9d: {  	_ =	strace $0x8FFFFFFF  }
0x9e: {  	s19 =	sld [smem:$0x3FDB];
	_ =	sdelay $0x1  }
0x9f: {  	s6 =	simm.s32 $_scs_section_size  }
0xa0: {  	s7 =	simm.s32 $_size__tile_overlayer_lowered;
	s8 =	simm.s32 $_tile_overlayer_lowered  }
0xa1: {  	s22 =	simm.s32 $0x1BFF;
	s21 =	sshll.u32 s8, $0x1;
	s5 =	sadd.s32 s6, s19  }
0xa2: {  	s9 =	simm.s32 $0x0;
	s20 =	sshll.u32 s7, $0x1;
	s7 =	sadd.s32 s21, s5  }
0xa3: {  	[timem:s9], [sflag:s22] =	dma.local [hbm:s7], s20  }
0xa4: {  	_ =	swait.ge [sflag:s22], s20  }
0xa5: {  	s6 =	ssub.s32 $0x0, s20;
	[sflag:s22] =	ssyncset.done $0x0  }
0xa6: {  	[sflag:s22] =	ssyncadd.s32 s6;
	_ =	sdelay $0x1  }
0xa7: {  	s23 =	simm.s32 $0x1B8B  }
0xa8: {  	_ =	swait.ge [sflag:s23], $0x1  }
0xa9: {  	[sflag:s23] =	ssyncset.done $0x0  }
0xaa: {  	s25 =	simm.s32 $0x1B8E;
	s24 =	sld [smem:$0x3FFE];
	[sflag:s23] =	ssyncadd.s32 $0xFFFFFFFF  }
0xab: {  	s26 =	simm.s32 $execute0_lowered;
	[smem:$0x3FD2] =	sst s25  }
0xac: {  	s7 =	sshll.u32 s26, $0x1;
	_ =	strace $0x8000004F;
	[dreg:$0x1] =	wrdreg $0xFFFFFFFF  }
0xad: {  	s28 =	simm.s32 $_size_execute0_lowered;
	s5 =	sadd.s32 s5, s7;
	[dreg:$0x0] =	wrdreg $0x0  }
0xae: {  	s7 =	sshll.u32 s28, $0x1;
	[dreg:$0x2] =	wrdreg s5  }
0xaf: {  	[dreg:$0x3] =	wrdreg s7  }
0xb0: {  	[dreg:$0x4] =	wrdreg $0xC0  }
0xb1: {  	_ =	task [dreg:s9], $0x5FFFF  }
0xb2: {  	[dreg:$0x1] =	wrdreg $0xFFFFFFFF  }
0xb3: {  	[dreg:$0x0] =	wrdreg $0x60  }
0xb4: {  	[dreg:$0x2] =	wrdreg s24  }
0xb5: {  	[dreg:$0x3] =	wrdreg s18  }
0xb6: {  	[dreg:$0x4] =	wrdreg s16  }
0xb7: {  	[dreg:$0x5] =	wrdreg s17  }
0xb8: {  	[dreg:$0x6] =	wrdreg $0xA0000  }
0xb9: {  	[dreg:$0x7] =	wrdreg $0x9  }
0xba: {  	_ =	task.clear_ibuf [dreg:s9], $0x8FFFF;
	_ =	strace $0x9000004F  }
0xbb: {  	s29 =	simm.s32 $0x9;
	_ =	strace $0x80000051  }
0xbc: {  	_ =	swait.ge [sflag:s29], $0x1  }
0xbd: {  	[sflag:s29] =	ssyncadd.s32 $0xFFFFFFFF  }
0xbe: {  	_ =	strace $0x90000051  }
0xbf: {  	_ =	sfence  }
0xc0: {  	s30 =	sld [smem:$0x0];
	_ =	sdelay $0x2  }
0xc1: {  	s31 =	sshll.u32 s1, $0xD;
	s1 =	sshrl.u32 s1, $0x2  }
0xc2: {  	s3 =	sand.u32 $0x4000, s31;
	s1 =	sadd.s32 s1, s30  }
0xc3: {  	s0 =	sor.u32 s3, s0;
	s1 =	sshll.u32 s1, $0x11  }
0xc4: {  	s0 =	sor.u32 s1, s0  }
0xc5: {  	s0 =	sadd.s32 $0x8F2B, s0  }
0xc6: {  	[sflag:s0] =	ssyncadd.remote.s32 $0x1  }
0xc7: {  	_ =	sfence.sel $0xFFFF  }
0xc8: {  	[dreg:$0x0] =	wrdreg $0xFFFFFFFF;
	(pc) =	sbr.abs _section_cstart, $3  }
0xc9: {  	[dreg:$0x1] =	wrdreg $0xFFFFFFFF  }
0xca: {  	_ =	task.clear_ibuf [dreg:s9], $0x2FFFF;
	_ =	strace $0x9FFFFFFF  }
0xcb: {  	(tm) =	ssettm $0x7FFFFFFF  }
tec
execute0_lowered:
.L_overlay_start_1:
0x0: {  	(tag) =	ssettag $0x1  }
0x1: {  	s0 =	rddreg [dreg:$0x0]  }
0x2: {  	s1 =	rddreg [dreg:$0x1]  }
0x3: {  	s3 =	rddreg [dreg:$0x2]  }
0x4: {  	s2 =	rddreg [dreg:$0x4]  }
0x5: {  	s4 =	simm.s32 $0x0;
	s5 =	srdreg.scid;
	s10 =	stileid.u32  }
0x6: {  	s28 =	simm.s32 $0x1;
	s29 =	simm.s32 $0x6000;
	s7 =	smul.u32 $0x50000, s10  }
0x7: {  	s30 =	simm.s32 $0x2;
	s31 =	simm.s32 $0xD80;
	s15 =	smul.u32 $0x14000, s10  }
0x8: {  	[smem:$0x7FF] =	sst s4;
	s11 =	sand.u32 $0x1, s5;
	s10 =	smul.u32 $0x3000, s10  }
0x9: {  	s5 =	sadd.s32 $0x54000, s0;
	s0 =	sadd.s32 $0x7C000, s0;
	s9 =	smul.u32 $0x30000, s11  }
0xa: {  	_ =	strace $0x80000050;
	s6 =	ssub.s32 $0x2, s11;
	s11 =	smul.u32 $0x140000, s11  }
0xb: {  	s8 =	sshrl.u32 s6, $0x1;
	s12 =	sshrl.u32 s7, $0x2;
	s16 =	sadd.s32 $0x4000, s15  }
0xc: {  	s19 =	sadd.s32 $0x8000, s15;
	s20 =	sadd.s32 $0xC000, s15;
	s21 =	sadd.s32 $0x10000, s15  }
0xd: {  	s22 =	ssub.s32 s6, s8;
	s6 =	sadd.s32 s12, s2;
	s7 =	sadd.s32 s16, s2  }
0xe: {  	s8 =	sadd.s32 s19, s2;
	s12 =	sadd.s32 s10, s9;
	s9 =	sadd.s32 s20, s2  }
0xf: {  	s10 =	sadd.s32 s21, s2;
	s16 =	sadd.s32 s11, s16;
	s25 =	sadd.s32 s11, s19  }
0x10: {  	s26 =	sadd.s32 s11, s20;
	s17 =	sshrl.u32 s12, $0x3;
	s24 =	sshrl.u32 s16, $0x3  }
0x11: {  	s22 =	smax.u32 s22, $0x1;
	s12 =	sadd.s32 s1, s17;
	s14 =	sadd.s32 $0x200, s17  }
0x12: {  	s13 =	sadd.s32 s3, s17;
	s17 =	sadd.s32 $0x400, s17;
	[dreg:$0x6] =	wrdreg s12  }
0x13: {  	[dreg:$0x7] =	wrdreg s13;
	s18 =	sadd.s32 s1, s14;
	s14 =	sadd.s32 s3, s14  }
0x14: {  	s16 =	sadd.s32 s3, s17;
	s3 =	sshrl.u32 s26, $0x3;
	s26 =	simm.s32 $0x80  }
0x15: {  	[dreg:$0x8] =	wrdreg s18;
	s18 =	sadd.s32 s15, s11;
	s15 =	sadd.s32 s1, s17  }
0x16: {  	s11 =	sadd.s32 s11, s21;
	s1 =	sshrl.u32 s25, $0x3;
	s20 =	sadd.s32 s0, s3  }
0x17: {  	s25 =	simm.s32 $0x1000;
	s3 =	simm.s32 $0x1D80;
	s23 =	sshrl.u32 s18, $0x3  }
0x18: {  	s18 =	sadd.s32 s0, s24;
	s11 =	sshrl.u32 s11, $0x3;
	s19 =	sadd.s32 s0, s1  }
0x19: {  	s24 =	simm.s32 $0x3;
	s1 =	simm.s32 $0x0;
	s17 =	sadd.s32 s0, s23  }
0x1a: {  	s21 =	sadd.s32 s0, s11;
	s23 =	simm.s32 $0x2000;
	s0 =	simm.s32 $0x1D00  }
.LBB2_1:
0x1b: {  	s11 =	rddreg [dreg:$0x3]  }
0x1c: {  	[tilespmem:s23], [sflag:$0x3] =	stream.linear.gather [hbm4b:s11+s4], $0x4000, $0x38;
	[tilespmem:$0x1E000] =	vst v63  }
0x1d: {  	_ =	swait.ge [sflag:s24], $0x4000  }
0x1e: {  	[sflag:s24] =	ssyncset.done $0x0  }
0x1f: {  	[sflag:s24] =	ssyncadd.s32 $0xFFFFC000  }
0x20: {  	[spmem:s6] =	stream.linear.scatter [tilespmem:s23], [sflag:$0x3], $0x4000, $0x38;
	[tilespmem:$0x1E000] =	vst v63  }
0x21: {  	_ =	swait.ge [sflag:s24], $0x4000  }
0x22: {  	[sflag:s24] =	ssyncset.done $0x0  }
0x23: {  	[sflag:s24] =	ssyncadd.s32 $0xFFFFC000  }
0x24: {  	[spmem:s7] =	stream.linear.scatter [tilespmem:s23], [sflag:$0x3], $0x4000, $0x38;
	[tilespmem:$0x1E000] =	vst v63  }
0x25: {  	_ =	swait.ge [sflag:s24], $0x4000  }
0x26: {  	[sflag:s24] =	ssyncset.done $0x0  }
0x27: {  	[sflag:s24] =	ssyncadd.s32 $0xFFFFC000  }
0x28: {  	[spmem:s8] =	stream.linear.scatter [tilespmem:s23], [sflag:$0x3], $0x4000, $0x38;
	[tilespmem:$0x1E000] =	vst v63  }
0x29: {  	_ =	swait.ge [sflag:s24], $0x4000  }
0x2a: {  	[sflag:s24] =	ssyncset.done $0x0  }
0x2b: {  	[sflag:s24] =	ssyncadd.s32 $0xFFFFC000  }
0x2c: {  	[spmem:s9] =	stream.linear.scatter [tilespmem:s23], [sflag:$0x3], $0x4000, $0x38;
	[tilespmem:$0x1E000] =	vst v63  }
0x2d: {  	_ =	swait.ge [sflag:s24], $0x4000  }
0x2e: {  	[sflag:s24] =	ssyncset.done $0x0  }
0x2f: {  	[sflag:s24] =	ssyncadd.s32 $0xFFFFC000  }
0x30: {  	[spmem:s10] =	stream.linear.scatter [tilespmem:s23], [sflag:$0x3], $0x4000, $0x38;
	[tilespmem:$0x1E000] =	vst v63  }
0x31: {  	_ =	swait.ge [sflag:s24], $0x4000  }
0x32: {  	[sflag:s24] =	ssyncset.done $0x0  }
0x33: {  	[sflag:s24] =	ssyncadd.s32 $0xFFFFC000  }
0x34: {  	[bflag:$0x0] =	sbarrier.arrive $0xFFFF  }
0x35: {  	s12 =	rddreg [dreg:$0x6]  }
0x36: {  	[tilespmem:s4], [sflag:$0x3] =	stream.linear.gather [hbm4b:s12+s4], $0xE00, $0x38;
	[tilespmem:$0x1E000] =	vst v63  }
0x37: {  	_ =	swait.ge [sflag:s24], $0xE00  }
0x38: {  	[sflag:s24] =	ssyncset.done $0x0  }
0x39: {  	s13 =	rddreg [dreg:$0x7];
	[sflag:s24] =	ssyncadd.s32 $0xFFFFF200  }
0x3a: {  	[tilespmem:s25], [sflag:$0x3] =	stream.linear.gather [hbm4b:s13+s4], $0xE00, $0x38;
	[tilespmem:$0x1E000] =	vst v63  }
0x3b: {  	_ =	swait.ge [sflag:s24], $0xE00  }
0x3c: {  	[sflag:s24] =	ssyncset.done $0x0  }
0x3d: {  	[sflag:s24] =	ssyncadd.s32 $0xFFFFF200  }
0x3e: {  	[tilespmem:s23], [sflag:$0x1] =	stream.indirect.gather [hbm4b:s5+s26], $0x80, s4, s26, $0xb8;
	[tilespmem:$0x1E000] =	vst v63  }
0x3f: {  	_ =	swait.ge [sflag:s28], $0x4000  }
0x40: {  	[sflag:s28] =	ssyncset.done $0x0  }
0x41: {  	s12 =	simm.s32 $0x80;
	[sflag:s28] =	ssyncadd.s32 $0xFFFFC000  }
0x42: {  	[tilespmem:s29], [sflag:$0x2] =	stream.indirect.gather [hbm4b:s5+s26], $0x80, s12, s26, $0xb8;
	[tilespmem:$0x1E000] =	vst v63  }
0x43: {  	s13 =	simm.s32 $0x1000  }
0x44: {  	[spmem:s2] =	stream.indirect.scatter.add.f32 [tilespmem:s23], [sflag:$0x3], $0x80, s13, s26, $0xb8;
	[tilespmem:$0x1E000] =	vst v63  }
0x45: {  	_ =	swait.ge [sflag:s24], $0x4000  }
0x46: {  	[sflag:s24] =	ssyncset.done $0x0  }
0x47: {  	[sflag:s24] =	ssyncadd.s32 $0xFFFFC000  }
0x48: {  	_ =	swait.ge [sflag:s30], $0x4000  }
0x49: {  	[sflag:s30] =	ssyncset.done $0x0  }
0x4a: {  	s12 =	simm.s32 $0x100;
	[sflag:s30] =	ssyncadd.s32 $0xFFFFC000  }
0x4b: {  	[tilespmem:s23], [sflag:$0x1] =	stream.indirect.gather [hbm4b:s5+s26], $0x80, s12, s26, $0xb8;
	[tilespmem:$0x1E000] =	vst v63  }
0x4c: {  	s13 =	simm.s32 $0x1080  }
0x4d: {  	[spmem:s2] =	stream.indirect.scatter.add.f32 [tilespmem:s29], [sflag:$0x3], $0x80, s13, s26, $0xb8;
	[tilespmem:$0x1E000] =	vst v63  }
0x4e: {  	_ =	swait.ge [sflag:s24], $0x4000  }
0x4f: {  	s11 =	simm.s32 $0x400;
	[sflag:s24] =	ssyncset.done $0x0  }
.LBB2_2:
0x50: {  	p0 =	sne.s32 s11, $0x3000  }
0x51: {  	[sflag:s24] =	ssyncadd.s32 $0xFFFFC000;
	s12 =	smov.u32 s11;
	s11 =	sadd.s32 $0x400, s11  }
0x52: {  	_ = 	snop  }
0x53: {  	_ =	swait.ge [sflag:s28], $0x4000  }
0x54: {  	s12 =	sshra.s32 s12, $0x2;
	[sflag:s28] =	ssyncset.done $0x0  }
0x55: {  	s13 =	sadd.s32 $0x80, s12;
	[sflag:s28] =	ssyncadd.s32 $0xFFFFC000  }
0x56: {  	[tilespmem:s29], [sflag:$0x2] =	stream.indirect.gather [hbm4b:s5+s26], $0x80, s13, s26, $0xb8;
	[tilespmem:$0x1E000] =	vst v63  }
0x57: {  	s13 =	sadd.s32 $0x1000, s12  }
0x58: {  	[spmem:s2] =	stream.indirect.scatter.add.f32 [tilespmem:s23], [sflag:$0x3], $0x80, s13, s26, $0xb8;
	[tilespmem:$0x1E000] =	vst v63  }
0x59: {  	_ =	swait.ge [sflag:s24], $0x4000  }
0x5a: {  	[sflag:s24] =	ssyncset.done $0x0  }
0x5b: {  	[sflag:s24] =	ssyncadd.s32 $0xFFFFC000  }
0x5c: {  	_ =	swait.ge [sflag:s30], $0x4000  }
0x5d: {  	[sflag:s30] =	ssyncset.done $0x0  }
0x5e: {  	s13 =	sadd.s32 $0x100, s12;
	[sflag:s30] =	ssyncadd.s32 $0xFFFFC000  }
0x5f: {  	[tilespmem:s23], [sflag:$0x1] =	stream.indirect.gather [hbm4b:s5+s26], $0x80, s13, s26, $0xb8;
	[tilespmem:$0x1E000] =	vst v63  }
.Ltmp0:
0x60: {  	_ = 	snop;
	(pc) =	sbr.rel @p0 .LBB2_2-.Ltmp0, $4  }
0x61: {  	s12 =	sadd.s32 $0x1080, s12  }
0x62: {  	[spmem:s2] =	stream.indirect.scatter.add.f32 [tilespmem:s29], [sflag:$0x3], $0x80, s12, s26, $0xb8;
	[tilespmem:$0x1E000] =	vst v63  }
0x63: {  	_ =	swait.ge [sflag:s24], $0x4000  }
0x64: {  	[sflag:s24] =	ssyncset.done $0x0  }
0x65: {  	[sflag:s24] =	ssyncadd.s32 $0xFFFFC000  }
0x66: {  	_ =	swait.ge [sflag:s28], $0x4000  }
0x67: {  	[sflag:s28] =	ssyncset.done $0x0  }
0x68: {  	[sflag:s28] =	ssyncadd.s32 $0xFFFFC000  }
0x69: {  	[tilespmem:s29], [sflag:$0x2] =	stream.indirect.gather [hbm4b:s5+s26], $0x80, s31, s26, $0xb8;
	[tilespmem:$0x1E000] =	vst v63  }
0x6a: {  	_ = 	snop  }
0x6b: {  	[spmem:s2] =	stream.indirect.scatter.add.f32 [tilespmem:s23], [sflag:$0x3], $0x80, s0, s26, $0xb8;
	[tilespmem:$0x1E000] =	vst v63  }
0x6c: {  	_ =	swait.ge [sflag:s24], $0x4000  }
0x6d: {  	[sflag:s24] =	ssyncset.done $0x0  }
0x6e: {  	[sflag:s24] =	ssyncadd.s32 $0xFFFFC000  }
0x6f: {  	_ =	swait.ge [sflag:s30], $0x4000  }
0x70: {  	[sflag:s30] =	ssyncset.done $0x0  }
0x71: {  	[sflag:s30] =	ssyncadd.s32 $0xFFFFC000  }
0x72: {  	[spmem:s2] =	stream.indirect.scatter.add.f32 [tilespmem:s29], [sflag:$0x3], $0x80, s3, s26, $0xb8;
	[tilespmem:$0x1E000] =	vst v63  }
0x73: {  	_ =	swait.ge [sflag:s24], $0x4000  }
0x74: {  	[sflag:s24] =	ssyncset.done $0x0  }
0x75: {  	s11 =	simm.s32 $0x0;
	s12 =	rddreg [dreg:$0x8];
	[sflag:s24] =	ssyncadd.s32 $0xFFFFC000  }
0x76: {  	[tilespmem:s11], [sflag:$0x3] =	stream.linear.gather [hbm4b:s12+s11], $0xE00, $0x38;
	[tilespmem:$0x1E000] =	vst v63  }
0x77: {  	_ =	swait.ge [sflag:s24], $0xE00  }
0x78: {  	[sflag:s24] =	ssyncset.done $0x0  }
0x79: {  	[sflag:s24] =	ssyncadd.s32 $0xFFFFF200  }
0x7a: {  	[tilespmem:s25], [sflag:$0x3] =	stream.linear.gather [hbm4b:s14+s11], $0xE00, $0x38;
	[tilespmem:$0x1E000] =	vst v63  }
0x7b: {  	_ =	swait.ge [sflag:s24], $0xE00  }
0x7c: {  	[sflag:s24] =	ssyncset.done $0x0  }
0x7d: {  	[sflag:s24] =	ssyncadd.s32 $0xFFFFF200  }
0x7e: {  	[tilespmem:s23], [sflag:$0x1] =	stream.indirect.gather [hbm4b:s5+s26], $0x80, s11, s26, $0xb8;
	[tilespmem:$0x1E000] =	vst v63  }
0x7f: {  	_ =	swait.ge [sflag:s28], $0x4000  }
0x80: {  	[sflag:s28] =	ssyncset.done $0x0  }
0x81: {  	s12 =	simm.s32 $0x80;
	[sflag:s28] =	ssyncadd.s32 $0xFFFFC000  }
0x82: {  	[tilespmem:s29], [sflag:$0x2] =	stream.indirect.gather [hbm4b:s5+s26], $0x80, s12, s26, $0xb8;
	[tilespmem:$0x1E000] =	vst v63  }
0x83: {  	s13 =	simm.s32 $0x1000  }
0x84: {  	[spmem:s2] =	stream.indirect.scatter.add.f32 [tilespmem:s23], [sflag:$0x3], $0x80, s13, s26, $0xb8;
	[tilespmem:$0x1E000] =	vst v63  }
0x85: {  	_ =	swait.ge [sflag:s24], $0x4000  }
0x86: {  	[sflag:s24] =	ssyncset.done $0x0  }
0x87: {  	[sflag:s24] =	ssyncadd.s32 $0xFFFFC000  }
0x88: {  	_ =	swait.ge [sflag:s30], $0x4000  }
0x89: {  	[sflag:s30] =	ssyncset.done $0x0  }
0x8a: {  	s12 =	simm.s32 $0x100;
	[sflag:s30] =	ssyncadd.s32 $0xFFFFC000  }
0x8b: {  	[tilespmem:s23], [sflag:$0x1] =	stream.indirect.gather [hbm4b:s5+s26], $0x80, s12, s26, $0xb8;
	[tilespmem:$0x1E000] =	vst v63  }
0x8c: {  	s13 =	simm.s32 $0x1080  }
0x8d: {  	[spmem:s2] =	stream.indirect.scatter.add.f32 [tilespmem:s29], [sflag:$0x3], $0x80, s13, s26, $0xb8;
	[tilespmem:$0x1E000] =	vst v63  }
0x8e: {  	_ =	swait.ge [sflag:s24], $0x4000  }
0x8f: {  	s11 =	simm.s32 $0x400;
	[sflag:s24] =	ssyncset.done $0x0  }
.LBB2_4:
0x90: {  	p0 =	sne.s32 s11, $0x3000  }
0x91: {  	[sflag:s24] =	ssyncadd.s32 $0xFFFFC000;
	s12 =	smov.u32 s11;
	s11 =	sadd.s32 $0x400, s11  }
0x92: {  	_ = 	snop  }
0x93: {  	_ =	swait.ge [sflag:s28], $0x4000  }
0x94: {  	s12 =	sshra.s32 s12, $0x2;
	[sflag:s28] =	ssyncset.done $0x0  }
0x95: {  	s13 =	sadd.s32 $0x80, s12;
	[sflag:s28] =	ssyncadd.s32 $0xFFFFC000  }
0x96: {  	[tilespmem:s29], [sflag:$0x2] =	stream.indirect.gather [hbm4b:s5+s26], $0x80, s13, s26, $0xb8;
	[tilespmem:$0x1E000] =	vst v63  }
0x97: {  	s13 =	sadd.s32 $0x1000, s12  }
0x98: {  	[spmem:s2] =	stream.indirect.scatter.add.f32 [tilespmem:s23], [sflag:$0x3], $0x80, s13, s26, $0xb8;
	[tilespmem:$0x1E000] =	vst v63  }
0x99: {  	_ =	swait.ge [sflag:s24], $0x4000  }
0x9a: {  	[sflag:s24] =	ssyncset.done $0x0  }
0x9b: {  	[sflag:s24] =	ssyncadd.s32 $0xFFFFC000  }
0x9c: {  	_ =	swait.ge [sflag:s30], $0x4000  }
0x9d: {  	[sflag:s30] =	ssyncset.done $0x0  }
0x9e: {  	s13 =	sadd.s32 $0x100, s12;
	[sflag:s30] =	ssyncadd.s32 $0xFFFFC000  }
0x9f: {  	[tilespmem:s23], [sflag:$0x1] =	stream.indirect.gather [hbm4b:s5+s26], $0x80, s13, s26, $0xb8;
	[tilespmem:$0x1E000] =	vst v63  }
.Ltmp1:
0xa0: {  	_ = 	snop;
	(pc) =	sbr.rel @p0 .LBB2_4-.Ltmp1, $4  }
0xa1: {  	s12 =	sadd.s32 $0x1080, s12  }
0xa2: {  	[spmem:s2] =	stream.indirect.scatter.add.f32 [tilespmem:s29], [sflag:$0x3], $0x80, s12, s26, $0xb8;
	[tilespmem:$0x1E000] =	vst v63  }
0xa3: {  	_ =	swait.ge [sflag:s24], $0x4000  }
0xa4: {  	[sflag:s24] =	ssyncset.done $0x0  }
0xa5: {  	[sflag:s24] =	ssyncadd.s32 $0xFFFFC000  }
0xa6: {  	_ =	swait.ge [sflag:s28], $0x4000  }
0xa7: {  	[sflag:s28] =	ssyncset.done $0x0  }
0xa8: {  	[sflag:s28] =	ssyncadd.s32 $0xFFFFC000  }
0xa9: {  	[tilespmem:s29], [sflag:$0x2] =	stream.indirect.gather [hbm4b:s5+s26], $0x80, s31, s26, $0xb8;
	[tilespmem:$0x1E000] =	vst v63  }
0xaa: {  	_ = 	snop  }
0xab: {  	[spmem:s2] =	stream.indirect.scatter.add.f32 [tilespmem:s23], [sflag:$0x3], $0x80, s0, s26, $0xb8;
	[tilespmem:$0x1E000] =	vst v63  }
0xac: {  	_ =	swait.ge [sflag:s24], $0x4000  }
0xad: {  	[sflag:s24] =	ssyncset.done $0x0  }
0xae: {  	[sflag:s24] =	ssyncadd.s32 $0xFFFFC000  }
0xaf: {  	_ =	swait.ge [sflag:s30], $0x4000  }
0xb0: {  	[sflag:s30] =	ssyncset.done $0x0  }
0xb1: {  	[sflag:s30] =	ssyncadd.s32 $0xFFFFC000  }
0xb2: {  	[spmem:s2] =	stream.indirect.scatter.add.f32 [tilespmem:s29], [sflag:$0x3], $0x80, s3, s26, $0xb8;
	[tilespmem:$0x1E000] =	vst v63  }
0xb3: {  	_ =	swait.ge [sflag:s24], $0x4000  }
0xb4: {  	[sflag:s24] =	ssyncset.done $0x0  }
0xb5: {  	s11 =	simm.s32 $0x0;
	[sflag:s24] =	ssyncadd.s32 $0xFFFFC000  }
0xb6: {  	[tilespmem:s11], [sflag:$0x3] =	stream.linear.gather [hbm4b:s15+s11], $0xE00, $0x38;
	[tilespmem:$0x1E000] =	vst v63  }
0xb7: {  	_ =	swait.ge [sflag:s24], $0xE00  }
0xb8: {  	[sflag:s24] =	ssyncset.done $0x0  }
0xb9: {  	[sflag:s24] =	ssyncadd.s32 $0xFFFFF200  }
0xba: {  	[tilespmem:s25], [sflag:$0x3] =	stream.linear.gather [hbm4b:s16+s11], $0xE00, $0x38;
	[tilespmem:$0x1E000] =	vst v63  }
0xbb: {  	_ =	swait.ge [sflag:s24], $0xE00  }
0xbc: {  	[sflag:s24] =	ssyncset.done $0x0  }
0xbd: {  	[sflag:s24] =	ssyncadd.s32 $0xFFFFF200  }
0xbe: {  	[tilespmem:s23], [sflag:$0x1] =	stream.indirect.gather [hbm4b:s5+s26], $0x80, s11, s26, $0xb8;
	[tilespmem:$0x1E000] =	vst v63  }
0xbf: {  	_ =	swait.ge [sflag:s28], $0x4000  }
0xc0: {  	[sflag:s28] =	ssyncset.done $0x0  }
0xc1: {  	s12 =	simm.s32 $0x80;
	[sflag:s28] =	ssyncadd.s32 $0xFFFFC000  }
0xc2: {  	[tilespmem:s29], [sflag:$0x2] =	stream.indirect.gather [hbm4b:s5+s26], $0x80, s12, s26, $0xb8;
	[tilespmem:$0x1E000] =	vst v63  }
0xc3: {  	s13 =	simm.s32 $0x1000  }
0xc4: {  	[spmem:s2] =	stream.indirect.scatter.add.f32 [tilespmem:s23], [sflag:$0x3], $0x80, s13, s26, $0xb8;
	[tilespmem:$0x1E000] =	vst v63  }
0xc5: {  	_ =	swait.ge [sflag:s24], $0x4000  }
0xc6: {  	[sflag:s24] =	ssyncset.done $0x0  }
0xc7: {  	[sflag:s24] =	ssyncadd.s32 $0xFFFFC000  }
0xc8: {  	_ =	swait.ge [sflag:s30], $0x4000  }
0xc9: {  	[sflag:s30] =	ssyncset.done $0x0  }
0xca: {  	s12 =	simm.s32 $0x100;
	[sflag:s30] =	ssyncadd.s32 $0xFFFFC000  }
0xcb: {  	[tilespmem:s23], [sflag:$0x1] =	stream.indirect.gather [hbm4b:s5+s26], $0x80, s12, s26, $0xb8;
	[tilespmem:$0x1E000] =	vst v63  }
0xcc: {  	s13 =	simm.s32 $0x1080  }
0xcd: {  	[spmem:s2] =	stream.indirect.scatter.add.f32 [tilespmem:s29], [sflag:$0x3], $0x80, s13, s26, $0xb8;
	[tilespmem:$0x1E000] =	vst v63  }
0xce: {  	_ =	swait.ge [sflag:s24], $0x4000  }
0xcf: {  	s11 =	simm.s32 $0x400;
	[sflag:s24] =	ssyncset.done $0x0  }
.LBB2_6:
0xd0: {  	p0 =	sne.s32 s11, $0x3000  }
0xd1: {  	[sflag:s24] =	ssyncadd.s32 $0xFFFFC000;
	s12 =	smov.u32 s11;
	s11 =	sadd.s32 $0x400, s11  }
0xd2: {  	_ = 	snop  }
0xd3: {  	_ =	swait.ge [sflag:s28], $0x4000  }
0xd4: {  	s12 =	sshra.s32 s12, $0x2;
	[sflag:s28] =	ssyncset.done $0x0  }
0xd5: {  	s13 =	sadd.s32 $0x80, s12;
	[sflag:s28] =	ssyncadd.s32 $0xFFFFC000  }
0xd6: {  	[tilespmem:s29], [sflag:$0x2] =	stream.indirect.gather [hbm4b:s5+s26], $0x80, s13, s26, $0xb8;
	[tilespmem:$0x1E000] =	vst v63  }
0xd7: {  	s13 =	sadd.s32 $0x1000, s12  }
0xd8: {  	[spmem:s2] =	stream.indirect.scatter.add.f32 [tilespmem:s23], [sflag:$0x3], $0x80, s13, s26, $0xb8;
	[tilespmem:$0x1E000] =	vst v63  }
0xd9: {  	_ =	swait.ge [sflag:s24], $0x4000  }
0xda: {  	[sflag:s24] =	ssyncset.done $0x0  }
0xdb: {  	[sflag:s24] =	ssyncadd.s32 $0xFFFFC000  }
0xdc: {  	_ =	swait.ge [sflag:s30], $0x4000  }
0xdd: {  	[sflag:s30] =	ssyncset.done $0x0  }
0xde: {  	s13 =	sadd.s32 $0x100, s12;
	[sflag:s30] =	ssyncadd.s32 $0xFFFFC000  }
0xdf: {  	[tilespmem:s23], [sflag:$0x1] =	stream.indirect.gather [hbm4b:s5+s26], $0x80, s13, s26, $0xb8;
	[tilespmem:$0x1E000] =	vst v63  }
.Ltmp2:
0xe0: {  	_ = 	snop;
	(pc) =	sbr.rel @p0 .LBB2_6-.Ltmp2, $4  }
0xe1: {  	s12 =	sadd.s32 $0x1080, s12  }
0xe2: {  	[spmem:s2] =	stream.indirect.scatter.add.f32 [tilespmem:s29], [sflag:$0x3], $0x80, s12, s26, $0xb8;
	[tilespmem:$0x1E000] =	vst v63  }
0xe3: {  	_ =	swait.ge [sflag:s24], $0x4000  }
0xe4: {  	[sflag:s24] =	ssyncset.done $0x0  }
0xe5: {  	[sflag:s24] =	ssyncadd.s32 $0xFFFFC000  }
0xe6: {  	_ =	swait.ge [sflag:s28], $0x4000  }
0xe7: {  	[sflag:s28] =	ssyncset.done $0x0  }
0xe8: {  	[sflag:s28] =	ssyncadd.s32 $0xFFFFC000  }
0xe9: {  	[tilespmem:s29], [sflag:$0x2] =	stream.indirect.gather [hbm4b:s5+s26], $0x80, s31, s26, $0xb8;
	[tilespmem:$0x1E000] =	vst v63  }
0xea: {  	_ = 	snop  }
0xeb: {  	[spmem:s2] =	stream.indirect.scatter.add.f32 [tilespmem:s23], [sflag:$0x3], $0x80, s0, s26, $0xb8;
	[tilespmem:$0x1E000] =	vst v63  }
0xec: {  	_ =	swait.ge [sflag:s24], $0x4000  }
0xed: {  	[sflag:s24] =	ssyncset.done $0x0  }
0xee: {  	[sflag:s24] =	ssyncadd.s32 $0xFFFFC000  }
0xef: {  	_ =	swait.ge [sflag:s30], $0x4000  }
0xf0: {  	[sflag:s30] =	ssyncset.done $0x0  }
0xf1: {  	[sflag:s30] =	ssyncadd.s32 $0xFFFFC000  }
0xf2: {  	[spmem:s2] =	stream.indirect.scatter.add.f32 [tilespmem:s29], [sflag:$0x3], $0x80, s3, s26, $0xb8;
	[tilespmem:$0x1E000] =	vst v63  }
0xf3: {  	_ =	swait.ge [sflag:s24], $0x4000  }
0xf4: {  	[sflag:s24] =	ssyncset.done $0x0  }
0xf5: {  	[sflag:s24] =	ssyncadd.s32 $0xFFFFC000  }
0xf6: {  	[bflag:$0x0] =	sbarrier.arrive $0xFFFF  }
0xf7: {  	[tilespmem:s23], [sflag:$0x3] =	stream.linear.gather [spmem:s6], $0x4000, $0x38;
	[tilespmem:$0x1E000] =	vst v63  }
0xf8: {  	_ =	swait.ge [sflag:s24], $0x4000  }
0xf9: {  	[sflag:s24] =	ssyncset.done $0x0  }
0xfa: {  	[sflag:s24] =	ssyncadd.s32 $0xFFFFC000  }
0xfb: {  	[hbm4b:s17+s4] =	stream.linear.scatter [tilespmem:s23], [sflag:$0x3], $0x4000, $0x38;
	[tilespmem:$0x1E000] =	vst v63  }
0xfc: {  	_ =	swait.ge [sflag:s24], $0x4000  }
0xfd: {  	[sflag:s24] =	ssyncset.done $0x0  }
0xfe: {  	[sflag:s24] =	ssyncadd.s32 $0xFFFFC000  }
0xff: {  	[tilespmem:s23], [sflag:$0x3] =	stream.linear.gather [spmem:s7], $0x4000, $0x38;
	[tilespmem:$0x1E000] =	vst v63  }
0x100: {  	_ =	swait.ge [sflag:s24], $0x4000  }
0x101: {  	[sflag:s24] =	ssyncset.done $0x0  }
0x102: {  	[sflag:s24] =	ssyncadd.s32 $0xFFFFC000  }
0x103: {  	[hbm4b:s18+s4] =	stream.linear.scatter [tilespmem:s23], [sflag:$0x3], $0x4000, $0x38;
	[tilespmem:$0x1E000] =	vst v63  }
0x104: {  	_ =	swait.ge [sflag:s24], $0x4000  }
0x105: {  	[sflag:s24] =	ssyncset.done $0x0  }
0x106: {  	[sflag:s24] =	ssyncadd.s32 $0xFFFFC000  }
0x107: {  	[tilespmem:s23], [sflag:$0x3] =	stream.linear.gather [spmem:s8], $0x4000, $0x38;
	[tilespmem:$0x1E000] =	vst v63  }
0x108: {  	_ =	swait.ge [sflag:s24], $0x4000  }
0x109: {  	[sflag:s24] =	ssyncset.done $0x0  }
0x10a: {  	[sflag:s24] =	ssyncadd.s32 $0xFFFFC000  }
0x10b: {  	[hbm4b:s19+s4] =	stream.linear.scatter [tilespmem:s23], [sflag:$0x3], $0x4000, $0x38;
	[tilespmem:$0x1E000] =	vst v63  }
0x10c: {  	_ =	swait.ge [sflag:s24], $0x4000  }
0x10d: {  	[sflag:s24] =	ssyncset.done $0x0  }
0x10e: {  	[sflag:s24] =	ssyncadd.s32 $0xFFFFC000  }
0x10f: {  	[tilespmem:s23], [sflag:$0x3] =	stream.linear.gather [spmem:s9], $0x4000, $0x38;
	[tilespmem:$0x1E000] =	vst v63  }
0x110: {  	_ =	swait.ge [sflag:s24], $0x4000  }
0x111: {  	[sflag:s24] =	ssyncset.done $0x0  }
0x112: {  	[sflag:s24] =	ssyncadd.s32 $0xFFFFC000  }
0x113: {  	[hbm4b:s20+s4] =	stream.linear.scatter [tilespmem:s23], [sflag:$0x3], $0x4000, $0x38;
	[tilespmem:$0x1E000] =	vst v63  }
0x114: {  	_ =	swait.ge [sflag:s24], $0x4000  }
0x115: {  	[sflag:s24] =	ssyncset.done $0x0  }
0x116: {  	[sflag:s24] =	ssyncadd.s32 $0xFFFFC000  }
0x117: {  	[tilespmem:s23], [sflag:$0x3] =	stream.linear.gather [spmem:s10], $0x4000, $0x38;
	[tilespmem:$0x1E000] =	vst v63  }
0x118: {  	s1 =	sadd.s32 $0x1, s1;
	_ =	swait.ge [sflag:s24], $0x4000  }
0x119: {  	p0 =	sne.s32 s1, s22;
	[sflag:s24] =	ssyncset.done $0x0  }
.Ltmp3:
0x11a: {  	[sflag:s24] =	ssyncadd.s32 $0xFFFFC000;
	(pc) =	sbr.rel @p0 .LBB2_1-.Ltmp3, $4  }
0x11b: {  	[hbm4b:s21+s4] =	stream.linear.scatter [tilespmem:s23], [sflag:$0x3], $0x4000, $0x38;
	[tilespmem:$0x1E000] =	vst v63  }
0x11c: {  	_ =	swait.ge [sflag:s24], $0x4000  }
0x11d: {  	[sflag:s24] =	ssyncset.done $0x0  }
0x11e: {  	[sflag:s24] =	ssyncadd.s32 $0xFFFFC000  }
0x11f: {  	_ =	sfence.sel $0x180000  }
0x120: {  	[bflag:$0x0] =	sbarrier.arrive $0xFFFF  }
0x121: {  	_ =	strace $0x90000050  }
0x122: {  	s0 =	stileid.u32;
	[bflag:$0x2] =	sbarrier.arrive $0xFFFF  }
0x123: {  	p0 =	sne.s32 s0, $0x0;
	s0 =	rddreg [dreg:$0x5]  }
0x124: {  	s0 =	sadd.s32 @!p0 $0x100000, s0  }
0x125: {  	[sflag:s0] =	ssyncadd.tile.s32 @!p0 $0x1;
	_ =	shalt  }
.Lfunc_end2:
_tile_overlayer_lowered:
.L_overlay_start_2:
0x126: {  	(tag) =	ssettag $0x2  }
0x127: {  	s0 =	rddreg [dreg:$0x0];
	s2 =	stileid.u32  }
0x128: {  	s1 =	rddreg [dreg:$0x1];
	p0 =	sne.s32 s2, $0x0  }
0x129: {  	s3 =	rddreg [dreg:$0x2];
	[bflag:$0x3] =	sbarrier.arrive $0xFFFF;
	s2 =	simm.s32 @!p0 $0x1C03  }
0x12a: {  	[timem:s3], [sflag:s2] =	dma.local @!p0 [hbm:s0], s1  }
0x12b: {  	s0 =	simm.s32 @!p0 $0x3  }
0x12c: {  	_ =	swait.ge @!p0 [sflag:s0], s1  }
0x12d: {  	s1 =	ssub.s32 @!p0 $0x0, s1;
	[sflag:s0] =	ssyncset.done @!p0 $0x0  }
0x12e: {  	[sflag:s0] =	ssyncadd.s32 @!p0 s1  }
0x12f: {  	[bflag:$0x3] =	sbarrier.arrive $0xFFFF  }
0x130: {  	_ =	shalt  }

</sc_bundles>
